<compile_context>
chip_gen: v7x
topology: tpu7x:2x2x1
jax: 0.10.2.dev20260603
libtpu: 0.0.44.dev20260713+nightly
codegen_flags: <defaults>
</compile_context>

<pallas_src>
import jax
import jax.numpy as jnp
from jax import lax
from jax.experimental import pallas as pl
from jax.experimental.pallas import tpu as pltpu
from jax.experimental.pallas import tpu_sc as plsc

_B, _H, _W = 8, 384, 384
_NPIX = _H * _W
_NWORDS = _NPIX // 2
_TILES_PER_IMG = 4
_ROWS_PER_TILE = _H // _TILES_PER_IMG
_CHUNK_ROWS = 16
_CHUNK_PIX = _CHUNK_ROWS * _W
_NCHUNKS = _ROWS_PER_TILE // _CHUNK_ROWS
_GROUPS_PER_ROW = _W // 16
_PACK_CHUNKS = 16
_PACK_W = _NWORDS // _PACK_CHUNKS


def _sc_body(imgs_ref, dvf_ref, out_ref,
             img_v, shared_v, lo_v, hi_v, dvf_v, out_v,
             lo_sem, hi_sem, dvf_sem, out_sem):
    cid = lax.axis_index("c")
    sid = lax.axis_index("s")
    b = cid * 4 + sid // _TILES_PER_IMG
    bslot = sid // _TILES_PER_IMG
    q = sid % _TILES_PER_IMG
    row0 = q * _ROWS_PER_TILE
    ibase = b * _NPIX

    qwords = _NWORDS // _TILES_PER_IMG
    qbase = q * qwords
    nq = qwords // _PACK_W

    def _start_pack(s, slot):
        o = qbase + s * _PACK_W
        lo_d = pltpu.async_copy(
            imgs_ref.at[pl.ds(ibase + o, _PACK_W)], lo_v.at[slot], lo_sem)
        hi_d = pltpu.async_copy(
            imgs_ref.at[pl.ds(ibase + _NWORDS + o, _PACK_W)],
            hi_v.at[slot], hi_sem)
        return lo_d, hi_d

    pend = {0: _start_pack(0, 0)}
    for s in range(nq):
        slot = s % 2
        if s + 1 < nq:
            pend[s + 1] = _start_pack(s + 1, (s + 1) % 2)
        lo_d, hi_d = pend.pop(s)
        lo_d.wait()
        hi_d.wait()
        o = qbase + s * _PACK_W

        @plsc.parallel_loop(0, _PACK_W // 16, unroll=4)
        def _pack(g):
            lo = plsc.bitcast(lo_v[slot, pl.ds(g * 16, 16)], jnp.int32)
            hi = plsc.bitcast(hi_v[slot, pl.ds(g * 16, 16)], jnp.int32)
            lor = lax.shift_right_logical(lo + 0x8000, 16)
            hir = lax.shift_right_logical(hi + 0x8000, 16)
            img_v[pl.ds(o + g * 16, 16)] = lor | (hir << 16)

    pw = qwords // 6
    nset = 4 * pw
    for p in range(6 * _TILES_PER_IMG):
        qq, sub = p // 6, p % 6
        sbase = (p % 2) * nset + bslot * pw

        @pl.when(q == qq)
        def _publish():
            pltpu.sync_copy(img_v.at[pl.ds(qbase + sub * pw, pw)],
                            shared_v.at[pl.ds(sbase, pw)])
        plsc.subcore_barrier()

        @pl.when(q != qq)
        def _fetch():
            pltpu.sync_copy(shared_v.at[pl.ds(sbase, pw)],
                            img_v.at[pl.ds(p * pw, pw)])
    plsc.subcore_barrier()

    lane = lax.iota(jnp.int32, 16)
    lanef = lane.astype(jnp.float32)

    def _start_dvf(ch, slot):
        crow = row0 + ch * _CHUNK_ROWS
        dsrc = (b * _H + crow) * 2 * _W
        return pltpu.async_copy(
            dvf_ref.at[pl.ds(dsrc, _CHUNK_PIX * 2)], dvf_v.at[slot], dvf_sem)

    dvf_pend = {0: _start_dvf(0, 0)}
    out_pend = {}
    for ch in range(_NCHUNKS):
        slot = ch % 2
        if ch + 1 < _NCHUNKS:
            dvf_pend[ch + 1] = _start_dvf(ch + 1, (ch + 1) % 2)
        dvf_pend.pop(ch).wait()
        if ch >= 2:
            out_pend.pop(ch - 2).wait()
        crow = row0 + ch * _CHUNK_ROWS

        def _row(r, carry):
            rowf = (crow + r).astype(jnp.float32)

            @plsc.parallel_loop(0, _GROUPS_PER_ROW, unroll=4)
            def _grp(t):
                p0 = r * _W + t * 16
                doff = 2 * r * _W + t * 16
                dx = dvf_v[slot, pl.ds(doff, 16)]
                dy = dvf_v[slot, pl.ds(doff + _W, 16)]

                fx = (t * 16).astype(jnp.float32) + lanef + dx
                fy = rowf + dy
                x0 = fx.astype(jnp.int32)
                y0 = fy.astype(jnp.int32)
                x1 = x0 + 1
                y1 = y0 + 1
                x0 = jnp.clip(x0, 0, _W - 1)
                x1 = jnp.clip(x1, 0, _W - 1)
                y0 = jnp.clip(y0, 0, _H - 1)
                y1 = jnp.clip(y1, 0, _H - 1)

                ry0 = y0 * _W
                ry1 = y1 * _W
                m0 = y0 < (_H // 2)
                m1 = y1 < (_H // 2)
                off0 = jnp.where(m0, ry0, ry0 - _NWORDS)
                off1 = jnp.where(m1, ry1, ry1 - _NWORDS)
                sh0 = jnp.where(m0, 16, 0)
                sh1 = jnp.where(m1, 16, 0)

                wa = plsc.load_gather(img_v, [off0 + x0])
                wb = plsc.load_gather(img_v, [off1 + x0])
                wc = plsc.load_gather(img_v, [off0 + x1])
                wd = plsc.load_gather(img_v, [off1 + x1])
                va = plsc.bitcast(wa << sh0, jnp.float32)
                vb = plsc.bitcast(wb << sh1, jnp.float32)
                vc = plsc.bitcast(wc << sh0, jnp.float32)
                vd = plsc.bitcast(wd << sh1, jnp.float32)

                x0f = x0.astype(jnp.float32)
                x1f = x1.astype(jnp.float32)
                y0f = y0.astype(jnp.float32)
                y1f = y1.astype(jnp.float32)
                wx1 = x1f - fx
                wx0 = fx - x0f
                wy1 = y1f - fy
                wy0 = fy - y0f
                res = (wy1 * (wx1 * va + wx0 * vc)
                       + wy0 * (wx1 * vb + wx0 * vd))
                out_v[slot, pl.ds(p0, 16)] = res

            return carry

        lax.fori_loop(0, _CHUNK_ROWS, _row, jnp.int32(0))

        dst = ibase + crow * _W
        out_pend[ch] = pltpu.async_copy(
            out_v.at[slot], out_ref.at[pl.ds(dst, _CHUNK_PIX)], out_sem)
    for ch in sorted(out_pend):
        out_pend[ch].wait()


@jax.jit
def _run(imgs_flat, dvf_flat):
    mesh = plsc.VectorSubcoreMesh(core_axis_name="c", subcore_axis_name="s")
    fn = pl.kernel(
        _sc_body,
        out_type=jax.ShapeDtypeStruct((_B * _NPIX,), jnp.float32),
        name="bilerp_sc",
        mesh=mesh,
        scratch_types=[
            pltpu.VMEM((_NWORDS,), jnp.int32),
            pltpu.VMEM_SHARED((_NWORDS // 3,), jnp.int32),
            pltpu.VMEM((2, _PACK_W), jnp.float32),
            pltpu.VMEM((2, _PACK_W), jnp.float32),
            pltpu.VMEM((2, _CHUNK_PIX * 2), jnp.float32),
            pltpu.VMEM((2, _CHUNK_PIX), jnp.float32),
            pltpu.SemaphoreType.DMA,
            pltpu.SemaphoreType.DMA,
            pltpu.SemaphoreType.DMA,
            pltpu.SemaphoreType.DMA,
        ],
        compiler_params=pltpu.CompilerParams(needs_layout_passes=False),
    )
    return fn(imgs_flat, dvf_flat)


def kernel(imgs, dvfs):
    B, H, W, C = imgs.shape
    imgs_flat = imgs.reshape(-1)
    dvf_flat = jnp.transpose(dvfs, (0, 1, 3, 2)).reshape(-1)
    out = _run(imgs_flat, dvf_flat)
    return out.reshape(B, H, W, C)

# --- scband reference (transcript-rebuilt; emitter-appended) ---
"""Pipeline reference for scband-bilinear-interpolation-13443247637073 (READ-ONLY COPY).

The authoritative reference and input builder live on the scoring server;
editing this copy changes nothing except your own understanding.
"""

import jax, jax.numpy as jnp
import numpy as np


def setup_inputs(seed: int = 0) -> dict:
    key = jax.random.key(seed)
    k1, k2 = jax.random.split(key)
    imgs = jax.random.normal(k1, (8, 384, 384, 1), dtype=jnp.float32)
    dvfs = jax.random.normal(k2, (8, 384, 384, 2), dtype=jnp.float32)
    return {"imgs": imgs, "dvfs": dvfs}


def reference(imgs, dvfs):
    B, H, W, C = imgs.shape
    # _create_grid
    x_lin = jnp.arange(W, dtype=jnp.int32)
    y_lin = jnp.arange(H, dtype=jnp.int32)
    x_coords, y_coords = jnp.meshgrid(x_lin, y_lin)  # 'xy' indexing like tf.meshgrid
    grid = jnp.stack([x_coords.reshape(-1), y_coords.reshape(-1)], axis=0)[None, :, :]
    grids = jnp.tile(grid, (B, 1, 1))
    regular_grid = grids.reshape(B, 2, H * W).astype(jnp.float32)
    dvfs_ = jnp.transpose(dvfs, (0, 3, 1, 2)).reshape(B, 2, -1)
    sampled_grids = dvfs_ + regular_grid
    # _interpolate
    x = sampled_grids[:, 0:1, :].reshape(-1)
    y = sampled_grids[:, 1:2, :].reshape(-1)
    x0 = x.astype(jnp.int32)
    x1 = x0 + 1
    y0 = y.astype(jnp.int32)
    y1 = y0 + 1
    max_x = W - 1
    max_y = H - 1
    x0 = jnp.clip(x0, 0, max_x)
    x1 = jnp.clip(x1, 0, max_x)
    y0 = jnp.clip(y0, 0, max_y)
    y1 = jnp.clip(y1, 0, max_y)
    pixels_batch = jnp.arange(B, dtype=jnp.int32) * (H * W)
    base = jnp.repeat(pixels_batch, H * W)
    base_y0 = base + y0 * W
    base_y1 = base + y1 * W
    indices_a = base_y0 + x0
    indices_b = base_y1 + x0
    indices_c = base_y0 + x1
    indices_d = base_y1 + x1
    flat_image = imgs.reshape(-1, C).astype(jnp.float32)
    pixel_values_a = jnp.take(flat_image, indices_a, axis=0)
    pixel_values_b = jnp.take(flat_image, indices_b, axis=0)
    pixel_values_c = jnp.take(flat_image, indices_c, axis=0)
    pixel_values_d = jnp.take(flat_image, indices_d, axis=0)
    x0f = x0.astype(jnp.float32)
    x1f = x1.astype(jnp.float32)
    y0f = y0.astype(jnp.float32)
    y1f = y1.astype(jnp.float32)
    area_a = ((x1f - x) * (y1f - y))[:, None]
    area_b = ((x1f - x) * (y - y0f))[:, None]
    area_c = ((x - x0f) * (y1f - y))[:, None]
    area_d = ((x - x0f) * (y - y0f))[:, None]
    interpolated = (area_a * pixel_values_a + area_b * pixel_values_b
                    + area_c * pixel_values_c + area_d * pixel_values_d)
    return interpolated.reshape(B, H, W, C)

if __name__ == "__main__":
    import jax
    _d = setup_inputs()
    print(jax.jit(kernel)(*tuple(_d.values())))

</pallas_src>

<mosaic_0001>
#map = affine_map<(d0, d1) -> (0)>
module attributes {stable_mosaic.version = 14 : i64} {
  func.func @bilerp_sc(%arg0: i32, %arg1: i32, %arg2: memref<1179648xf32, #tpu.memory_space<hbm>>, %arg3: memref<2359296xf32, #tpu.memory_space<hbm>>, %arg4: memref<1179648xf32, #tpu.memory_space<hbm>>, %arg5: memref<73728xi32, #tpu.memory_space<vmem>>, %arg6: memref<24576xi32, #tpu.memory_space<vmem_shared>>, %arg7: memref<2x4608xf32, #tpu.memory_space<vmem>>, %arg8: memref<2x4608xf32, #tpu.memory_space<vmem>>, %arg9: memref<2x12288xf32, #tpu.memory_space<vmem>>, %arg10: memref<2x6144xf32, #tpu.memory_space<vmem>>, %arg11: memref<!tpu.dma_semaphore, #tpu.memory_space<semaphore_mem>>, %arg12: memref<!tpu.dma_semaphore, #tpu.memory_space<semaphore_mem>>, %arg13: memref<!tpu.dma_semaphore, #tpu.memory_space<semaphore_mem>>, %arg14: memref<!tpu.dma_semaphore, #tpu.memory_space<semaphore_mem>>) attributes {dimension_semantics = [#tpu.dimension_semantics<core_parallel>, #tpu.dimension_semantics<subcore_parallel>], iteration_bounds = array<i64: 2, 16>, scalar_prefetch = 0 : i64, scratch_operands = 10 : i64, tpu.core_type = #tpu.core_type<sc_vector_subcore>, window_params = [{transform_indices = #map}, {transform_indices = #map}, {transform_indices = #map}]} {
    %mul3A = arith.constant 4 : i32
    %mul3A_0 = arith.muli %arg0, %mul3A : i32
    %jit3A = arith.constant 4 : i32
    %div3A = arith.divsi %arg1, %jit3A : i32
    %sign3A = arith.constant 0 : i32
    %sign3A_1 = arith.cmpi sgt, %arg1, %sign3A : i32
    %sign3A_2 = arith.extui %sign3A_1 : i1 to i32
    %sign3A_3 = arith.constant 0 : i32
    %sign3A_4 = arith.cmpi slt, %arg1, %sign3A_3 : i32
    %sign3A_5 = arith.extui %sign3A_4 : i1 to i32
    %sign3A_6 = arith.subi %sign3A_2, %sign3A_5 : i32
    %sign3A_7 = arith.constant 0 : i32
    %sign3A_8 = arith.cmpi sgt, %jit3A, %sign3A_7 : i32
    %sign3A_9 = arith.extui %sign3A_8 : i1 to i32
    %sign3A_10 = arith.constant 0 : i32
    %sign3A_11 = arith.cmpi slt, %jit3A, %sign3A_10 : i32
    %sign3A_12 = arith.extui %sign3A_11 : i1 to i32
    %sign3A_13 = arith.subi %sign3A_9, %sign3A_12 : i32
    %ne3A = arith.cmpi ne, %sign3A_6, %sign3A_13 : i32
    %rem3A = arith.remsi %arg1, %jit3A : i32
    %ne3A_14 = arith.constant 0 : i32
    %ne3A_15 = arith.cmpi ne, %rem3A, %ne3A_14 : i32
    %and3A = arith.andi %ne3A, %ne3A_15 : i1
    %sub3A = arith.constant 1 : i32
    %sub3A_16 = arith.subi %div3A, %sub3A : i32
    %select_n3A = arith.select %and3A, %sub3A_16, %div3A : i32
    %add3A = arith.addi %mul3A_0, %select_n3A : i32
    %jit3A_17 = arith.constant 4 : i32
    %div3A_18 = arith.divsi %arg1, %jit3A_17 : i32
    %sign3A_19 = arith.constant 0 : i32
    %sign3A_20 = arith.cmpi sgt, %arg1, %sign3A_19 : i32
    %sign3A_21 = arith.extui %sign3A_20 : i1 to i32
    %sign3A_22 = arith.constant 0 : i32
    %sign3A_23 = arith.cmpi slt, %arg1, %sign3A_22 : i32
    %sign3A_24 = arith.extui %sign3A_23 : i1 to i32
    %sign3A_25 = arith.subi %sign3A_21, %sign3A_24 : i32
    %sign3A_26 = arith.constant 0 : i32
    %sign3A_27 = arith.cmpi sgt, %jit3A_17, %sign3A_26 : i32
    %sign3A_28 = arith.extui %sign3A_27 : i1 to i32
    %sign3A_29 = arith.constant 0 : i32
    %sign3A_30 = arith.cmpi slt, %jit3A_17, %sign3A_29 : i32
    %sign3A_31 = arith.extui %sign3A_30 : i1 to i32
    %sign3A_32 = arith.subi %sign3A_28, %sign3A_31 : i32
    %ne3A_33 = arith.cmpi ne, %sign3A_25, %sign3A_32 : i32
    %rem3A_34 = arith.remsi %arg1, %jit3A_17 : i32
    %ne3A_35 = arith.constant 0 : i32
    %ne3A_36 = arith.cmpi ne, %rem3A_34, %ne3A_35 : i32
    %and3A_37 = arith.andi %ne3A_33, %ne3A_36 : i1
    %sub3A_38 = arith.constant 1 : i32
    %sub3A_39 = arith.subi %div3A_18, %sub3A_38 : i32
    %select_n3A_40 = arith.select %and3A_37, %sub3A_39, %div3A_18 : i32
    %jit3A_41 = arith.constant 4 : i32
    %eq3A = arith.constant 0 : i32
    %eq3A_42 = arith.cmpi eq, %jit3A_41, %eq3A : i32
    %jit3A_43 = arith.constant 1 : i32
    %select_n3A_44 = arith.select %eq3A_42, %jit3A_43, %jit3A_41 : i32
    %rem3A_45 = arith.remsi %arg1, %select_n3A_44 : i32
    %ne3A_46 = arith.constant 0 : i32
    %ne3A_47 = arith.cmpi ne, %rem3A_45, %ne3A_46 : i32
    %lt3A = arith.constant 0 : i32
    %lt3A_48 = arith.cmpi slt, %rem3A_45, %lt3A : i32
    %lt3A_49 = arith.constant 0 : i32
    %lt3A_50 = arith.cmpi slt, %select_n3A_44, %lt3A_49 : i32
    %ne3A_51 = arith.xori %lt3A_48, %lt3A_50 : i1
    %and3A_52 = arith.andi %ne3A_51, %ne3A_47 : i1
    %add3A_53 = arith.addi %rem3A_45, %select_n3A_44 : i32
    %select_n3A_54 = arith.select %and3A_52, %add3A_53, %rem3A_45 : i32
    %mul3A_55 = arith.constant 96 : i32
    %mul3A_56 = arith.muli %select_n3A_54, %mul3A_55 : i32
    %mul3A_57 = arith.constant 147456 : i32
    %mul3A_58 = arith.muli %add3A, %mul3A_57 : i32
    %mul3A_59 = arith.constant 18432 : i32
    %mul3A_60 = arith.muli %select_n3A_54, %mul3A_59 : i32
    %add3A_61 = arith.constant 0 : i32
    %add3A_62 = arith.addi %mul3A_60, %add3A_61 : i32
    %add3A_63 = arith.addi %mul3A_58, %add3A_62 : i32
    %dma_start3A = arith.constant 0 : i32
    %dma_start3A_64 = arith.constant 0 : i32
    %dma_start3A_65 = tpu.memref_slice %arg7[%dma_start3A, %dma_start3A_64] : memref<2x4608xf32, #tpu.memory_space<vmem>> -> memref<1x4608xf32, #tpu.memory_space<vmem>>
    %dma_start3A_66 = tpu.memref_squeeze %dma_start3A_65 : memref<1x4608xf32, #tpu.memory_space<vmem>> -> memref<4608xf32, #tpu.memory_space<vmem>>
    %dma_start3A_67 = tpu.memref_slice %arg2[%add3A_63] : memref<1179648xf32, #tpu.memory_space<hbm>> -> memref<4608xf32, #tpu.memory_space<hbm>>
    %dma_start3A_68 = arith.constant 0 : i32
    %dma_start3A_69 = tpu.memref_slice %arg7[%dma_start3A, %dma_start3A_68] : memref<2x4608xf32, #tpu.memory_space<vmem>> -> memref<1x4608xf32, #tpu.memory_space<vmem>>
    %dma_start3A_70 = tpu.memref_squeeze %dma_start3A_69 : memref<1x4608xf32, #tpu.memory_space<vmem>> -> memref<4608xf32, #tpu.memory_space<vmem>>
    %dma_start3A_71 = tpu.memref_slice %arg2[%add3A_63] : memref<1179648xf32, #tpu.memory_space<hbm>> -> memref<4608xf32, #tpu.memory_space<hbm>>
    tpu.enqueue_dma source(%dma_start3A_71 : memref<4608xf32, #tpu.memory_space<hbm>>) target(%dma_start3A_70 : memref<4608xf32, #tpu.memory_space<vmem>>) target_semaphore(%arg11 : memref<!tpu.dma_semaphore, #tpu.memory_space<semaphore_mem>>)
    %add3A_72 = arith.constant 73728 : i32
    %add3A_73 = arith.addi %mul3A_58, %add3A_72 : i32
    %add3A_74 = arith.addi %add3A_73, %add3A_62 : i32
    %dma_start3A_75 = arith.constant 0 : i32
    %dma_start3A_76 = arith.constant 0 : i32
    %dma_start3A_77 = tpu.memref_slice %arg8[%dma_start3A_75, %dma_start3A_76] : memref<2x4608xf32, #tpu.memory_space<vmem>> -> memref<1x4608xf32, #tpu.memory_space<vmem>>
    %dma_start3A_78 = tpu.memref_squeeze %dma_start3A_77 : memref<1x4608xf32, #tpu.memory_space<vmem>> -> memref<4608xf32, #tpu.memory_space<vmem>>
    %dma_start3A_79 = tpu.memref_slice %arg2[%add3A_74] : memref<1179648xf32, #tpu.memory_space<hbm>> -> memref<4608xf32, #tpu.memory_space<hbm>>
    %dma_start3A_80 = arith.constant 0 : i32
    %dma_start3A_81 = tpu.memref_slice %arg8[%dma_start3A_75, %dma_start3A_80] : memref<2x4608xf32, #tpu.memory_space<vmem>> -> memref<1x4608xf32, #tpu.memory_space<vmem>>
    %dma_start3A_82 = tpu.memref_squeeze %dma_start3A_81 : memref<1x4608xf32, #tpu.memory_space<vmem>> -> memref<4608xf32, #tpu.memory_space<vmem>>
    %dma_start3A_83 = tpu.memref_slice %arg2[%add3A_74] : memref<1179648xf32, #tpu.memory_space<hbm>> -> memref<4608xf32, #tpu.memory_space<hbm>>
    tpu.enqueue_dma source(%dma_start3A_83 : memref<4608xf32, #tpu.memory_space<hbm>>) target(%dma_start3A_82 : memref<4608xf32, #tpu.memory_space<vmem>>) target_semaphore(%arg12 : memref<!tpu.dma_semaphore, #tpu.memory_space<semaphore_mem>>)
    %add3A_84 = arith.constant 4608 : i32
    %add3A_85 = arith.addi %mul3A_60, %add3A_84 : i32
    %add3A_86 = arith.addi %mul3A_58, %add3A_85 : i32
    %dma_start3A_87 = arith.constant 1 : i32
    %dma_start3A_88 = arith.constant 0 : i32
    %dma_start3A_89 = tpu.memref_slice %arg7[%dma_start3A_87, %dma_start3A_88] : memref<2x4608xf32, #tpu.memory_space<vmem>> -> memref<1x4608xf32, #tpu.memory_space<vmem>>
    %dma_start3A_90 = tpu.memref_squeeze %dma_start3A_89 : memref<1x4608xf32, #tpu.memory_space<vmem>> -> memref<4608xf32, #tpu.memory_space<vmem>>
    %dma_start3A_91 = tpu.memref_slice %arg2[%add3A_86] : memref<1179648xf32, #tpu.memory_space<hbm>> -> memref<4608xf32, #tpu.memory_space<hbm>>
    %dma_start3A_92 = arith.constant 0 : i32
    %dma_start3A_93 = tpu.memref_slice %arg7[%dma_start3A_87, %dma_start3A_92] : memref<2x4608xf32, #tpu.memory_space<vmem>> -> memref<1x4608xf32, #tpu.memory_space<vmem>>
    %dma_start3A_94 = tpu.memref_squeeze %dma_start3A_93 : memref<1x4608xf32, #tpu.memory_space<vmem>> -> memref<4608xf32, #tpu.memory_space<vmem>>
    %dma_start3A_95 = tpu.memref_slice %arg2[%add3A_86] : memref<1179648xf32, #tpu.memory_space<hbm>> -> memref<4608xf32, #tpu.memory_space<hbm>>
    tpu.enqueue_dma source(%dma_start3A_95 : memref<4608xf32, #tpu.memory_space<hbm>>) target(%dma_start3A_94 : memref<4608xf32, #tpu.memory_space<vmem>>) target_semaphore(%arg11 : memref<!tpu.dma_semaphore, #tpu.memory_space<semaphore_mem>>)
    %add3A_96 = arith.constant 73728 : i32
    %add3A_97 = arith.addi %mul3A_58, %add3A_96 : i32
    %add3A_98 = arith.addi %add3A_97, %add3A_85 : i32
    %dma_start3A_99 = arith.constant 1 : i32
    %dma_start3A_100 = arith.constant 0 : i32
    %dma_start3A_101 = tpu.memref_slice %arg8[%dma_start3A_99, %dma_start3A_100] : memref<2x4608xf32, #tpu.memory_space<vmem>> -> memref<1x4608xf32, #tpu.memory_space<vmem>>
    %dma_start3A_102 = tpu.memref_squeeze %dma_start3A_101 : memref<1x4608xf32, #tpu.memory_space<vmem>> -> memref<4608xf32, #tpu.memory_space<vmem>>
    %dma_start3A_103 = tpu.memref_slice %arg2[%add3A_98] : memref<1179648xf32, #tpu.memory_space<hbm>> -> memref<4608xf32, #tpu.memory_space<hbm>>
    %dma_start3A_104 = arith.constant 0 : i32
    %dma_start3A_105 = tpu.memref_slice %arg8[%dma_start3A_99, %dma_start3A_104] : memref<2x4608xf32, #tpu.memory_space<vmem>> -> memref<1x4608xf32, #tpu.memory_space<vmem>>
    %dma_start3A_106 = tpu.memref_squeeze %dma_start3A_105 : memref<1x4608xf32, #tpu.memory_space<vmem>> -> memref<4608xf32, #tpu.memory_space<vmem>>
    %dma_start3A_107 = tpu.memref_slice %arg2[%add3A_98] : memref<1179648xf32, #tpu.memory_space<hbm>> -> memref<4608xf32, #tpu.memory_space<hbm>>
    tpu.enqueue_dma source(%dma_start3A_107 : memref<4608xf32, #tpu.memory_space<hbm>>) target(%dma_start3A_106 : memref<4608xf32, #tpu.memory_space<vmem>>) target_semaphore(%arg12 : memref<!tpu.dma_semaphore, #tpu.memory_space<semaphore_mem>>)
    %dma_wait3A = arith.constant 0 : i32
    %dma_wait3A_108 = arith.constant 0 : i32
    %dma_wait3A_109 = tpu.memref_slice %arg7[%dma_wait3A, %dma_wait3A_108] : memref<2x4608xf32, #tpu.memory_space<vmem>> -> memref<1x4608xf32, #tpu.memory_space<vmem>>
    %dma_wait3A_110 = tpu.memref_squeeze %dma_wait3A_109 : memref<1x4608xf32, #tpu.memory_space<vmem>> -> memref<4608xf32, #tpu.memory_space<vmem>>
    %dma_wait3A_111 = tpu.memref_slice %arg2[%add3A_63] : memref<1179648xf32, #tpu.memory_space<hbm>> -> memref<4608xf32, #tpu.memory_space<hbm>>
    %dma_wait3A_112 = arith.constant 0 : i32
    %dma_wait3A_113 = tpu.memref_slice %arg7[%dma_wait3A, %dma_wait3A_112] : memref<2x4608xf32, #tpu.memory_space<vmem>> -> memref<1x4608xf32, #tpu.memory_space<vmem>>
    %dma_wait3A_114 = tpu.memref_squeeze %dma_wait3A_113 : memref<1x4608xf32, #tpu.memory_space<vmem>> -> memref<4608xf32, #tpu.memory_space<vmem>>
    %dma_wait3A_115 = tpu.memref_slice %arg2[%add3A_63] : memref<1179648xf32, #tpu.memory_space<hbm>> -> memref<4608xf32, #tpu.memory_space<hbm>>
    tpu.wait_dma2 semaphore(%arg11 : memref<!tpu.dma_semaphore, #tpu.memory_space<semaphore_mem>>) src(%dma_wait3A_115 : memref<4608xf32, #tpu.memory_space<hbm>>) dst(%dma_wait3A_114 : memref<4608xf32, #tpu.memory_space<vmem>>)
    %dma_wait3A_116 = arith.constant 0 : i32
    %dma_wait3A_117 = arith.constant 0 : i32
    %dma_wait3A_118 = tpu.memref_slice %arg8[%dma_wait3A_116, %dma_wait3A_117] : memref<2x4608xf32, #tpu.memory_space<vmem>> -> memref<1x4608xf32, #tpu.memory_space<vmem>>
    %dma_wait3A_119 = tpu.memref_squeeze %dma_wait3A_118 : memref<1x4608xf32, #tpu.memory_space<vmem>> -> memref<4608xf32, #tpu.memory_space<vmem>>
    %dma_wait3A_120 = tpu.memref_slice %arg2[%add3A_74] : memref<1179648xf32, #tpu.memory_space<hbm>> -> memref<4608xf32, #tpu.memory_space<hbm>>
    %dma_wait3A_121 = arith.constant 0 : i32
    %dma_wait3A_122 = tpu.memref_slice %arg8[%dma_wait3A_116, %dma_wait3A_121] : memref<2x4608xf32, #tpu.memory_space<vmem>> -> memref<1x4608xf32, #tpu.memory_space<vmem>>
    %dma_wait3A_123 = tpu.memref_squeeze %dma_wait3A_122 : memref<1x4608xf32, #tpu.memory_space<vmem>> -> memref<4608xf32, #tpu.memory_space<vmem>>
    %dma_wait3A_124 = tpu.memref_slice %arg2[%add3A_74] : memref<1179648xf32, #tpu.memory_space<hbm>> -> memref<4608xf32, #tpu.memory_space<hbm>>
    tpu.wait_dma2 semaphore(%arg12 : memref<!tpu.dma_semaphore, #tpu.memory_space<semaphore_mem>>) src(%dma_wait3A_124 : memref<4608xf32, #tpu.memory_space<hbm>>) dst(%dma_wait3A_123 : memref<4608xf32, #tpu.memory_space<vmem>>)
    %add3A_125 = arith.constant 0 : i32
    %add3A_126 = arith.addi %mul3A_60, %add3A_125 : i32
    %parallel_loop3A = arith.constant 0 : i32
    %parallel_loop3A_127 = arith.constant 288 : i32
    %parallel_loop3A_128 = arith.constant 1 : i32
    scf.for %parallel_loop3A_940 = %parallel_loop3A to %parallel_loop3A_127 step %parallel_loop3A_128  : i32 {
      %parallel_loop3A_941 = arith.constant 16 : i32
      %parallel_loop3A_942 = arith.muli %parallel_loop3A_940, %parallel_loop3A_941 : i32
      %parallel_loop3A_943 = arith.constant 0 : i32
      %parallel_loop3A_944 = arith.index_cast %parallel_loop3A_943 : i32 to index
      %parallel_loop3A_945 = arith.index_cast %parallel_loop3A_942 : i32 to index
      %parallel_loop3A_946 = tpu.vector_load %arg7[%parallel_loop3A_944, %parallel_loop3A_945] {strides = array<i32>} : memref<2x4608xf32, #tpu.memory_space<vmem>>, vector<16xf32>,
      %parallel_loop3A_947 = vector.bitcast %parallel_loop3A_946 : vector<16xf32> to vector<16xi32>
      %parallel_loop3A_948 = arith.constant 16 : i32
      %parallel_loop3A_949 = arith.muli %parallel_loop3A_940, %parallel_loop3A_948 : i32
      %parallel_loop3A_950 = arith.constant 0 : i32
      %parallel_loop3A_951 = arith.index_cast %parallel_loop3A_950 : i32 to index
      %parallel_loop3A_952 = arith.index_cast %parallel_loop3A_949 : i32 to index
      %parallel_loop3A_953 = tpu.vector_load %arg8[%parallel_loop3A_951, %parallel_loop3A_952] {strides = array<i32>} : memref<2x4608xf32, #tpu.memory_space<vmem>>, vector<16xf32>,
      %parallel_loop3A_954 = vector.bitcast %parallel_loop3A_953 : vector<16xf32> to vector<16xi32>
      %parallel_loop3A_955 = arith.constant 32768 : i32
      %parallel_loop3A_956 = vector.broadcast %parallel_loop3A_955 : i32 to vector<16xi32>
      %parallel_loop3A_957 = arith.addi %parallel_loop3A_947, %parallel_loop3A_956 : vector<16xi32>
      %parallel_loop3A_958 = arith.constant 16 : i32
      %parallel_loop3A_959 = vector.broadcast %parallel_loop3A_958 : i32 to vector<16xi32>
      %parallel_loop3A_960 = arith.shrui %parallel_loop3A_957, %parallel_loop3A_959 : vector<16xi32>
      %parallel_loop3A_961 = arith.constant 32768 : i32
      %parallel_loop3A_962 = vector.broadcast %parallel_loop3A_961 : i32 to vector<16xi32>
      %parallel_loop3A_963 = arith.addi %parallel_loop3A_954, %parallel_loop3A_962 : vector<16xi32>
      %parallel_loop3A_964 = arith.constant 16 : i32
      %parallel_loop3A_965 = vector.broadcast %parallel_loop3A_964 : i32 to vector<16xi32>
      %parallel_loop3A_966 = arith.shrui %parallel_loop3A_963, %parallel_loop3A_965 : vector<16xi32>
      %parallel_loop3A_967 = arith.constant 16 : i32
      %parallel_loop3A_968 = vector.broadcast %parallel_loop3A_967 : i32 to vector<16xi32>
      %parallel_loop3A_969 = arith.shli %parallel_loop3A_966, %parallel_loop3A_968 : vector<16xi32>
      %parallel_loop3A_970 = arith.ori %parallel_loop3A_960, %parallel_loop3A_969 : vector<16xi32>
      %parallel_loop3A_971 = arith.constant 16 : i32
      %parallel_loop3A_972 = arith.muli %parallel_loop3A_940, %parallel_loop3A_971 : i32
      %parallel_loop3A_973 = arith.addi %add3A_126, %parallel_loop3A_972 : i32
      %parallel_loop3A_974 = arith.index_cast %parallel_loop3A_973 : i32 to index
      %parallel_loop3A_975 = tpu.vector_load %arg5[%parallel_loop3A_974] {strides = array<i32>} : memref<73728xi32, #tpu.memory_space<vmem>>, vector<16xi32>,
      tpu.vector_store %arg5[%parallel_loop3A_974], %parallel_loop3A_970 {strides = array<i32>} : memref<73728xi32, #tpu.memory_space<vmem>>, vector<16xi32>,
    } {sc.loop_unroll_factor = 4 : i64, sc.parallel_access}
    %add3A_129 = arith.constant 9216 : i32
    %add3A_130 = arith.addi %mul3A_60, %add3A_129 : i32
    %add3A_131 = arith.addi %mul3A_58, %add3A_130 : i32
    %dma_start3A_132 = arith.constant 0 : i32
    %dma_start3A_133 = arith.constant 0 : i32
    %dma_start3A_134 = tpu.memref_slice %arg7[%dma_start3A_132, %dma_start3A_133] : memref<2x4608xf32, #tpu.memory_space<vmem>> -> memref<1x4608xf32, #tpu.memory_space<vmem>>
    %dma_start3A_135 = tpu.memref_squeeze %dma_start3A_134 : memref<1x4608xf32, #tpu.memory_space<vmem>> -> memref<4608xf32, #tpu.memory_space<vmem>>
    %dma_start3A_136 = tpu.memref_slice %arg2[%add3A_131] : memref<1179648xf32, #tpu.memory_space<hbm>> -> memref<4608xf32, #tpu.memory_space<hbm>>
    %dma_start3A_137 = arith.constant 0 : i32
    %dma_start3A_138 = tpu.memref_slice %arg7[%dma_start3A_132, %dma_start3A_137] : memref<2x4608xf32, #tpu.memory_space<vmem>> -> memref<1x4608xf32, #tpu.memory_space<vmem>>
    %dma_start3A_139 = tpu.memref_squeeze %dma_start3A_138 : memref<1x4608xf32, #tpu.memory_space<vmem>> -> memref<4608xf32, #tpu.memory_space<vmem>>
    %dma_start3A_140 = tpu.memref_slice %arg2[%add3A_131] : memref<1179648xf32, #tpu.memory_space<hbm>> -> memref<4608xf32, #tpu.memory_space<hbm>>
    tpu.enqueue_dma source(%dma_start3A_140 : memref<4608xf32, #tpu.memory_space<hbm>>) target(%dma_start3A_139 : memref<4608xf32, #tpu.memory_space<vmem>>) target_semaphore(%arg11 : memref<!tpu.dma_semaphore, #tpu.memory_space<semaphore_mem>>)
    %add3A_141 = arith.constant 73728 : i32
    %add3A_142 = arith.addi %mul3A_58, %add3A_141 : i32
    %add3A_143 = arith.addi %add3A_142, %add3A_130 : i32
    %dma_start3A_144 = arith.constant 0 : i32
    %dma_start3A_145 = arith.constant 0 : i32
    %dma_start3A_146 = tpu.memref_slice %arg8[%dma_start3A_144, %dma_start3A_145] : memref<2x4608xf32, #tpu.memory_space<vmem>> -> memref<1x4608xf32, #tpu.memory_space<vmem>>
    %dma_start3A_147 = tpu.memref_squeeze %dma_start3A_146 : memref<1x4608xf32, #tpu.memory_space<vmem>> -> memref<4608xf32, #tpu.memory_space<vmem>>
    %dma_start3A_148 = tpu.memref_slice %arg2[%add3A_143] : memref<1179648xf32, #tpu.memory_space<hbm>> -> memref<4608xf32, #tpu.memory_space<hbm>>
    %dma_start3A_149 = arith.constant 0 : i32
    %dma_start3A_150 = tpu.memref_slice %arg8[%dma_start3A_144, %dma_start3A_149] : memref<2x4608xf32, #tpu.memory_space<vmem>> -> memref<1x4608xf32, #tpu.memory_space<vmem>>
    %dma_start3A_151 = tpu.memref_squeeze %dma_start3A_150 : memref<1x4608xf32, #tpu.memory_space<vmem>> -> memref<4608xf32, #tpu.memory_space<vmem>>
    %dma_start3A_152 = tpu.memref_slice %arg2[%add3A_143] : memref<1179648xf32, #tpu.memory_space<hbm>> -> memref<4608xf32, #tpu.memory_space<hbm>>
    tpu.enqueue_dma source(%dma_start3A_152 : memref<4608xf32, #tpu.memory_space<hbm>>) target(%dma_start3A_151 : memref<4608xf32, #tpu.memory_space<vmem>>) target_semaphore(%arg12 : memref<!tpu.dma_semaphore, #tpu.memory_space<semaphore_mem>>)
    %dma_wait3A_153 = arith.constant 1 : i32
    %dma_wait3A_154 = arith.constant 0 : i32
    %dma_wait3A_155 = tpu.memref_slice %arg7[%dma_wait3A_153, %dma_wait3A_154] : memref<2x4608xf32, #tpu.memory_space<vmem>> -> memref<1x4608xf32, #tpu.memory_space<vmem>>
    %dma_wait3A_156 = tpu.memref_squeeze %dma_wait3A_155 : memref<1x4608xf32, #tpu.memory_space<vmem>> -> memref<4608xf32, #tpu.memory_space<vmem>>
    %dma_wait3A_157 = tpu.memref_slice %arg2[%add3A_86] : memref<1179648xf32, #tpu.memory_space<hbm>> -> memref<4608xf32, #tpu.memory_space<hbm>>
    %dma_wait3A_158 = arith.constant 0 : i32
    %dma_wait3A_159 = tpu.memref_slice %arg7[%dma_wait3A_153, %dma_wait3A_158] : memref<2x4608xf32, #tpu.memory_space<vmem>> -> memref<1x4608xf32, #tpu.memory_space<vmem>>
    %dma_wait3A_160 = tpu.memref_squeeze %dma_wait3A_159 : memref<1x4608xf32, #tpu.memory_space<vmem>> -> memref<4608xf32, #tpu.memory_space<vmem>>
    %dma_wait3A_161 = tpu.memref_slice %arg2[%add3A_86] : memref<1179648xf32, #tpu.memory_space<hbm>> -> memref<4608xf32, #tpu.memory_space<hbm>>
    tpu.wait_dma2 semaphore(%arg11 : memref<!tpu.dma_semaphore, #tpu.memory_space<semaphore_mem>>) src(%dma_wait3A_161 : memref<4608xf32, #tpu.memory_space<hbm>>) dst(%dma_wait3A_160 : memref<4608xf32, #tpu.memory_space<vmem>>)
    %dma_wait3A_162 = arith.constant 1 : i32
    %dma_wait3A_163 = arith.constant 0 : i32
    %dma_wait3A_164 = tpu.memref_slice %arg8[%dma_wait3A_162, %dma_wait3A_163] : memref<2x4608xf32, #tpu.memory_space<vmem>> -> memref<1x4608xf32, #tpu.memory_space<vmem>>
    %dma_wait3A_165 = tpu.memref_squeeze %dma_wait3A_164 : memref<1x4608xf32, #tpu.memory_space<vmem>> -> memref<4608xf32, #tpu.memory_space<vmem>>
    %dma_wait3A_166 = tpu.memref_slice %arg2[%add3A_98] : memref<1179648xf32, #tpu.memory_space<hbm>> -> memref<4608xf32, #tpu.memory_space<hbm>>
    %dma_wait3A_167 = arith.constant 0 : i32
    %dma_wait3A_168 = tpu.memref_slice %arg8[%dma_wait3A_162, %dma_wait3A_167] : memref<2x4608xf32, #tpu.memory_space<vmem>> -> memref<1x4608xf32, #tpu.memory_space<vmem>>
    %dma_wait3A_169 = tpu.memref_squeeze %dma_wait3A_168 : memref<1x4608xf32, #tpu.memory_space<vmem>> -> memref<4608xf32, #tpu.memory_space<vmem>>
    %dma_wait3A_170 = tpu.memref_slice %arg2[%add3A_98] : memref<1179648xf32, #tpu.memory_space<hbm>> -> memref<4608xf32, #tpu.memory_space<hbm>>
    tpu.wait_dma2 semaphore(%arg12 : memref<!tpu.dma_semaphore, #tpu.memory_space<semaphore_mem>>) src(%dma_wait3A_170 : memref<4608xf32, #tpu.memory_space<hbm>>) dst(%dma_wait3A_169 : memref<4608xf32, #tpu.memory_space<vmem>>)
    %add3A_171 = arith.constant 4608 : i32
    %add3A_172 = arith.addi %mul3A_60, %add3A_171 : i32
    %parallel_loop3A_173 = arith.constant 0 : i32
    %parallel_loop3A_174 = arith.constant 288 : i32
    %parallel_loop3A_175 = arith.constant 1 : i32
    scf.for %parallel_loop3A_940 = %parallel_loop3A_173 to %parallel_loop3A_174 step %parallel_loop3A_175  : i32 {
      %parallel_loop3A_941 = arith.constant 16 : i32
      %parallel_loop3A_942 = arith.muli %parallel_loop3A_940, %parallel_loop3A_941 : i32
      %parallel_loop3A_943 = arith.constant 1 : i32
      %parallel_loop3A_944 = arith.index_cast %parallel_loop3A_943 : i32 to index
      %parallel_loop3A_945 = arith.index_cast %parallel_loop3A_942 : i32 to index
      %parallel_loop3A_946 = tpu.vector_load %arg7[%parallel_loop3A_944, %parallel_loop3A_945] {strides = array<i32>} : memref<2x4608xf32, #tpu.memory_space<vmem>>, vector<16xf32>,
      %parallel_loop3A_947 = vector.bitcast %parallel_loop3A_946 : vector<16xf32> to vector<16xi32>
      %parallel_loop3A_948 = arith.constant 16 : i32
      %parallel_loop3A_949 = arith.muli %parallel_loop3A_940, %parallel_loop3A_948 : i32
      %parallel_loop3A_950 = arith.constant 1 : i32
      %parallel_loop3A_951 = arith.index_cast %parallel_loop3A_950 : i32 to index
      %parallel_loop3A_952 = arith.index_cast %parallel_loop3A_949 : i32 to index
      %parallel_loop3A_953 = tpu.vector_load %arg8[%parallel_loop3A_951, %parallel_loop3A_952] {strides = array<i32>} : memref<2x4608xf32, #tpu.memory_space<vmem>>, vector<16xf32>,
      %parallel_loop3A_954 = vector.bitcast %parallel_loop3A_953 : vector<16xf32> to vector<16xi32>
      %parallel_loop3A_955 = arith.constant 32768 : i32
      %parallel_loop3A_956 = vector.broadcast %parallel_loop3A_955 : i32 to vector<16xi32>
      %parallel_loop3A_957 = arith.addi %parallel_loop3A_947, %parallel_loop3A_956 : vector<16xi32>
      %parallel_loop3A_958 = arith.constant 16 : i32
      %parallel_loop3A_959 = vector.broadcast %parallel_loop3A_958 : i32 to vector<16xi32>
      %parallel_loop3A_960 = arith.shrui %parallel_loop3A_957, %parallel_loop3A_959 : vector<16xi32>
      %parallel_loop3A_961 = arith.constant 32768 : i32
      %parallel_loop3A_962 = vector.broadcast %parallel_loop3A_961 : i32 to vector<16xi32>
      %parallel_loop3A_963 = arith.addi %parallel_loop3A_954, %parallel_loop3A_962 : vector<16xi32>
      %parallel_loop3A_964 = arith.constant 16 : i32
      %parallel_loop3A_965 = vector.broadcast %parallel_loop3A_964 : i32 to vector<16xi32>
      %parallel_loop3A_966 = arith.shrui %parallel_loop3A_963, %parallel_loop3A_965 : vector<16xi32>
      %parallel_loop3A_967 = arith.constant 16 : i32
      %parallel_loop3A_968 = vector.broadcast %parallel_loop3A_967 : i32 to vector<16xi32>
      %parallel_loop3A_969 = arith.shli %parallel_loop3A_966, %parallel_loop3A_968 : vector<16xi32>
      %parallel_loop3A_970 = arith.ori %parallel_loop3A_960, %parallel_loop3A_969 : vector<16xi32>
      %parallel_loop3A_971 = arith.constant 16 : i32
      %parallel_loop3A_972 = arith.muli %parallel_loop3A_940, %parallel_loop3A_971 : i32
      %parallel_loop3A_973 = arith.addi %add3A_172, %parallel_loop3A_972 : i32
      %parallel_loop3A_974 = arith.index_cast %parallel_loop3A_973 : i32 to index
      %parallel_loop3A_975 = tpu.vector_load %arg5[%parallel_loop3A_974] {strides = array<i32>} : memref<73728xi32, #tpu.memory_space<vmem>>, vector<16xi32>,
      tpu.vector_store %arg5[%parallel_loop3A_974], %parallel_loop3A_970 {strides = array<i32>} : memref<73728xi32, #tpu.memory_space<vmem>>, vector<16xi32>,
    } {sc.loop_unroll_factor = 4 : i64, sc.parallel_access}
    %add3A_176 = arith.constant 13824 : i32
    %add3A_177 = arith.addi %mul3A_60, %add3A_176 : i32
    %add3A_178 = arith.addi %mul3A_58, %add3A_177 : i32
    %dma_start3A_179 = arith.constant 1 : i32
    %dma_start3A_180 = arith.constant 0 : i32
    %dma_start3A_181 = tpu.memref_slice %arg7[%dma_start3A_179, %dma_start3A_180] : memref<2x4608xf32, #tpu.memory_space<vmem>> -> memref<1x4608xf32, #tpu.memory_space<vmem>>
    %dma_start3A_182 = tpu.memref_squeeze %dma_start3A_181 : memref<1x4608xf32, #tpu.memory_space<vmem>> -> memref<4608xf32, #tpu.memory_space<vmem>>
    %dma_start3A_183 = tpu.memref_slice %arg2[%add3A_178] : memref<1179648xf32, #tpu.memory_space<hbm>> -> memref<4608xf32, #tpu.memory_space<hbm>>
    %dma_start3A_184 = arith.constant 0 : i32
    %dma_start3A_185 = tpu.memref_slice %arg7[%dma_start3A_179, %dma_start3A_184] : memref<2x4608xf32, #tpu.memory_space<vmem>> -> memref<1x4608xf32, #tpu.memory_space<vmem>>
    %dma_start3A_186 = tpu.memref_squeeze %dma_start3A_185 : memref<1x4608xf32, #tpu.memory_space<vmem>> -> memref<4608xf32, #tpu.memory_space<vmem>>
    %dma_start3A_187 = tpu.memref_slice %arg2[%add3A_178] : memref<1179648xf32, #tpu.memory_space<hbm>> -> memref<4608xf32, #tpu.memory_space<hbm>>
    tpu.enqueue_dma source(%dma_start3A_187 : memref<4608xf32, #tpu.memory_space<hbm>>) target(%dma_start3A_186 : memref<4608xf32, #tpu.memory_space<vmem>>) target_semaphore(%arg11 : memref<!tpu.dma_semaphore, #tpu.memory_space<semaphore_mem>>)
    %add3A_188 = arith.constant 73728 : i32
    %add3A_189 = arith.addi %mul3A_58, %add3A_188 : i32
    %add3A_190 = arith.addi %add3A_189, %add3A_177 : i32
    %dma_start3A_191 = arith.constant 1 : i32
    %dma_start3A_192 = arith.constant 0 : i32
    %dma_start3A_193 = tpu.memref_slice %arg8[%dma_start3A_191, %dma_start3A_192] : memref<2x4608xf32, #tpu.memory_space<vmem>> -> memref<1x4608xf32, #tpu.memory_space<vmem>>
    %dma_start3A_194 = tpu.memref_squeeze %dma_start3A_193 : memref<1x4608xf32, #tpu.memory_space<vmem>> -> memref<4608xf32, #tpu.memory_space<vmem>>
    %dma_start3A_195 = tpu.memref_slice %arg2[%add3A_190] : memref<1179648xf32, #tpu.memory_space<hbm>> -> memref<4608xf32, #tpu.memory_space<hbm>>
    %dma_start3A_196 = arith.constant 0 : i32
    %dma_start3A_197 = tpu.memref_slice %arg8[%dma_start3A_191, %dma_start3A_196] : memref<2x4608xf32, #tpu.memory_space<vmem>> -> memref<1x4608xf32, #tpu.memory_space<vmem>>
    %dma_start3A_198 = tpu.memref_squeeze %dma_start3A_197 : memref<1x4608xf32, #tpu.memory_space<vmem>> -> memref<4608xf32, #tpu.memory_space<vmem>>
    %dma_start3A_199 = tpu.memref_slice %arg2[%add3A_190] : memref<1179648xf32, #tpu.memory_space<hbm>> -> memref<4608xf32, #tpu.memory_space<hbm>>
    tpu.enqueue_dma source(%dma_start3A_199 : memref<4608xf32, #tpu.memory_space<hbm>>) target(%dma_start3A_198 : memref<4608xf32, #tpu.memory_space<vmem>>) target_semaphore(%arg12 : memref<!tpu.dma_semaphore, #tpu.memory_space<semaphore_mem>>)
    %dma_wait3A_200 = arith.constant 0 : i32
    %dma_wait3A_201 = arith.constant 0 : i32
    %dma_wait3A_202 = tpu.memref_slice %arg7[%dma_wait3A_200, %dma_wait3A_201] : memref<2x4608xf32, #tpu.memory_space<vmem>> -> memref<1x4608xf32, #tpu.memory_space<vmem>>
    %dma_wait3A_203 = tpu.memref_squeeze %dma_wait3A_202 : memref<1x4608xf32, #tpu.memory_space<vmem>> -> memref<4608xf32, #tpu.memory_space<vmem>>
    %dma_wait3A_204 = tpu.memref_slice %arg2[%add3A_131] : memref<1179648xf32, #tpu.memory_space<hbm>> -> memref<4608xf32, #tpu.memory_space<hbm>>
    %dma_wait3A_205 = arith.constant 0 : i32
    %dma_wait3A_206 = tpu.memref_slice %arg7[%dma_wait3A_200, %dma_wait3A_205] : memref<2x4608xf32, #tpu.memory_space<vmem>> -> memref<1x4608xf32, #tpu.memory_space<vmem>>
    %dma_wait3A_207 = tpu.memref_squeeze %dma_wait3A_206 : memref<1x4608xf32, #tpu.memory_space<vmem>> -> memref<4608xf32, #tpu.memory_space<vmem>>
    %dma_wait3A_208 = tpu.memref_slice %arg2[%add3A_131] : memref<1179648xf32, #tpu.memory_space<hbm>> -> memref<4608xf32, #tpu.memory_space<hbm>>
    tpu.wait_dma2 semaphore(%arg11 : memref<!tpu.dma_semaphore, #tpu.memory_space<semaphore_mem>>) src(%dma_wait3A_208 : memref<4608xf32, #tpu.memory_space<hbm>>) dst(%dma_wait3A_207 : memref<4608xf32, #tpu.memory_space<vmem>>)
    %dma_wait3A_209 = arith.constant 0 : i32
    %dma_wait3A_210 = arith.constant 0 : i32
    %dma_wait3A_211 = tpu.memref_slice %arg8[%dma_wait3A_209, %dma_wait3A_210] : memref<2x4608xf32, #tpu.memory_space<vmem>> -> memref<1x4608xf32, #tpu.memory_space<vmem>>
    %dma_wait3A_212 = tpu.memref_squeeze %dma_wait3A_211 : memref<1x4608xf32, #tpu.memory_space<vmem>> -> memref<4608xf32, #tpu.memory_space<vmem>>
    %dma_wait3A_213 = tpu.memref_slice %arg2[%add3A_143] : memref<1179648xf32, #tpu.memory_space<hbm>> -> memref<4608xf32, #tpu.memory_space<hbm>>
    %dma_wait3A_214 = arith.constant 0 : i32
    %dma_wait3A_215 = tpu.memref_slice %arg8[%dma_wait3A_209, %dma_wait3A_214] : memref<2x4608xf32, #tpu.memory_space<vmem>> -> memref<1x4608xf32, #tpu.memory_space<vmem>>
    %dma_wait3A_216 = tpu.memref_squeeze %dma_wait3A_215 : memref<1x4608xf32, #tpu.memory_space<vmem>> -> memref<4608xf32, #tpu.memory_space<vmem>>
    %dma_wait3A_217 = tpu.memref_slice %arg2[%add3A_143] : memref<1179648xf32, #tpu.memory_space<hbm>> -> memref<4608xf32, #tpu.memory_space<hbm>>
    tpu.wait_dma2 semaphore(%arg12 : memref<!tpu.dma_semaphore, #tpu.memory_space<semaphore_mem>>) src(%dma_wait3A_217 : memref<4608xf32, #tpu.memory_space<hbm>>) dst(%dma_wait3A_216 : memref<4608xf32, #tpu.memory_space<vmem>>)
    %add3A_218 = arith.constant 9216 : i32
    %add3A_219 = arith.addi %mul3A_60, %add3A_218 : i32
    %parallel_loop3A_220 = arith.constant 0 : i32
    %parallel_loop3A_221 = arith.constant 288 : i32
    %parallel_loop3A_222 = arith.constant 1 : i32
    scf.for %parallel_loop3A_940 = %parallel_loop3A_220 to %parallel_loop3A_221 step %parallel_loop3A_222  : i32 {
      %parallel_loop3A_941 = arith.constant 16 : i32
      %parallel_loop3A_942 = arith.muli %parallel_loop3A_940, %parallel_loop3A_941 : i32
      %parallel_loop3A_943 = arith.constant 0 : i32
      %parallel_loop3A_944 = arith.index_cast %parallel_loop3A_943 : i32 to index
      %parallel_loop3A_945 = arith.index_cast %parallel_loop3A_942 : i32 to index
      %parallel_loop3A_946 = tpu.vector_load %arg7[%parallel_loop3A_944, %parallel_loop3A_945] {strides = array<i32>} : memref<2x4608xf32, #tpu.memory_space<vmem>>, vector<16xf32>,
      %parallel_loop3A_947 = vector.bitcast %parallel_loop3A_946 : vector<16xf32> to vector<16xi32>
      %parallel_loop3A_948 = arith.constant 16 : i32
      %parallel_loop3A_949 = arith.muli %parallel_loop3A_940, %parallel_loop3A_948 : i32
      %parallel_loop3A_950 = arith.constant 0 : i32
      %parallel_loop3A_951 = arith.index_cast %parallel_loop3A_950 : i32 to index
      %parallel_loop3A_952 = arith.index_cast %parallel_loop3A_949 : i32 to index
      %parallel_loop3A_953 = tpu.vector_load %arg8[%parallel_loop3A_951, %parallel_loop3A_952] {strides = array<i32>} : memref<2x4608xf32, #tpu.memory_space<vmem>>, vector<16xf32>,
      %parallel_loop3A_954 = vector.bitcast %parallel_loop3A_953 : vector<16xf32> to vector<16xi32>
      %parallel_loop3A_955 = arith.constant 32768 : i32
      %parallel_loop3A_956 = vector.broadcast %parallel_loop3A_955 : i32 to vector<16xi32>
      %parallel_loop3A_957 = arith.addi %parallel_loop3A_947, %parallel_loop3A_956 : vector<16xi32>
      %parallel_loop3A_958 = arith.constant 16 : i32
      %parallel_loop3A_959 = vector.broadcast %parallel_loop3A_958 : i32 to vector<16xi32>
      %parallel_loop3A_960 = arith.shrui %parallel_loop3A_957, %parallel_loop3A_959 : vector<16xi32>
      %parallel_loop3A_961 = arith.constant 32768 : i32
      %parallel_loop3A_962 = vector.broadcast %parallel_loop3A_961 : i32 to vector<16xi32>
      %parallel_loop3A_963 = arith.addi %parallel_loop3A_954, %parallel_loop3A_962 : vector<16xi32>
      %parallel_loop3A_964 = arith.constant 16 : i32
      %parallel_loop3A_965 = vector.broadcast %parallel_loop3A_964 : i32 to vector<16xi32>
      %parallel_loop3A_966 = arith.shrui %parallel_loop3A_963, %parallel_loop3A_965 : vector<16xi32>
      %parallel_loop3A_967 = arith.constant 16 : i32
      %parallel_loop3A_968 = vector.broadcast %parallel_loop3A_967 : i32 to vector<16xi32>
      %parallel_loop3A_969 = arith.shli %parallel_loop3A_966, %parallel_loop3A_968 : vector<16xi32>
      %parallel_loop3A_970 = arith.ori %parallel_loop3A_960, %parallel_loop3A_969 : vector<16xi32>
      %parallel_loop3A_971 = arith.constant 16 : i32
      %parallel_loop3A_972 = arith.muli %parallel_loop3A_940, %parallel_loop3A_971 : i32
      %parallel_loop3A_973 = arith.addi %add3A_219, %parallel_loop3A_972 : i32
      %parallel_loop3A_974 = arith.index_cast %parallel_loop3A_973 : i32 to index
      %parallel_loop3A_975 = tpu.vector_load %arg5[%parallel_loop3A_974] {strides = array<i32>} : memref<73728xi32, #tpu.memory_space<vmem>>, vector<16xi32>,
      tpu.vector_store %arg5[%parallel_loop3A_974], %parallel_loop3A_970 {strides = array<i32>} : memref<73728xi32, #tpu.memory_space<vmem>>, vector<16xi32>,
    } {sc.loop_unroll_factor = 4 : i64, sc.parallel_access}
    %dma_wait3A_223 = arith.constant 1 : i32
    %dma_wait3A_224 = arith.constant 0 : i32
    %dma_wait3A_225 = tpu.memref_slice %arg7[%dma_wait3A_223, %dma_wait3A_224] : memref<2x4608xf32, #tpu.memory_space<vmem>> -> memref<1x4608xf32, #tpu.memory_space<vmem>>
    %dma_wait3A_226 = tpu.memref_squeeze %dma_wait3A_225 : memref<1x4608xf32, #tpu.memory_space<vmem>> -> memref<4608xf32, #tpu.memory_space<vmem>>
    %dma_wait3A_227 = tpu.memref_slice %arg2[%add3A_178] : memref<1179648xf32, #tpu.memory_space<hbm>> -> memref<4608xf32, #tpu.memory_space<hbm>>
    %dma_wait3A_228 = arith.constant 0 : i32
    %dma_wait3A_229 = tpu.memref_slice %arg7[%dma_wait3A_223, %dma_wait3A_228] : memref<2x4608xf32, #tpu.memory_space<vmem>> -> memref<1x4608xf32, #tpu.memory_space<vmem>>
    %dma_wait3A_230 = tpu.memref_squeeze %dma_wait3A_229 : memref<1x4608xf32, #tpu.memory_space<vmem>> -> memref<4608xf32, #tpu.memory_space<vmem>>
    %dma_wait3A_231 = tpu.memref_slice %arg2[%add3A_178] : memref<1179648xf32, #tpu.memory_space<hbm>> -> memref<4608xf32, #tpu.memory_space<hbm>>
    tpu.wait_dma2 semaphore(%arg11 : memref<!tpu.dma_semaphore, #tpu.memory_space<semaphore_mem>>) src(%dma_wait3A_231 : memref<4608xf32, #tpu.memory_space<hbm>>) dst(%dma_wait3A_230 : memref<4608xf32, #tpu.memory_space<vmem>>)
    %dma_wait3A_232 = arith.constant 1 : i32
    %dma_wait3A_233 = arith.constant 0 : i32
    %dma_wait3A_234 = tpu.memref_slice %arg8[%dma_wait3A_232, %dma_wait3A_233] : memref<2x4608xf32, #tpu.memory_space<vmem>> -> memref<1x4608xf32, #tpu.memory_space<vmem>>
    %dma_wait3A_235 = tpu.memref_squeeze %dma_wait3A_234 : memref<1x4608xf32, #tpu.memory_space<vmem>> -> memref<4608xf32, #tpu.memory_space<vmem>>
    %dma_wait3A_236 = tpu.memref_slice %arg2[%add3A_190] : memref<1179648xf32, #tpu.memory_space<hbm>> -> memref<4608xf32, #tpu.memory_space<hbm>>
    %dma_wait3A_237 = arith.constant 0 : i32
    %dma_wait3A_238 = tpu.memref_slice %arg8[%dma_wait3A_232, %dma_wait3A_237] : memref<2x4608xf32, #tpu.memory_space<vmem>> -> memref<1x4608xf32, #tpu.memory_space<vmem>>
    %dma_wait3A_239 = tpu.memref_squeeze %dma_wait3A_238 : memref<1x4608xf32, #tpu.memory_space<vmem>> -> memref<4608xf32, #tpu.memory_space<vmem>>
    %dma_wait3A_240 = tpu.memref_slice %arg2[%add3A_190] : memref<1179648xf32, #tpu.memory_space<hbm>> -> memref<4608xf32, #tpu.memory_space<hbm>>
    tpu.wait_dma2 semaphore(%arg12 : memref<!tpu.dma_semaphore, #tpu.memory_space<semaphore_mem>>) src(%dma_wait3A_240 : memref<4608xf32, #tpu.memory_space<hbm>>) dst(%dma_wait3A_239 : memref<4608xf32, #tpu.memory_space<vmem>>)
    %add3A_241 = arith.constant 13824 : i32
    %add3A_242 = arith.addi %mul3A_60, %add3A_241 : i32
    %parallel_loop3A_243 = arith.constant 0 : i32
    %parallel_loop3A_244 = arith.constant 288 : i32
    %parallel_loop3A_245 = arith.constant 1 : i32
    scf.for %parallel_loop3A_940 = %parallel_loop3A_243 to %parallel_loop3A_244 step %parallel_loop3A_245  : i32 {
      %parallel_loop3A_941 = arith.constant 16 : i32
      %parallel_loop3A_942 = arith.muli %parallel_loop3A_940, %parallel_loop3A_941 : i32
      %parallel_loop3A_943 = arith.constant 1 : i32
      %parallel_loop3A_944 = arith.index_cast %parallel_loop3A_943 : i32 to index
      %parallel_loop3A_945 = arith.index_cast %parallel_loop3A_942 : i32 to index
      %parallel_loop3A_946 = tpu.vector_load %arg7[%parallel_loop3A_944, %parallel_loop3A_945] {strides = array<i32>} : memref<2x4608xf32, #tpu.memory_space<vmem>>, vector<16xf32>,
      %parallel_loop3A_947 = vector.bitcast %parallel_loop3A_946 : vector<16xf32> to vector<16xi32>
      %parallel_loop3A_948 = arith.constant 16 : i32
      %parallel_loop3A_949 = arith.muli %parallel_loop3A_940, %parallel_loop3A_948 : i32
      %parallel_loop3A_950 = arith.constant 1 : i32
      %parallel_loop3A_951 = arith.index_cast %parallel_loop3A_950 : i32 to index
      %parallel_loop3A_952 = arith.index_cast %parallel_loop3A_949 : i32 to index
      %parallel_loop3A_953 = tpu.vector_load %arg8[%parallel_loop3A_951, %parallel_loop3A_952] {strides = array<i32>} : memref<2x4608xf32, #tpu.memory_space<vmem>>, vector<16xf32>,
      %parallel_loop3A_954 = vector.bitcast %parallel_loop3A_953 : vector<16xf32> to vector<16xi32>
      %parallel_loop3A_955 = arith.constant 32768 : i32
      %parallel_loop3A_956 = vector.broadcast %parallel_loop3A_955 : i32 to vector<16xi32>
      %parallel_loop3A_957 = arith.addi %parallel_loop3A_947, %parallel_loop3A_956 : vector<16xi32>
      %parallel_loop3A_958 = arith.constant 16 : i32
      %parallel_loop3A_959 = vector.broadcast %parallel_loop3A_958 : i32 to vector<16xi32>
      %parallel_loop3A_960 = arith.shrui %parallel_loop3A_957, %parallel_loop3A_959 : vector<16xi32>
      %parallel_loop3A_961 = arith.constant 32768 : i32
      %parallel_loop3A_962 = vector.broadcast %parallel_loop3A_961 : i32 to vector<16xi32>
      %parallel_loop3A_963 = arith.addi %parallel_loop3A_954, %parallel_loop3A_962 : vector<16xi32>
      %parallel_loop3A_964 = arith.constant 16 : i32
      %parallel_loop3A_965 = vector.broadcast %parallel_loop3A_964 : i32 to vector<16xi32>
      %parallel_loop3A_966 = arith.shrui %parallel_loop3A_963, %parallel_loop3A_965 : vector<16xi32>
      %parallel_loop3A_967 = arith.constant 16 : i32
      %parallel_loop3A_968 = vector.broadcast %parallel_loop3A_967 : i32 to vector<16xi32>
      %parallel_loop3A_969 = arith.shli %parallel_loop3A_966, %parallel_loop3A_968 : vector<16xi32>
      %parallel_loop3A_970 = arith.ori %parallel_loop3A_960, %parallel_loop3A_969 : vector<16xi32>
      %parallel_loop3A_971 = arith.constant 16 : i32
      %parallel_loop3A_972 = arith.muli %parallel_loop3A_940, %parallel_loop3A_971 : i32
      %parallel_loop3A_973 = arith.addi %add3A_242, %parallel_loop3A_972 : i32
      %parallel_loop3A_974 = arith.index_cast %parallel_loop3A_973 : i32 to index
      %parallel_loop3A_975 = tpu.vector_load %arg5[%parallel_loop3A_974] {strides = array<i32>} : memref<73728xi32, #tpu.memory_space<vmem>>, vector<16xi32>,
      tpu.vector_store %arg5[%parallel_loop3A_974], %parallel_loop3A_970 {strides = array<i32>} : memref<73728xi32, #tpu.memory_space<vmem>>, vector<16xi32>,
    } {sc.loop_unroll_factor = 4 : i64, sc.parallel_access}
    %mul3A_246 = arith.constant 3072 : i32
    %mul3A_247 = arith.muli %select_n3A_40, %mul3A_246 : i32
    %add3A_248 = arith.constant 0 : i32
    %add3A_249 = arith.addi %add3A_248, %mul3A_247 : i32
    %eq3A_250 = arith.constant 0 : i32
    %eq3A_251 = arith.cmpi eq, %select_n3A_54, %eq3A_250 : i32
    %convert_element_type3A = arith.extui %eq3A_251 : i1 to i32
    %cond3A = arith.constant 0 : i32
    %cond3A_252 = arith.cmpi ne, %convert_element_type3A, %cond3A : i32
    scf.if %cond3A_252 {
      %add3A_940 = arith.constant 0 : i32
      %add3A_941 = arith.addi %mul3A_60, %add3A_940 : i32
      "tpu.region"() ({
        %run_scoped3A = tpu.sem_alloc : memref<!tpu.dma_semaphore, #tpu.memory_space<semaphore_mem>>
        %dma_start3A_942 = tpu.memref_slice %arg5[%add3A_941] : memref<73728xi32, #tpu.memory_space<vmem>> -> memref<3072xi32, #tpu.memory_space<vmem>>
        %dma_start3A_943 = tpu.memref_slice %arg6[%add3A_249] : memref<24576xi32, #tpu.memory_space<vmem_shared>> -> memref<3072xi32, #tpu.memory_space<vmem_shared>>
        %dma_start3A_944 = tpu.memref_slice %arg6[%add3A_249] : memref<24576xi32, #tpu.memory_space<vmem_shared>> -> memref<3072xi32, #tpu.memory_space<vmem_shared>>
        %dma_start3A_945 = tpu.memref_slice %arg5[%add3A_941] : memref<73728xi32, #tpu.memory_space<vmem>> -> memref<3072xi32, #tpu.memory_space<vmem>>
        tpu.enqueue_dma source(%dma_start3A_945 : memref<3072xi32, #tpu.memory_space<vmem>>) target(%dma_start3A_944 : memref<3072xi32, #tpu.memory_space<vmem_shared>>) target_semaphore(%run_scoped3A : memref<!tpu.dma_semaphore, #tpu.memory_space<semaphore_mem>>)
        %dma_wait3A_946 = tpu.memref_slice %arg5[%add3A_941] : memref<73728xi32, #tpu.memory_space<vmem>> -> memref<3072xi32, #tpu.memory_space<vmem>>
        %dma_wait3A_947 = tpu.memref_slice %arg6[%add3A_249] : memref<24576xi32, #tpu.memory_space<vmem_shared>> -> memref<3072xi32, #tpu.memory_space<vmem_shared>>
        %dma_wait3A_948 = tpu.memref_slice %arg6[%add3A_249] : memref<24576xi32, #tpu.memory_space<vmem_shared>> -> memref<3072xi32, #tpu.memory_space<vmem_shared>>
        %dma_wait3A_949 = tpu.memref_slice %arg5[%add3A_941] : memref<73728xi32, #tpu.memory_space<vmem>> -> memref<3072xi32, #tpu.memory_space<vmem>>
        tpu.wait_dma2 semaphore(%run_scoped3A : memref<!tpu.dma_semaphore, #tpu.memory_space<semaphore_mem>>) src(%dma_wait3A_949 : memref<3072xi32, #tpu.memory_space<vmem>>) dst(%dma_wait3A_948 : memref<3072xi32, #tpu.memory_space<vmem_shared>>)
        tpu.yield
      }) : () -> ()
    } else {
    }
    %barrier3A = arith.constant 0 : index
    tpu.barrier barrier_id(%barrier3A)
    %ne3A_253 = arith.constant 0 : i32
    %ne3A_254 = arith.cmpi ne, %select_n3A_54, %ne3A_253 : i32
    %convert_element_type3A_255 = arith.extui %ne3A_254 : i1 to i32
    %cond3A_256 = arith.constant 0 : i32
    %cond3A_257 = arith.cmpi ne, %convert_element_type3A_255, %cond3A_256 : i32
    scf.if %cond3A_257 {
      "tpu.region"() ({
        %run_scoped3A = tpu.sem_alloc : memref<!tpu.dma_semaphore, #tpu.memory_space<semaphore_mem>>
        %dma_start3A_940 = arith.constant 0 : i32
        %dma_start3A_941 = tpu.memref_slice %arg5[%dma_start3A_940] : memref<73728xi32, #tpu.memory_space<vmem>> -> memref<3072xi32, #tpu.memory_space<vmem>>
        %dma_start3A_942 = tpu.memref_slice %arg6[%add3A_249] : memref<24576xi32, #tpu.memory_space<vmem_shared>> -> memref<3072xi32, #tpu.memory_space<vmem_shared>>
        %dma_start3A_943 = arith.constant 0 : i32
        %dma_start3A_944 = tpu.memref_slice %arg5[%dma_start3A_943] : memref<73728xi32, #tpu.memory_space<vmem>> -> memref<3072xi32, #tpu.memory_space<vmem>>
        %dma_start3A_945 = tpu.memref_slice %arg6[%add3A_249] : memref<24576xi32, #tpu.memory_space<vmem_shared>> -> memref<3072xi32, #tpu.memory_space<vmem_shared>>
        tpu.enqueue_dma source(%dma_start3A_945 : memref<3072xi32, #tpu.memory_space<vmem_shared>>) target(%dma_start3A_944 : memref<3072xi32, #tpu.memory_space<vmem>>) target_semaphore(%run_scoped3A : memref<!tpu.dma_semaphore, #tpu.memory_space<semaphore_mem>>)
        %dma_wait3A_946 = arith.constant 0 : i32
        %dma_wait3A_947 = tpu.memref_slice %arg5[%dma_wait3A_946] : memref<73728xi32, #tpu.memory_space<vmem>> -> memref<3072xi32, #tpu.memory_space<vmem>>
        %dma_wait3A_948 = tpu.memref_slice %arg6[%add3A_249] : memref<24576xi32, #tpu.memory_space<vmem_shared>> -> memref<3072xi32, #tpu.memory_space<vmem_shared>>
        %dma_wait3A_949 = arith.constant 0 : i32
        %dma_wait3A_950 = tpu.memref_slice %arg5[%dma_wait3A_949] : memref<73728xi32, #tpu.memory_space<vmem>> -> memref<3072xi32, #tpu.memory_space<vmem>>
        %dma_wait3A_951 = tpu.memref_slice %arg6[%add3A_249] : memref<24576xi32, #tpu.memory_space<vmem_shared>> -> memref<3072xi32, #tpu.memory_space<vmem_shared>>
        tpu.wait_dma2 semaphore(%run_scoped3A : memref<!tpu.dma_semaphore, #tpu.memory_space<semaphore_mem>>) src(%dma_wait3A_951 : memref<3072xi32, #tpu.memory_space<vmem_shared>>) dst(%dma_wait3A_950 : memref<3072xi32, #tpu.memory_space<vmem>>)
        tpu.yield
      }) : () -> ()
    } else {
    }
    %mul3A_258 = arith.constant 3072 : i32
    %mul3A_259 = arith.muli %select_n3A_40, %mul3A_258 : i32
    %add3A_260 = arith.constant 12288 : i32
    %add3A_261 = arith.addi %add3A_260, %mul3A_259 : i32
    %eq3A_262 = arith.constant 0 : i32
    %eq3A_263 = arith.cmpi eq, %select_n3A_54, %eq3A_262 : i32
    %convert_element_type3A_264 = arith.extui %eq3A_263 : i1 to i32
    %cond3A_265 = arith.constant 0 : i32
    %cond3A_266 = arith.cmpi ne, %convert_element_type3A_264, %cond3A_265 : i32
    scf.if %cond3A_266 {
      %add3A_940 = arith.constant 3072 : i32
      %add3A_941 = arith.addi %mul3A_60, %add3A_940 : i32
      "tpu.region"() ({
        %run_scoped3A = tpu.sem_alloc : memref<!tpu.dma_semaphore, #tpu.memory_space<semaphore_mem>>
        %dma_start3A_942 = tpu.memref_slice %arg5[%add3A_941] : memref<73728xi32, #tpu.memory_space<vmem>> -> memref<3072xi32, #tpu.memory_space<vmem>>
        %dma_start3A_943 = tpu.memref_slice %arg6[%add3A_261] : memref<24576xi32, #tpu.memory_space<vmem_shared>> -> memref<3072xi32, #tpu.memory_space<vmem_shared>>
        %dma_start3A_944 = tpu.memref_slice %arg6[%add3A_261] : memref<24576xi32, #tpu.memory_space<vmem_shared>> -> memref<3072xi32, #tpu.memory_space<vmem_shared>>
        %dma_start3A_945 = tpu.memref_slice %arg5[%add3A_941] : memref<73728xi32, #tpu.memory_space<vmem>> -> memref<3072xi32, #tpu.memory_space<vmem>>
        tpu.enqueue_dma source(%dma_start3A_945 : memref<3072xi32, #tpu.memory_space<vmem>>) target(%dma_start3A_944 : memref<3072xi32, #tpu.memory_space<vmem_shared>>) target_semaphore(%run_scoped3A : memref<!tpu.dma_semaphore, #tpu.memory_space<semaphore_mem>>)
        %dma_wait3A_946 = tpu.memref_slice %arg5[%add3A_941] : memref<73728xi32, #tpu.memory_space<vmem>> -> memref<3072xi32, #tpu.memory_space<vmem>>
        %dma_wait3A_947 = tpu.memref_slice %arg6[%add3A_261] : memref<24576xi32, #tpu.memory_space<vmem_shared>> -> memref<3072xi32, #tpu.memory_space<vmem_shared>>
        %dma_wait3A_948 = tpu.memref_slice %arg6[%add3A_261] : memref<24576xi32, #tpu.memory_space<vmem_shared>> -> memref<3072xi32, #tpu.memory_space<vmem_shared>>
        %dma_wait3A_949 = tpu.memref_slice %arg5[%add3A_941] : memref<73728xi32, #tpu.memory_space<vmem>> -> memref<3072xi32, #tpu.memory_space<vmem>>
        tpu.wait_dma2 semaphore(%run_scoped3A : memref<!tpu.dma_semaphore, #tpu.memory_space<semaphore_mem>>) src(%dma_wait3A_949 : memref<3072xi32, #tpu.memory_space<vmem>>) dst(%dma_wait3A_948 : memref<3072xi32, #tpu.memory_space<vmem_shared>>)
        tpu.yield
      }) : () -> ()
    } else {
    }
    %barrier3A_267 = arith.constant 0 : index
    tpu.barrier barrier_id(%barrier3A_267)
    %ne3A_268 = arith.constant 0 : i32
    %ne3A_269 = arith.cmpi ne, %select_n3A_54, %ne3A_268 : i32
    %convert_element_type3A_270 = arith.extui %ne3A_269 : i1 to i32
    %cond3A_271 = arith.constant 0 : i32
    %cond3A_272 = arith.cmpi ne, %convert_element_type3A_270, %cond3A_271 : i32
    scf.if %cond3A_272 {
      "tpu.region"() ({
        %run_scoped3A = tpu.sem_alloc : memref<!tpu.dma_semaphore, #tpu.memory_space<semaphore_mem>>
        %dma_start3A_940 = arith.constant 3072 : i32
        %dma_start3A_941 = tpu.memref_slice %arg5[%dma_start3A_940] : memref<73728xi32, #tpu.memory_space<vmem>> -> memref<3072xi32, #tpu.memory_space<vmem>>
        %dma_start3A_942 = tpu.memref_slice %arg6[%add3A_261] : memref<24576xi32, #tpu.memory_space<vmem_shared>> -> memref<3072xi32, #tpu.memory_space<vmem_shared>>
        %dma_start3A_943 = arith.constant 3072 : i32
        %dma_start3A_944 = tpu.memref_slice %arg5[%dma_start3A_943] : memref<73728xi32, #tpu.memory_space<vmem>> -> memref<3072xi32, #tpu.memory_space<vmem>>
        %dma_start3A_945 = tpu.memref_slice %arg6[%add3A_261] : memref<24576xi32, #tpu.memory_space<vmem_shared>> -> memref<3072xi32, #tpu.memory_space<vmem_shared>>
        tpu.enqueue_dma source(%dma_start3A_945 : memref<3072xi32, #tpu.memory_space<vmem_shared>>) target(%dma_start3A_944 : memref<3072xi32, #tpu.memory_space<vmem>>) target_semaphore(%run_scoped3A : memref<!tpu.dma_semaphore, #tpu.memory_space<semaphore_mem>>)
        %dma_wait3A_946 = arith.constant 3072 : i32
        %dma_wait3A_947 = tpu.memref_slice %arg5[%dma_wait3A_946] : memref<73728xi32, #tpu.memory_space<vmem>> -> memref<3072xi32, #tpu.memory_space<vmem>>
        %dma_wait3A_948 = tpu.memref_slice %arg6[%add3A_261] : memref<24576xi32, #tpu.memory_space<vmem_shared>> -> memref<3072xi32, #tpu.memory_space<vmem_shared>>
        %dma_wait3A_949 = arith.constant 3072 : i32
        %dma_wait3A_950 = tpu.memref_slice %arg5[%dma_wait3A_949] : memref<73728xi32, #tpu.memory_space<vmem>> -> memref<3072xi32, #tpu.memory_space<vmem>>
        %dma_wait3A_951 = tpu.memref_slice %arg6[%add3A_261] : memref<24576xi32, #tpu.memory_space<vmem_shared>> -> memref<3072xi32, #tpu.memory_space<vmem_shared>>
        tpu.wait_dma2 semaphore(%run_scoped3A : memref<!tpu.dma_semaphore, #tpu.memory_space<semaphore_mem>>) src(%dma_wait3A_951 : memref<3072xi32, #tpu.memory_space<vmem_shared>>) dst(%dma_wait3A_950 : memref<3072xi32, #tpu.memory_space<vmem>>)
        tpu.yield
      }) : () -> ()
    } else {
    }
    %mul3A_273 = arith.constant 3072 : i32
    %mul3A_274 = arith.muli %select_n3A_40, %mul3A_273 : i32
    %add3A_275 = arith.constant 0 : i32
    %add3A_276 = arith.addi %add3A_275, %mul3A_274 : i32
    %eq3A_277 = arith.constant 0 : i32
    %eq3A_278 = arith.cmpi eq, %select_n3A_54, %eq3A_277 : i32
    %convert_element_type3A_279 = arith.extui %eq3A_278 : i1 to i32
    %cond3A_280 = arith.constant 0 : i32
    %cond3A_281 = arith.cmpi ne, %convert_element_type3A_279, %cond3A_280 : i32
    scf.if %cond3A_281 {
      %add3A_940 = arith.constant 6144 : i32
      %add3A_941 = arith.addi %mul3A_60, %add3A_940 : i32
      "tpu.region"() ({
        %run_scoped3A = tpu.sem_alloc : memref<!tpu.dma_semaphore, #tpu.memory_space<semaphore_mem>>
        %dma_start3A_942 = tpu.memref_slice %arg5[%add3A_941] : memref<73728xi32, #tpu.memory_space<vmem>> -> memref<3072xi32, #tpu.memory_space<vmem>>
        %dma_start3A_943 = tpu.memref_slice %arg6[%add3A_276] : memref<24576xi32, #tpu.memory_space<vmem_shared>> -> memref<3072xi32, #tpu.memory_space<vmem_shared>>
        %dma_start3A_944 = tpu.memref_slice %arg6[%add3A_276] : memref<24576xi32, #tpu.memory_space<vmem_shared>> -> memref<3072xi32, #tpu.memory_space<vmem_shared>>
        %dma_start3A_945 = tpu.memref_slice %arg5[%add3A_941] : memref<73728xi32, #tpu.memory_space<vmem>> -> memref<3072xi32, #tpu.memory_space<vmem>>
        tpu.enqueue_dma source(%dma_start3A_945 : memref<3072xi32, #tpu.memory_space<vmem>>) target(%dma_start3A_944 : memref<3072xi32, #tpu.memory_space<vmem_shared>>) target_semaphore(%run_scoped3A : memref<!tpu.dma_semaphore, #tpu.memory_space<semaphore_mem>>)
        %dma_wait3A_946 = tpu.memref_slice %arg5[%add3A_941] : memref<73728xi32, #tpu.memory_space<vmem>> -> memref<3072xi32, #tpu.memory_space<vmem>>
        %dma_wait3A_947 = tpu.memref_slice %arg6[%add3A_276] : memref<24576xi32, #tpu.memory_space<vmem_shared>> -> memref<3072xi32, #tpu.memory_space<vmem_shared>>
        %dma_wait3A_948 = tpu.memref_slice %arg6[%add3A_276] : memref<24576xi32, #tpu.memory_space<vmem_shared>> -> memref<3072xi32, #tpu.memory_space<vmem_shared>>
        %dma_wait3A_949 = tpu.memref_slice %arg5[%add3A_941] : memref<73728xi32, #tpu.memory_space<vmem>> -> memref<3072xi32, #tpu.memory_space<vmem>>
        tpu.wait_dma2 semaphore(%run_scoped3A : memref<!tpu.dma_semaphore, #tpu.memory_space<semaphore_mem>>) src(%dma_wait3A_949 : memref<3072xi32, #tpu.memory_space<vmem>>) dst(%dma_wait3A_948 : memref<3072xi32, #tpu.memory_space<vmem_shared>>)
        tpu.yield
      }) : () -> ()
    } else {
    }
    %barrier3A_282 = arith.constant 0 : index
    tpu.barrier barrier_id(%barrier3A_282)
    %ne3A_283 = arith.constant 0 : i32
    %ne3A_284 = arith.cmpi ne, %select_n3A_54, %ne3A_283 : i32
    %convert_element_type3A_285 = arith.extui %ne3A_284 : i1 to i32
    %cond3A_286 = arith.constant 0 : i32
    %cond3A_287 = arith.cmpi ne, %convert_element_type3A_285, %cond3A_286 : i32
    scf.if %cond3A_287 {
      "tpu.region"() ({
        %run_scoped3A = tpu.sem_alloc : memref<!tpu.dma_semaphore, #tpu.memory_space<semaphore_mem>>
        %dma_start3A_940 = arith.constant 6144 : i32
        %dma_start3A_941 = tpu.memref_slice %arg5[%dma_start3A_940] : memref<73728xi32, #tpu.memory_space<vmem>> -> memref<3072xi32, #tpu.memory_space<vmem>>
        %dma_start3A_942 = tpu.memref_slice %arg6[%add3A_276] : memref<24576xi32, #tpu.memory_space<vmem_shared>> -> memref<3072xi32, #tpu.memory_space<vmem_shared>>
        %dma_start3A_943 = arith.constant 6144 : i32
        %dma_start3A_944 = tpu.memref_slice %arg5[%dma_start3A_943] : memref<73728xi32, #tpu.memory_space<vmem>> -> memref<3072xi32, #tpu.memory_space<vmem>>
        %dma_start3A_945 = tpu.memref_slice %arg6[%add3A_276] : memref<24576xi32, #tpu.memory_space<vmem_shared>> -> memref<3072xi32, #tpu.memory_space<vmem_shared>>
        tpu.enqueue_dma source(%dma_start3A_945 : memref<3072xi32, #tpu.memory_space<vmem_shared>>) target(%dma_start3A_944 : memref<3072xi32, #tpu.memory_space<vmem>>) target_semaphore(%run_scoped3A : memref<!tpu.dma_semaphore, #tpu.memory_space<semaphore_mem>>)
        %dma_wait3A_946 = arith.constant 6144 : i32
        %dma_wait3A_947 = tpu.memref_slice %arg5[%dma_wait3A_946] : memref<73728xi32, #tpu.memory_space<vmem>> -> memref<3072xi32, #tpu.memory_space<vmem>>
        %dma_wait3A_948 = tpu.memref_slice %arg6[%add3A_276] : memref<24576xi32, #tpu.memory_space<vmem_shared>> -> memref<3072xi32, #tpu.memory_space<vmem_shared>>
        %dma_wait3A_949 = arith.constant 6144 : i32
        %dma_wait3A_950 = tpu.memref_slice %arg5[%dma_wait3A_949] : memref<73728xi32, #tpu.memory_space<vmem>> -> memref<3072xi32, #tpu.memory_space<vmem>>
        %dma_wait3A_951 = tpu.memref_slice %arg6[%add3A_276] : memref<24576xi32, #tpu.memory_space<vmem_shared>> -> memref<3072xi32, #tpu.memory_space<vmem_shared>>
        tpu.wait_dma2 semaphore(%run_scoped3A : memref<!tpu.dma_semaphore, #tpu.memory_space<semaphore_mem>>) src(%dma_wait3A_951 : memref<3072xi32, #tpu.memory_space<vmem_shared>>) dst(%dma_wait3A_950 : memref<3072xi32, #tpu.memory_space<vmem>>)
        tpu.yield
      }) : () -> ()
    } else {
    }
    %mul3A_288 = arith.constant 3072 : i32
    %mul3A_289 = arith.muli %select_n3A_40, %mul3A_288 : i32
    %add3A_290 = arith.constant 12288 : i32
    %add3A_291 = arith.addi %add3A_290, %mul3A_289 : i32
    %eq3A_292 = arith.constant 0 : i32
    %eq3A_293 = arith.cmpi eq, %select_n3A_54, %eq3A_292 : i32
    %convert_element_type3A_294 = arith.extui %eq3A_293 : i1 to i32
    %cond3A_295 = arith.constant 0 : i32
    %cond3A_296 = arith.cmpi ne, %convert_element_type3A_294, %cond3A_295 : i32
    scf.if %cond3A_296 {
      %add3A_940 = arith.constant 9216 : i32
      %add3A_941 = arith.addi %mul3A_60, %add3A_940 : i32
      "tpu.region"() ({
        %run_scoped3A = tpu.sem_alloc : memref<!tpu.dma_semaphore, #tpu.memory_space<semaphore_mem>>
        %dma_start3A_942 = tpu.memref_slice %arg5[%add3A_941] : memref<73728xi32, #tpu.memory_space<vmem>> -> memref<3072xi32, #tpu.memory_space<vmem>>
        %dma_start3A_943 = tpu.memref_slice %arg6[%add3A_291] : memref<24576xi32, #tpu.memory_space<vmem_shared>> -> memref<3072xi32, #tpu.memory_space<vmem_shared>>
        %dma_start3A_944 = tpu.memref_slice %arg6[%add3A_291] : memref<24576xi32, #tpu.memory_space<vmem_shared>> -> memref<3072xi32, #tpu.memory_space<vmem_shared>>
        %dma_start3A_945 = tpu.memref_slice %arg5[%add3A_941] : memref<73728xi32, #tpu.memory_space<vmem>> -> memref<3072xi32, #tpu.memory_space<vmem>>
        tpu.enqueue_dma source(%dma_start3A_945 : memref<3072xi32, #tpu.memory_space<vmem>>) target(%dma_start3A_944 : memref<3072xi32, #tpu.memory_space<vmem_shared>>) target_semaphore(%run_scoped3A : memref<!tpu.dma_semaphore, #tpu.memory_space<semaphore_mem>>)
        %dma_wait3A_946 = tpu.memref_slice %arg5[%add3A_941] : memref<73728xi32, #tpu.memory_space<vmem>> -> memref<3072xi32, #tpu.memory_space<vmem>>
        %dma_wait3A_947 = tpu.memref_slice %arg6[%add3A_291] : memref<24576xi32, #tpu.memory_space<vmem_shared>> -> memref<3072xi32, #tpu.memory_space<vmem_shared>>
        %dma_wait3A_948 = tpu.memref_slice %arg6[%add3A_291] : memref<24576xi32, #tpu.memory_space<vmem_shared>> -> memref<3072xi32, #tpu.memory_space<vmem_shared>>
        %dma_wait3A_949 = tpu.memref_slice %arg5[%add3A_941] : memref<73728xi32, #tpu.memory_space<vmem>> -> memref<3072xi32, #tpu.memory_space<vmem>>
        tpu.wait_dma2 semaphore(%run_scoped3A : memref<!tpu.dma_semaphore, #tpu.memory_space<semaphore_mem>>) src(%dma_wait3A_949 : memref<3072xi32, #tpu.memory_space<vmem>>) dst(%dma_wait3A_948 : memref<3072xi32, #tpu.memory_space<vmem_shared>>)
        tpu.yield
      }) : () -> ()
    } else {
    }
    %barrier3A_297 = arith.constant 0 : index
    tpu.barrier barrier_id(%barrier3A_297)
    %ne3A_298 = arith.constant 0 : i32
    %ne3A_299 = arith.cmpi ne, %select_n3A_54, %ne3A_298 : i32
    %convert_element_type3A_300 = arith.extui %ne3A_299 : i1 to i32
    %cond3A_301 = arith.constant 0 : i32
    %cond3A_302 = arith.cmpi ne, %convert_element_type3A_300, %cond3A_301 : i32
    scf.if %cond3A_302 {
      "tpu.region"() ({
        %run_scoped3A = tpu.sem_alloc : memref<!tpu.dma_semaphore, #tpu.memory_space<semaphore_mem>>
        %dma_start3A_940 = arith.constant 9216 : i32
        %dma_start3A_941 = tpu.memref_slice %arg5[%dma_start3A_940] : memref<73728xi32, #tpu.memory_space<vmem>> -> memref<3072xi32, #tpu.memory_space<vmem>>
        %dma_start3A_942 = tpu.memref_slice %arg6[%add3A_291] : memref<24576xi32, #tpu.memory_space<vmem_shared>> -> memref<3072xi32, #tpu.memory_space<vmem_shared>>
        %dma_start3A_943 = arith.constant 9216 : i32
        %dma_start3A_944 = tpu.memref_slice %arg5[%dma_start3A_943] : memref<73728xi32, #tpu.memory_space<vmem>> -> memref<3072xi32, #tpu.memory_space<vmem>>
        %dma_start3A_945 = tpu.memref_slice %arg6[%add3A_291] : memref<24576xi32, #tpu.memory_space<vmem_shared>> -> memref<3072xi32, #tpu.memory_space<vmem_shared>>
        tpu.enqueue_dma source(%dma_start3A_945 : memref<3072xi32, #tpu.memory_space<vmem_shared>>) target(%dma_start3A_944 : memref<3072xi32, #tpu.memory_space<vmem>>) target_semaphore(%run_scoped3A : memref<!tpu.dma_semaphore, #tpu.memory_space<semaphore_mem>>)
        %dma_wait3A_946 = arith.constant 9216 : i32
        %dma_wait3A_947 = tpu.memref_slice %arg5[%dma_wait3A_946] : memref<73728xi32, #tpu.memory_space<vmem>> -> memref<3072xi32, #tpu.memory_space<vmem>>
        %dma_wait3A_948 = tpu.memref_slice %arg6[%add3A_291] : memref<24576xi32, #tpu.memory_space<vmem_shared>> -> memref<3072xi32, #tpu.memory_space<vmem_shared>>
        %dma_wait3A_949 = arith.constant 9216 : i32
        %dma_wait3A_950 = tpu.memref_slice %arg5[%dma_wait3A_949] : memref<73728xi32, #tpu.memory_space<vmem>> -> memref<3072xi32, #tpu.memory_space<vmem>>
        %dma_wait3A_951 = tpu.memref_slice %arg6[%add3A_291] : memref<24576xi32, #tpu.memory_space<vmem_shared>> -> memref<3072xi32, #tpu.memory_space<vmem_shared>>
        tpu.wait_dma2 semaphore(%run_scoped3A : memref<!tpu.dma_semaphore, #tpu.memory_space<semaphore_mem>>) src(%dma_wait3A_951 : memref<3072xi32, #tpu.memory_space<vmem_shared>>) dst(%dma_wait3A_950 : memref<3072xi32, #tpu.memory_space<vmem>>)
        tpu.yield
      }) : () -> ()
    } else {
    }
    %mul3A_303 = arith.constant 3072 : i32
    %mul3A_304 = arith.muli %select_n3A_40, %mul3A_303 : i32
    %add3A_305 = arith.constant 0 : i32
    %add3A_306 = arith.addi %add3A_305, %mul3A_304 : i32
    %eq3A_307 = arith.constant 0 : i32
    %eq3A_308 = arith.cmpi eq, %select_n3A_54, %eq3A_307 : i32
    %convert_element_type3A_309 = arith.extui %eq3A_308 : i1 to i32
    %cond3A_310 = arith.constant 0 : i32
    %cond3A_311 = arith.cmpi ne, %convert_element_type3A_309, %cond3A_310 : i32
    scf.if %cond3A_311 {
      %add3A_940 = arith.constant 12288 : i32
      %add3A_941 = arith.addi %mul3A_60, %add3A_940 : i32
      "tpu.region"() ({
        %run_scoped3A = tpu.sem_alloc : memref<!tpu.dma_semaphore, #tpu.memory_space<semaphore_mem>>
        %dma_start3A_942 = tpu.memref_slice %arg5[%add3A_941] : memref<73728xi32, #tpu.memory_space<vmem>> -> memref<3072xi32, #tpu.memory_space<vmem>>
        %dma_start3A_943 = tpu.memref_slice %arg6[%add3A_306] : memref<24576xi32, #tpu.memory_space<vmem_shared>> -> memref<3072xi32, #tpu.memory_space<vmem_shared>>
        %dma_start3A_944 = tpu.memref_slice %arg6[%add3A_306] : memref<24576xi32, #tpu.memory_space<vmem_shared>> -> memref<3072xi32, #tpu.memory_space<vmem_shared>>
        %dma_start3A_945 = tpu.memref_slice %arg5[%add3A_941] : memref<73728xi32, #tpu.memory_space<vmem>> -> memref<3072xi32, #tpu.memory_space<vmem>>
        tpu.enqueue_dma source(%dma_start3A_945 : memref<3072xi32, #tpu.memory_space<vmem>>) target(%dma_start3A_944 : memref<3072xi32, #tpu.memory_space<vmem_shared>>) target_semaphore(%run_scoped3A : memref<!tpu.dma_semaphore, #tpu.memory_space<semaphore_mem>>)
        %dma_wait3A_946 = tpu.memref_slice %arg5[%add3A_941] : memref<73728xi32, #tpu.memory_space<vmem>> -> memref<3072xi32, #tpu.memory_space<vmem>>
        %dma_wait3A_947 = tpu.memref_slice %arg6[%add3A_306] : memref<24576xi32, #tpu.memory_space<vmem_shared>> -> memref<3072xi32, #tpu.memory_space<vmem_shared>>
        %dma_wait3A_948 = tpu.memref_slice %arg6[%add3A_306] : memref<24576xi32, #tpu.memory_space<vmem_shared>> -> memref<3072xi32, #tpu.memory_space<vmem_shared>>
        %dma_wait3A_949 = tpu.memref_slice %arg5[%add3A_941] : memref<73728xi32, #tpu.memory_space<vmem>> -> memref<3072xi32, #tpu.memory_space<vmem>>
        tpu.wait_dma2 semaphore(%run_scoped3A : memref<!tpu.dma_semaphore, #tpu.memory_space<semaphore_mem>>) src(%dma_wait3A_949 : memref<3072xi32, #tpu.memory_space<vmem>>) dst(%dma_wait3A_948 : memref<3072xi32, #tpu.memory_space<vmem_shared>>)
        tpu.yield
      }) : () -> ()
    } else {
    }
    %barrier3A_312 = arith.constant 0 : index
    tpu.barrier barrier_id(%barrier3A_312)
    %ne3A_313 = arith.constant 0 : i32
    %ne3A_314 = arith.cmpi ne, %select_n3A_54, %ne3A_313 : i32
    %convert_element_type3A_315 = arith.extui %ne3A_314 : i1 to i32
    %cond3A_316 = arith.constant 0 : i32
    %cond3A_317 = arith.cmpi ne, %convert_element_type3A_315, %cond3A_316 : i32
    scf.if %cond3A_317 {
      "tpu.region"() ({
        %run_scoped3A = tpu.sem_alloc : memref<!tpu.dma_semaphore, #tpu.memory_space<semaphore_mem>>
        %dma_start3A_940 = arith.constant 12288 : i32
        %dma_start3A_941 = tpu.memref_slice %arg5[%dma_start3A_940] : memref<73728xi32, #tpu.memory_space<vmem>> -> memref<3072xi32, #tpu.memory_space<vmem>>
        %dma_start3A_942 = tpu.memref_slice %arg6[%add3A_306] : memref<24576xi32, #tpu.memory_space<vmem_shared>> -> memref<3072xi32, #tpu.memory_space<vmem_shared>>
        %dma_start3A_943 = arith.constant 12288 : i32
        %dma_start3A_944 = tpu.memref_slice %arg5[%dma_start3A_943] : memref<73728xi32, #tpu.memory_space<vmem>> -> memref<3072xi32, #tpu.memory_space<vmem>>
        %dma_start3A_945 = tpu.memref_slice %arg6[%add3A_306] : memref<24576xi32, #tpu.memory_space<vmem_shared>> -> memref<3072xi32, #tpu.memory_space<vmem_shared>>
        tpu.enqueue_dma source(%dma_start3A_945 : memref<3072xi32, #tpu.memory_space<vmem_shared>>) target(%dma_start3A_944 : memref<3072xi32, #tpu.memory_space<vmem>>) target_semaphore(%run_scoped3A : memref<!tpu.dma_semaphore, #tpu.memory_space<semaphore_mem>>)
        %dma_wait3A_946 = arith.constant 12288 : i32
        %dma_wait3A_947 = tpu.memref_slice %arg5[%dma_wait3A_946] : memref<73728xi32, #tpu.memory_space<vmem>> -> memref<3072xi32, #tpu.memory_space<vmem>>
        %dma_wait3A_948 = tpu.memref_slice %arg6[%add3A_306] : memref<24576xi32, #tpu.memory_space<vmem_shared>> -> memref<3072xi32, #tpu.memory_space<vmem_shared>>
        %dma_wait3A_949 = arith.constant 12288 : i32
        %dma_wait3A_950 = tpu.memref_slice %arg5[%dma_wait3A_949] : memref<73728xi32, #tpu.memory_space<vmem>> -> memref<3072xi32, #tpu.memory_space<vmem>>
        %dma_wait3A_951 = tpu.memref_slice %arg6[%add3A_306] : memref<24576xi32, #tpu.memory_space<vmem_shared>> -> memref<3072xi32, #tpu.memory_space<vmem_shared>>
        tpu.wait_dma2 semaphore(%run_scoped3A : memref<!tpu.dma_semaphore, #tpu.memory_space<semaphore_mem>>) src(%dma_wait3A_951 : memref<3072xi32, #tpu.memory_space<vmem_shared>>) dst(%dma_wait3A_950 : memref<3072xi32, #tpu.memory_space<vmem>>)
        tpu.yield
      }) : () -> ()
    } else {
    }
    %mul3A_318 = arith.constant 3072 : i32
    %mul3A_319 = arith.muli %select_n3A_40, %mul3A_318 : i32
    %add3A_320 = arith.constant 12288 : i32
    %add3A_321 = arith.addi %add3A_320, %mul3A_319 : i32
    %eq3A_322 = arith.constant 0 : i32
    %eq3A_323 = arith.cmpi eq, %select_n3A_54, %eq3A_322 : i32
    %convert_element_type3A_324 = arith.extui %eq3A_323 : i1 to i32
    %cond3A_325 = arith.constant 0 : i32
    %cond3A_326 = arith.cmpi ne, %convert_element_type3A_324, %cond3A_325 : i32
    scf.if %cond3A_326 {
      %add3A_940 = arith.constant 15360 : i32
      %add3A_941 = arith.addi %mul3A_60, %add3A_940 : i32
      "tpu.region"() ({
        %run_scoped3A = tpu.sem_alloc : memref<!tpu.dma_semaphore, #tpu.memory_space<semaphore_mem>>
        %dma_start3A_942 = tpu.memref_slice %arg5[%add3A_941] : memref<73728xi32, #tpu.memory_space<vmem>> -> memref<3072xi32, #tpu.memory_space<vmem>>
        %dma_start3A_943 = tpu.memref_slice %arg6[%add3A_321] : memref<24576xi32, #tpu.memory_space<vmem_shared>> -> memref<3072xi32, #tpu.memory_space<vmem_shared>>
        %dma_start3A_944 = tpu.memref_slice %arg6[%add3A_321] : memref<24576xi32, #tpu.memory_space<vmem_shared>> -> memref<3072xi32, #tpu.memory_space<vmem_shared>>
        %dma_start3A_945 = tpu.memref_slice %arg5[%add3A_941] : memref<73728xi32, #tpu.memory_space<vmem>> -> memref<3072xi32, #tpu.memory_space<vmem>>
        tpu.enqueue_dma source(%dma_start3A_945 : memref<3072xi32, #tpu.memory_space<vmem>>) target(%dma_start3A_944 : memref<3072xi32, #tpu.memory_space<vmem_shared>>) target_semaphore(%run_scoped3A : memref<!tpu.dma_semaphore, #tpu.memory_space<semaphore_mem>>)
        %dma_wait3A_946 = tpu.memref_slice %arg5[%add3A_941] : memref<73728xi32, #tpu.memory_space<vmem>> -> memref<3072xi32, #tpu.memory_space<vmem>>
        %dma_wait3A_947 = tpu.memref_slice %arg6[%add3A_321] : memref<24576xi32, #tpu.memory_space<vmem_shared>> -> memref<3072xi32, #tpu.memory_space<vmem_shared>>
        %dma_wait3A_948 = tpu.memref_slice %arg6[%add3A_321] : memref<24576xi32, #tpu.memory_space<vmem_shared>> -> memref<3072xi32, #tpu.memory_space<vmem_shared>>
        %dma_wait3A_949 = tpu.memref_slice %arg5[%add3A_941] : memref<73728xi32, #tpu.memory_space<vmem>> -> memref<3072xi32, #tpu.memory_space<vmem>>
        tpu.wait_dma2 semaphore(%run_scoped3A : memref<!tpu.dma_semaphore, #tpu.memory_space<semaphore_mem>>) src(%dma_wait3A_949 : memref<3072xi32, #tpu.memory_space<vmem>>) dst(%dma_wait3A_948 : memref<3072xi32, #tpu.memory_space<vmem_shared>>)
        tpu.yield
      }) : () -> ()
    } else {
    }
    %barrier3A_327 = arith.constant 0 : index
    tpu.barrier barrier_id(%barrier3A_327)
    %ne3A_328 = arith.constant 0 : i32
    %ne3A_329 = arith.cmpi ne, %select_n3A_54, %ne3A_328 : i32
    %convert_element_type3A_330 = arith.extui %ne3A_329 : i1 to i32
    %cond3A_331 = arith.constant 0 : i32
    %cond3A_332 = arith.cmpi ne, %convert_element_type3A_330, %cond3A_331 : i32
    scf.if %cond3A_332 {
      "tpu.region"() ({
        %run_scoped3A = tpu.sem_alloc : memref<!tpu.dma_semaphore, #tpu.memory_space<semaphore_mem>>
        %dma_start3A_940 = arith.constant 15360 : i32
        %dma_start3A_941 = tpu.memref_slice %arg5[%dma_start3A_940] : memref<73728xi32, #tpu.memory_space<vmem>> -> memref<3072xi32, #tpu.memory_space<vmem>>
        %dma_start3A_942 = tpu.memref_slice %arg6[%add3A_321] : memref<24576xi32, #tpu.memory_space<vmem_shared>> -> memref<3072xi32, #tpu.memory_space<vmem_shared>>
        %dma_start3A_943 = arith.constant 15360 : i32
        %dma_start3A_944 = tpu.memref_slice %arg5[%dma_start3A_943] : memref<73728xi32, #tpu.memory_space<vmem>> -> memref<3072xi32, #tpu.memory_space<vmem>>
        %dma_start3A_945 = tpu.memref_slice %arg6[%add3A_321] : memref<24576xi32, #tpu.memory_space<vmem_shared>> -> memref<3072xi32, #tpu.memory_space<vmem_shared>>
        tpu.enqueue_dma source(%dma_start3A_945 : memref<3072xi32, #tpu.memory_space<vmem_shared>>) target(%dma_start3A_944 : memref<3072xi32, #tpu.memory_space<vmem>>) target_semaphore(%run_scoped3A : memref<!tpu.dma_semaphore, #tpu.memory_space<semaphore_mem>>)
        %dma_wait3A_946 = arith.constant 15360 : i32
        %dma_wait3A_947 = tpu.memref_slice %arg5[%dma_wait3A_946] : memref<73728xi32, #tpu.memory_space<vmem>> -> memref<3072xi32, #tpu.memory_space<vmem>>
        %dma_wait3A_948 = tpu.memref_slice %arg6[%add3A_321] : memref<24576xi32, #tpu.memory_space<vmem_shared>> -> memref<3072xi32, #tpu.memory_space<vmem_shared>>
        %dma_wait3A_949 = arith.constant 15360 : i32
        %dma_wait3A_950 = tpu.memref_slice %arg5[%dma_wait3A_949] : memref<73728xi32, #tpu.memory_space<vmem>> -> memref<3072xi32, #tpu.memory_space<vmem>>
        %dma_wait3A_951 = tpu.memref_slice %arg6[%add3A_321] : memref<24576xi32, #tpu.memory_space<vmem_shared>> -> memref<3072xi32, #tpu.memory_space<vmem_shared>>
        tpu.wait_dma2 semaphore(%run_scoped3A : memref<!tpu.dma_semaphore, #tpu.memory_space<semaphore_mem>>) src(%dma_wait3A_951 : memref<3072xi32, #tpu.memory_space<vmem_shared>>) dst(%dma_wait3A_950 : memref<3072xi32, #tpu.memory_space<vmem>>)
        tpu.yield
      }) : () -> ()
    } else {
    }
    %mul3A_333 = arith.constant 3072 : i32
    %mul3A_334 = arith.muli %select_n3A_40, %mul3A_333 : i32
    %add3A_335 = arith.constant 0 : i32
    %add3A_336 = arith.addi %add3A_335, %mul3A_334 : i32
    %eq3A_337 = arith.constant 1 : i32
    %eq3A_338 = arith.cmpi eq, %select_n3A_54, %eq3A_337 : i32
    %convert_element_type3A_339 = arith.extui %eq3A_338 : i1 to i32
    %cond3A_340 = arith.constant 0 : i32
    %cond3A_341 = arith.cmpi ne, %convert_element_type3A_339, %cond3A_340 : i32
    scf.if %cond3A_341 {
      %add3A_940 = arith.constant 0 : i32
      %add3A_941 = arith.addi %mul3A_60, %add3A_940 : i32
      "tpu.region"() ({
        %run_scoped3A = tpu.sem_alloc : memref<!tpu.dma_semaphore, #tpu.memory_space<semaphore_mem>>
        %dma_start3A_942 = tpu.memref_slice %arg5[%add3A_941] : memref<73728xi32, #tpu.memory_space<vmem>> -> memref<3072xi32, #tpu.memory_space<vmem>>
        %dma_start3A_943 = tpu.memref_slice %arg6[%add3A_336] : memref<24576xi32, #tpu.memory_space<vmem_shared>> -> memref<3072xi32, #tpu.memory_space<vmem_shared>>
        %dma_start3A_944 = tpu.memref_slice %arg6[%add3A_336] : memref<24576xi32, #tpu.memory_space<vmem_shared>> -> memref<3072xi32, #tpu.memory_space<vmem_shared>>
        %dma_start3A_945 = tpu.memref_slice %arg5[%add3A_941] : memref<73728xi32, #tpu.memory_space<vmem>> -> memref<3072xi32, #tpu.memory_space<vmem>>
        tpu.enqueue_dma source(%dma_start3A_945 : memref<3072xi32, #tpu.memory_space<vmem>>) target(%dma_start3A_944 : memref<3072xi32, #tpu.memory_space<vmem_shared>>) target_semaphore(%run_scoped3A : memref<!tpu.dma_semaphore, #tpu.memory_space<semaphore_mem>>)
        %dma_wait3A_946 = tpu.memref_slice %arg5[%add3A_941] : memref<73728xi32, #tpu.memory_space<vmem>> -> memref<3072xi32, #tpu.memory_space<vmem>>
        %dma_wait3A_947 = tpu.memref_slice %arg6[%add3A_336] : memref<24576xi32, #tpu.memory_space<vmem_shared>> -> memref<3072xi32, #tpu.memory_space<vmem_shared>>
        %dma_wait3A_948 = tpu.memref_slice %arg6[%add3A_336] : memref<24576xi32, #tpu.memory_space<vmem_shared>> -> memref<3072xi32, #tpu.memory_space<vmem_shared>>
        %dma_wait3A_949 = tpu.memref_slice %arg5[%add3A_941] : memref<73728xi32, #tpu.memory_space<vmem>> -> memref<3072xi32, #tpu.memory_space<vmem>>
        tpu.wait_dma2 semaphore(%run_scoped3A : memref<!tpu.dma_semaphore, #tpu.memory_space<semaphore_mem>>) src(%dma_wait3A_949 : memref<3072xi32, #tpu.memory_space<vmem>>) dst(%dma_wait3A_948 : memref<3072xi32, #tpu.memory_space<vmem_shared>>)
        tpu.yield
      }) : () -> ()
    } else {
    }
    %barrier3A_342 = arith.constant 0 : index
    tpu.barrier barrier_id(%barrier3A_342)
    %ne3A_343 = arith.constant 1 : i32
    %ne3A_344 = arith.cmpi ne, %select_n3A_54, %ne3A_343 : i32
    %convert_element_type3A_345 = arith.extui %ne3A_344 : i1 to i32
    %cond3A_346 = arith.constant 0 : i32
    %cond3A_347 = arith.cmpi ne, %convert_element_type3A_345, %cond3A_346 : i32
    scf.if %cond3A_347 {
      "tpu.region"() ({
        %run_scoped3A = tpu.sem_alloc : memref<!tpu.dma_semaphore, #tpu.memory_space<semaphore_mem>>
        %dma_start3A_940 = arith.constant 18432 : i32
        %dma_start3A_941 = tpu.memref_slice %arg5[%dma_start3A_940] : memref<73728xi32, #tpu.memory_space<vmem>> -> memref<3072xi32, #tpu.memory_space<vmem>>
        %dma_start3A_942 = tpu.memref_slice %arg6[%add3A_336] : memref<24576xi32, #tpu.memory_space<vmem_shared>> -> memref<3072xi32, #tpu.memory_space<vmem_shared>>
        %dma_start3A_943 = arith.constant 18432 : i32
        %dma_start3A_944 = tpu.memref_slice %arg5[%dma_start3A_943] : memref<73728xi32, #tpu.memory_space<vmem>> -> memref<3072xi32, #tpu.memory_space<vmem>>
        %dma_start3A_945 = tpu.memref_slice %arg6[%add3A_336] : memref<24576xi32, #tpu.memory_space<vmem_shared>> -> memref<3072xi32, #tpu.memory_space<vmem_shared>>
        tpu.enqueue_dma source(%dma_start3A_945 : memref<3072xi32, #tpu.memory_space<vmem_shared>>) target(%dma_start3A_944 : memref<3072xi32, #tpu.memory_space<vmem>>) target_semaphore(%run_scoped3A : memref<!tpu.dma_semaphore, #tpu.memory_space<semaphore_mem>>)
        %dma_wait3A_946 = arith.constant 18432 : i32
        %dma_wait3A_947 = tpu.memref_slice %arg5[%dma_wait3A_946] : memref<73728xi32, #tpu.memory_space<vmem>> -> memref<3072xi32, #tpu.memory_space<vmem>>
        %dma_wait3A_948 = tpu.memref_slice %arg6[%add3A_336] : memref<24576xi32, #tpu.memory_space<vmem_shared>> -> memref<3072xi32, #tpu.memory_space<vmem_shared>>
        %dma_wait3A_949 = arith.constant 18432 : i32
        %dma_wait3A_950 = tpu.memref_slice %arg5[%dma_wait3A_949] : memref<73728xi32, #tpu.memory_space<vmem>> -> memref<3072xi32, #tpu.memory_space<vmem>>
        %dma_wait3A_951 = tpu.memref_slice %arg6[%add3A_336] : memref<24576xi32, #tpu.memory_space<vmem_shared>> -> memref<3072xi32, #tpu.memory_space<vmem_shared>>
        tpu.wait_dma2 semaphore(%run_scoped3A : memref<!tpu.dma_semaphore, #tpu.memory_space<semaphore_mem>>) src(%dma_wait3A_951 : memref<3072xi32, #tpu.memory_space<vmem_shared>>) dst(%dma_wait3A_950 : memref<3072xi32, #tpu.memory_space<vmem>>)
        tpu.yield
      }) : () -> ()
    } else {
    }
    %mul3A_348 = arith.constant 3072 : i32
    %mul3A_349 = arith.muli %select_n3A_40, %mul3A_348 : i32
    %add3A_350 = arith.constant 12288 : i32
    %add3A_351 = arith.addi %add3A_350, %mul3A_349 : i32
    %eq3A_352 = arith.constant 1 : i32
    %eq3A_353 = arith.cmpi eq, %select_n3A_54, %eq3A_352 : i32
    %convert_element_type3A_354 = arith.extui %eq3A_353 : i1 to i32
    %cond3A_355 = arith.constant 0 : i32
    %cond3A_356 = arith.cmpi ne, %convert_element_type3A_354, %cond3A_355 : i32
    scf.if %cond3A_356 {
      %add3A_940 = arith.constant 3072 : i32
      %add3A_941 = arith.addi %mul3A_60, %add3A_940 : i32
      "tpu.region"() ({
        %run_scoped3A = tpu.sem_alloc : memref<!tpu.dma_semaphore, #tpu.memory_space<semaphore_mem>>
        %dma_start3A_942 = tpu.memref_slice %arg5[%add3A_941] : memref<73728xi32, #tpu.memory_space<vmem>> -> memref<3072xi32, #tpu.memory_space<vmem>>
        %dma_start3A_943 = tpu.memref_slice %arg6[%add3A_351] : memref<24576xi32, #tpu.memory_space<vmem_shared>> -> memref<3072xi32, #tpu.memory_space<vmem_shared>>
        %dma_start3A_944 = tpu.memref_slice %arg6[%add3A_351] : memref<24576xi32, #tpu.memory_space<vmem_shared>> -> memref<3072xi32, #tpu.memory_space<vmem_shared>>
        %dma_start3A_945 = tpu.memref_slice %arg5[%add3A_941] : memref<73728xi32, #tpu.memory_space<vmem>> -> memref<3072xi32, #tpu.memory_space<vmem>>
        tpu.enqueue_dma source(%dma_start3A_945 : memref<3072xi32, #tpu.memory_space<vmem>>) target(%dma_start3A_944 : memref<3072xi32, #tpu.memory_space<vmem_shared>>) target_semaphore(%run_scoped3A : memref<!tpu.dma_semaphore, #tpu.memory_space<semaphore_mem>>)
        %dma_wait3A_946 = tpu.memref_slice %arg5[%add3A_941] : memref<73728xi32, #tpu.memory_space<vmem>> -> memref<3072xi32, #tpu.memory_space<vmem>>
        %dma_wait3A_947 = tpu.memref_slice %arg6[%add3A_351] : memref<24576xi32, #tpu.memory_space<vmem_shared>> -> memref<3072xi32, #tpu.memory_space<vmem_shared>>
        %dma_wait3A_948 = tpu.memref_slice %arg6[%add3A_351] : memref<24576xi32, #tpu.memory_space<vmem_shared>> -> memref<3072xi32, #tpu.memory_space<vmem_shared>>
        %dma_wait3A_949 = tpu.memref_slice %arg5[%add3A_941] : memref<73728xi32, #tpu.memory_space<vmem>> -> memref<3072xi32, #tpu.memory_space<vmem>>
        tpu.wait_dma2 semaphore(%run_scoped3A : memref<!tpu.dma_semaphore, #tpu.memory_space<semaphore_mem>>) src(%dma_wait3A_949 : memref<3072xi32, #tpu.memory_space<vmem>>) dst(%dma_wait3A_948 : memref<3072xi32, #tpu.memory_space<vmem_shared>>)
        tpu.yield
      }) : () -> ()
    } else {
    }
    %barrier3A_357 = arith.constant 0 : index
    tpu.barrier barrier_id(%barrier3A_357)
    %ne3A_358 = arith.constant 1 : i32
    %ne3A_359 = arith.cmpi ne, %select_n3A_54, %ne3A_358 : i32
    %convert_element_type3A_360 = arith.extui %ne3A_359 : i1 to i32
    %cond3A_361 = arith.constant 0 : i32
    %cond3A_362 = arith.cmpi ne, %convert_element_type3A_360, %cond3A_361 : i32
    scf.if %cond3A_362 {
      "tpu.region"() ({
        %run_scoped3A = tpu.sem_alloc : memref<!tpu.dma_semaphore, #tpu.memory_space<semaphore_mem>>
        %dma_start3A_940 = arith.constant 21504 : i32
        %dma_start3A_941 = tpu.memref_slice %arg5[%dma_start3A_940] : memref<73728xi32, #tpu.memory_space<vmem>> -> memref<3072xi32, #tpu.memory_space<vmem>>
        %dma_start3A_942 = tpu.memref_slice %arg6[%add3A_351] : memref<24576xi32, #tpu.memory_space<vmem_shared>> -> memref<3072xi32, #tpu.memory_space<vmem_shared>>
        %dma_start3A_943 = arith.constant 21504 : i32
        %dma_start3A_944 = tpu.memref_slice %arg5[%dma_start3A_943] : memref<73728xi32, #tpu.memory_space<vmem>> -> memref<3072xi32, #tpu.memory_space<vmem>>
        %dma_start3A_945 = tpu.memref_slice %arg6[%add3A_351] : memref<24576xi32, #tpu.memory_space<vmem_shared>> -> memref<3072xi32, #tpu.memory_space<vmem_shared>>
        tpu.enqueue_dma source(%dma_start3A_945 : memref<3072xi32, #tpu.memory_space<vmem_shared>>) target(%dma_start3A_944 : memref<3072xi32, #tpu.memory_space<vmem>>) target_semaphore(%run_scoped3A : memref<!tpu.dma_semaphore, #tpu.memory_space<semaphore_mem>>)
        %dma_wait3A_946 = arith.constant 21504 : i32
        %dma_wait3A_947 = tpu.memref_slice %arg5[%dma_wait3A_946] : memref<73728xi32, #tpu.memory_space<vmem>> -> memref<3072xi32, #tpu.memory_space<vmem>>
        %dma_wait3A_948 = tpu.memref_slice %arg6[%add3A_351] : memref<24576xi32, #tpu.memory_space<vmem_shared>> -> memref<3072xi32, #tpu.memory_space<vmem_shared>>
        %dma_wait3A_949 = arith.constant 21504 : i32
        %dma_wait3A_950 = tpu.memref_slice %arg5[%dma_wait3A_949] : memref<73728xi32, #tpu.memory_space<vmem>> -> memref<3072xi32, #tpu.memory_space<vmem>>
        %dma_wait3A_951 = tpu.memref_slice %arg6[%add3A_351] : memref<24576xi32, #tpu.memory_space<vmem_shared>> -> memref<3072xi32, #tpu.memory_space<vmem_shared>>
        tpu.wait_dma2 semaphore(%run_scoped3A : memref<!tpu.dma_semaphore, #tpu.memory_space<semaphore_mem>>) src(%dma_wait3A_951 : memref<3072xi32, #tpu.memory_space<vmem_shared>>) dst(%dma_wait3A_950 : memref<3072xi32, #tpu.memory_space<vmem>>)
        tpu.yield
      }) : () -> ()
    } else {
    }
    %mul3A_363 = arith.constant 3072 : i32
    %mul3A_364 = arith.muli %select_n3A_40, %mul3A_363 : i32
    %add3A_365 = arith.constant 0 : i32
    %add3A_366 = arith.addi %add3A_365, %mul3A_364 : i32
    %eq3A_367 = arith.constant 1 : i32
    %eq3A_368 = arith.cmpi eq, %select_n3A_54, %eq3A_367 : i32
    %convert_element_type3A_369 = arith.extui %eq3A_368 : i1 to i32
    %cond3A_370 = arith.constant 0 : i32
    %cond3A_371 = arith.cmpi ne, %convert_element_type3A_369, %cond3A_370 : i32
    scf.if %cond3A_371 {
      %add3A_940 = arith.constant 6144 : i32
      %add3A_941 = arith.addi %mul3A_60, %add3A_940 : i32
      "tpu.region"() ({
        %run_scoped3A = tpu.sem_alloc : memref<!tpu.dma_semaphore, #tpu.memory_space<semaphore_mem>>
        %dma_start3A_942 = tpu.memref_slice %arg5[%add3A_941] : memref<73728xi32, #tpu.memory_space<vmem>> -> memref<3072xi32, #tpu.memory_space<vmem>>
        %dma_start3A_943 = tpu.memref_slice %arg6[%add3A_366] : memref<24576xi32, #tpu.memory_space<vmem_shared>> -> memref<3072xi32, #tpu.memory_space<vmem_shared>>
        %dma_start3A_944 = tpu.memref_slice %arg6[%add3A_366] : memref<24576xi32, #tpu.memory_space<vmem_shared>> -> memref<3072xi32, #tpu.memory_space<vmem_shared>>
        %dma_start3A_945 = tpu.memref_slice %arg5[%add3A_941] : memref<73728xi32, #tpu.memory_space<vmem>> -> memref<3072xi32, #tpu.memory_space<vmem>>
        tpu.enqueue_dma source(%dma_start3A_945 : memref<3072xi32, #tpu.memory_space<vmem>>) target(%dma_start3A_944 : memref<3072xi32, #tpu.memory_space<vmem_shared>>) target_semaphore(%run_scoped3A : memref<!tpu.dma_semaphore, #tpu.memory_space<semaphore_mem>>)
        %dma_wait3A_946 = tpu.memref_slice %arg5[%add3A_941] : memref<73728xi32, #tpu.memory_space<vmem>> -> memref<3072xi32, #tpu.memory_space<vmem>>
        %dma_wait3A_947 = tpu.memref_slice %arg6[%add3A_366] : memref<24576xi32, #tpu.memory_space<vmem_shared>> -> memref<3072xi32, #tpu.memory_space<vmem_shared>>
        %dma_wait3A_948 = tpu.memref_slice %arg6[%add3A_366] : memref<24576xi32, #tpu.memory_space<vmem_shared>> -> memref<3072xi32, #tpu.memory_space<vmem_shared>>
        %dma_wait3A_949 = tpu.memref_slice %arg5[%add3A_941] : memref<73728xi32, #tpu.memory_space<vmem>> -> memref<3072xi32, #tpu.memory_space<vmem>>
        tpu.wait_dma2 semaphore(%run_scoped3A : memref<!tpu.dma_semaphore, #tpu.memory_space<semaphore_mem>>) src(%dma_wait3A_949 : memref<3072xi32, #tpu.memory_space<vmem>>) dst(%dma_wait3A_948 : memref<3072xi32, #tpu.memory_space<vmem_shared>>)
        tpu.yield
      }) : () -> ()
    } else {
    }
    %barrier3A_372 = arith.constant 0 : index
    tpu.barrier barrier_id(%barrier3A_372)
    %ne3A_373 = arith.constant 1 : i32
    %ne3A_374 = arith.cmpi ne, %select_n3A_54, %ne3A_373 : i32
    %convert_element_type3A_375 = arith.extui %ne3A_374 : i1 to i32
    %cond3A_376 = arith.constant 0 : i32
    %cond3A_377 = arith.cmpi ne, %convert_element_type3A_375, %cond3A_376 : i32
    scf.if %cond3A_377 {
      "tpu.region"() ({
        %run_scoped3A = tpu.sem_alloc : memref<!tpu.dma_semaphore, #tpu.memory_space<semaphore_mem>>
        %dma_start3A_940 = arith.constant 24576 : i32
        %dma_start3A_941 = tpu.memref_slice %arg5[%dma_start3A_940] : memref<73728xi32, #tpu.memory_space<vmem>> -> memref<3072xi32, #tpu.memory_space<vmem>>
        %dma_start3A_942 = tpu.memref_slice %arg6[%add3A_366] : memref<24576xi32, #tpu.memory_space<vmem_shared>> -> memref<3072xi32, #tpu.memory_space<vmem_shared>>
        %dma_start3A_943 = arith.constant 24576 : i32
        %dma_start3A_944 = tpu.memref_slice %arg5[%dma_start3A_943] : memref<73728xi32, #tpu.memory_space<vmem>> -> memref<3072xi32, #tpu.memory_space<vmem>>
        %dma_start3A_945 = tpu.memref_slice %arg6[%add3A_366] : memref<24576xi32, #tpu.memory_space<vmem_shared>> -> memref<3072xi32, #tpu.memory_space<vmem_shared>>
        tpu.enqueue_dma source(%dma_start3A_945 : memref<3072xi32, #tpu.memory_space<vmem_shared>>) target(%dma_start3A_944 : memref<3072xi32, #tpu.memory_space<vmem>>) target_semaphore(%run_scoped3A : memref<!tpu.dma_semaphore, #tpu.memory_space<semaphore_mem>>)
        %dma_wait3A_946 = arith.constant 24576 : i32
        %dma_wait3A_947 = tpu.memref_slice %arg5[%dma_wait3A_946] : memref<73728xi32, #tpu.memory_space<vmem>> -> memref<3072xi32, #tpu.memory_space<vmem>>
        %dma_wait3A_948 = tpu.memref_slice %arg6[%add3A_366] : memref<24576xi32, #tpu.memory_space<vmem_shared>> -> memref<3072xi32, #tpu.memory_space<vmem_shared>>
        %dma_wait3A_949 = arith.constant 24576 : i32
        %dma_wait3A_950 = tpu.memref_slice %arg5[%dma_wait3A_949] : memref<73728xi32, #tpu.memory_space<vmem>> -> memref<3072xi32, #tpu.memory_space<vmem>>
        %dma_wait3A_951 = tpu.memref_slice %arg6[%add3A_366] : memref<24576xi32, #tpu.memory_space<vmem_shared>> -> memref<3072xi32, #tpu.memory_space<vmem_shared>>
        tpu.wait_dma2 semaphore(%run_scoped3A : memref<!tpu.dma_semaphore, #tpu.memory_space<semaphore_mem>>) src(%dma_wait3A_951 : memref<3072xi32, #tpu.memory_space<vmem_shared>>) dst(%dma_wait3A_950 : memref<3072xi32, #tpu.memory_space<vmem>>)
        tpu.yield
      }) : () -> ()
    } else {
    }
    %mul3A_378 = arith.constant 3072 : i32
    %mul3A_379 = arith.muli %select_n3A_40, %mul3A_378 : i32
    %add3A_380 = arith.constant 12288 : i32
    %add3A_381 = arith.addi %add3A_380, %mul3A_379 : i32
    %eq3A_382 = arith.constant 1 : i32
    %eq3A_383 = arith.cmpi eq, %select_n3A_54, %eq3A_382 : i32
    %convert_element_type3A_384 = arith.extui %eq3A_383 : i1 to i32
    %cond3A_385 = arith.constant 0 : i32
    %cond3A_386 = arith.cmpi ne, %convert_element_type3A_384, %cond3A_385 : i32
    scf.if %cond3A_386 {
      %add3A_940 = arith.constant 9216 : i32
      %add3A_941 = arith.addi %mul3A_60, %add3A_940 : i32
      "tpu.region"() ({
        %run_scoped3A = tpu.sem_alloc : memref<!tpu.dma_semaphore, #tpu.memory_space<semaphore_mem>>
        %dma_start3A_942 = tpu.memref_slice %arg5[%add3A_941] : memref<73728xi32, #tpu.memory_space<vmem>> -> memref<3072xi32, #tpu.memory_space<vmem>>
        %dma_start3A_943 = tpu.memref_slice %arg6[%add3A_381] : memref<24576xi32, #tpu.memory_space<vmem_shared>> -> memref<3072xi32, #tpu.memory_space<vmem_shared>>
        %dma_start3A_944 = tpu.memref_slice %arg6[%add3A_381] : memref<24576xi32, #tpu.memory_space<vmem_shared>> -> memref<3072xi32, #tpu.memory_space<vmem_shared>>
        %dma_start3A_945 = tpu.memref_slice %arg5[%add3A_941] : memref<73728xi32, #tpu.memory_space<vmem>> -> memref<3072xi32, #tpu.memory_space<vmem>>
        tpu.enqueue_dma source(%dma_start3A_945 : memref<3072xi32, #tpu.memory_space<vmem>>) target(%dma_start3A_944 : memref<3072xi32, #tpu.memory_space<vmem_shared>>) target_semaphore(%run_scoped3A : memref<!tpu.dma_semaphore, #tpu.memory_space<semaphore_mem>>)
        %dma_wait3A_946 = tpu.memref_slice %arg5[%add3A_941] : memref<73728xi32, #tpu.memory_space<vmem>> -> memref<3072xi32, #tpu.memory_space<vmem>>
        %dma_wait3A_947 = tpu.memref_slice %arg6[%add3A_381] : memref<24576xi32, #tpu.memory_space<vmem_shared>> -> memref<3072xi32, #tpu.memory_space<vmem_shared>>
        %dma_wait3A_948 = tpu.memref_slice %arg6[%add3A_381] : memref<24576xi32, #tpu.memory_space<vmem_shared>> -> memref<3072xi32, #tpu.memory_space<vmem_shared>>
        %dma_wait3A_949 = tpu.memref_slice %arg5[%add3A_941] : memref<73728xi32, #tpu.memory_space<vmem>> -> memref<3072xi32, #tpu.memory_space<vmem>>
        tpu.wait_dma2 semaphore(%run_scoped3A : memref<!tpu.dma_semaphore, #tpu.memory_space<semaphore_mem>>) src(%dma_wait3A_949 : memref<3072xi32, #tpu.memory_space<vmem>>) dst(%dma_wait3A_948 : memref<3072xi32, #tpu.memory_space<vmem_shared>>)
        tpu.yield
      }) : () -> ()
    } else {
    }
    %barrier3A_387 = arith.constant 0 : index
    tpu.barrier barrier_id(%barrier3A_387)
    %ne3A_388 = arith.constant 1 : i32
    %ne3A_389 = arith.cmpi ne, %select_n3A_54, %ne3A_388 : i32
    %convert_element_type3A_390 = arith.extui %ne3A_389 : i1 to i32
    %cond3A_391 = arith.constant 0 : i32
    %cond3A_392 = arith.cmpi ne, %convert_element_type3A_390, %cond3A_391 : i32
    scf.if %cond3A_392 {
      "tpu.region"() ({
        %run_scoped3A = tpu.sem_alloc : memref<!tpu.dma_semaphore, #tpu.memory_space<semaphore_mem>>
        %dma_start3A_940 = arith.constant 27648 : i32
        %dma_start3A_941 = tpu.memref_slice %arg5[%dma_start3A_940] : memref<73728xi32, #tpu.memory_space<vmem>> -> memref<3072xi32, #tpu.memory_space<vmem>>
        %dma_start3A_942 = tpu.memref_slice %arg6[%add3A_381] : memref<24576xi32, #tpu.memory_space<vmem_shared>> -> memref<3072xi32, #tpu.memory_space<vmem_shared>>
        %dma_start3A_943 = arith.constant 27648 : i32
        %dma_start3A_944 = tpu.memref_slice %arg5[%dma_start3A_943] : memref<73728xi32, #tpu.memory_space<vmem>> -> memref<3072xi32, #tpu.memory_space<vmem>>
        %dma_start3A_945 = tpu.memref_slice %arg6[%add3A_381] : memref<24576xi32, #tpu.memory_space<vmem_shared>> -> memref<3072xi32, #tpu.memory_space<vmem_shared>>
        tpu.enqueue_dma source(%dma_start3A_945 : memref<3072xi32, #tpu.memory_space<vmem_shared>>) target(%dma_start3A_944 : memref<3072xi32, #tpu.memory_space<vmem>>) target_semaphore(%run_scoped3A : memref<!tpu.dma_semaphore, #tpu.memory_space<semaphore_mem>>)
        %dma_wait3A_946 = arith.constant 27648 : i32
        %dma_wait3A_947 = tpu.memref_slice %arg5[%dma_wait3A_946] : memref<73728xi32, #tpu.memory_space<vmem>> -> memref<3072xi32, #tpu.memory_space<vmem>>
        %dma_wait3A_948 = tpu.memref_slice %arg6[%add3A_381] : memref<24576xi32, #tpu.memory_space<vmem_shared>> -> memref<3072xi32, #tpu.memory_space<vmem_shared>>
        %dma_wait3A_949 = arith.constant 27648 : i32
        %dma_wait3A_950 = tpu.memref_slice %arg5[%dma_wait3A_949] : memref<73728xi32, #tpu.memory_space<vmem>> -> memref<3072xi32, #tpu.memory_space<vmem>>
        %dma_wait3A_951 = tpu.memref_slice %arg6[%add3A_381] : memref<24576xi32, #tpu.memory_space<vmem_shared>> -> memref<3072xi32, #tpu.memory_space<vmem_shared>>
        tpu.wait_dma2 semaphore(%run_scoped3A : memref<!tpu.dma_semaphore, #tpu.memory_space<semaphore_mem>>) src(%dma_wait3A_951 : memref<3072xi32, #tpu.memory_space<vmem_shared>>) dst(%dma_wait3A_950 : memref<3072xi32, #tpu.memory_space<vmem>>)
        tpu.yield
      }) : () -> ()
    } else {
    }
    %mul3A_393 = arith.constant 3072 : i32
    %mul3A_394 = arith.muli %select_n3A_40, %mul3A_393 : i32
    %add3A_395 = arith.constant 0 : i32
    %add3A_396 = arith.addi %add3A_395, %mul3A_394 : i32
    %eq3A_397 = arith.constant 1 : i32
    %eq3A_398 = arith.cmpi eq, %select_n3A_54, %eq3A_397 : i32
    %convert_element_type3A_399 = arith.extui %eq3A_398 : i1 to i32
    %cond3A_400 = arith.constant 0 : i32
    %cond3A_401 = arith.cmpi ne, %convert_element_type3A_399, %cond3A_400 : i32
    scf.if %cond3A_401 {
      %add3A_940 = arith.constant 12288 : i32
      %add3A_941 = arith.addi %mul3A_60, %add3A_940 : i32
      "tpu.region"() ({
        %run_scoped3A = tpu.sem_alloc : memref<!tpu.dma_semaphore, #tpu.memory_space<semaphore_mem>>
        %dma_start3A_942 = tpu.memref_slice %arg5[%add3A_941] : memref<73728xi32, #tpu.memory_space<vmem>> -> memref<3072xi32, #tpu.memory_space<vmem>>
        %dma_start3A_943 = tpu.memref_slice %arg6[%add3A_396] : memref<24576xi32, #tpu.memory_space<vmem_shared>> -> memref<3072xi32, #tpu.memory_space<vmem_shared>>
        %dma_start3A_944 = tpu.memref_slice %arg6[%add3A_396] : memref<24576xi32, #tpu.memory_space<vmem_shared>> -> memref<3072xi32, #tpu.memory_space<vmem_shared>>
        %dma_start3A_945 = tpu.memref_slice %arg5[%add3A_941] : memref<73728xi32, #tpu.memory_space<vmem>> -> memref<3072xi32, #tpu.memory_space<vmem>>
        tpu.enqueue_dma source(%dma_start3A_945 : memref<3072xi32, #tpu.memory_space<vmem>>) target(%dma_start3A_944 : memref<3072xi32, #tpu.memory_space<vmem_shared>>) target_semaphore(%run_scoped3A : memref<!tpu.dma_semaphore, #tpu.memory_space<semaphore_mem>>)
        %dma_wait3A_946 = tpu.memref_slice %arg5[%add3A_941] : memref<73728xi32, #tpu.memory_space<vmem>> -> memref<3072xi32, #tpu.memory_space<vmem>>
        %dma_wait3A_947 = tpu.memref_slice %arg6[%add3A_396] : memref<24576xi32, #tpu.memory_space<vmem_shared>> -> memref<3072xi32, #tpu.memory_space<vmem_shared>>
        %dma_wait3A_948 = tpu.memref_slice %arg6[%add3A_396] : memref<24576xi32, #tpu.memory_space<vmem_shared>> -> memref<3072xi32, #tpu.memory_space<vmem_shared>>
        %dma_wait3A_949 = tpu.memref_slice %arg5[%add3A_941] : memref<73728xi32, #tpu.memory_space<vmem>> -> memref<3072xi32, #tpu.memory_space<vmem>>
        tpu.wait_dma2 semaphore(%run_scoped3A : memref<!tpu.dma_semaphore, #tpu.memory_space<semaphore_mem>>) src(%dma_wait3A_949 : memref<3072xi32, #tpu.memory_space<vmem>>) dst(%dma_wait3A_948 : memref<3072xi32, #tpu.memory_space<vmem_shared>>)
        tpu.yield
      }) : () -> ()
    } else {
    }
    %barrier3A_402 = arith.constant 0 : index
    tpu.barrier barrier_id(%barrier3A_402)
    %ne3A_403 = arith.constant 1 : i32
    %ne3A_404 = arith.cmpi ne, %select_n3A_54, %ne3A_403 : i32
    %convert_element_type3A_405 = arith.extui %ne3A_404 : i1 to i32
    %cond3A_406 = arith.constant 0 : i32
    %cond3A_407 = arith.cmpi ne, %convert_element_type3A_405, %cond3A_406 : i32
    scf.if %cond3A_407 {
      "tpu.region"() ({
        %run_scoped3A = tpu.sem_alloc : memref<!tpu.dma_semaphore, #tpu.memory_space<semaphore_mem>>
        %dma_start3A_940 = arith.constant 30720 : i32
        %dma_start3A_941 = tpu.memref_slice %arg5[%dma_start3A_940] : memref<73728xi32, #tpu.memory_space<vmem>> -> memref<3072xi32, #tpu.memory_space<vmem>>
        %dma_start3A_942 = tpu.memref_slice %arg6[%add3A_396] : memref<24576xi32, #tpu.memory_space<vmem_shared>> -> memref<3072xi32, #tpu.memory_space<vmem_shared>>
        %dma_start3A_943 = arith.constant 30720 : i32
        %dma_start3A_944 = tpu.memref_slice %arg5[%dma_start3A_943] : memref<73728xi32, #tpu.memory_space<vmem>> -> memref<3072xi32, #tpu.memory_space<vmem>>
        %dma_start3A_945 = tpu.memref_slice %arg6[%add3A_396] : memref<24576xi32, #tpu.memory_space<vmem_shared>> -> memref<3072xi32, #tpu.memory_space<vmem_shared>>
        tpu.enqueue_dma source(%dma_start3A_945 : memref<3072xi32, #tpu.memory_space<vmem_shared>>) target(%dma_start3A_944 : memref<3072xi32, #tpu.memory_space<vmem>>) target_semaphore(%run_scoped3A : memref<!tpu.dma_semaphore, #tpu.memory_space<semaphore_mem>>)
        %dma_wait3A_946 = arith.constant 30720 : i32
        %dma_wait3A_947 = tpu.memref_slice %arg5[%dma_wait3A_946] : memref<73728xi32, #tpu.memory_space<vmem>> -> memref<3072xi32, #tpu.memory_space<vmem>>
        %dma_wait3A_948 = tpu.memref_slice %arg6[%add3A_396] : memref<24576xi32, #tpu.memory_space<vmem_shared>> -> memref<3072xi32, #tpu.memory_space<vmem_shared>>
        %dma_wait3A_949 = arith.constant 30720 : i32
        %dma_wait3A_950 = tpu.memref_slice %arg5[%dma_wait3A_949] : memref<73728xi32, #tpu.memory_space<vmem>> -> memref<3072xi32, #tpu.memory_space<vmem>>
        %dma_wait3A_951 = tpu.memref_slice %arg6[%add3A_396] : memref<24576xi32, #tpu.memory_space<vmem_shared>> -> memref<3072xi32, #tpu.memory_space<vmem_shared>>
        tpu.wait_dma2 semaphore(%run_scoped3A : memref<!tpu.dma_semaphore, #tpu.memory_space<semaphore_mem>>) src(%dma_wait3A_951 : memref<3072xi32, #tpu.memory_space<vmem_shared>>) dst(%dma_wait3A_950 : memref<3072xi32, #tpu.memory_space<vmem>>)
        tpu.yield
      }) : () -> ()
    } else {
    }
    %mul3A_408 = arith.constant 3072 : i32
    %mul3A_409 = arith.muli %select_n3A_40, %mul3A_408 : i32
    %add3A_410 = arith.constant 12288 : i32
    %add3A_411 = arith.addi %add3A_410, %mul3A_409 : i32
    %eq3A_412 = arith.constant 1 : i32
    %eq3A_413 = arith.cmpi eq, %select_n3A_54, %eq3A_412 : i32
    %convert_element_type3A_414 = arith.extui %eq3A_413 : i1 to i32
    %cond3A_415 = arith.constant 0 : i32
    %cond3A_416 = arith.cmpi ne, %convert_element_type3A_414, %cond3A_415 : i32
    scf.if %cond3A_416 {
      %add3A_940 = arith.constant 15360 : i32
      %add3A_941 = arith.addi %mul3A_60, %add3A_940 : i32
      "tpu.region"() ({
        %run_scoped3A = tpu.sem_alloc : memref<!tpu.dma_semaphore, #tpu.memory_space<semaphore_mem>>
        %dma_start3A_942 = tpu.memref_slice %arg5[%add3A_941] : memref<73728xi32, #tpu.memory_space<vmem>> -> memref<3072xi32, #tpu.memory_space<vmem>>
        %dma_start3A_943 = tpu.memref_slice %arg6[%add3A_411] : memref<24576xi32, #tpu.memory_space<vmem_shared>> -> memref<3072xi32, #tpu.memory_space<vmem_shared>>
        %dma_start3A_944 = tpu.memref_slice %arg6[%add3A_411] : memref<24576xi32, #tpu.memory_space<vmem_shared>> -> memref<3072xi32, #tpu.memory_space<vmem_shared>>
        %dma_start3A_945 = tpu.memref_slice %arg5[%add3A_941] : memref<73728xi32, #tpu.memory_space<vmem>> -> memref<3072xi32, #tpu.memory_space<vmem>>
        tpu.enqueue_dma source(%dma_start3A_945 : memref<3072xi32, #tpu.memory_space<vmem>>) target(%dma_start3A_944 : memref<3072xi32, #tpu.memory_space<vmem_shared>>) target_semaphore(%run_scoped3A : memref<!tpu.dma_semaphore, #tpu.memory_space<semaphore_mem>>)
        %dma_wait3A_946 = tpu.memref_slice %arg5[%add3A_941] : memref<73728xi32, #tpu.memory_space<vmem>> -> memref<3072xi32, #tpu.memory_space<vmem>>
        %dma_wait3A_947 = tpu.memref_slice %arg6[%add3A_411] : memref<24576xi32, #tpu.memory_space<vmem_shared>> -> memref<3072xi32, #tpu.memory_space<vmem_shared>>
        %dma_wait3A_948 = tpu.memref_slice %arg6[%add3A_411] : memref<24576xi32, #tpu.memory_space<vmem_shared>> -> memref<3072xi32, #tpu.memory_space<vmem_shared>>
        %dma_wait3A_949 = tpu.memref_slice %arg5[%add3A_941] : memref<73728xi32, #tpu.memory_space<vmem>> -> memref<3072xi32, #tpu.memory_space<vmem>>
        tpu.wait_dma2 semaphore(%run_scoped3A : memref<!tpu.dma_semaphore, #tpu.memory_space<semaphore_mem>>) src(%dma_wait3A_949 : memref<3072xi32, #tpu.memory_space<vmem>>) dst(%dma_wait3A_948 : memref<3072xi32, #tpu.memory_space<vmem_shared>>)
        tpu.yield
      }) : () -> ()
    } else {
    }
    %barrier3A_417 = arith.constant 0 : index
    tpu.barrier barrier_id(%barrier3A_417)
    %ne3A_418 = arith.constant 1 : i32
    %ne3A_419 = arith.cmpi ne, %select_n3A_54, %ne3A_418 : i32
    %convert_element_type3A_420 = arith.extui %ne3A_419 : i1 to i32
    %cond3A_421 = arith.constant 0 : i32
    %cond3A_422 = arith.cmpi ne, %convert_element_type3A_420, %cond3A_421 : i32
    scf.if %cond3A_422 {
      "tpu.region"() ({
        %run_scoped3A = tpu.sem_alloc : memref<!tpu.dma_semaphore, #tpu.memory_space<semaphore_mem>>
        %dma_start3A_940 = arith.constant 33792 : i32
        %dma_start3A_941 = tpu.memref_slice %arg5[%dma_start3A_940] : memref<73728xi32, #tpu.memory_space<vmem>> -> memref<3072xi32, #tpu.memory_space<vmem>>
        %dma_start3A_942 = tpu.memref_slice %arg6[%add3A_411] : memref<24576xi32, #tpu.memory_space<vmem_shared>> -> memref<3072xi32, #tpu.memory_space<vmem_shared>>
        %dma_start3A_943 = arith.constant 33792 : i32
        %dma_start3A_944 = tpu.memref_slice %arg5[%dma_start3A_943] : memref<73728xi32, #tpu.memory_space<vmem>> -> memref<3072xi32, #tpu.memory_space<vmem>>
        %dma_start3A_945 = tpu.memref_slice %arg6[%add3A_411] : memref<24576xi32, #tpu.memory_space<vmem_shared>> -> memref<3072xi32, #tpu.memory_space<vmem_shared>>
        tpu.enqueue_dma source(%dma_start3A_945 : memref<3072xi32, #tpu.memory_space<vmem_shared>>) target(%dma_start3A_944 : memref<3072xi32, #tpu.memory_space<vmem>>) target_semaphore(%run_scoped3A : memref<!tpu.dma_semaphore, #tpu.memory_space<semaphore_mem>>)
        %dma_wait3A_946 = arith.constant 33792 : i32
        %dma_wait3A_947 = tpu.memref_slice %arg5[%dma_wait3A_946] : memref<73728xi32, #tpu.memory_space<vmem>> -> memref<3072xi32, #tpu.memory_space<vmem>>
        %dma_wait3A_948 = tpu.memref_slice %arg6[%add3A_411] : memref<24576xi32, #tpu.memory_space<vmem_shared>> -> memref<3072xi32, #tpu.memory_space<vmem_shared>>
        %dma_wait3A_949 = arith.constant 33792 : i32
        %dma_wait3A_950 = tpu.memref_slice %arg5[%dma_wait3A_949] : memref<73728xi32, #tpu.memory_space<vmem>> -> memref<3072xi32, #tpu.memory_space<vmem>>
        %dma_wait3A_951 = tpu.memref_slice %arg6[%add3A_411] : memref<24576xi32, #tpu.memory_space<vmem_shared>> -> memref<3072xi32, #tpu.memory_space<vmem_shared>>
        tpu.wait_dma2 semaphore(%run_scoped3A : memref<!tpu.dma_semaphore, #tpu.memory_space<semaphore_mem>>) src(%dma_wait3A_951 : memref<3072xi32, #tpu.memory_space<vmem_shared>>) dst(%dma_wait3A_950 : memref<3072xi32, #tpu.memory_space<vmem>>)
        tpu.yield
      }) : () -> ()
    } else {
    }
    %mul3A_423 = arith.constant 3072 : i32
    %mul3A_424 = arith.muli %select_n3A_40, %mul3A_423 : i32
    %add3A_425 = arith.constant 0 : i32
    %add3A_426 = arith.addi %add3A_425, %mul3A_424 : i32
    %eq3A_427 = arith.constant 2 : i32
    %eq3A_428 = arith.cmpi eq, %select_n3A_54, %eq3A_427 : i32
    %convert_element_type3A_429 = arith.extui %eq3A_428 : i1 to i32
    %cond3A_430 = arith.constant 0 : i32
    %cond3A_431 = arith.cmpi ne, %convert_element_type3A_429, %cond3A_430 : i32
    scf.if %cond3A_431 {
      %add3A_940 = arith.constant 0 : i32
      %add3A_941 = arith.addi %mul3A_60, %add3A_940 : i32
      "tpu.region"() ({
        %run_scoped3A = tpu.sem_alloc : memref<!tpu.dma_semaphore, #tpu.memory_space<semaphore_mem>>
        %dma_start3A_942 = tpu.memref_slice %arg5[%add3A_941] : memref<73728xi32, #tpu.memory_space<vmem>> -> memref<3072xi32, #tpu.memory_space<vmem>>
        %dma_start3A_943 = tpu.memref_slice %arg6[%add3A_426] : memref<24576xi32, #tpu.memory_space<vmem_shared>> -> memref<3072xi32, #tpu.memory_space<vmem_shared>>
        %dma_start3A_944 = tpu.memref_slice %arg6[%add3A_426] : memref<24576xi32, #tpu.memory_space<vmem_shared>> -> memref<3072xi32, #tpu.memory_space<vmem_shared>>
        %dma_start3A_945 = tpu.memref_slice %arg5[%add3A_941] : memref<73728xi32, #tpu.memory_space<vmem>> -> memref<3072xi32, #tpu.memory_space<vmem>>
        tpu.enqueue_dma source(%dma_start3A_945 : memref<3072xi32, #tpu.memory_space<vmem>>) target(%dma_start3A_944 : memref<3072xi32, #tpu.memory_space<vmem_shared>>) target_semaphore(%run_scoped3A : memref<!tpu.dma_semaphore, #tpu.memory_space<semaphore_mem>>)
        %dma_wait3A_946 = tpu.memref_slice %arg5[%add3A_941] : memref<73728xi32, #tpu.memory_space<vmem>> -> memref<3072xi32, #tpu.memory_space<vmem>>
        %dma_wait3A_947 = tpu.memref_slice %arg6[%add3A_426] : memref<24576xi32, #tpu.memory_space<vmem_shared>> -> memref<3072xi32, #tpu.memory_space<vmem_shared>>
        %dma_wait3A_948 = tpu.memref_slice %arg6[%add3A_426] : memref<24576xi32, #tpu.memory_space<vmem_shared>> -> memref<3072xi32, #tpu.memory_space<vmem_shared>>
        %dma_wait3A_949 = tpu.memref_slice %arg5[%add3A_941] : memref<73728xi32, #tpu.memory_space<vmem>> -> memref<3072xi32, #tpu.memory_space<vmem>>
        tpu.wait_dma2 semaphore(%run_scoped3A : memref<!tpu.dma_semaphore, #tpu.memory_space<semaphore_mem>>) src(%dma_wait3A_949 : memref<3072xi32, #tpu.memory_space<vmem>>) dst(%dma_wait3A_948 : memref<3072xi32, #tpu.memory_space<vmem_shared>>)
        tpu.yield
      }) : () -> ()
    } else {
    }
    %barrier3A_432 = arith.constant 0 : index
    tpu.barrier barrier_id(%barrier3A_432)
    %ne3A_433 = arith.constant 2 : i32
    %ne3A_434 = arith.cmpi ne, %select_n3A_54, %ne3A_433 : i32
    %convert_element_type3A_435 = arith.extui %ne3A_434 : i1 to i32
    %cond3A_436 = arith.constant 0 : i32
    %cond3A_437 = arith.cmpi ne, %convert_element_type3A_435, %cond3A_436 : i32
    scf.if %cond3A_437 {
      "tpu.region"() ({
        %run_scoped3A = tpu.sem_alloc : memref<!tpu.dma_semaphore, #tpu.memory_space<semaphore_mem>>
        %dma_start3A_940 = arith.constant 36864 : i32
        %dma_start3A_941 = tpu.memref_slice %arg5[%dma_start3A_940] : memref<73728xi32, #tpu.memory_space<vmem>> -> memref<3072xi32, #tpu.memory_space<vmem>>
        %dma_start3A_942 = tpu.memref_slice %arg6[%add3A_426] : memref<24576xi32, #tpu.memory_space<vmem_shared>> -> memref<3072xi32, #tpu.memory_space<vmem_shared>>
        %dma_start3A_943 = arith.constant 36864 : i32
        %dma_start3A_944 = tpu.memref_slice %arg5[%dma_start3A_943] : memref<73728xi32, #tpu.memory_space<vmem>> -> memref<3072xi32, #tpu.memory_space<vmem>>
        %dma_start3A_945 = tpu.memref_slice %arg6[%add3A_426] : memref<24576xi32, #tpu.memory_space<vmem_shared>> -> memref<3072xi32, #tpu.memory_space<vmem_shared>>
        tpu.enqueue_dma source(%dma_start3A_945 : memref<3072xi32, #tpu.memory_space<vmem_shared>>) target(%dma_start3A_944 : memref<3072xi32, #tpu.memory_space<vmem>>) target_semaphore(%run_scoped3A : memref<!tpu.dma_semaphore, #tpu.memory_space<semaphore_mem>>)
        %dma_wait3A_946 = arith.constant 36864 : i32
        %dma_wait3A_947 = tpu.memref_slice %arg5[%dma_wait3A_946] : memref<73728xi32, #tpu.memory_space<vmem>> -> memref<3072xi32, #tpu.memory_space<vmem>>
        %dma_wait3A_948 = tpu.memref_slice %arg6[%add3A_426] : memref<24576xi32, #tpu.memory_space<vmem_shared>> -> memref<3072xi32, #tpu.memory_space<vmem_shared>>
        %dma_wait3A_949 = arith.constant 36864 : i32
        %dma_wait3A_950 = tpu.memref_slice %arg5[%dma_wait3A_949] : memref<73728xi32, #tpu.memory_space<vmem>> -> memref<3072xi32, #tpu.memory_space<vmem>>
        %dma_wait3A_951 = tpu.memref_slice %arg6[%add3A_426] : memref<24576xi32, #tpu.memory_space<vmem_shared>> -> memref<3072xi32, #tpu.memory_space<vmem_shared>>
        tpu.wait_dma2 semaphore(%run_scoped3A : memref<!tpu.dma_semaphore, #tpu.memory_space<semaphore_mem>>) src(%dma_wait3A_951 : memref<3072xi32, #tpu.memory_space<vmem_shared>>) dst(%dma_wait3A_950 : memref<3072xi32, #tpu.memory_space<vmem>>)
        tpu.yield
      }) : () -> ()
    } else {
    }
    %mul3A_438 = arith.constant 3072 : i32
    %mul3A_439 = arith.muli %select_n3A_40, %mul3A_438 : i32
    %add3A_440 = arith.constant 12288 : i32
    %add3A_441 = arith.addi %add3A_440, %mul3A_439 : i32
    %eq3A_442 = arith.constant 2 : i32
    %eq3A_443 = arith.cmpi eq, %select_n3A_54, %eq3A_442 : i32
    %convert_element_type3A_444 = arith.extui %eq3A_443 : i1 to i32
    %cond3A_445 = arith.constant 0 : i32
    %cond3A_446 = arith.cmpi ne, %convert_element_type3A_444, %cond3A_445 : i32
    scf.if %cond3A_446 {
      %add3A_940 = arith.constant 3072 : i32
      %add3A_941 = arith.addi %mul3A_60, %add3A_940 : i32
      "tpu.region"() ({
        %run_scoped3A = tpu.sem_alloc : memref<!tpu.dma_semaphore, #tpu.memory_space<semaphore_mem>>
        %dma_start3A_942 = tpu.memref_slice %arg5[%add3A_941] : memref<73728xi32, #tpu.memory_space<vmem>> -> memref<3072xi32, #tpu.memory_space<vmem>>
        %dma_start3A_943 = tpu.memref_slice %arg6[%add3A_441] : memref<24576xi32, #tpu.memory_space<vmem_shared>> -> memref<3072xi32, #tpu.memory_space<vmem_shared>>
        %dma_start3A_944 = tpu.memref_slice %arg6[%add3A_441] : memref<24576xi32, #tpu.memory_space<vmem_shared>> -> memref<3072xi32, #tpu.memory_space<vmem_shared>>
        %dma_start3A_945 = tpu.memref_slice %arg5[%add3A_941] : memref<73728xi32, #tpu.memory_space<vmem>> -> memref<3072xi32, #tpu.memory_space<vmem>>
        tpu.enqueue_dma source(%dma_start3A_945 : memref<3072xi32, #tpu.memory_space<vmem>>) target(%dma_start3A_944 : memref<3072xi32, #tpu.memory_space<vmem_shared>>) target_semaphore(%run_scoped3A : memref<!tpu.dma_semaphore, #tpu.memory_space<semaphore_mem>>)
        %dma_wait3A_946 = tpu.memref_slice %arg5[%add3A_941] : memref<73728xi32, #tpu.memory_space<vmem>> -> memref<3072xi32, #tpu.memory_space<vmem>>
        %dma_wait3A_947 = tpu.memref_slice %arg6[%add3A_441] : memref<24576xi32, #tpu.memory_space<vmem_shared>> -> memref<3072xi32, #tpu.memory_space<vmem_shared>>
        %dma_wait3A_948 = tpu.memref_slice %arg6[%add3A_441] : memref<24576xi32, #tpu.memory_space<vmem_shared>> -> memref<3072xi32, #tpu.memory_space<vmem_shared>>
        %dma_wait3A_949 = tpu.memref_slice %arg5[%add3A_941] : memref<73728xi32, #tpu.memory_space<vmem>> -> memref<3072xi32, #tpu.memory_space<vmem>>
        tpu.wait_dma2 semaphore(%run_scoped3A : memref<!tpu.dma_semaphore, #tpu.memory_space<semaphore_mem>>) src(%dma_wait3A_949 : memref<3072xi32, #tpu.memory_space<vmem>>) dst(%dma_wait3A_948 : memref<3072xi32, #tpu.memory_space<vmem_shared>>)
        tpu.yield
      }) : () -> ()
    } else {
    }
    %barrier3A_447 = arith.constant 0 : index
    tpu.barrier barrier_id(%barrier3A_447)
    %ne3A_448 = arith.constant 2 : i32
    %ne3A_449 = arith.cmpi ne, %select_n3A_54, %ne3A_448 : i32
    %convert_element_type3A_450 = arith.extui %ne3A_449 : i1 to i32
    %cond3A_451 = arith.constant 0 : i32
    %cond3A_452 = arith.cmpi ne, %convert_element_type3A_450, %cond3A_451 : i32
    scf.if %cond3A_452 {
      "tpu.region"() ({
        %run_scoped3A = tpu.sem_alloc : memref<!tpu.dma_semaphore, #tpu.memory_space<semaphore_mem>>
        %dma_start3A_940 = arith.constant 39936 : i32
        %dma_start3A_941 = tpu.memref_slice %arg5[%dma_start3A_940] : memref<73728xi32, #tpu.memory_space<vmem>> -> memref<3072xi32, #tpu.memory_space<vmem>>
        %dma_start3A_942 = tpu.memref_slice %arg6[%add3A_441] : memref<24576xi32, #tpu.memory_space<vmem_shared>> -> memref<3072xi32, #tpu.memory_space<vmem_shared>>
        %dma_start3A_943 = arith.constant 39936 : i32
        %dma_start3A_944 = tpu.memref_slice %arg5[%dma_start3A_943] : memref<73728xi32, #tpu.memory_space<vmem>> -> memref<3072xi32, #tpu.memory_space<vmem>>
        %dma_start3A_945 = tpu.memref_slice %arg6[%add3A_441] : memref<24576xi32, #tpu.memory_space<vmem_shared>> -> memref<3072xi32, #tpu.memory_space<vmem_shared>>
        tpu.enqueue_dma source(%dma_start3A_945 : memref<3072xi32, #tpu.memory_space<vmem_shared>>) target(%dma_start3A_944 : memref<3072xi32, #tpu.memory_space<vmem>>) target_semaphore(%run_scoped3A : memref<!tpu.dma_semaphore, #tpu.memory_space<semaphore_mem>>)
        %dma_wait3A_946 = arith.constant 39936 : i32
        %dma_wait3A_947 = tpu.memref_slice %arg5[%dma_wait3A_946] : memref<73728xi32, #tpu.memory_space<vmem>> -> memref<3072xi32, #tpu.memory_space<vmem>>
        %dma_wait3A_948 = tpu.memref_slice %arg6[%add3A_441] : memref<24576xi32, #tpu.memory_space<vmem_shared>> -> memref<3072xi32, #tpu.memory_space<vmem_shared>>
        %dma_wait3A_949 = arith.constant 39936 : i32
        %dma_wait3A_950 = tpu.memref_slice %arg5[%dma_wait3A_949] : memref<73728xi32, #tpu.memory_space<vmem>> -> memref<3072xi32, #tpu.memory_space<vmem>>
        %dma_wait3A_951 = tpu.memref_slice %arg6[%add3A_441] : memref<24576xi32, #tpu.memory_space<vmem_shared>> -> memref<3072xi32, #tpu.memory_space<vmem_shared>>
        tpu.wait_dma2 semaphore(%run_scoped3A : memref<!tpu.dma_semaphore, #tpu.memory_space<semaphore_mem>>) src(%dma_wait3A_951 : memref<3072xi32, #tpu.memory_space<vmem_shared>>) dst(%dma_wait3A_950 : memref<3072xi32, #tpu.memory_space<vmem>>)
        tpu.yield
      }) : () -> ()
    } else {
    }
    %mul3A_453 = arith.constant 3072 : i32
    %mul3A_454 = arith.muli %select_n3A_40, %mul3A_453 : i32
    %add3A_455 = arith.constant 0 : i32
    %add3A_456 = arith.addi %add3A_455, %mul3A_454 : i32
    %eq3A_457 = arith.constant 2 : i32
    %eq3A_458 = arith.cmpi eq, %select_n3A_54, %eq3A_457 : i32
    %convert_element_type3A_459 = arith.extui %eq3A_458 : i1 to i32
    %cond3A_460 = arith.constant 0 : i32
    %cond3A_461 = arith.cmpi ne, %convert_element_type3A_459, %cond3A_460 : i32
    scf.if %cond3A_461 {
      %add3A_940 = arith.constant 6144 : i32
      %add3A_941 = arith.addi %mul3A_60, %add3A_940 : i32
      "tpu.region"() ({
        %run_scoped3A = tpu.sem_alloc : memref<!tpu.dma_semaphore, #tpu.memory_space<semaphore_mem>>
        %dma_start3A_942 = tpu.memref_slice %arg5[%add3A_941] : memref<73728xi32, #tpu.memory_space<vmem>> -> memref<3072xi32, #tpu.memory_space<vmem>>
        %dma_start3A_943 = tpu.memref_slice %arg6[%add3A_456] : memref<24576xi32, #tpu.memory_space<vmem_shared>> -> memref<3072xi32, #tpu.memory_space<vmem_shared>>
        %dma_start3A_944 = tpu.memref_slice %arg6[%add3A_456] : memref<24576xi32, #tpu.memory_space<vmem_shared>> -> memref<3072xi32, #tpu.memory_space<vmem_shared>>
        %dma_start3A_945 = tpu.memref_slice %arg5[%add3A_941] : memref<73728xi32, #tpu.memory_space<vmem>> -> memref<3072xi32, #tpu.memory_space<vmem>>
        tpu.enqueue_dma source(%dma_start3A_945 : memref<3072xi32, #tpu.memory_space<vmem>>) target(%dma_start3A_944 : memref<3072xi32, #tpu.memory_space<vmem_shared>>) target_semaphore(%run_scoped3A : memref<!tpu.dma_semaphore, #tpu.memory_space<semaphore_mem>>)
        %dma_wait3A_946 = tpu.memref_slice %arg5[%add3A_941] : memref<73728xi32, #tpu.memory_space<vmem>> -> memref<3072xi32, #tpu.memory_space<vmem>>
        %dma_wait3A_947 = tpu.memref_slice %arg6[%add3A_456] : memref<24576xi32, #tpu.memory_space<vmem_shared>> -> memref<3072xi32, #tpu.memory_space<vmem_shared>>
        %dma_wait3A_948 = tpu.memref_slice %arg6[%add3A_456] : memref<24576xi32, #tpu.memory_space<vmem_shared>> -> memref<3072xi32, #tpu.memory_space<vmem_shared>>
        %dma_wait3A_949 = tpu.memref_slice %arg5[%add3A_941] : memref<73728xi32, #tpu.memory_space<vmem>> -> memref<3072xi32, #tpu.memory_space<vmem>>
        tpu.wait_dma2 semaphore(%run_scoped3A : memref<!tpu.dma_semaphore, #tpu.memory_space<semaphore_mem>>) src(%dma_wait3A_949 : memref<3072xi32, #tpu.memory_space<vmem>>) dst(%dma_wait3A_948 : memref<3072xi32, #tpu.memory_space<vmem_shared>>)
        tpu.yield
      }) : () -> ()
    } else {
    }
    %barrier3A_462 = arith.constant 0 : index
    tpu.barrier barrier_id(%barrier3A_462)
    %ne3A_463 = arith.constant 2 : i32
    %ne3A_464 = arith.cmpi ne, %select_n3A_54, %ne3A_463 : i32
    %convert_element_type3A_465 = arith.extui %ne3A_464 : i1 to i32
    %cond3A_466 = arith.constant 0 : i32
    %cond3A_467 = arith.cmpi ne, %convert_element_type3A_465, %cond3A_466 : i32
    scf.if %cond3A_467 {
      "tpu.region"() ({
        %run_scoped3A = tpu.sem_alloc : memref<!tpu.dma_semaphore, #tpu.memory_space<semaphore_mem>>
        %dma_start3A_940 = arith.constant 43008 : i32
        %dma_start3A_941 = tpu.memref_slice %arg5[%dma_start3A_940] : memref<73728xi32, #tpu.memory_space<vmem>> -> memref<3072xi32, #tpu.memory_space<vmem>>
        %dma_start3A_942 = tpu.memref_slice %arg6[%add3A_456] : memref<24576xi32, #tpu.memory_space<vmem_shared>> -> memref<3072xi32, #tpu.memory_space<vmem_shared>>
        %dma_start3A_943 = arith.constant 43008 : i32
        %dma_start3A_944 = tpu.memref_slice %arg5[%dma_start3A_943] : memref<73728xi32, #tpu.memory_space<vmem>> -> memref<3072xi32, #tpu.memory_space<vmem>>
        %dma_start3A_945 = tpu.memref_slice %arg6[%add3A_456] : memref<24576xi32, #tpu.memory_space<vmem_shared>> -> memref<3072xi32, #tpu.memory_space<vmem_shared>>
        tpu.enqueue_dma source(%dma_start3A_945 : memref<3072xi32, #tpu.memory_space<vmem_shared>>) target(%dma_start3A_944 : memref<3072xi32, #tpu.memory_space<vmem>>) target_semaphore(%run_scoped3A : memref<!tpu.dma_semaphore, #tpu.memory_space<semaphore_mem>>)
        %dma_wait3A_946 = arith.constant 43008 : i32
        %dma_wait3A_947 = tpu.memref_slice %arg5[%dma_wait3A_946] : memref<73728xi32, #tpu.memory_space<vmem>> -> memref<3072xi32, #tpu.memory_space<vmem>>
        %dma_wait3A_948 = tpu.memref_slice %arg6[%add3A_456] : memref<24576xi32, #tpu.memory_space<vmem_shared>> -> memref<3072xi32, #tpu.memory_space<vmem_shared>>
        %dma_wait3A_949 = arith.constant 43008 : i32
        %dma_wait3A_950 = tpu.memref_slice %arg5[%dma_wait3A_949] : memref<73728xi32, #tpu.memory_space<vmem>> -> memref<3072xi32, #tpu.memory_space<vmem>>
        %dma_wait3A_951 = tpu.memref_slice %arg6[%add3A_456] : memref<24576xi32, #tpu.memory_space<vmem_shared>> -> memref<3072xi32, #tpu.memory_space<vmem_shared>>
        tpu.wait_dma2 semaphore(%run_scoped3A : memref<!tpu.dma_semaphore, #tpu.memory_space<semaphore_mem>>) src(%dma_wait3A_951 : memref<3072xi32, #tpu.memory_space<vmem_shared>>) dst(%dma_wait3A_950 : memref<3072xi32, #tpu.memory_space<vmem>>)
        tpu.yield
      }) : () -> ()
    } else {
    }
    %mul3A_468 = arith.constant 3072 : i32
    %mul3A_469 = arith.muli %select_n3A_40, %mul3A_468 : i32
    %add3A_470 = arith.constant 12288 : i32
    %add3A_471 = arith.addi %add3A_470, %mul3A_469 : i32
    %eq3A_472 = arith.constant 2 : i32
    %eq3A_473 = arith.cmpi eq, %select_n3A_54, %eq3A_472 : i32
    %convert_element_type3A_474 = arith.extui %eq3A_473 : i1 to i32
    %cond3A_475 = arith.constant 0 : i32
    %cond3A_476 = arith.cmpi ne, %convert_element_type3A_474, %cond3A_475 : i32
    scf.if %cond3A_476 {
      %add3A_940 = arith.constant 9216 : i32
      %add3A_941 = arith.addi %mul3A_60, %add3A_940 : i32
      "tpu.region"() ({
        %run_scoped3A = tpu.sem_alloc : memref<!tpu.dma_semaphore, #tpu.memory_space<semaphore_mem>>
        %dma_start3A_942 = tpu.memref_slice %arg5[%add3A_941] : memref<73728xi32, #tpu.memory_space<vmem>> -> memref<3072xi32, #tpu.memory_space<vmem>>
        %dma_start3A_943 = tpu.memref_slice %arg6[%add3A_471] : memref<24576xi32, #tpu.memory_space<vmem_shared>> -> memref<3072xi32, #tpu.memory_space<vmem_shared>>
        %dma_start3A_944 = tpu.memref_slice %arg6[%add3A_471] : memref<24576xi32, #tpu.memory_space<vmem_shared>> -> memref<3072xi32, #tpu.memory_space<vmem_shared>>
        %dma_start3A_945 = tpu.memref_slice %arg5[%add3A_941] : memref<73728xi32, #tpu.memory_space<vmem>> -> memref<3072xi32, #tpu.memory_space<vmem>>
        tpu.enqueue_dma source(%dma_start3A_945 : memref<3072xi32, #tpu.memory_space<vmem>>) target(%dma_start3A_944 : memref<3072xi32, #tpu.memory_space<vmem_shared>>) target_semaphore(%run_scoped3A : memref<!tpu.dma_semaphore, #tpu.memory_space<semaphore_mem>>)
        %dma_wait3A_946 = tpu.memref_slice %arg5[%add3A_941] : memref<73728xi32, #tpu.memory_space<vmem>> -> memref<3072xi32, #tpu.memory_space<vmem>>
        %dma_wait3A_947 = tpu.memref_slice %arg6[%add3A_471] : memref<24576xi32, #tpu.memory_space<vmem_shared>> -> memref<3072xi32, #tpu.memory_space<vmem_shared>>
        %dma_wait3A_948 = tpu.memref_slice %arg6[%add3A_471] : memref<24576xi32, #tpu.memory_space<vmem_shared>> -> memref<3072xi32, #tpu.memory_space<vmem_shared>>
        %dma_wait3A_949 = tpu.memref_slice %arg5[%add3A_941] : memref<73728xi32, #tpu.memory_space<vmem>> -> memref<3072xi32, #tpu.memory_space<vmem>>
        tpu.wait_dma2 semaphore(%run_scoped3A : memref<!tpu.dma_semaphore, #tpu.memory_space<semaphore_mem>>) src(%dma_wait3A_949 : memref<3072xi32, #tpu.memory_space<vmem>>) dst(%dma_wait3A_948 : memref<3072xi32, #tpu.memory_space<vmem_shared>>)
        tpu.yield
      }) : () -> ()
    } else {
    }
    %barrier3A_477 = arith.constant 0 : index
    tpu.barrier barrier_id(%barrier3A_477)
    %ne3A_478 = arith.constant 2 : i32
    %ne3A_479 = arith.cmpi ne, %select_n3A_54, %ne3A_478 : i32
    %convert_element_type3A_480 = arith.extui %ne3A_479 : i1 to i32
    %cond3A_481 = arith.constant 0 : i32
    %cond3A_482 = arith.cmpi ne, %convert_element_type3A_480, %cond3A_481 : i32
    scf.if %cond3A_482 {
      "tpu.region"() ({
        %run_scoped3A = tpu.sem_alloc : memref<!tpu.dma_semaphore, #tpu.memory_space<semaphore_mem>>
        %dma_start3A_940 = arith.constant 46080 : i32
        %dma_start3A_941 = tpu.memref_slice %arg5[%dma_start3A_940] : memref<73728xi32, #tpu.memory_space<vmem>> -> memref<3072xi32, #tpu.memory_space<vmem>>
        %dma_start3A_942 = tpu.memref_slice %arg6[%add3A_471] : memref<24576xi32, #tpu.memory_space<vmem_shared>> -> memref<3072xi32, #tpu.memory_space<vmem_shared>>
        %dma_start3A_943 = arith.constant 46080 : i32
        %dma_start3A_944 = tpu.memref_slice %arg5[%dma_start3A_943] : memref<73728xi32, #tpu.memory_space<vmem>> -> memref<3072xi32, #tpu.memory_space<vmem>>
        %dma_start3A_945 = tpu.memref_slice %arg6[%add3A_471] : memref<24576xi32, #tpu.memory_space<vmem_shared>> -> memref<3072xi32, #tpu.memory_space<vmem_shared>>
        tpu.enqueue_dma source(%dma_start3A_945 : memref<3072xi32, #tpu.memory_space<vmem_shared>>) target(%dma_start3A_944 : memref<3072xi32, #tpu.memory_space<vmem>>) target_semaphore(%run_scoped3A : memref<!tpu.dma_semaphore, #tpu.memory_space<semaphore_mem>>)
        %dma_wait3A_946 = arith.constant 46080 : i32
        %dma_wait3A_947 = tpu.memref_slice %arg5[%dma_wait3A_946] : memref<73728xi32, #tpu.memory_space<vmem>> -> memref<3072xi32, #tpu.memory_space<vmem>>
        %dma_wait3A_948 = tpu.memref_slice %arg6[%add3A_471] : memref<24576xi32, #tpu.memory_space<vmem_shared>> -> memref<3072xi32, #tpu.memory_space<vmem_shared>>
        %dma_wait3A_949 = arith.constant 46080 : i32
        %dma_wait3A_950 = tpu.memref_slice %arg5[%dma_wait3A_949] : memref<73728xi32, #tpu.memory_space<vmem>> -> memref<3072xi32, #tpu.memory_space<vmem>>
        %dma_wait3A_951 = tpu.memref_slice %arg6[%add3A_471] : memref<24576xi32, #tpu.memory_space<vmem_shared>> -> memref<3072xi32, #tpu.memory_space<vmem_shared>>
        tpu.wait_dma2 semaphore(%run_scoped3A : memref<!tpu.dma_semaphore, #tpu.memory_space<semaphore_mem>>) src(%dma_wait3A_951 : memref<3072xi32, #tpu.memory_space<vmem_shared>>) dst(%dma_wait3A_950 : memref<3072xi32, #tpu.memory_space<vmem>>)
        tpu.yield
      }) : () -> ()
    } else {
    }
    %mul3A_483 = arith.constant 3072 : i32
    %mul3A_484 = arith.muli %select_n3A_40, %mul3A_483 : i32
    %add3A_485 = arith.constant 0 : i32
    %add3A_486 = arith.addi %add3A_485, %mul3A_484 : i32
    %eq3A_487 = arith.constant 2 : i32
    %eq3A_488 = arith.cmpi eq, %select_n3A_54, %eq3A_487 : i32
    %convert_element_type3A_489 = arith.extui %eq3A_488 : i1 to i32
    %cond3A_490 = arith.constant 0 : i32
    %cond3A_491 = arith.cmpi ne, %convert_element_type3A_489, %cond3A_490 : i32
    scf.if %cond3A_491 {
      %add3A_940 = arith.constant 12288 : i32
      %add3A_941 = arith.addi %mul3A_60, %add3A_940 : i32
      "tpu.region"() ({
        %run_scoped3A = tpu.sem_alloc : memref<!tpu.dma_semaphore, #tpu.memory_space<semaphore_mem>>
        %dma_start3A_942 = tpu.memref_slice %arg5[%add3A_941] : memref<73728xi32, #tpu.memory_space<vmem>> -> memref<3072xi32, #tpu.memory_space<vmem>>
        %dma_start3A_943 = tpu.memref_slice %arg6[%add3A_486] : memref<24576xi32, #tpu.memory_space<vmem_shared>> -> memref<3072xi32, #tpu.memory_space<vmem_shared>>
        %dma_start3A_944 = tpu.memref_slice %arg6[%add3A_486] : memref<24576xi32, #tpu.memory_space<vmem_shared>> -> memref<3072xi32, #tpu.memory_space<vmem_shared>>
        %dma_start3A_945 = tpu.memref_slice %arg5[%add3A_941] : memref<73728xi32, #tpu.memory_space<vmem>> -> memref<3072xi32, #tpu.memory_space<vmem>>
        tpu.enqueue_dma source(%dma_start3A_945 : memref<3072xi32, #tpu.memory_space<vmem>>) target(%dma_start3A_944 : memref<3072xi32, #tpu.memory_space<vmem_shared>>) target_semaphore(%run_scoped3A : memref<!tpu.dma_semaphore, #tpu.memory_space<semaphore_mem>>)
        %dma_wait3A_946 = tpu.memref_slice %arg5[%add3A_941] : memref<73728xi32, #tpu.memory_space<vmem>> -> memref<3072xi32, #tpu.memory_space<vmem>>
        %dma_wait3A_947 = tpu.memref_slice %arg6[%add3A_486] : memref<24576xi32, #tpu.memory_space<vmem_shared>> -> memref<3072xi32, #tpu.memory_space<vmem_shared>>
        %dma_wait3A_948 = tpu.memref_slice %arg6[%add3A_486] : memref<24576xi32, #tpu.memory_space<vmem_shared>> -> memref<3072xi32, #tpu.memory_space<vmem_shared>>
        %dma_wait3A_949 = tpu.memref_slice %arg5[%add3A_941] : memref<73728xi32, #tpu.memory_space<vmem>> -> memref<3072xi32, #tpu.memory_space<vmem>>
        tpu.wait_dma2 semaphore(%run_scoped3A : memref<!tpu.dma_semaphore, #tpu.memory_space<semaphore_mem>>) src(%dma_wait3A_949 : memref<3072xi32, #tpu.memory_space<vmem>>) dst(%dma_wait3A_948 : memref<3072xi32, #tpu.memory_space<vmem_shared>>)
        tpu.yield
      }) : () -> ()
    } else {
    }
    %barrier3A_492 = arith.constant 0 : index
    tpu.barrier barrier_id(%barrier3A_492)
    %ne3A_493 = arith.constant 2 : i32
    %ne3A_494 = arith.cmpi ne, %select_n3A_54, %ne3A_493 : i32
    %convert_element_type3A_495 = arith.extui %ne3A_494 : i1 to i32
    %cond3A_496 = arith.constant 0 : i32
    %cond3A_497 = arith.cmpi ne, %convert_element_type3A_495, %cond3A_496 : i32
    scf.if %cond3A_497 {
      "tpu.region"() ({
        %run_scoped3A = tpu.sem_alloc : memref<!tpu.dma_semaphore, #tpu.memory_space<semaphore_mem>>
        %dma_start3A_940 = arith.constant 49152 : i32
        %dma_start3A_941 = tpu.memref_slice %arg5[%dma_start3A_940] : memref<73728xi32, #tpu.memory_space<vmem>> -> memref<3072xi32, #tpu.memory_space<vmem>>
        %dma_start3A_942 = tpu.memref_slice %arg6[%add3A_486] : memref<24576xi32, #tpu.memory_space<vmem_shared>> -> memref<3072xi32, #tpu.memory_space<vmem_shared>>
        %dma_start3A_943 = arith.constant 49152 : i32
        %dma_start3A_944 = tpu.memref_slice %arg5[%dma_start3A_943] : memref<73728xi32, #tpu.memory_space<vmem>> -> memref<3072xi32, #tpu.memory_space<vmem>>
        %dma_start3A_945 = tpu.memref_slice %arg6[%add3A_486] : memref<24576xi32, #tpu.memory_space<vmem_shared>> -> memref<3072xi32, #tpu.memory_space<vmem_shared>>
        tpu.enqueue_dma source(%dma_start3A_945 : memref<3072xi32, #tpu.memory_space<vmem_shared>>) target(%dma_start3A_944 : memref<3072xi32, #tpu.memory_space<vmem>>) target_semaphore(%run_scoped3A : memref<!tpu.dma_semaphore, #tpu.memory_space<semaphore_mem>>)
        %dma_wait3A_946 = arith.constant 49152 : i32
        %dma_wait3A_947 = tpu.memref_slice %arg5[%dma_wait3A_946] : memref<73728xi32, #tpu.memory_space<vmem>> -> memref<3072xi32, #tpu.memory_space<vmem>>
        %dma_wait3A_948 = tpu.memref_slice %arg6[%add3A_486] : memref<24576xi32, #tpu.memory_space<vmem_shared>> -> memref<3072xi32, #tpu.memory_space<vmem_shared>>
        %dma_wait3A_949 = arith.constant 49152 : i32
        %dma_wait3A_950 = tpu.memref_slice %arg5[%dma_wait3A_949] : memref<73728xi32, #tpu.memory_space<vmem>> -> memref<3072xi32, #tpu.memory_space<vmem>>
        %dma_wait3A_951 = tpu.memref_slice %arg6[%add3A_486] : memref<24576xi32, #tpu.memory_space<vmem_shared>> -> memref<3072xi32, #tpu.memory_space<vmem_shared>>
        tpu.wait_dma2 semaphore(%run_scoped3A : memref<!tpu.dma_semaphore, #tpu.memory_space<semaphore_mem>>) src(%dma_wait3A_951 : memref<3072xi32, #tpu.memory_space<vmem_shared>>) dst(%dma_wait3A_950 : memref<3072xi32, #tpu.memory_space<vmem>>)
        tpu.yield
      }) : () -> ()
    } else {
    }
    %mul3A_498 = arith.constant 3072 : i32
    %mul3A_499 = arith.muli %select_n3A_40, %mul3A_498 : i32
    %add3A_500 = arith.constant 12288 : i32
    %add3A_501 = arith.addi %add3A_500, %mul3A_499 : i32
    %eq3A_502 = arith.constant 2 : i32
    %eq3A_503 = arith.cmpi eq, %select_n3A_54, %eq3A_502 : i32
    %convert_element_type3A_504 = arith.extui %eq3A_503 : i1 to i32
    %cond3A_505 = arith.constant 0 : i32
    %cond3A_506 = arith.cmpi ne, %convert_element_type3A_504, %cond3A_505 : i32
    scf.if %cond3A_506 {
      %add3A_940 = arith.constant 15360 : i32
      %add3A_941 = arith.addi %mul3A_60, %add3A_940 : i32
      "tpu.region"() ({
        %run_scoped3A = tpu.sem_alloc : memref<!tpu.dma_semaphore, #tpu.memory_space<semaphore_mem>>
        %dma_start3A_942 = tpu.memref_slice %arg5[%add3A_941] : memref<73728xi32, #tpu.memory_space<vmem>> -> memref<3072xi32, #tpu.memory_space<vmem>>
        %dma_start3A_943 = tpu.memref_slice %arg6[%add3A_501] : memref<24576xi32, #tpu.memory_space<vmem_shared>> -> memref<3072xi32, #tpu.memory_space<vmem_shared>>
        %dma_start3A_944 = tpu.memref_slice %arg6[%add3A_501] : memref<24576xi32, #tpu.memory_space<vmem_shared>> -> memref<3072xi32, #tpu.memory_space<vmem_shared>>
        %dma_start3A_945 = tpu.memref_slice %arg5[%add3A_941] : memref<73728xi32, #tpu.memory_space<vmem>> -> memref<3072xi32, #tpu.memory_space<vmem>>
        tpu.enqueue_dma source(%dma_start3A_945 : memref<3072xi32, #tpu.memory_space<vmem>>) target(%dma_start3A_944 : memref<3072xi32, #tpu.memory_space<vmem_shared>>) target_semaphore(%run_scoped3A : memref<!tpu.dma_semaphore, #tpu.memory_space<semaphore_mem>>)
        %dma_wait3A_946 = tpu.memref_slice %arg5[%add3A_941] : memref<73728xi32, #tpu.memory_space<vmem>> -> memref<3072xi32, #tpu.memory_space<vmem>>
        %dma_wait3A_947 = tpu.memref_slice %arg6[%add3A_501] : memref<24576xi32, #tpu.memory_space<vmem_shared>> -> memref<3072xi32, #tpu.memory_space<vmem_shared>>
        %dma_wait3A_948 = tpu.memref_slice %arg6[%add3A_501] : memref<24576xi32, #tpu.memory_space<vmem_shared>> -> memref<3072xi32, #tpu.memory_space<vmem_shared>>
        %dma_wait3A_949 = tpu.memref_slice %arg5[%add3A_941] : memref<73728xi32, #tpu.memory_space<vmem>> -> memref<3072xi32, #tpu.memory_space<vmem>>
        tpu.wait_dma2 semaphore(%run_scoped3A : memref<!tpu.dma_semaphore, #tpu.memory_space<semaphore_mem>>) src(%dma_wait3A_949 : memref<3072xi32, #tpu.memory_space<vmem>>) dst(%dma_wait3A_948 : memref<3072xi32, #tpu.memory_space<vmem_shared>>)
        tpu.yield
      }) : () -> ()
    } else {
    }
    %barrier3A_507 = arith.constant 0 : index
    tpu.barrier barrier_id(%barrier3A_507)
    %ne3A_508 = arith.constant 2 : i32
    %ne3A_509 = arith.cmpi ne, %select_n3A_54, %ne3A_508 : i32
    %convert_element_type3A_510 = arith.extui %ne3A_509 : i1 to i32
    %cond3A_511 = arith.constant 0 : i32
    %cond3A_512 = arith.cmpi ne, %convert_element_type3A_510, %cond3A_511 : i32
    scf.if %cond3A_512 {
      "tpu.region"() ({
        %run_scoped3A = tpu.sem_alloc : memref<!tpu.dma_semaphore, #tpu.memory_space<semaphore_mem>>
        %dma_start3A_940 = arith.constant 52224 : i32
        %dma_start3A_941 = tpu.memref_slice %arg5[%dma_start3A_940] : memref<73728xi32, #tpu.memory_space<vmem>> -> memref<3072xi32, #tpu.memory_space<vmem>>
        %dma_start3A_942 = tpu.memref_slice %arg6[%add3A_501] : memref<24576xi32, #tpu.memory_space<vmem_shared>> -> memref<3072xi32, #tpu.memory_space<vmem_shared>>
        %dma_start3A_943 = arith.constant 52224 : i32
        %dma_start3A_944 = tpu.memref_slice %arg5[%dma_start3A_943] : memref<73728xi32, #tpu.memory_space<vmem>> -> memref<3072xi32, #tpu.memory_space<vmem>>
        %dma_start3A_945 = tpu.memref_slice %arg6[%add3A_501] : memref<24576xi32, #tpu.memory_space<vmem_shared>> -> memref<3072xi32, #tpu.memory_space<vmem_shared>>
        tpu.enqueue_dma source(%dma_start3A_945 : memref<3072xi32, #tpu.memory_space<vmem_shared>>) target(%dma_start3A_944 : memref<3072xi32, #tpu.memory_space<vmem>>) target_semaphore(%run_scoped3A : memref<!tpu.dma_semaphore, #tpu.memory_space<semaphore_mem>>)
        %dma_wait3A_946 = arith.constant 52224 : i32
        %dma_wait3A_947 = tpu.memref_slice %arg5[%dma_wait3A_946] : memref<73728xi32, #tpu.memory_space<vmem>> -> memref<3072xi32, #tpu.memory_space<vmem>>
        %dma_wait3A_948 = tpu.memref_slice %arg6[%add3A_501] : memref<24576xi32, #tpu.memory_space<vmem_shared>> -> memref<3072xi32, #tpu.memory_space<vmem_shared>>
        %dma_wait3A_949 = arith.constant 52224 : i32
        %dma_wait3A_950 = tpu.memref_slice %arg5[%dma_wait3A_949] : memref<73728xi32, #tpu.memory_space<vmem>> -> memref<3072xi32, #tpu.memory_space<vmem>>
        %dma_wait3A_951 = tpu.memref_slice %arg6[%add3A_501] : memref<24576xi32, #tpu.memory_space<vmem_shared>> -> memref<3072xi32, #tpu.memory_space<vmem_shared>>
        tpu.wait_dma2 semaphore(%run_scoped3A : memref<!tpu.dma_semaphore, #tpu.memory_space<semaphore_mem>>) src(%dma_wait3A_951 : memref<3072xi32, #tpu.memory_space<vmem_shared>>) dst(%dma_wait3A_950 : memref<3072xi32, #tpu.memory_space<vmem>>)
        tpu.yield
      }) : () -> ()
    } else {
    }
    %mul3A_513 = arith.constant 3072 : i32
    %mul3A_514 = arith.muli %select_n3A_40, %mul3A_513 : i32
    %add3A_515 = arith.constant 0 : i32
    %add3A_516 = arith.addi %add3A_515, %mul3A_514 : i32
    %eq3A_517 = arith.constant 3 : i32
    %eq3A_518 = arith.cmpi eq, %select_n3A_54, %eq3A_517 : i32
    %convert_element_type3A_519 = arith.extui %eq3A_518 : i1 to i32
    %cond3A_520 = arith.constant 0 : i32
    %cond3A_521 = arith.cmpi ne, %convert_element_type3A_519, %cond3A_520 : i32
    scf.if %cond3A_521 {
      %add3A_940 = arith.constant 0 : i32
      %add3A_941 = arith.addi %mul3A_60, %add3A_940 : i32
      "tpu.region"() ({
        %run_scoped3A = tpu.sem_alloc : memref<!tpu.dma_semaphore, #tpu.memory_space<semaphore_mem>>
        %dma_start3A_942 = tpu.memref_slice %arg5[%add3A_941] : memref<73728xi32, #tpu.memory_space<vmem>> -> memref<3072xi32, #tpu.memory_space<vmem>>
        %dma_start3A_943 = tpu.memref_slice %arg6[%add3A_516] : memref<24576xi32, #tpu.memory_space<vmem_shared>> -> memref<3072xi32, #tpu.memory_space<vmem_shared>>
        %dma_start3A_944 = tpu.memref_slice %arg6[%add3A_516] : memref<24576xi32, #tpu.memory_space<vmem_shared>> -> memref<3072xi32, #tpu.memory_space<vmem_shared>>
        %dma_start3A_945 = tpu.memref_slice %arg5[%add3A_941] : memref<73728xi32, #tpu.memory_space<vmem>> -> memref<3072xi32, #tpu.memory_space<vmem>>
        tpu.enqueue_dma source(%dma_start3A_945 : memref<3072xi32, #tpu.memory_space<vmem>>) target(%dma_start3A_944 : memref<3072xi32, #tpu.memory_space<vmem_shared>>) target_semaphore(%run_scoped3A : memref<!tpu.dma_semaphore, #tpu.memory_space<semaphore_mem>>)
        %dma_wait3A_946 = tpu.memref_slice %arg5[%add3A_941] : memref<73728xi32, #tpu.memory_space<vmem>> -> memref<3072xi32, #tpu.memory_space<vmem>>
        %dma_wait3A_947 = tpu.memref_slice %arg6[%add3A_516] : memref<24576xi32, #tpu.memory_space<vmem_shared>> -> memref<3072xi32, #tpu.memory_space<vmem_shared>>
        %dma_wait3A_948 = tpu.memref_slice %arg6[%add3A_516] : memref<24576xi32, #tpu.memory_space<vmem_shared>> -> memref<3072xi32, #tpu.memory_space<vmem_shared>>
        %dma_wait3A_949 = tpu.memref_slice %arg5[%add3A_941] : memref<73728xi32, #tpu.memory_space<vmem>> -> memref<3072xi32, #tpu.memory_space<vmem>>
        tpu.wait_dma2 semaphore(%run_scoped3A : memref<!tpu.dma_semaphore, #tpu.memory_space<semaphore_mem>>) src(%dma_wait3A_949 : memref<3072xi32, #tpu.memory_space<vmem>>) dst(%dma_wait3A_948 : memref<3072xi32, #tpu.memory_space<vmem_shared>>)
        tpu.yield
      }) : () -> ()
    } else {
    }
    %barrier3A_522 = arith.constant 0 : index
    tpu.barrier barrier_id(%barrier3A_522)
    %ne3A_523 = arith.constant 3 : i32
    %ne3A_524 = arith.cmpi ne, %select_n3A_54, %ne3A_523 : i32
    %convert_element_type3A_525 = arith.extui %ne3A_524 : i1 to i32
    %cond3A_526 = arith.constant 0 : i32
    %cond3A_527 = arith.cmpi ne, %convert_element_type3A_525, %cond3A_526 : i32
    scf.if %cond3A_527 {
      "tpu.region"() ({
        %run_scoped3A = tpu.sem_alloc : memref<!tpu.dma_semaphore, #tpu.memory_space<semaphore_mem>>
        %dma_start3A_940 = arith.constant 55296 : i32
        %dma_start3A_941 = tpu.memref_slice %arg5[%dma_start3A_940] : memref<73728xi32, #tpu.memory_space<vmem>> -> memref<3072xi32, #tpu.memory_space<vmem>>
        %dma_start3A_942 = tpu.memref_slice %arg6[%add3A_516] : memref<24576xi32, #tpu.memory_space<vmem_shared>> -> memref<3072xi32, #tpu.memory_space<vmem_shared>>
        %dma_start3A_943 = arith.constant 55296 : i32
        %dma_start3A_944 = tpu.memref_slice %arg5[%dma_start3A_943] : memref<73728xi32, #tpu.memory_space<vmem>> -> memref<3072xi32, #tpu.memory_space<vmem>>
        %dma_start3A_945 = tpu.memref_slice %arg6[%add3A_516] : memref<24576xi32, #tpu.memory_space<vmem_shared>> -> memref<3072xi32, #tpu.memory_space<vmem_shared>>
        tpu.enqueue_dma source(%dma_start3A_945 : memref<3072xi32, #tpu.memory_space<vmem_shared>>) target(%dma_start3A_944 : memref<3072xi32, #tpu.memory_space<vmem>>) target_semaphore(%run_scoped3A : memref<!tpu.dma_semaphore, #tpu.memory_space<semaphore_mem>>)
        %dma_wait3A_946 = arith.constant 55296 : i32
        %dma_wait3A_947 = tpu.memref_slice %arg5[%dma_wait3A_946] : memref<73728xi32, #tpu.memory_space<vmem>> -> memref<3072xi32, #tpu.memory_space<vmem>>
        %dma_wait3A_948 = tpu.memref_slice %arg6[%add3A_516] : memref<24576xi32, #tpu.memory_space<vmem_shared>> -> memref<3072xi32, #tpu.memory_space<vmem_shared>>
        %dma_wait3A_949 = arith.constant 55296 : i32
        %dma_wait3A_950 = tpu.memref_slice %arg5[%dma_wait3A_949] : memref<73728xi32, #tpu.memory_space<vmem>> -> memref<3072xi32, #tpu.memory_space<vmem>>
        %dma_wait3A_951 = tpu.memref_slice %arg6[%add3A_516] : memref<24576xi32, #tpu.memory_space<vmem_shared>> -> memref<3072xi32, #tpu.memory_space<vmem_shared>>
        tpu.wait_dma2 semaphore(%run_scoped3A : memref<!tpu.dma_semaphore, #tpu.memory_space<semaphore_mem>>) src(%dma_wait3A_951 : memref<3072xi32, #tpu.memory_space<vmem_shared>>) dst(%dma_wait3A_950 : memref<3072xi32, #tpu.memory_space<vmem>>)
        tpu.yield
      }) : () -> ()
    } else {
    }
    %mul3A_528 = arith.constant 3072 : i32
    %mul3A_529 = arith.muli %select_n3A_40, %mul3A_528 : i32
    %add3A_530 = arith.constant 12288 : i32
    %add3A_531 = arith.addi %add3A_530, %mul3A_529 : i32
    %eq3A_532 = arith.constant 3 : i32
    %eq3A_533 = arith.cmpi eq, %select_n3A_54, %eq3A_532 : i32
    %convert_element_type3A_534 = arith.extui %eq3A_533 : i1 to i32
    %cond3A_535 = arith.constant 0 : i32
    %cond3A_536 = arith.cmpi ne, %convert_element_type3A_534, %cond3A_535 : i32
    scf.if %cond3A_536 {
      %add3A_940 = arith.constant 3072 : i32
      %add3A_941 = arith.addi %mul3A_60, %add3A_940 : i32
      "tpu.region"() ({
        %run_scoped3A = tpu.sem_alloc : memref<!tpu.dma_semaphore, #tpu.memory_space<semaphore_mem>>
        %dma_start3A_942 = tpu.memref_slice %arg5[%add3A_941] : memref<73728xi32, #tpu.memory_space<vmem>> -> memref<3072xi32, #tpu.memory_space<vmem>>
        %dma_start3A_943 = tpu.memref_slice %arg6[%add3A_531] : memref<24576xi32, #tpu.memory_space<vmem_shared>> -> memref<3072xi32, #tpu.memory_space<vmem_shared>>
        %dma_start3A_944 = tpu.memref_slice %arg6[%add3A_531] : memref<24576xi32, #tpu.memory_space<vmem_shared>> -> memref<3072xi32, #tpu.memory_space<vmem_shared>>
        %dma_start3A_945 = tpu.memref_slice %arg5[%add3A_941] : memref<73728xi32, #tpu.memory_space<vmem>> -> memref<3072xi32, #tpu.memory_space<vmem>>
        tpu.enqueue_dma source(%dma_start3A_945 : memref<3072xi32, #tpu.memory_space<vmem>>) target(%dma_start3A_944 : memref<3072xi32, #tpu.memory_space<vmem_shared>>) target_semaphore(%run_scoped3A : memref<!tpu.dma_semaphore, #tpu.memory_space<semaphore_mem>>)
        %dma_wait3A_946 = tpu.memref_slice %arg5[%add3A_941] : memref<73728xi32, #tpu.memory_space<vmem>> -> memref<3072xi32, #tpu.memory_space<vmem>>
        %dma_wait3A_947 = tpu.memref_slice %arg6[%add3A_531] : memref<24576xi32, #tpu.memory_space<vmem_shared>> -> memref<3072xi32, #tpu.memory_space<vmem_shared>>
        %dma_wait3A_948 = tpu.memref_slice %arg6[%add3A_531] : memref<24576xi32, #tpu.memory_space<vmem_shared>> -> memref<3072xi32, #tpu.memory_space<vmem_shared>>
        %dma_wait3A_949 = tpu.memref_slice %arg5[%add3A_941] : memref<73728xi32, #tpu.memory_space<vmem>> -> memref<3072xi32, #tpu.memory_space<vmem>>
        tpu.wait_dma2 semaphore(%run_scoped3A : memref<!tpu.dma_semaphore, #tpu.memory_space<semaphore_mem>>) src(%dma_wait3A_949 : memref<3072xi32, #tpu.memory_space<vmem>>) dst(%dma_wait3A_948 : memref<3072xi32, #tpu.memory_space<vmem_shared>>)
        tpu.yield
      }) : () -> ()
    } else {
    }
    %barrier3A_537 = arith.constant 0 : index
    tpu.barrier barrier_id(%barrier3A_537)
    %ne3A_538 = arith.constant 3 : i32
    %ne3A_539 = arith.cmpi ne, %select_n3A_54, %ne3A_538 : i32
    %convert_element_type3A_540 = arith.extui %ne3A_539 : i1 to i32
    %cond3A_541 = arith.constant 0 : i32
    %cond3A_542 = arith.cmpi ne, %convert_element_type3A_540, %cond3A_541 : i32
    scf.if %cond3A_542 {
      "tpu.region"() ({
        %run_scoped3A = tpu.sem_alloc : memref<!tpu.dma_semaphore, #tpu.memory_space<semaphore_mem>>
        %dma_start3A_940 = arith.constant 58368 : i32
        %dma_start3A_941 = tpu.memref_slice %arg5[%dma_start3A_940] : memref<73728xi32, #tpu.memory_space<vmem>> -> memref<3072xi32, #tpu.memory_space<vmem>>
        %dma_start3A_942 = tpu.memref_slice %arg6[%add3A_531] : memref<24576xi32, #tpu.memory_space<vmem_shared>> -> memref<3072xi32, #tpu.memory_space<vmem_shared>>
        %dma_start3A_943 = arith.constant 58368 : i32
        %dma_start3A_944 = tpu.memref_slice %arg5[%dma_start3A_943] : memref<73728xi32, #tpu.memory_space<vmem>> -> memref<3072xi32, #tpu.memory_space<vmem>>
        %dma_start3A_945 = tpu.memref_slice %arg6[%add3A_531] : memref<24576xi32, #tpu.memory_space<vmem_shared>> -> memref<3072xi32, #tpu.memory_space<vmem_shared>>
        tpu.enqueue_dma source(%dma_start3A_945 : memref<3072xi32, #tpu.memory_space<vmem_shared>>) target(%dma_start3A_944 : memref<3072xi32, #tpu.memory_space<vmem>>) target_semaphore(%run_scoped3A : memref<!tpu.dma_semaphore, #tpu.memory_space<semaphore_mem>>)
        %dma_wait3A_946 = arith.constant 58368 : i32
        %dma_wait3A_947 = tpu.memref_slice %arg5[%dma_wait3A_946] : memref<73728xi32, #tpu.memory_space<vmem>> -> memref<3072xi32, #tpu.memory_space<vmem>>
        %dma_wait3A_948 = tpu.memref_slice %arg6[%add3A_531] : memref<24576xi32, #tpu.memory_space<vmem_shared>> -> memref<3072xi32, #tpu.memory_space<vmem_shared>>
        %dma_wait3A_949 = arith.constant 58368 : i32
        %dma_wait3A_950 = tpu.memref_slice %arg5[%dma_wait3A_949] : memref<73728xi32, #tpu.memory_space<vmem>> -> memref<3072xi32, #tpu.memory_space<vmem>>
        %dma_wait3A_951 = tpu.memref_slice %arg6[%add3A_531] : memref<24576xi32, #tpu.memory_space<vmem_shared>> -> memref<3072xi32, #tpu.memory_space<vmem_shared>>
        tpu.wait_dma2 semaphore(%run_scoped3A : memref<!tpu.dma_semaphore, #tpu.memory_space<semaphore_mem>>) src(%dma_wait3A_951 : memref<3072xi32, #tpu.memory_space<vmem_shared>>) dst(%dma_wait3A_950 : memref<3072xi32, #tpu.memory_space<vmem>>)
        tpu.yield
      }) : () -> ()
    } else {
    }
    %mul3A_543 = arith.constant 3072 : i32
    %mul3A_544 = arith.muli %select_n3A_40, %mul3A_543 : i32
    %add3A_545 = arith.constant 0 : i32
    %add3A_546 = arith.addi %add3A_545, %mul3A_544 : i32
    %eq3A_547 = arith.constant 3 : i32
    %eq3A_548 = arith.cmpi eq, %select_n3A_54, %eq3A_547 : i32
    %convert_element_type3A_549 = arith.extui %eq3A_548 : i1 to i32
    %cond3A_550 = arith.constant 0 : i32
    %cond3A_551 = arith.cmpi ne, %convert_element_type3A_549, %cond3A_550 : i32
    scf.if %cond3A_551 {
      %add3A_940 = arith.constant 6144 : i32
      %add3A_941 = arith.addi %mul3A_60, %add3A_940 : i32
      "tpu.region"() ({
        %run_scoped3A = tpu.sem_alloc : memref<!tpu.dma_semaphore, #tpu.memory_space<semaphore_mem>>
        %dma_start3A_942 = tpu.memref_slice %arg5[%add3A_941] : memref<73728xi32, #tpu.memory_space<vmem>> -> memref<3072xi32, #tpu.memory_space<vmem>>
        %dma_start3A_943 = tpu.memref_slice %arg6[%add3A_546] : memref<24576xi32, #tpu.memory_space<vmem_shared>> -> memref<3072xi32, #tpu.memory_space<vmem_shared>>
        %dma_start3A_944 = tpu.memref_slice %arg6[%add3A_546] : memref<24576xi32, #tpu.memory_space<vmem_shared>> -> memref<3072xi32, #tpu.memory_space<vmem_shared>>
        %dma_start3A_945 = tpu.memref_slice %arg5[%add3A_941] : memref<73728xi32, #tpu.memory_space<vmem>> -> memref<3072xi32, #tpu.memory_space<vmem>>
        tpu.enqueue_dma source(%dma_start3A_945 : memref<3072xi32, #tpu.memory_space<vmem>>) target(%dma_start3A_944 : memref<3072xi32, #tpu.memory_space<vmem_shared>>) target_semaphore(%run_scoped3A : memref<!tpu.dma_semaphore, #tpu.memory_space<semaphore_mem>>)
        %dma_wait3A_946 = tpu.memref_slice %arg5[%add3A_941] : memref<73728xi32, #tpu.memory_space<vmem>> -> memref<3072xi32, #tpu.memory_space<vmem>>
        %dma_wait3A_947 = tpu.memref_slice %arg6[%add3A_546] : memref<24576xi32, #tpu.memory_space<vmem_shared>> -> memref<3072xi32, #tpu.memory_space<vmem_shared>>
        %dma_wait3A_948 = tpu.memref_slice %arg6[%add3A_546] : memref<24576xi32, #tpu.memory_space<vmem_shared>> -> memref<3072xi32, #tpu.memory_space<vmem_shared>>
        %dma_wait3A_949 = tpu.memref_slice %arg5[%add3A_941] : memref<73728xi32, #tpu.memory_space<vmem>> -> memref<3072xi32, #tpu.memory_space<vmem>>
        tpu.wait_dma2 semaphore(%run_scoped3A : memref<!tpu.dma_semaphore, #tpu.memory_space<semaphore_mem>>) src(%dma_wait3A_949 : memref<3072xi32, #tpu.memory_space<vmem>>) dst(%dma_wait3A_948 : memref<3072xi32, #tpu.memory_space<vmem_shared>>)
        tpu.yield
      }) : () -> ()
    } else {
    }
    %barrier3A_552 = arith.constant 0 : index
    tpu.barrier barrier_id(%barrier3A_552)
    %ne3A_553 = arith.constant 3 : i32
    %ne3A_554 = arith.cmpi ne, %select_n3A_54, %ne3A_553 : i32
    %convert_element_type3A_555 = arith.extui %ne3A_554 : i1 to i32
    %cond3A_556 = arith.constant 0 : i32
    %cond3A_557 = arith.cmpi ne, %convert_element_type3A_555, %cond3A_556 : i32
    scf.if %cond3A_557 {
      "tpu.region"() ({
        %run_scoped3A = tpu.sem_alloc : memref<!tpu.dma_semaphore, #tpu.memory_space<semaphore_mem>>
        %dma_start3A_940 = arith.constant 61440 : i32
        %dma_start3A_941 = tpu.memref_slice %arg5[%dma_start3A_940] : memref<73728xi32, #tpu.memory_space<vmem>> -> memref<3072xi32, #tpu.memory_space<vmem>>
        %dma_start3A_942 = tpu.memref_slice %arg6[%add3A_546] : memref<24576xi32, #tpu.memory_space<vmem_shared>> -> memref<3072xi32, #tpu.memory_space<vmem_shared>>
        %dma_start3A_943 = arith.constant 61440 : i32
        %dma_start3A_944 = tpu.memref_slice %arg5[%dma_start3A_943] : memref<73728xi32, #tpu.memory_space<vmem>> -> memref<3072xi32, #tpu.memory_space<vmem>>
        %dma_start3A_945 = tpu.memref_slice %arg6[%add3A_546] : memref<24576xi32, #tpu.memory_space<vmem_shared>> -> memref<3072xi32, #tpu.memory_space<vmem_shared>>
        tpu.enqueue_dma source(%dma_start3A_945 : memref<3072xi32, #tpu.memory_space<vmem_shared>>) target(%dma_start3A_944 : memref<3072xi32, #tpu.memory_space<vmem>>) target_semaphore(%run_scoped3A : memref<!tpu.dma_semaphore, #tpu.memory_space<semaphore_mem>>)
        %dma_wait3A_946 = arith.constant 61440 : i32
        %dma_wait3A_947 = tpu.memref_slice %arg5[%dma_wait3A_946] : memref<73728xi32, #tpu.memory_space<vmem>> -> memref<3072xi32, #tpu.memory_space<vmem>>
        %dma_wait3A_948 = tpu.memref_slice %arg6[%add3A_546] : memref<24576xi32, #tpu.memory_space<vmem_shared>> -> memref<3072xi32, #tpu.memory_space<vmem_shared>>
        %dma_wait3A_949 = arith.constant 61440 : i32
        %dma_wait3A_950 = tpu.memref_slice %arg5[%dma_wait3A_949] : memref<73728xi32, #tpu.memory_space<vmem>> -> memref<3072xi32, #tpu.memory_space<vmem>>
        %dma_wait3A_951 = tpu.memref_slice %arg6[%add3A_546] : memref<24576xi32, #tpu.memory_space<vmem_shared>> -> memref<3072xi32, #tpu.memory_space<vmem_shared>>
        tpu.wait_dma2 semaphore(%run_scoped3A : memref<!tpu.dma_semaphore, #tpu.memory_space<semaphore_mem>>) src(%dma_wait3A_951 : memref<3072xi32, #tpu.memory_space<vmem_shared>>) dst(%dma_wait3A_950 : memref<3072xi32, #tpu.memory_space<vmem>>)
        tpu.yield
      }) : () -> ()
    } else {
    }
    %mul3A_558 = arith.constant 3072 : i32
    %mul3A_559 = arith.muli %select_n3A_40, %mul3A_558 : i32
    %add3A_560 = arith.constant 12288 : i32
    %add3A_561 = arith.addi %add3A_560, %mul3A_559 : i32
    %eq3A_562 = arith.constant 3 : i32
    %eq3A_563 = arith.cmpi eq, %select_n3A_54, %eq3A_562 : i32
    %convert_element_type3A_564 = arith.extui %eq3A_563 : i1 to i32
    %cond3A_565 = arith.constant 0 : i32
    %cond3A_566 = arith.cmpi ne, %convert_element_type3A_564, %cond3A_565 : i32
    scf.if %cond3A_566 {
      %add3A_940 = arith.constant 9216 : i32
      %add3A_941 = arith.addi %mul3A_60, %add3A_940 : i32
      "tpu.region"() ({
        %run_scoped3A = tpu.sem_alloc : memref<!tpu.dma_semaphore, #tpu.memory_space<semaphore_mem>>
        %dma_start3A_942 = tpu.memref_slice %arg5[%add3A_941] : memref<73728xi32, #tpu.memory_space<vmem>> -> memref<3072xi32, #tpu.memory_space<vmem>>
        %dma_start3A_943 = tpu.memref_slice %arg6[%add3A_561] : memref<24576xi32, #tpu.memory_space<vmem_shared>> -> memref<3072xi32, #tpu.memory_space<vmem_shared>>
        %dma_start3A_944 = tpu.memref_slice %arg6[%add3A_561] : memref<24576xi32, #tpu.memory_space<vmem_shared>> -> memref<3072xi32, #tpu.memory_space<vmem_shared>>
        %dma_start3A_945 = tpu.memref_slice %arg5[%add3A_941] : memref<73728xi32, #tpu.memory_space<vmem>> -> memref<3072xi32, #tpu.memory_space<vmem>>
        tpu.enqueue_dma source(%dma_start3A_945 : memref<3072xi32, #tpu.memory_space<vmem>>) target(%dma_start3A_944 : memref<3072xi32, #tpu.memory_space<vmem_shared>>) target_semaphore(%run_scoped3A : memref<!tpu.dma_semaphore, #tpu.memory_space<semaphore_mem>>)
        %dma_wait3A_946 = tpu.memref_slice %arg5[%add3A_941] : memref<73728xi32, #tpu.memory_space<vmem>> -> memref<3072xi32, #tpu.memory_space<vmem>>
        %dma_wait3A_947 = tpu.memref_slice %arg6[%add3A_561] : memref<24576xi32, #tpu.memory_space<vmem_shared>> -> memref<3072xi32, #tpu.memory_space<vmem_shared>>
        %dma_wait3A_948 = tpu.memref_slice %arg6[%add3A_561] : memref<24576xi32, #tpu.memory_space<vmem_shared>> -> memref<3072xi32, #tpu.memory_space<vmem_shared>>
        %dma_wait3A_949 = tpu.memref_slice %arg5[%add3A_941] : memref<73728xi32, #tpu.memory_space<vmem>> -> memref<3072xi32, #tpu.memory_space<vmem>>
        tpu.wait_dma2 semaphore(%run_scoped3A : memref<!tpu.dma_semaphore, #tpu.memory_space<semaphore_mem>>) src(%dma_wait3A_949 : memref<3072xi32, #tpu.memory_space<vmem>>) dst(%dma_wait3A_948 : memref<3072xi32, #tpu.memory_space<vmem_shared>>)
        tpu.yield
      }) : () -> ()
    } else {
    }
    %barrier3A_567 = arith.constant 0 : index
    tpu.barrier barrier_id(%barrier3A_567)
    %ne3A_568 = arith.constant 3 : i32
    %ne3A_569 = arith.cmpi ne, %select_n3A_54, %ne3A_568 : i32
    %convert_element_type3A_570 = arith.extui %ne3A_569 : i1 to i32
    %cond3A_571 = arith.constant 0 : i32
    %cond3A_572 = arith.cmpi ne, %convert_element_type3A_570, %cond3A_571 : i32
    scf.if %cond3A_572 {
      "tpu.region"() ({
        %run_scoped3A = tpu.sem_alloc : memref<!tpu.dma_semaphore, #tpu.memory_space<semaphore_mem>>
        %dma_start3A_940 = arith.constant 64512 : i32
        %dma_start3A_941 = tpu.memref_slice %arg5[%dma_start3A_940] : memref<73728xi32, #tpu.memory_space<vmem>> -> memref<3072xi32, #tpu.memory_space<vmem>>
        %dma_start3A_942 = tpu.memref_slice %arg6[%add3A_561] : memref<24576xi32, #tpu.memory_space<vmem_shared>> -> memref<3072xi32, #tpu.memory_space<vmem_shared>>
        %dma_start3A_943 = arith.constant 64512 : i32
        %dma_start3A_944 = tpu.memref_slice %arg5[%dma_start3A_943] : memref<73728xi32, #tpu.memory_space<vmem>> -> memref<3072xi32, #tpu.memory_space<vmem>>
        %dma_start3A_945 = tpu.memref_slice %arg6[%add3A_561] : memref<24576xi32, #tpu.memory_space<vmem_shared>> -> memref<3072xi32, #tpu.memory_space<vmem_shared>>
        tpu.enqueue_dma source(%dma_start3A_945 : memref<3072xi32, #tpu.memory_space<vmem_shared>>) target(%dma_start3A_944 : memref<3072xi32, #tpu.memory_space<vmem>>) target_semaphore(%run_scoped3A : memref<!tpu.dma_semaphore, #tpu.memory_space<semaphore_mem>>)
        %dma_wait3A_946 = arith.constant 64512 : i32
        %dma_wait3A_947 = tpu.memref_slice %arg5[%dma_wait3A_946] : memref<73728xi32, #tpu.memory_space<vmem>> -> memref<3072xi32, #tpu.memory_space<vmem>>
        %dma_wait3A_948 = tpu.memref_slice %arg6[%add3A_561] : memref<24576xi32, #tpu.memory_space<vmem_shared>> -> memref<3072xi32, #tpu.memory_space<vmem_shared>>
        %dma_wait3A_949 = arith.constant 64512 : i32
        %dma_wait3A_950 = tpu.memref_slice %arg5[%dma_wait3A_949] : memref<73728xi32, #tpu.memory_space<vmem>> -> memref<3072xi32, #tpu.memory_space<vmem>>
        %dma_wait3A_951 = tpu.memref_slice %arg6[%add3A_561] : memref<24576xi32, #tpu.memory_space<vmem_shared>> -> memref<3072xi32, #tpu.memory_space<vmem_shared>>
        tpu.wait_dma2 semaphore(%run_scoped3A : memref<!tpu.dma_semaphore, #tpu.memory_space<semaphore_mem>>) src(%dma_wait3A_951 : memref<3072xi32, #tpu.memory_space<vmem_shared>>) dst(%dma_wait3A_950 : memref<3072xi32, #tpu.memory_space<vmem>>)
        tpu.yield
      }) : () -> ()
    } else {
    }
    %mul3A_573 = arith.constant 3072 : i32
    %mul3A_574 = arith.muli %select_n3A_40, %mul3A_573 : i32
    %add3A_575 = arith.constant 0 : i32
    %add3A_576 = arith.addi %add3A_575, %mul3A_574 : i32
    %eq3A_577 = arith.constant 3 : i32
    %eq3A_578 = arith.cmpi eq, %select_n3A_54, %eq3A_577 : i32
    %convert_element_type3A_579 = arith.extui %eq3A_578 : i1 to i32
    %cond3A_580 = arith.constant 0 : i32
    %cond3A_581 = arith.cmpi ne, %convert_element_type3A_579, %cond3A_580 : i32
    scf.if %cond3A_581 {
      %add3A_940 = arith.constant 12288 : i32
      %add3A_941 = arith.addi %mul3A_60, %add3A_940 : i32
      "tpu.region"() ({
        %run_scoped3A = tpu.sem_alloc : memref<!tpu.dma_semaphore, #tpu.memory_space<semaphore_mem>>
        %dma_start3A_942 = tpu.memref_slice %arg5[%add3A_941] : memref<73728xi32, #tpu.memory_space<vmem>> -> memref<3072xi32, #tpu.memory_space<vmem>>
        %dma_start3A_943 = tpu.memref_slice %arg6[%add3A_576] : memref<24576xi32, #tpu.memory_space<vmem_shared>> -> memref<3072xi32, #tpu.memory_space<vmem_shared>>
        %dma_start3A_944 = tpu.memref_slice %arg6[%add3A_576] : memref<24576xi32, #tpu.memory_space<vmem_shared>> -> memref<3072xi32, #tpu.memory_space<vmem_shared>>
        %dma_start3A_945 = tpu.memref_slice %arg5[%add3A_941] : memref<73728xi32, #tpu.memory_space<vmem>> -> memref<3072xi32, #tpu.memory_space<vmem>>
        tpu.enqueue_dma source(%dma_start3A_945 : memref<3072xi32, #tpu.memory_space<vmem>>) target(%dma_start3A_944 : memref<3072xi32, #tpu.memory_space<vmem_shared>>) target_semaphore(%run_scoped3A : memref<!tpu.dma_semaphore, #tpu.memory_space<semaphore_mem>>)
        %dma_wait3A_946 = tpu.memref_slice %arg5[%add3A_941] : memref<73728xi32, #tpu.memory_space<vmem>> -> memref<3072xi32, #tpu.memory_space<vmem>>
        %dma_wait3A_947 = tpu.memref_slice %arg6[%add3A_576] : memref<24576xi32, #tpu.memory_space<vmem_shared>> -> memref<3072xi32, #tpu.memory_space<vmem_shared>>
        %dma_wait3A_948 = tpu.memref_slice %arg6[%add3A_576] : memref<24576xi32, #tpu.memory_space<vmem_shared>> -> memref<3072xi32, #tpu.memory_space<vmem_shared>>
        %dma_wait3A_949 = tpu.memref_slice %arg5[%add3A_941] : memref<73728xi32, #tpu.memory_space<vmem>> -> memref<3072xi32, #tpu.memory_space<vmem>>
        tpu.wait_dma2 semaphore(%run_scoped3A : memref<!tpu.dma_semaphore, #tpu.memory_space<semaphore_mem>>) src(%dma_wait3A_949 : memref<3072xi32, #tpu.memory_space<vmem>>) dst(%dma_wait3A_948 : memref<3072xi32, #tpu.memory_space<vmem_shared>>)
        tpu.yield
      }) : () -> ()
    } else {
    }
    %barrier3A_582 = arith.constant 0 : index
    tpu.barrier barrier_id(%barrier3A_582)
    %ne3A_583 = arith.constant 3 : i32
    %ne3A_584 = arith.cmpi ne, %select_n3A_54, %ne3A_583 : i32
    %convert_element_type3A_585 = arith.extui %ne3A_584 : i1 to i32
    %cond3A_586 = arith.constant 0 : i32
    %cond3A_587 = arith.cmpi ne, %convert_element_type3A_585, %cond3A_586 : i32
    scf.if %cond3A_587 {
      "tpu.region"() ({
        %run_scoped3A = tpu.sem_alloc : memref<!tpu.dma_semaphore, #tpu.memory_space<semaphore_mem>>
        %dma_start3A_940 = arith.constant 67584 : i32
        %dma_start3A_941 = tpu.memref_slice %arg5[%dma_start3A_940] : memref<73728xi32, #tpu.memory_space<vmem>> -> memref<3072xi32, #tpu.memory_space<vmem>>
        %dma_start3A_942 = tpu.memref_slice %arg6[%add3A_576] : memref<24576xi32, #tpu.memory_space<vmem_shared>> -> memref<3072xi32, #tpu.memory_space<vmem_shared>>
        %dma_start3A_943 = arith.constant 67584 : i32
        %dma_start3A_944 = tpu.memref_slice %arg5[%dma_start3A_943] : memref<73728xi32, #tpu.memory_space<vmem>> -> memref<3072xi32, #tpu.memory_space<vmem>>
        %dma_start3A_945 = tpu.memref_slice %arg6[%add3A_576] : memref<24576xi32, #tpu.memory_space<vmem_shared>> -> memref<3072xi32, #tpu.memory_space<vmem_shared>>
        tpu.enqueue_dma source(%dma_start3A_945 : memref<3072xi32, #tpu.memory_space<vmem_shared>>) target(%dma_start3A_944 : memref<3072xi32, #tpu.memory_space<vmem>>) target_semaphore(%run_scoped3A : memref<!tpu.dma_semaphore, #tpu.memory_space<semaphore_mem>>)
        %dma_wait3A_946 = arith.constant 67584 : i32
        %dma_wait3A_947 = tpu.memref_slice %arg5[%dma_wait3A_946] : memref<73728xi32, #tpu.memory_space<vmem>> -> memref<3072xi32, #tpu.memory_space<vmem>>
        %dma_wait3A_948 = tpu.memref_slice %arg6[%add3A_576] : memref<24576xi32, #tpu.memory_space<vmem_shared>> -> memref<3072xi32, #tpu.memory_space<vmem_shared>>
        %dma_wait3A_949 = arith.constant 67584 : i32
        %dma_wait3A_950 = tpu.memref_slice %arg5[%dma_wait3A_949] : memref<73728xi32, #tpu.memory_space<vmem>> -> memref<3072xi32, #tpu.memory_space<vmem>>
        %dma_wait3A_951 = tpu.memref_slice %arg6[%add3A_576] : memref<24576xi32, #tpu.memory_space<vmem_shared>> -> memref<3072xi32, #tpu.memory_space<vmem_shared>>
        tpu.wait_dma2 semaphore(%run_scoped3A : memref<!tpu.dma_semaphore, #tpu.memory_space<semaphore_mem>>) src(%dma_wait3A_951 : memref<3072xi32, #tpu.memory_space<vmem_shared>>) dst(%dma_wait3A_950 : memref<3072xi32, #tpu.memory_space<vmem>>)
        tpu.yield
      }) : () -> ()
    } else {
    }
    %mul3A_588 = arith.constant 3072 : i32
    %mul3A_589 = arith.muli %select_n3A_40, %mul3A_588 : i32
    %add3A_590 = arith.constant 12288 : i32
    %add3A_591 = arith.addi %add3A_590, %mul3A_589 : i32
    %eq3A_592 = arith.constant 3 : i32
    %eq3A_593 = arith.cmpi eq, %select_n3A_54, %eq3A_592 : i32
    %convert_element_type3A_594 = arith.extui %eq3A_593 : i1 to i32
    %cond3A_595 = arith.constant 0 : i32
    %cond3A_596 = arith.cmpi ne, %convert_element_type3A_594, %cond3A_595 : i32
    scf.if %cond3A_596 {
      %add3A_940 = arith.constant 15360 : i32
      %add3A_941 = arith.addi %mul3A_60, %add3A_940 : i32
      "tpu.region"() ({
        %run_scoped3A = tpu.sem_alloc : memref<!tpu.dma_semaphore, #tpu.memory_space<semaphore_mem>>
        %dma_start3A_942 = tpu.memref_slice %arg5[%add3A_941] : memref<73728xi32, #tpu.memory_space<vmem>> -> memref<3072xi32, #tpu.memory_space<vmem>>
        %dma_start3A_943 = tpu.memref_slice %arg6[%add3A_591] : memref<24576xi32, #tpu.memory_space<vmem_shared>> -> memref<3072xi32, #tpu.memory_space<vmem_shared>>
        %dma_start3A_944 = tpu.memref_slice %arg6[%add3A_591] : memref<24576xi32, #tpu.memory_space<vmem_shared>> -> memref<3072xi32, #tpu.memory_space<vmem_shared>>
        %dma_start3A_945 = tpu.memref_slice %arg5[%add3A_941] : memref<73728xi32, #tpu.memory_space<vmem>> -> memref<3072xi32, #tpu.memory_space<vmem>>
        tpu.enqueue_dma source(%dma_start3A_945 : memref<3072xi32, #tpu.memory_space<vmem>>) target(%dma_start3A_944 : memref<3072xi32, #tpu.memory_space<vmem_shared>>) target_semaphore(%run_scoped3A : memref<!tpu.dma_semaphore, #tpu.memory_space<semaphore_mem>>)
        %dma_wait3A_946 = tpu.memref_slice %arg5[%add3A_941] : memref<73728xi32, #tpu.memory_space<vmem>> -> memref<3072xi32, #tpu.memory_space<vmem>>
        %dma_wait3A_947 = tpu.memref_slice %arg6[%add3A_591] : memref<24576xi32, #tpu.memory_space<vmem_shared>> -> memref<3072xi32, #tpu.memory_space<vmem_shared>>
        %dma_wait3A_948 = tpu.memref_slice %arg6[%add3A_591] : memref<24576xi32, #tpu.memory_space<vmem_shared>> -> memref<3072xi32, #tpu.memory_space<vmem_shared>>
        %dma_wait3A_949 = tpu.memref_slice %arg5[%add3A_941] : memref<73728xi32, #tpu.memory_space<vmem>> -> memref<3072xi32, #tpu.memory_space<vmem>>
        tpu.wait_dma2 semaphore(%run_scoped3A : memref<!tpu.dma_semaphore, #tpu.memory_space<semaphore_mem>>) src(%dma_wait3A_949 : memref<3072xi32, #tpu.memory_space<vmem>>) dst(%dma_wait3A_948 : memref<3072xi32, #tpu.memory_space<vmem_shared>>)
        tpu.yield
      }) : () -> ()
    } else {
    }
    %barrier3A_597 = arith.constant 0 : index
    tpu.barrier barrier_id(%barrier3A_597)
    %ne3A_598 = arith.constant 3 : i32
    %ne3A_599 = arith.cmpi ne, %select_n3A_54, %ne3A_598 : i32
    %convert_element_type3A_600 = arith.extui %ne3A_599 : i1 to i32
    %cond3A_601 = arith.constant 0 : i32
    %cond3A_602 = arith.cmpi ne, %convert_element_type3A_600, %cond3A_601 : i32
    scf.if %cond3A_602 {
      "tpu.region"() ({
        %run_scoped3A = tpu.sem_alloc : memref<!tpu.dma_semaphore, #tpu.memory_space<semaphore_mem>>
        %dma_start3A_940 = arith.constant 70656 : i32
        %dma_start3A_941 = tpu.memref_slice %arg5[%dma_start3A_940] : memref<73728xi32, #tpu.memory_space<vmem>> -> memref<3072xi32, #tpu.memory_space<vmem>>
        %dma_start3A_942 = tpu.memref_slice %arg6[%add3A_591] : memref<24576xi32, #tpu.memory_space<vmem_shared>> -> memref<3072xi32, #tpu.memory_space<vmem_shared>>
        %dma_start3A_943 = arith.constant 70656 : i32
        %dma_start3A_944 = tpu.memref_slice %arg5[%dma_start3A_943] : memref<73728xi32, #tpu.memory_space<vmem>> -> memref<3072xi32, #tpu.memory_space<vmem>>
        %dma_start3A_945 = tpu.memref_slice %arg6[%add3A_591] : memref<24576xi32, #tpu.memory_space<vmem_shared>> -> memref<3072xi32, #tpu.memory_space<vmem_shared>>
        tpu.enqueue_dma source(%dma_start3A_945 : memref<3072xi32, #tpu.memory_space<vmem_shared>>) target(%dma_start3A_944 : memref<3072xi32, #tpu.memory_space<vmem>>) target_semaphore(%run_scoped3A : memref<!tpu.dma_semaphore, #tpu.memory_space<semaphore_mem>>)
        %dma_wait3A_946 = arith.constant 70656 : i32
        %dma_wait3A_947 = tpu.memref_slice %arg5[%dma_wait3A_946] : memref<73728xi32, #tpu.memory_space<vmem>> -> memref<3072xi32, #tpu.memory_space<vmem>>
        %dma_wait3A_948 = tpu.memref_slice %arg6[%add3A_591] : memref<24576xi32, #tpu.memory_space<vmem_shared>> -> memref<3072xi32, #tpu.memory_space<vmem_shared>>
        %dma_wait3A_949 = arith.constant 70656 : i32
        %dma_wait3A_950 = tpu.memref_slice %arg5[%dma_wait3A_949] : memref<73728xi32, #tpu.memory_space<vmem>> -> memref<3072xi32, #tpu.memory_space<vmem>>
        %dma_wait3A_951 = tpu.memref_slice %arg6[%add3A_591] : memref<24576xi32, #tpu.memory_space<vmem_shared>> -> memref<3072xi32, #tpu.memory_space<vmem_shared>>
        tpu.wait_dma2 semaphore(%run_scoped3A : memref<!tpu.dma_semaphore, #tpu.memory_space<semaphore_mem>>) src(%dma_wait3A_951 : memref<3072xi32, #tpu.memory_space<vmem_shared>>) dst(%dma_wait3A_950 : memref<3072xi32, #tpu.memory_space<vmem>>)
        tpu.yield
      }) : () -> ()
    } else {
    }
    %barrier3A_603 = arith.constant 0 : index
    tpu.barrier barrier_id(%barrier3A_603)
    %iota3A = tpu.iota {dimensions = array<i32: 0>} : vector<16xi32>
    %convert_element_type3A_604 = arith.sitofp %iota3A : vector<16xi32> to vector<16xf32>
    %add3A_605 = arith.constant 0 : i32
    %add3A_606 = arith.addi %mul3A_56, %add3A_605 : i32
    %mul3A_607 = arith.constant 384 : i32
    %mul3A_608 = arith.muli %add3A, %mul3A_607 : i32
    %add3A_609 = arith.addi %mul3A_608, %add3A_606 : i32
    %mul3A_610 = arith.constant 2 : i32
    %mul3A_611 = arith.muli %add3A_609, %mul3A_610 : i32
    %mul3A_612 = arith.constant 384 : i32
    %mul3A_613 = arith.muli %mul3A_611, %mul3A_612 : i32
    %dma_start3A_614 = arith.constant 0 : i32
    %dma_start3A_615 = arith.constant 0 : i32
    %dma_start3A_616 = tpu.memref_slice %arg9[%dma_start3A_614, %dma_start3A_615] : memref<2x12288xf32, #tpu.memory_space<vmem>> -> memref<1x12288xf32, #tpu.memory_space<vmem>>
    %dma_start3A_617 = tpu.memref_squeeze %dma_start3A_616 : memref<1x12288xf32, #tpu.memory_space<vmem>> -> memref<12288xf32, #tpu.memory_space<vmem>>
    %dma_start3A_618 = tpu.memref_slice %arg3[%mul3A_613] : memref<2359296xf32, #tpu.memory_space<hbm>> -> memref<12288xf32, #tpu.memory_space<hbm>>
    %dma_start3A_619 = arith.constant 0 : i32
    %dma_start3A_620 = tpu.memref_slice %arg9[%dma_start3A_614, %dma_start3A_619] : memref<2x12288xf32, #tpu.memory_space<vmem>> -> memref<1x12288xf32, #tpu.memory_space<vmem>>
    %dma_start3A_621 = tpu.memref_squeeze %dma_start3A_620 : memref<1x12288xf32, #tpu.memory_space<vmem>> -> memref<12288xf32, #tpu.memory_space<vmem>>
    %dma_start3A_622 = tpu.memref_slice %arg3[%mul3A_613] : memref<2359296xf32, #tpu.memory_space<hbm>> -> memref<12288xf32, #tpu.memory_space<hbm>>
    tpu.enqueue_dma source(%dma_start3A_622 : memref<12288xf32, #tpu.memory_space<hbm>>) target(%dma_start3A_621 : memref<12288xf32, #tpu.memory_space<vmem>>) target_semaphore(%arg13 : memref<!tpu.dma_semaphore, #tpu.memory_space<semaphore_mem>>)
    %add3A_623 = arith.constant 16 : i32
    %add3A_624 = arith.addi %mul3A_56, %add3A_623 : i32
    %mul3A_625 = arith.constant 384 : i32
    %mul3A_626 = arith.muli %add3A, %mul3A_625 : i32
    %add3A_627 = arith.addi %mul3A_626, %add3A_624 : i32
    %mul3A_628 = arith.constant 2 : i32
    %mul3A_629 = arith.muli %add3A_627, %mul3A_628 : i32
    %mul3A_630 = arith.constant 384 : i32
    %mul3A_631 = arith.muli %mul3A_629, %mul3A_630 : i32
    %dma_start3A_632 = arith.constant 1 : i32
    %dma_start3A_633 = arith.constant 0 : i32
    %dma_start3A_634 = tpu.memref_slice %arg9[%dma_start3A_632, %dma_start3A_633] : memref<2x12288xf32, #tpu.memory_space<vmem>> -> memref<1x12288xf32, #tpu.memory_space<vmem>>
    %dma_start3A_635 = tpu.memref_squeeze %dma_start3A_634 : memref<1x12288xf32, #tpu.memory_space<vmem>> -> memref<12288xf32, #tpu.memory_space<vmem>>
    %dma_start3A_636 = tpu.memref_slice %arg3[%mul3A_631] : memref<2359296xf32, #tpu.memory_space<hbm>> -> memref<12288xf32, #tpu.memory_space<hbm>>
    %dma_start3A_637 = arith.constant 0 : i32
    %dma_start3A_638 = tpu.memref_slice %arg9[%dma_start3A_632, %dma_start3A_637] : memref<2x12288xf32, #tpu.memory_space<vmem>> -> memref<1x12288xf32, #tpu.memory_space<vmem>>
    %dma_start3A_639 = tpu.memref_squeeze %dma_start3A_638 : memref<1x12288xf32, #tpu.memory_space<vmem>> -> memref<12288xf32, #tpu.memory_space<vmem>>
    %dma_start3A_640 = tpu.memref_slice %arg3[%mul3A_631] : memref<2359296xf32, #tpu.memory_space<hbm>> -> memref<12288xf32, #tpu.memory_space<hbm>>
    tpu.enqueue_dma source(%dma_start3A_640 : memref<12288xf32, #tpu.memory_space<hbm>>) target(%dma_start3A_639 : memref<12288xf32, #tpu.memory_space<vmem>>) target_semaphore(%arg13 : memref<!tpu.dma_semaphore, #tpu.memory_space<semaphore_mem>>)
    %dma_wait3A_641 = arith.constant 0 : i32
    %dma_wait3A_642 = arith.constant 0 : i32
    %dma_wait3A_643 = tpu.memref_slice %arg9[%dma_wait3A_641, %dma_wait3A_642] : memref<2x12288xf32, #tpu.memory_space<vmem>> -> memref<1x12288xf32, #tpu.memory_space<vmem>>
    %dma_wait3A_644 = tpu.memref_squeeze %dma_wait3A_643 : memref<1x12288xf32, #tpu.memory_space<vmem>> -> memref<12288xf32, #tpu.memory_space<vmem>>
    %dma_wait3A_645 = tpu.memref_slice %arg3[%mul3A_613] : memref<2359296xf32, #tpu.memory_space<hbm>> -> memref<12288xf32, #tpu.memory_space<hbm>>
    %dma_wait3A_646 = arith.constant 0 : i32
    %dma_wait3A_647 = tpu.memref_slice %arg9[%dma_wait3A_641, %dma_wait3A_646] : memref<2x12288xf32, #tpu.memory_space<vmem>> -> memref<1x12288xf32, #tpu.memory_space<vmem>>
    %dma_wait3A_648 = tpu.memref_squeeze %dma_wait3A_647 : memref<1x12288xf32, #tpu.memory_space<vmem>> -> memref<12288xf32, #tpu.memory_space<vmem>>
    %dma_wait3A_649 = tpu.memref_slice %arg3[%mul3A_613] : memref<2359296xf32, #tpu.memory_space<hbm>> -> memref<12288xf32, #tpu.memory_space<hbm>>
    tpu.wait_dma2 semaphore(%arg13 : memref<!tpu.dma_semaphore, #tpu.memory_space<semaphore_mem>>) src(%dma_wait3A_649 : memref<12288xf32, #tpu.memory_space<hbm>>) dst(%dma_wait3A_648 : memref<12288xf32, #tpu.memory_space<vmem>>)
    %add3A_650 = arith.constant 0 : i32
    %add3A_651 = arith.addi %mul3A_56, %add3A_650 : i32
    %scan3A = arith.constant 0 : i32
    %scan3A_652 = arith.constant 0 : i32
    %scan3A_653 = arith.constant 16 : i32
    %scan3A_654 = arith.addi %scan3A_652, %scan3A_653 : i32
    %scan3A_655 = arith.constant 1 : i32
    scf.for %scan3A_940 = %scan3A_652 to %scan3A_654 step %scan3A_655  : i32 {
      %add3A_941 = arith.addi %add3A_651, %scan3A_940 : i32
      %convert_element_type3A_942 = arith.sitofp %add3A_941 : i32 to f32
      %parallel_loop3A_943 = arith.constant 0 : i32
      %parallel_loop3A_944 = arith.constant 24 : i32
      %parallel_loop3A_945 = arith.constant 1 : i32
      scf.for %parallel_loop3A_946 = %parallel_loop3A_943 to %parallel_loop3A_944 step %parallel_loop3A_945  : i32 {
        %parallel_loop3A_947 = arith.constant 384 : i32
        %parallel_loop3A_948 = arith.muli %scan3A_940, %parallel_loop3A_947 : i32
        %parallel_loop3A_949 = arith.constant 16 : i32
        %parallel_loop3A_950 = arith.muli %parallel_loop3A_946, %parallel_loop3A_949 : i32
        %parallel_loop3A_951 = arith.addi %parallel_loop3A_948, %parallel_loop3A_950 : i32
        %parallel_loop3A_952 = arith.constant 2 : i32
        %parallel_loop3A_953 = arith.muli %parallel_loop3A_952, %scan3A_940 : i32
        %parallel_loop3A_954 = arith.constant 384 : i32
        %parallel_loop3A_955 = arith.muli %parallel_loop3A_953, %parallel_loop3A_954 : i32
        %parallel_loop3A_956 = arith.constant 16 : i32
        %parallel_loop3A_957 = arith.muli %parallel_loop3A_946, %parallel_loop3A_956 : i32
        %parallel_loop3A_958 = arith.addi %parallel_loop3A_955, %parallel_loop3A_957 : i32
        %parallel_loop3A_959 = arith.constant 0 : i32
        %parallel_loop3A_960 = arith.index_cast %parallel_loop3A_959 : i32 to index
        %parallel_loop3A_961 = arith.index_cast %parallel_loop3A_958 : i32 to index
        %parallel_loop3A_962 = tpu.vector_load %arg9[%parallel_loop3A_960, %parallel_loop3A_961] {strides = array<i32>} : memref<2x12288xf32, #tpu.memory_space<vmem>>, vector<16xf32>,
        %parallel_loop3A_963 = arith.constant 384 : i32
        %parallel_loop3A_964 = arith.addi %parallel_loop3A_958, %parallel_loop3A_963 : i32
        %parallel_loop3A_965 = arith.constant 0 : i32
        %parallel_loop3A_966 = arith.index_cast %parallel_loop3A_965 : i32 to index
        %parallel_loop3A_967 = arith.index_cast %parallel_loop3A_964 : i32 to index
        %parallel_loop3A_968 = tpu.vector_load %arg9[%parallel_loop3A_966, %parallel_loop3A_967] {strides = array<i32>} : memref<2x12288xf32, #tpu.memory_space<vmem>>, vector<16xf32>,
        %parallel_loop3A_969 = arith.constant 16 : i32
        %parallel_loop3A_970 = arith.muli %parallel_loop3A_946, %parallel_loop3A_969 : i32
        %parallel_loop3A_971 = arith.sitofp %parallel_loop3A_970 : i32 to f32
        %parallel_loop3A_972 = vector.broadcast %parallel_loop3A_971 : f32 to vector<16xf32>
        %parallel_loop3A_973 = arith.addf %parallel_loop3A_972, %convert_element_type3A_604 : vector<16xf32>
        %parallel_loop3A_974 = arith.addf %parallel_loop3A_973, %parallel_loop3A_962 : vector<16xf32>
        %parallel_loop3A_975 = vector.broadcast %convert_element_type3A_942 : f32 to vector<16xf32>
        %parallel_loop3A_976 = arith.addf %parallel_loop3A_975, %parallel_loop3A_968 : vector<16xf32>
        %parallel_loop3A_977 = arith.fptosi %parallel_loop3A_974 : vector<16xf32> to vector<16xi32>
        %parallel_loop3A_978 = arith.fptosi %parallel_loop3A_976 : vector<16xf32> to vector<16xi32>
        %parallel_loop3A_979 = arith.constant 1 : i32
        %parallel_loop3A_980 = vector.broadcast %parallel_loop3A_979 : i32 to vector<16xi32>
        %parallel_loop3A_981 = arith.addi %parallel_loop3A_977, %parallel_loop3A_980 : vector<16xi32>
        %parallel_loop3A_982 = arith.constant 1 : i32
        %parallel_loop3A_983 = vector.broadcast %parallel_loop3A_982 : i32 to vector<16xi32>
        %parallel_loop3A_984 = arith.addi %parallel_loop3A_978, %parallel_loop3A_983 : vector<16xi32>
        %parallel_loop3A_985 = arith.constant 0 : i32
        %parallel_loop3A_986 = arith.constant 383 : i32
        %parallel_loop3A_987 = vector.broadcast %parallel_loop3A_985 : i32 to vector<16xi32>
        %parallel_loop3A_988 = arith.maxsi %parallel_loop3A_987, %parallel_loop3A_977 : vector<16xi32>
        %parallel_loop3A_989 = vector.broadcast %parallel_loop3A_986 : i32 to vector<16xi32>
        %parallel_loop3A_990 = arith.minsi %parallel_loop3A_989, %parallel_loop3A_988 : vector<16xi32>
        %parallel_loop3A_991 = arith.constant 0 : i32
        %parallel_loop3A_992 = arith.constant 383 : i32
        %parallel_loop3A_993 = vector.broadcast %parallel_loop3A_991 : i32 to vector<16xi32>
        %parallel_loop3A_994 = arith.maxsi %parallel_loop3A_993, %parallel_loop3A_981 : vector<16xi32>
        %parallel_loop3A_995 = vector.broadcast %parallel_loop3A_992 : i32 to vector<16xi32>
        %parallel_loop3A_996 = arith.minsi %parallel_loop3A_995, %parallel_loop3A_994 : vector<16xi32>
        %parallel_loop3A_997 = arith.constant 0 : i32
        %parallel_loop3A_998 = arith.constant 383 : i32
        %parallel_loop3A_999 = vector.broadcast %parallel_loop3A_997 : i32 to vector<16xi32>
        %parallel_loop3A_1000 = arith.maxsi %parallel_loop3A_999, %parallel_loop3A_978 : vector<16xi32>
        %parallel_loop3A_1001 = vector.broadcast %parallel_loop3A_998 : i32 to vector<16xi32>
        %parallel_loop3A_1002 = arith.minsi %parallel_loop3A_1001, %parallel_loop3A_1000 : vector<16xi32>
        %parallel_loop3A_1003 = arith.constant 0 : i32
        %parallel_loop3A_1004 = arith.constant 383 : i32
        %parallel_loop3A_1005 = vector.broadcast %parallel_loop3A_1003 : i32 to vector<16xi32>
        %parallel_loop3A_1006 = arith.maxsi %parallel_loop3A_1005, %parallel_loop3A_984 : vector<16xi32>
        %parallel_loop3A_1007 = vector.broadcast %parallel_loop3A_1004 : i32 to vector<16xi32>
        %parallel_loop3A_1008 = arith.minsi %parallel_loop3A_1007, %parallel_loop3A_1006 : vector<16xi32>
        %parallel_loop3A_1009 = arith.constant 384 : i32
        %parallel_loop3A_1010 = vector.broadcast %parallel_loop3A_1009 : i32 to vector<16xi32>
        %parallel_loop3A_1011 = arith.muli %parallel_loop3A_1002, %parallel_loop3A_1010 : vector<16xi32>
        %parallel_loop3A_1012 = arith.constant 384 : i32
        %parallel_loop3A_1013 = vector.broadcast %parallel_loop3A_1012 : i32 to vector<16xi32>
        %parallel_loop3A_1014 = arith.muli %parallel_loop3A_1008, %parallel_loop3A_1013 : vector<16xi32>
        %parallel_loop3A_1015 = arith.constant 192 : i32
        %parallel_loop3A_1016 = vector.broadcast %parallel_loop3A_1015 : i32 to vector<16xi32>
        %parallel_loop3A_1017 = arith.cmpi slt, %parallel_loop3A_1002, %parallel_loop3A_1016 : vector<16xi32>
        %parallel_loop3A_1018 = arith.constant 192 : i32
        %parallel_loop3A_1019 = vector.broadcast %parallel_loop3A_1018 : i32 to vector<16xi32>
        %parallel_loop3A_1020 = arith.cmpi slt, %parallel_loop3A_1008, %parallel_loop3A_1019 : vector<16xi32>
        %parallel_loop3A_1021 = arith.constant 73728 : i32
        %parallel_loop3A_1022 = vector.broadcast %parallel_loop3A_1021 : i32 to vector<16xi32>
        %parallel_loop3A_1023 = arith.subi %parallel_loop3A_1011, %parallel_loop3A_1022 : vector<16xi32>
        %parallel_loop3A_1024 = arith.select %parallel_loop3A_1017, %parallel_loop3A_1011, %parallel_loop3A_1023 : vector<16xi1>, vector<16xi32>
        %parallel_loop3A_1025 = arith.constant 73728 : i32
        %parallel_loop3A_1026 = vector.broadcast %parallel_loop3A_1025 : i32 to vector<16xi32>
        %parallel_loop3A_1027 = arith.subi %parallel_loop3A_1014, %parallel_loop3A_1026 : vector<16xi32>
        %parallel_loop3A_1028 = arith.select %parallel_loop3A_1020, %parallel_loop3A_1014, %parallel_loop3A_1027 : vector<16xi1>, vector<16xi32>
        %parallel_loop3A_1029 = arith.constant 16 : i32
        %parallel_loop3A_1030 = arith.constant 0 : i32
        %parallel_loop3A_1031 = vector.broadcast %parallel_loop3A_1029 : i32 to vector<16xi32>
        %parallel_loop3A_1032 = vector.broadcast %parallel_loop3A_1030 : i32 to vector<16xi32>
        %parallel_loop3A_1033 = arith.select %parallel_loop3A_1017, %parallel_loop3A_1031, %parallel_loop3A_1032 : vector<16xi1>, vector<16xi32>
        %parallel_loop3A_1034 = arith.constant 16 : i32
        %parallel_loop3A_1035 = arith.constant 0 : i32
        %parallel_loop3A_1036 = vector.broadcast %parallel_loop3A_1034 : i32 to vector<16xi32>
        %parallel_loop3A_1037 = vector.broadcast %parallel_loop3A_1035 : i32 to vector<16xi32>
        %parallel_loop3A_1038 = arith.select %parallel_loop3A_1020, %parallel_loop3A_1036, %parallel_loop3A_1037 : vector<16xi1>, vector<16xi32>
        %parallel_loop3A_1039 = arith.addi %parallel_loop3A_1024, %parallel_loop3A_990 : vector<16xi32>
        %parallel_loop3A_1040 = tpu.vector_load_idx %arg5[%parallel_loop3A_1039] : memref<73728xi32, #tpu.memory_space<vmem>>[vector<16xi32>], vector<16xi32>,
        %parallel_loop3A_1041 = arith.addi %parallel_loop3A_1028, %parallel_loop3A_990 : vector<16xi32>
        %parallel_loop3A_1042 = tpu.vector_load_idx %arg5[%parallel_loop3A_1041] : memref<73728xi32, #tpu.memory_space<vmem>>[vector<16xi32>], vector<16xi32>,
        %parallel_loop3A_1043 = arith.addi %parallel_loop3A_1024, %parallel_loop3A_996 : vector<16xi32>
        %parallel_loop3A_1044 = tpu.vector_load_idx %arg5[%parallel_loop3A_1043] : memref<73728xi32, #tpu.memory_space<vmem>>[vector<16xi32>], vector<16xi32>,
        %parallel_loop3A_1045 = arith.addi %parallel_loop3A_1028, %parallel_loop3A_996 : vector<16xi32>
        %parallel_loop3A_1046 = tpu.vector_load_idx %arg5[%parallel_loop3A_1045] : memref<73728xi32, #tpu.memory_space<vmem>>[vector<16xi32>], vector<16xi32>,
        %parallel_loop3A_1047 = arith.shli %parallel_loop3A_1040, %parallel_loop3A_1033 : vector<16xi32>
        %parallel_loop3A_1048 = vector.bitcast %parallel_loop3A_1047 : vector<16xi32> to vector<16xf32>
        %parallel_loop3A_1049 = arith.shli %parallel_loop3A_1042, %parallel_loop3A_1038 : vector<16xi32>
        %parallel_loop3A_1050 = vector.bitcast %parallel_loop3A_1049 : vector<16xi32> to vector<16xf32>
        %parallel_loop3A_1051 = arith.shli %parallel_loop3A_1044, %parallel_loop3A_1033 : vector<16xi32>
        %parallel_loop3A_1052 = vector.bitcast %parallel_loop3A_1051 : vector<16xi32> to vector<16xf32>
        %parallel_loop3A_1053 = arith.shli %parallel_loop3A_1046, %parallel_loop3A_1038 : vector<16xi32>
        %parallel_loop3A_1054 = vector.bitcast %parallel_loop3A_1053 : vector<16xi32> to vector<16xf32>
        %parallel_loop3A_1055 = arith.sitofp %parallel_loop3A_990 : vector<16xi32> to vector<16xf32>
        %parallel_loop3A_1056 = arith.sitofp %parallel_loop3A_996 : vector<16xi32> to vector<16xf32>
        %parallel_loop3A_1057 = arith.sitofp %parallel_loop3A_1002 : vector<16xi32> to vector<16xf32>
        %parallel_loop3A_1058 = arith.sitofp %parallel_loop3A_1008 : vector<16xi32> to vector<16xf32>
        %parallel_loop3A_1059 = arith.subf %parallel_loop3A_1056, %parallel_loop3A_974 : vector<16xf32>
        %parallel_loop3A_1060 = arith.subf %parallel_loop3A_974, %parallel_loop3A_1055 : vector<16xf32>
        %parallel_loop3A_1061 = arith.subf %parallel_loop3A_1058, %parallel_loop3A_976 : vector<16xf32>
        %parallel_loop3A_1062 = arith.subf %parallel_loop3A_976, %parallel_loop3A_1057 : vector<16xf32>
        %parallel_loop3A_1063 = arith.mulf %parallel_loop3A_1059, %parallel_loop3A_1048 : vector<16xf32>
        %parallel_loop3A_1064 = arith.mulf %parallel_loop3A_1060, %parallel_loop3A_1052 : vector<16xf32>
        %parallel_loop3A_1065 = arith.addf %parallel_loop3A_1063, %parallel_loop3A_1064 : vector<16xf32>
        %parallel_loop3A_1066 = arith.mulf %parallel_loop3A_1061, %parallel_loop3A_1065 : vector<16xf32>
        %parallel_loop3A_1067 = arith.mulf %parallel_loop3A_1059, %parallel_loop3A_1050 : vector<16xf32>
        %parallel_loop3A_1068 = arith.mulf %parallel_loop3A_1060, %parallel_loop3A_1054 : vector<16xf32>
        %parallel_loop3A_1069 = arith.addf %parallel_loop3A_1067, %parallel_loop3A_1068 : vector<16xf32>
        %parallel_loop3A_1070 = arith.mulf %parallel_loop3A_1062, %parallel_loop3A_1069 : vector<16xf32>
        %parallel_loop3A_1071 = arith.addf %parallel_loop3A_1066, %parallel_loop3A_1070 : vector<16xf32>
        %parallel_loop3A_1072 = arith.constant 0 : i32
        %parallel_loop3A_1073 = arith.index_cast %parallel_loop3A_1072 : i32 to index
        %parallel_loop3A_1074 = arith.index_cast %parallel_loop3A_951 : i32 to index
        %parallel_loop3A_1075 = tpu.vector_load %arg10[%parallel_loop3A_1073, %parallel_loop3A_1074] {strides = array<i32>} : memref<2x6144xf32, #tpu.memory_space<vmem>>, vector<16xf32>,
        tpu.vector_store %arg10[%parallel_loop3A_1073, %parallel_loop3A_1074], %parallel_loop3A_1071 {strides = array<i32>} : memref<2x6144xf32, #tpu.memory_space<vmem>>, vector<16xf32>,
      } {sc.loop_unroll_factor = 4 : i64, sc.parallel_access}
    }
    %scan3A_656 = arith.constant 16 : i32
    %mul3A_657 = arith.constant 384 : i32
    %mul3A_658 = arith.muli %add3A_651, %mul3A_657 : i32
    %add3A_659 = arith.addi %mul3A_58, %mul3A_658 : i32
    %dma_start3A_660 = arith.constant 0 : i32
    %dma_start3A_661 = arith.constant 0 : i32
    %dma_start3A_662 = tpu.memref_slice %arg10[%dma_start3A_660, %dma_start3A_661] : memref<2x6144xf32, #tpu.memory_space<vmem>> -> memref<1x6144xf32, #tpu.memory_space<vmem>>
    %dma_start3A_663 = tpu.memref_squeeze %dma_start3A_662 : memref<1x6144xf32, #tpu.memory_space<vmem>> -> memref<6144xf32, #tpu.memory_space<vmem>>
    %dma_start3A_664 = tpu.memref_slice %arg4[%add3A_659] : memref<1179648xf32, #tpu.memory_space<hbm>> -> memref<6144xf32, #tpu.memory_space<hbm>>
    %dma_start3A_665 = tpu.memref_slice %arg4[%add3A_659] : memref<1179648xf32, #tpu.memory_space<hbm>> -> memref<6144xf32, #tpu.memory_space<hbm>>
    %dma_start3A_666 = arith.constant 0 : i32
    %dma_start3A_667 = tpu.memref_slice %arg10[%dma_start3A_660, %dma_start3A_666] : memref<2x6144xf32, #tpu.memory_space<vmem>> -> memref<1x6144xf32, #tpu.memory_space<vmem>>
    %dma_start3A_668 = tpu.memref_squeeze %dma_start3A_667 : memref<1x6144xf32, #tpu.memory_space<vmem>> -> memref<6144xf32, #tpu.memory_space<vmem>>
    tpu.enqueue_dma source(%dma_start3A_668 : memref<6144xf32, #tpu.memory_space<vmem>>) target(%dma_start3A_665 : memref<6144xf32, #tpu.memory_space<hbm>>) target_semaphore(%arg14 : memref<!tpu.dma_semaphore, #tpu.memory_space<semaphore_mem>>)
    %add3A_669 = arith.constant 32 : i32
    %add3A_670 = arith.addi %mul3A_56, %add3A_669 : i32
    %mul3A_671 = arith.constant 384 : i32
    %mul3A_672 = arith.muli %add3A, %mul3A_671 : i32
    %add3A_673 = arith.addi %mul3A_672, %add3A_670 : i32
    %mul3A_674 = arith.constant 2 : i32
    %mul3A_675 = arith.muli %add3A_673, %mul3A_674 : i32
    %mul3A_676 = arith.constant 384 : i32
    %mul3A_677 = arith.muli %mul3A_675, %mul3A_676 : i32
    %dma_start3A_678 = arith.constant 0 : i32
    %dma_start3A_679 = arith.constant 0 : i32
    %dma_start3A_680 = tpu.memref_slice %arg9[%dma_start3A_678, %dma_start3A_679] : memref<2x12288xf32, #tpu.memory_space<vmem>> -> memref<1x12288xf32, #tpu.memory_space<vmem>>
    %dma_start3A_681 = tpu.memref_squeeze %dma_start3A_680 : memref<1x12288xf32, #tpu.memory_space<vmem>> -> memref<12288xf32, #tpu.memory_space<vmem>>
    %dma_start3A_682 = tpu.memref_slice %arg3[%mul3A_677] : memref<2359296xf32, #tpu.memory_space<hbm>> -> memref<12288xf32, #tpu.memory_space<hbm>>
    %dma_start3A_683 = arith.constant 0 : i32
    %dma_start3A_684 = tpu.memref_slice %arg9[%dma_start3A_678, %dma_start3A_683] : memref<2x12288xf32, #tpu.memory_space<vmem>> -> memref<1x12288xf32, #tpu.memory_space<vmem>>
    %dma_start3A_685 = tpu.memref_squeeze %dma_start3A_684 : memref<1x12288xf32, #tpu.memory_space<vmem>> -> memref<12288xf32, #tpu.memory_space<vmem>>
    %dma_start3A_686 = tpu.memref_slice %arg3[%mul3A_677] : memref<2359296xf32, #tpu.memory_space<hbm>> -> memref<12288xf32, #tpu.memory_space<hbm>>
    tpu.enqueue_dma source(%dma_start3A_686 : memref<12288xf32, #tpu.memory_space<hbm>>) target(%dma_start3A_685 : memref<12288xf32, #tpu.memory_space<vmem>>) target_semaphore(%arg13 : memref<!tpu.dma_semaphore, #tpu.memory_space<semaphore_mem>>)
    %dma_wait3A_687 = arith.constant 1 : i32
    %dma_wait3A_688 = arith.constant 0 : i32
    %dma_wait3A_689 = tpu.memref_slice %arg9[%dma_wait3A_687, %dma_wait3A_688] : memref<2x12288xf32, #tpu.memory_space<vmem>> -> memref<1x12288xf32, #tpu.memory_space<vmem>>
    %dma_wait3A_690 = tpu.memref_squeeze %dma_wait3A_689 : memref<1x12288xf32, #tpu.memory_space<vmem>> -> memref<12288xf32, #tpu.memory_space<vmem>>
    %dma_wait3A_691 = tpu.memref_slice %arg3[%mul3A_631] : memref<2359296xf32, #tpu.memory_space<hbm>> -> memref<12288xf32, #tpu.memory_space<hbm>>
    %dma_wait3A_692 = arith.constant 0 : i32
    %dma_wait3A_693 = tpu.memref_slice %arg9[%dma_wait3A_687, %dma_wait3A_692] : memref<2x12288xf32, #tpu.memory_space<vmem>> -> memref<1x12288xf32, #tpu.memory_space<vmem>>
    %dma_wait3A_694 = tpu.memref_squeeze %dma_wait3A_693 : memref<1x12288xf32, #tpu.memory_space<vmem>> -> memref<12288xf32, #tpu.memory_space<vmem>>
    %dma_wait3A_695 = tpu.memref_slice %arg3[%mul3A_631] : memref<2359296xf32, #tpu.memory_space<hbm>> -> memref<12288xf32, #tpu.memory_space<hbm>>
    tpu.wait_dma2 semaphore(%arg13 : memref<!tpu.dma_semaphore, #tpu.memory_space<semaphore_mem>>) src(%dma_wait3A_695 : memref<12288xf32, #tpu.memory_space<hbm>>) dst(%dma_wait3A_694 : memref<12288xf32, #tpu.memory_space<vmem>>)
    %add3A_696 = arith.constant 16 : i32
    %add3A_697 = arith.addi %mul3A_56, %add3A_696 : i32
    %scan3A_698 = arith.constant 0 : i32
    %scan3A_699 = arith.constant 0 : i32
    %scan3A_700 = arith.constant 16 : i32
    %scan3A_701 = arith.addi %scan3A_699, %scan3A_700 : i32
    %scan3A_702 = arith.constant 1 : i32
    scf.for %scan3A_940 = %scan3A_699 to %scan3A_701 step %scan3A_702  : i32 {
      %add3A_941 = arith.addi %add3A_697, %scan3A_940 : i32
      %convert_element_type3A_942 = arith.sitofp %add3A_941 : i32 to f32
      %parallel_loop3A_943 = arith.constant 0 : i32
      %parallel_loop3A_944 = arith.constant 24 : i32
      %parallel_loop3A_945 = arith.constant 1 : i32
      scf.for %parallel_loop3A_946 = %parallel_loop3A_943 to %parallel_loop3A_944 step %parallel_loop3A_945  : i32 {
        %parallel_loop3A_947 = arith.constant 384 : i32
        %parallel_loop3A_948 = arith.muli %scan3A_940, %parallel_loop3A_947 : i32
        %parallel_loop3A_949 = arith.constant 16 : i32
        %parallel_loop3A_950 = arith.muli %parallel_loop3A_946, %parallel_loop3A_949 : i32
        %parallel_loop3A_951 = arith.addi %parallel_loop3A_948, %parallel_loop3A_950 : i32
        %parallel_loop3A_952 = arith.constant 2 : i32
        %parallel_loop3A_953 = arith.muli %parallel_loop3A_952, %scan3A_940 : i32
        %parallel_loop3A_954 = arith.constant 384 : i32
        %parallel_loop3A_955 = arith.muli %parallel_loop3A_953, %parallel_loop3A_954 : i32
        %parallel_loop3A_956 = arith.constant 16 : i32
        %parallel_loop3A_957 = arith.muli %parallel_loop3A_946, %parallel_loop3A_956 : i32
        %parallel_loop3A_958 = arith.addi %parallel_loop3A_955, %parallel_loop3A_957 : i32
        %parallel_loop3A_959 = arith.constant 1 : i32
        %parallel_loop3A_960 = arith.index_cast %parallel_loop3A_959 : i32 to index
        %parallel_loop3A_961 = arith.index_cast %parallel_loop3A_958 : i32 to index
        %parallel_loop3A_962 = tpu.vector_load %arg9[%parallel_loop3A_960, %parallel_loop3A_961] {strides = array<i32>} : memref<2x12288xf32, #tpu.memory_space<vmem>>, vector<16xf32>,
        %parallel_loop3A_963 = arith.constant 384 : i32
        %parallel_loop3A_964 = arith.addi %parallel_loop3A_958, %parallel_loop3A_963 : i32
        %parallel_loop3A_965 = arith.constant 1 : i32
        %parallel_loop3A_966 = arith.index_cast %parallel_loop3A_965 : i32 to index
        %parallel_loop3A_967 = arith.index_cast %parallel_loop3A_964 : i32 to index
        %parallel_loop3A_968 = tpu.vector_load %arg9[%parallel_loop3A_966, %parallel_loop3A_967] {strides = array<i32>} : memref<2x12288xf32, #tpu.memory_space<vmem>>, vector<16xf32>,
        %parallel_loop3A_969 = arith.constant 16 : i32
        %parallel_loop3A_970 = arith.muli %parallel_loop3A_946, %parallel_loop3A_969 : i32
        %parallel_loop3A_971 = arith.sitofp %parallel_loop3A_970 : i32 to f32
        %parallel_loop3A_972 = vector.broadcast %parallel_loop3A_971 : f32 to vector<16xf32>
        %parallel_loop3A_973 = arith.addf %parallel_loop3A_972, %convert_element_type3A_604 : vector<16xf32>
        %parallel_loop3A_974 = arith.addf %parallel_loop3A_973, %parallel_loop3A_962 : vector<16xf32>
        %parallel_loop3A_975 = vector.broadcast %convert_element_type3A_942 : f32 to vector<16xf32>
        %parallel_loop3A_976 = arith.addf %parallel_loop3A_975, %parallel_loop3A_968 : vector<16xf32>
        %parallel_loop3A_977 = arith.fptosi %parallel_loop3A_974 : vector<16xf32> to vector<16xi32>
        %parallel_loop3A_978 = arith.fptosi %parallel_loop3A_976 : vector<16xf32> to vector<16xi32>
        %parallel_loop3A_979 = arith.constant 1 : i32
        %parallel_loop3A_980 = vector.broadcast %parallel_loop3A_979 : i32 to vector<16xi32>
        %parallel_loop3A_981 = arith.addi %parallel_loop3A_977, %parallel_loop3A_980 : vector<16xi32>
        %parallel_loop3A_982 = arith.constant 1 : i32
        %parallel_loop3A_983 = vector.broadcast %parallel_loop3A_982 : i32 to vector<16xi32>
        %parallel_loop3A_984 = arith.addi %parallel_loop3A_978, %parallel_loop3A_983 : vector<16xi32>
        %parallel_loop3A_985 = arith.constant 0 : i32
        %parallel_loop3A_986 = arith.constant 383 : i32
        %parallel_loop3A_987 = vector.broadcast %parallel_loop3A_985 : i32 to vector<16xi32>
        %parallel_loop3A_988 = arith.maxsi %parallel_loop3A_987, %parallel_loop3A_977 : vector<16xi32>
        %parallel_loop3A_989 = vector.broadcast %parallel_loop3A_986 : i32 to vector<16xi32>
        %parallel_loop3A_990 = arith.minsi %parallel_loop3A_989, %parallel_loop3A_988 : vector<16xi32>
        %parallel_loop3A_991 = arith.constant 0 : i32
        %parallel_loop3A_992 = arith.constant 383 : i32
        %parallel_loop3A_993 = vector.broadcast %parallel_loop3A_991 : i32 to vector<16xi32>
        %parallel_loop3A_994 = arith.maxsi %parallel_loop3A_993, %parallel_loop3A_981 : vector<16xi32>
        %parallel_loop3A_995 = vector.broadcast %parallel_loop3A_992 : i32 to vector<16xi32>
        %parallel_loop3A_996 = arith.minsi %parallel_loop3A_995, %parallel_loop3A_994 : vector<16xi32>
        %parallel_loop3A_997 = arith.constant 0 : i32
        %parallel_loop3A_998 = arith.constant 383 : i32
        %parallel_loop3A_999 = vector.broadcast %parallel_loop3A_997 : i32 to vector<16xi32>
        %parallel_loop3A_1000 = arith.maxsi %parallel_loop3A_999, %parallel_loop3A_978 : vector<16xi32>
        %parallel_loop3A_1001 = vector.broadcast %parallel_loop3A_998 : i32 to vector<16xi32>
        %parallel_loop3A_1002 = arith.minsi %parallel_loop3A_1001, %parallel_loop3A_1000 : vector<16xi32>
        %parallel_loop3A_1003 = arith.constant 0 : i32
        %parallel_loop3A_1004 = arith.constant 383 : i32
        %parallel_loop3A_1005 = vector.broadcast %parallel_loop3A_1003 : i32 to vector<16xi32>
        %parallel_loop3A_1006 = arith.maxsi %parallel_loop3A_1005, %parallel_loop3A_984 : vector<16xi32>
        %parallel_loop3A_1007 = vector.broadcast %parallel_loop3A_1004 : i32 to vector<16xi32>
        %parallel_loop3A_1008 = arith.minsi %parallel_loop3A_1007, %parallel_loop3A_1006 : vector<16xi32>
        %parallel_loop3A_1009 = arith.constant 384 : i32
        %parallel_loop3A_1010 = vector.broadcast %parallel_loop3A_1009 : i32 to vector<16xi32>
        %parallel_loop3A_1011 = arith.muli %parallel_loop3A_1002, %parallel_loop3A_1010 : vector<16xi32>
        %parallel_loop3A_1012 = arith.constant 384 : i32
        %parallel_loop3A_1013 = vector.broadcast %parallel_loop3A_1012 : i32 to vector<16xi32>
        %parallel_loop3A_1014 = arith.muli %parallel_loop3A_1008, %parallel_loop3A_1013 : vector<16xi32>
        %parallel_loop3A_1015 = arith.constant 192 : i32
        %parallel_loop3A_1016 = vector.broadcast %parallel_loop3A_1015 : i32 to vector<16xi32>
        %parallel_loop3A_1017 = arith.cmpi slt, %parallel_loop3A_1002, %parallel_loop3A_1016 : vector<16xi32>
        %parallel_loop3A_1018 = arith.constant 192 : i32
        %parallel_loop3A_1019 = vector.broadcast %parallel_loop3A_1018 : i32 to vector<16xi32>
        %parallel_loop3A_1020 = arith.cmpi slt, %parallel_loop3A_1008, %parallel_loop3A_1019 : vector<16xi32>
        %parallel_loop3A_1021 = arith.constant 73728 : i32
        %parallel_loop3A_1022 = vector.broadcast %parallel_loop3A_1021 : i32 to vector<16xi32>
        %parallel_loop3A_1023 = arith.subi %parallel_loop3A_1011, %parallel_loop3A_1022 : vector<16xi32>
        %parallel_loop3A_1024 = arith.select %parallel_loop3A_1017, %parallel_loop3A_1011, %parallel_loop3A_1023 : vector<16xi1>, vector<16xi32>
        %parallel_loop3A_1025 = arith.constant 73728 : i32
        %parallel_loop3A_1026 = vector.broadcast %parallel_loop3A_1025 : i32 to vector<16xi32>
        %parallel_loop3A_1027 = arith.subi %parallel_loop3A_1014, %parallel_loop3A_1026 : vector<16xi32>
        %parallel_loop3A_1028 = arith.select %parallel_loop3A_1020, %parallel_loop3A_1014, %parallel_loop3A_1027 : vector<16xi1>, vector<16xi32>
        %parallel_loop3A_1029 = arith.constant 16 : i32
        %parallel_loop3A_1030 = arith.constant 0 : i32
        %parallel_loop3A_1031 = vector.broadcast %parallel_loop3A_1029 : i32 to vector<16xi32>
        %parallel_loop3A_1032 = vector.broadcast %parallel_loop3A_1030 : i32 to vector<16xi32>
        %parallel_loop3A_1033 = arith.select %parallel_loop3A_1017, %parallel_loop3A_1031, %parallel_loop3A_1032 : vector<16xi1>, vector<16xi32>
        %parallel_loop3A_1034 = arith.constant 16 : i32
        %parallel_loop3A_1035 = arith.constant 0 : i32
        %parallel_loop3A_1036 = vector.broadcast %parallel_loop3A_1034 : i32 to vector<16xi32>
        %parallel_loop3A_1037 = vector.broadcast %parallel_loop3A_1035 : i32 to vector<16xi32>
        %parallel_loop3A_1038 = arith.select %parallel_loop3A_1020, %parallel_loop3A_1036, %parallel_loop3A_1037 : vector<16xi1>, vector<16xi32>
        %parallel_loop3A_1039 = arith.addi %parallel_loop3A_1024, %parallel_loop3A_990 : vector<16xi32>
        %parallel_loop3A_1040 = tpu.vector_load_idx %arg5[%parallel_loop3A_1039] : memref<73728xi32, #tpu.memory_space<vmem>>[vector<16xi32>], vector<16xi32>,
        %parallel_loop3A_1041 = arith.addi %parallel_loop3A_1028, %parallel_loop3A_990 : vector<16xi32>
        %parallel_loop3A_1042 = tpu.vector_load_idx %arg5[%parallel_loop3A_1041] : memref<73728xi32, #tpu.memory_space<vmem>>[vector<16xi32>], vector<16xi32>,
        %parallel_loop3A_1043 = arith.addi %parallel_loop3A_1024, %parallel_loop3A_996 : vector<16xi32>
        %parallel_loop3A_1044 = tpu.vector_load_idx %arg5[%parallel_loop3A_1043] : memref<73728xi32, #tpu.memory_space<vmem>>[vector<16xi32>], vector<16xi32>,
        %parallel_loop3A_1045 = arith.addi %parallel_loop3A_1028, %parallel_loop3A_996 : vector<16xi32>
        %parallel_loop3A_1046 = tpu.vector_load_idx %arg5[%parallel_loop3A_1045] : memref<73728xi32, #tpu.memory_space<vmem>>[vector<16xi32>], vector<16xi32>,
        %parallel_loop3A_1047 = arith.shli %parallel_loop3A_1040, %parallel_loop3A_1033 : vector<16xi32>
        %parallel_loop3A_1048 = vector.bitcast %parallel_loop3A_1047 : vector<16xi32> to vector<16xf32>
        %parallel_loop3A_1049 = arith.shli %parallel_loop3A_1042, %parallel_loop3A_1038 : vector<16xi32>
        %parallel_loop3A_1050 = vector.bitcast %parallel_loop3A_1049 : vector<16xi32> to vector<16xf32>
        %parallel_loop3A_1051 = arith.shli %parallel_loop3A_1044, %parallel_loop3A_1033 : vector<16xi32>
        %parallel_loop3A_1052 = vector.bitcast %parallel_loop3A_1051 : vector<16xi32> to vector<16xf32>
        %parallel_loop3A_1053 = arith.shli %parallel_loop3A_1046, %parallel_loop3A_1038 : vector<16xi32>
        %parallel_loop3A_1054 = vector.bitcast %parallel_loop3A_1053 : vector<16xi32> to vector<16xf32>
        %parallel_loop3A_1055 = arith.sitofp %parallel_loop3A_990 : vector<16xi32> to vector<16xf32>
        %parallel_loop3A_1056 = arith.sitofp %parallel_loop3A_996 : vector<16xi32> to vector<16xf32>
        %parallel_loop3A_1057 = arith.sitofp %parallel_loop3A_1002 : vector<16xi32> to vector<16xf32>
        %parallel_loop3A_1058 = arith.sitofp %parallel_loop3A_1008 : vector<16xi32> to vector<16xf32>
        %parallel_loop3A_1059 = arith.subf %parallel_loop3A_1056, %parallel_loop3A_974 : vector<16xf32>
        %parallel_loop3A_1060 = arith.subf %parallel_loop3A_974, %parallel_loop3A_1055 : vector<16xf32>
        %parallel_loop3A_1061 = arith.subf %parallel_loop3A_1058, %parallel_loop3A_976 : vector<16xf32>
        %parallel_loop3A_1062 = arith.subf %parallel_loop3A_976, %parallel_loop3A_1057 : vector<16xf32>
        %parallel_loop3A_1063 = arith.mulf %parallel_loop3A_1059, %parallel_loop3A_1048 : vector<16xf32>
        %parallel_loop3A_1064 = arith.mulf %parallel_loop3A_1060, %parallel_loop3A_1052 : vector<16xf32>
        %parallel_loop3A_1065 = arith.addf %parallel_loop3A_1063, %parallel_loop3A_1064 : vector<16xf32>
        %parallel_loop3A_1066 = arith.mulf %parallel_loop3A_1061, %parallel_loop3A_1065 : vector<16xf32>
        %parallel_loop3A_1067 = arith.mulf %parallel_loop3A_1059, %parallel_loop3A_1050 : vector<16xf32>
        %parallel_loop3A_1068 = arith.mulf %parallel_loop3A_1060, %parallel_loop3A_1054 : vector<16xf32>
        %parallel_loop3A_1069 = arith.addf %parallel_loop3A_1067, %parallel_loop3A_1068 : vector<16xf32>
        %parallel_loop3A_1070 = arith.mulf %parallel_loop3A_1062, %parallel_loop3A_1069 : vector<16xf32>
        %parallel_loop3A_1071 = arith.addf %parallel_loop3A_1066, %parallel_loop3A_1070 : vector<16xf32>
        %parallel_loop3A_1072 = arith.constant 1 : i32
        %parallel_loop3A_1073 = arith.index_cast %parallel_loop3A_1072 : i32 to index
        %parallel_loop3A_1074 = arith.index_cast %parallel_loop3A_951 : i32 to index
        %parallel_loop3A_1075 = tpu.vector_load %arg10[%parallel_loop3A_1073, %parallel_loop3A_1074] {strides = array<i32>} : memref<2x6144xf32, #tpu.memory_space<vmem>>, vector<16xf32>,
        tpu.vector_store %arg10[%parallel_loop3A_1073, %parallel_loop3A_1074], %parallel_loop3A_1071 {strides = array<i32>} : memref<2x6144xf32, #tpu.memory_space<vmem>>, vector<16xf32>,
      } {sc.loop_unroll_factor = 4 : i64, sc.parallel_access}
    }
    %scan3A_703 = arith.constant 16 : i32
    %mul3A_704 = arith.constant 384 : i32
    %mul3A_705 = arith.muli %add3A_697, %mul3A_704 : i32
    %add3A_706 = arith.addi %mul3A_58, %mul3A_705 : i32
    %dma_start3A_707 = arith.constant 1 : i32
    %dma_start3A_708 = arith.constant 0 : i32
    %dma_start3A_709 = tpu.memref_slice %arg10[%dma_start3A_707, %dma_start3A_708] : memref<2x6144xf32, #tpu.memory_space<vmem>> -> memref<1x6144xf32, #tpu.memory_space<vmem>>
    %dma_start3A_710 = tpu.memref_squeeze %dma_start3A_709 : memref<1x6144xf32, #tpu.memory_space<vmem>> -> memref<6144xf32, #tpu.memory_space<vmem>>
    %dma_start3A_711 = tpu.memref_slice %arg4[%add3A_706] : memref<1179648xf32, #tpu.memory_space<hbm>> -> memref<6144xf32, #tpu.memory_space<hbm>>
    %dma_start3A_712 = tpu.memref_slice %arg4[%add3A_706] : memref<1179648xf32, #tpu.memory_space<hbm>> -> memref<6144xf32, #tpu.memory_space<hbm>>
    %dma_start3A_713 = arith.constant 0 : i32
    %dma_start3A_714 = tpu.memref_slice %arg10[%dma_start3A_707, %dma_start3A_713] : memref<2x6144xf32, #tpu.memory_space<vmem>> -> memref<1x6144xf32, #tpu.memory_space<vmem>>
    %dma_start3A_715 = tpu.memref_squeeze %dma_start3A_714 : memref<1x6144xf32, #tpu.memory_space<vmem>> -> memref<6144xf32, #tpu.memory_space<vmem>>
    tpu.enqueue_dma source(%dma_start3A_715 : memref<6144xf32, #tpu.memory_space<vmem>>) target(%dma_start3A_712 : memref<6144xf32, #tpu.memory_space<hbm>>) target_semaphore(%arg14 : memref<!tpu.dma_semaphore, #tpu.memory_space<semaphore_mem>>)
    %add3A_716 = arith.constant 48 : i32
    %add3A_717 = arith.addi %mul3A_56, %add3A_716 : i32
    %mul3A_718 = arith.constant 384 : i32
    %mul3A_719 = arith.muli %add3A, %mul3A_718 : i32
    %add3A_720 = arith.addi %mul3A_719, %add3A_717 : i32
    %mul3A_721 = arith.constant 2 : i32
    %mul3A_722 = arith.muli %add3A_720, %mul3A_721 : i32
    %mul3A_723 = arith.constant 384 : i32
    %mul3A_724 = arith.muli %mul3A_722, %mul3A_723 : i32
    %dma_start3A_725 = arith.constant 1 : i32
    %dma_start3A_726 = arith.constant 0 : i32
    %dma_start3A_727 = tpu.memref_slice %arg9[%dma_start3A_725, %dma_start3A_726] : memref<2x12288xf32, #tpu.memory_space<vmem>> -> memref<1x12288xf32, #tpu.memory_space<vmem>>
    %dma_start3A_728 = tpu.memref_squeeze %dma_start3A_727 : memref<1x12288xf32, #tpu.memory_space<vmem>> -> memref<12288xf32, #tpu.memory_space<vmem>>
    %dma_start3A_729 = tpu.memref_slice %arg3[%mul3A_724] : memref<2359296xf32, #tpu.memory_space<hbm>> -> memref<12288xf32, #tpu.memory_space<hbm>>
    %dma_start3A_730 = arith.constant 0 : i32
    %dma_start3A_731 = tpu.memref_slice %arg9[%dma_start3A_725, %dma_start3A_730] : memref<2x12288xf32, #tpu.memory_space<vmem>> -> memref<1x12288xf32, #tpu.memory_space<vmem>>
    %dma_start3A_732 = tpu.memref_squeeze %dma_start3A_731 : memref<1x12288xf32, #tpu.memory_space<vmem>> -> memref<12288xf32, #tpu.memory_space<vmem>>
    %dma_start3A_733 = tpu.memref_slice %arg3[%mul3A_724] : memref<2359296xf32, #tpu.memory_space<hbm>> -> memref<12288xf32, #tpu.memory_space<hbm>>
    tpu.enqueue_dma source(%dma_start3A_733 : memref<12288xf32, #tpu.memory_space<hbm>>) target(%dma_start3A_732 : memref<12288xf32, #tpu.memory_space<vmem>>) target_semaphore(%arg13 : memref<!tpu.dma_semaphore, #tpu.memory_space<semaphore_mem>>)
    %dma_wait3A_734 = arith.constant 0 : i32
    %dma_wait3A_735 = arith.constant 0 : i32
    %dma_wait3A_736 = tpu.memref_slice %arg9[%dma_wait3A_734, %dma_wait3A_735] : memref<2x12288xf32, #tpu.memory_space<vmem>> -> memref<1x12288xf32, #tpu.memory_space<vmem>>
    %dma_wait3A_737 = tpu.memref_squeeze %dma_wait3A_736 : memref<1x12288xf32, #tpu.memory_space<vmem>> -> memref<12288xf32, #tpu.memory_space<vmem>>
    %dma_wait3A_738 = tpu.memref_slice %arg3[%mul3A_677] : memref<2359296xf32, #tpu.memory_space<hbm>> -> memref<12288xf32, #tpu.memory_space<hbm>>
    %dma_wait3A_739 = arith.constant 0 : i32
    %dma_wait3A_740 = tpu.memref_slice %arg9[%dma_wait3A_734, %dma_wait3A_739] : memref<2x12288xf32, #tpu.memory_space<vmem>> -> memref<1x12288xf32, #tpu.memory_space<vmem>>
    %dma_wait3A_741 = tpu.memref_squeeze %dma_wait3A_740 : memref<1x12288xf32, #tpu.memory_space<vmem>> -> memref<12288xf32, #tpu.memory_space<vmem>>
    %dma_wait3A_742 = tpu.memref_slice %arg3[%mul3A_677] : memref<2359296xf32, #tpu.memory_space<hbm>> -> memref<12288xf32, #tpu.memory_space<hbm>>
    tpu.wait_dma2 semaphore(%arg13 : memref<!tpu.dma_semaphore, #tpu.memory_space<semaphore_mem>>) src(%dma_wait3A_742 : memref<12288xf32, #tpu.memory_space<hbm>>) dst(%dma_wait3A_741 : memref<12288xf32, #tpu.memory_space<vmem>>)
    %dma_wait3A_743 = arith.constant 0 : i32
    %dma_wait3A_744 = arith.constant 0 : i32
    %dma_wait3A_745 = tpu.memref_slice %arg10[%dma_wait3A_743, %dma_wait3A_744] : memref<2x6144xf32, #tpu.memory_space<vmem>> -> memref<1x6144xf32, #tpu.memory_space<vmem>>
    %dma_wait3A_746 = tpu.memref_squeeze %dma_wait3A_745 : memref<1x6144xf32, #tpu.memory_space<vmem>> -> memref<6144xf32, #tpu.memory_space<vmem>>
    %dma_wait3A_747 = tpu.memref_slice %arg4[%add3A_659] : memref<1179648xf32, #tpu.memory_space<hbm>> -> memref<6144xf32, #tpu.memory_space<hbm>>
    %dma_wait3A_748 = tpu.memref_slice %arg4[%add3A_659] : memref<1179648xf32, #tpu.memory_space<hbm>> -> memref<6144xf32, #tpu.memory_space<hbm>>
    %dma_wait3A_749 = arith.constant 0 : i32
    %dma_wait3A_750 = tpu.memref_slice %arg10[%dma_wait3A_743, %dma_wait3A_749] : memref<2x6144xf32, #tpu.memory_space<vmem>> -> memref<1x6144xf32, #tpu.memory_space<vmem>>
    %dma_wait3A_751 = tpu.memref_squeeze %dma_wait3A_750 : memref<1x6144xf32, #tpu.memory_space<vmem>> -> memref<6144xf32, #tpu.memory_space<vmem>>
    tpu.wait_dma2 semaphore(%arg14 : memref<!tpu.dma_semaphore, #tpu.memory_space<semaphore_mem>>) src(%dma_wait3A_751 : memref<6144xf32, #tpu.memory_space<vmem>>) dst(%dma_wait3A_748 : memref<6144xf32, #tpu.memory_space<hbm>>)
    %add3A_752 = arith.constant 32 : i32
    %add3A_753 = arith.addi %mul3A_56, %add3A_752 : i32
    %scan3A_754 = arith.constant 0 : i32
    %scan3A_755 = arith.constant 0 : i32
    %scan3A_756 = arith.constant 16 : i32
    %scan3A_757 = arith.addi %scan3A_755, %scan3A_756 : i32
    %scan3A_758 = arith.constant 1 : i32
    scf.for %scan3A_940 = %scan3A_755 to %scan3A_757 step %scan3A_758  : i32 {
      %add3A_941 = arith.addi %add3A_753, %scan3A_940 : i32
      %convert_element_type3A_942 = arith.sitofp %add3A_941 : i32 to f32
      %parallel_loop3A_943 = arith.constant 0 : i32
      %parallel_loop3A_944 = arith.constant 24 : i32
      %parallel_loop3A_945 = arith.constant 1 : i32
      scf.for %parallel_loop3A_946 = %parallel_loop3A_943 to %parallel_loop3A_944 step %parallel_loop3A_945  : i32 {
        %parallel_loop3A_947 = arith.constant 384 : i32
        %parallel_loop3A_948 = arith.muli %scan3A_940, %parallel_loop3A_947 : i32
        %parallel_loop3A_949 = arith.constant 16 : i32
        %parallel_loop3A_950 = arith.muli %parallel_loop3A_946, %parallel_loop3A_949 : i32
        %parallel_loop3A_951 = arith.addi %parallel_loop3A_948, %parallel_loop3A_950 : i32
        %parallel_loop3A_952 = arith.constant 2 : i32
        %parallel_loop3A_953 = arith.muli %parallel_loop3A_952, %scan3A_940 : i32
        %parallel_loop3A_954 = arith.constant 384 : i32
        %parallel_loop3A_955 = arith.muli %parallel_loop3A_953, %parallel_loop3A_954 : i32
        %parallel_loop3A_956 = arith.constant 16 : i32
        %parallel_loop3A_957 = arith.muli %parallel_loop3A_946, %parallel_loop3A_956 : i32
        %parallel_loop3A_958 = arith.addi %parallel_loop3A_955, %parallel_loop3A_957 : i32
        %parallel_loop3A_959 = arith.constant 0 : i32
        %parallel_loop3A_960 = arith.index_cast %parallel_loop3A_959 : i32 to index
        %parallel_loop3A_961 = arith.index_cast %parallel_loop3A_958 : i32 to index
        %parallel_loop3A_962 = tpu.vector_load %arg9[%parallel_loop3A_960, %parallel_loop3A_961] {strides = array<i32>} : memref<2x12288xf32, #tpu.memory_space<vmem>>, vector<16xf32>,
        %parallel_loop3A_963 = arith.constant 384 : i32
        %parallel_loop3A_964 = arith.addi %parallel_loop3A_958, %parallel_loop3A_963 : i32
        %parallel_loop3A_965 = arith.constant 0 : i32
        %parallel_loop3A_966 = arith.index_cast %parallel_loop3A_965 : i32 to index
        %parallel_loop3A_967 = arith.index_cast %parallel_loop3A_964 : i32 to index
        %parallel_loop3A_968 = tpu.vector_load %arg9[%parallel_loop3A_966, %parallel_loop3A_967] {strides = array<i32>} : memref<2x12288xf32, #tpu.memory_space<vmem>>, vector<16xf32>,
        %parallel_loop3A_969 = arith.constant 16 : i32
        %parallel_loop3A_970 = arith.muli %parallel_loop3A_946, %parallel_loop3A_969 : i32
        %parallel_loop3A_971 = arith.sitofp %parallel_loop3A_970 : i32 to f32
        %parallel_loop3A_972 = vector.broadcast %parallel_loop3A_971 : f32 to vector<16xf32>
        %parallel_loop3A_973 = arith.addf %parallel_loop3A_972, %convert_element_type3A_604 : vector<16xf32>
        %parallel_loop3A_974 = arith.addf %parallel_loop3A_973, %parallel_loop3A_962 : vector<16xf32>
        %parallel_loop3A_975 = vector.broadcast %convert_element_type3A_942 : f32 to vector<16xf32>
        %parallel_loop3A_976 = arith.addf %parallel_loop3A_975, %parallel_loop3A_968 : vector<16xf32>
        %parallel_loop3A_977 = arith.fptosi %parallel_loop3A_974 : vector<16xf32> to vector<16xi32>
        %parallel_loop3A_978 = arith.fptosi %parallel_loop3A_976 : vector<16xf32> to vector<16xi32>
        %parallel_loop3A_979 = arith.constant 1 : i32
        %parallel_loop3A_980 = vector.broadcast %parallel_loop3A_979 : i32 to vector<16xi32>
        %parallel_loop3A_981 = arith.addi %parallel_loop3A_977, %parallel_loop3A_980 : vector<16xi32>
        %parallel_loop3A_982 = arith.constant 1 : i32
        %parallel_loop3A_983 = vector.broadcast %parallel_loop3A_982 : i32 to vector<16xi32>
        %parallel_loop3A_984 = arith.addi %parallel_loop3A_978, %parallel_loop3A_983 : vector<16xi32>
        %parallel_loop3A_985 = arith.constant 0 : i32
        %parallel_loop3A_986 = arith.constant 383 : i32
        %parallel_loop3A_987 = vector.broadcast %parallel_loop3A_985 : i32 to vector<16xi32>
        %parallel_loop3A_988 = arith.maxsi %parallel_loop3A_987, %parallel_loop3A_977 : vector<16xi32>
        %parallel_loop3A_989 = vector.broadcast %parallel_loop3A_986 : i32 to vector<16xi32>
        %parallel_loop3A_990 = arith.minsi %parallel_loop3A_989, %parallel_loop3A_988 : vector<16xi32>
        %parallel_loop3A_991 = arith.constant 0 : i32
        %parallel_loop3A_992 = arith.constant 383 : i32
        %parallel_loop3A_993 = vector.broadcast %parallel_loop3A_991 : i32 to vector<16xi32>
        %parallel_loop3A_994 = arith.maxsi %parallel_loop3A_993, %parallel_loop3A_981 : vector<16xi32>
        %parallel_loop3A_995 = vector.broadcast %parallel_loop3A_992 : i32 to vector<16xi32>
        %parallel_loop3A_996 = arith.minsi %parallel_loop3A_995, %parallel_loop3A_994 : vector<16xi32>
        %parallel_loop3A_997 = arith.constant 0 : i32
        %parallel_loop3A_998 = arith.constant 383 : i32
        %parallel_loop3A_999 = vector.broadcast %parallel_loop3A_997 : i32 to vector<16xi32>
        %parallel_loop3A_1000 = arith.maxsi %parallel_loop3A_999, %parallel_loop3A_978 : vector<16xi32>
        %parallel_loop3A_1001 = vector.broadcast %parallel_loop3A_998 : i32 to vector<16xi32>
        %parallel_loop3A_1002 = arith.minsi %parallel_loop3A_1001, %parallel_loop3A_1000 : vector<16xi32>
        %parallel_loop3A_1003 = arith.constant 0 : i32
        %parallel_loop3A_1004 = arith.constant 383 : i32
        %parallel_loop3A_1005 = vector.broadcast %parallel_loop3A_1003 : i32 to vector<16xi32>
        %parallel_loop3A_1006 = arith.maxsi %parallel_loop3A_1005, %parallel_loop3A_984 : vector<16xi32>
        %parallel_loop3A_1007 = vector.broadcast %parallel_loop3A_1004 : i32 to vector<16xi32>
        %parallel_loop3A_1008 = arith.minsi %parallel_loop3A_1007, %parallel_loop3A_1006 : vector<16xi32>
        %parallel_loop3A_1009 = arith.constant 384 : i32
        %parallel_loop3A_1010 = vector.broadcast %parallel_loop3A_1009 : i32 to vector<16xi32>
        %parallel_loop3A_1011 = arith.muli %parallel_loop3A_1002, %parallel_loop3A_1010 : vector<16xi32>
        %parallel_loop3A_1012 = arith.constant 384 : i32
        %parallel_loop3A_1013 = vector.broadcast %parallel_loop3A_1012 : i32 to vector<16xi32>
        %parallel_loop3A_1014 = arith.muli %parallel_loop3A_1008, %parallel_loop3A_1013 : vector<16xi32>
        %parallel_loop3A_1015 = arith.constant 192 : i32
        %parallel_loop3A_1016 = vector.broadcast %parallel_loop3A_1015 : i32 to vector<16xi32>
        %parallel_loop3A_1017 = arith.cmpi slt, %parallel_loop3A_1002, %parallel_loop3A_1016 : vector<16xi32>
        %parallel_loop3A_1018 = arith.constant 192 : i32
        %parallel_loop3A_1019 = vector.broadcast %parallel_loop3A_1018 : i32 to vector<16xi32>
        %parallel_loop3A_1020 = arith.cmpi slt, %parallel_loop3A_1008, %parallel_loop3A_1019 : vector<16xi32>
        %parallel_loop3A_1021 = arith.constant 73728 : i32
        %parallel_loop3A_1022 = vector.broadcast %parallel_loop3A_1021 : i32 to vector<16xi32>
        %parallel_loop3A_1023 = arith.subi %parallel_loop3A_1011, %parallel_loop3A_1022 : vector<16xi32>
        %parallel_loop3A_1024 = arith.select %parallel_loop3A_1017, %parallel_loop3A_1011, %parallel_loop3A_1023 : vector<16xi1>, vector<16xi32>
        %parallel_loop3A_1025 = arith.constant 73728 : i32
        %parallel_loop3A_1026 = vector.broadcast %parallel_loop3A_1025 : i32 to vector<16xi32>
        %parallel_loop3A_1027 = arith.subi %parallel_loop3A_1014, %parallel_loop3A_1026 : vector<16xi32>
        %parallel_loop3A_1028 = arith.select %parallel_loop3A_1020, %parallel_loop3A_1014, %parallel_loop3A_1027 : vector<16xi1>, vector<16xi32>
        %parallel_loop3A_1029 = arith.constant 16 : i32
        %parallel_loop3A_1030 = arith.constant 0 : i32
        %parallel_loop3A_1031 = vector.broadcast %parallel_loop3A_1029 : i32 to vector<16xi32>
        %parallel_loop3A_1032 = vector.broadcast %parallel_loop3A_1030 : i32 to vector<16xi32>
        %parallel_loop3A_1033 = arith.select %parallel_loop3A_1017, %parallel_loop3A_1031, %parallel_loop3A_1032 : vector<16xi1>, vector<16xi32>
        %parallel_loop3A_1034 = arith.constant 16 : i32
        %parallel_loop3A_1035 = arith.constant 0 : i32
        %parallel_loop3A_1036 = vector.broadcast %parallel_loop3A_1034 : i32 to vector<16xi32>
        %parallel_loop3A_1037 = vector.broadcast %parallel_loop3A_1035 : i32 to vector<16xi32>
        %parallel_loop3A_1038 = arith.select %parallel_loop3A_1020, %parallel_loop3A_1036, %parallel_loop3A_1037 : vector<16xi1>, vector<16xi32>
        %parallel_loop3A_1039 = arith.addi %parallel_loop3A_1024, %parallel_loop3A_990 : vector<16xi32>
        %parallel_loop3A_1040 = tpu.vector_load_idx %arg5[%parallel_loop3A_1039] : memref<73728xi32, #tpu.memory_space<vmem>>[vector<16xi32>], vector<16xi32>,
        %parallel_loop3A_1041 = arith.addi %parallel_loop3A_1028, %parallel_loop3A_990 : vector<16xi32>
        %parallel_loop3A_1042 = tpu.vector_load_idx %arg5[%parallel_loop3A_1041] : memref<73728xi32, #tpu.memory_space<vmem>>[vector<16xi32>], vector<16xi32>,
        %parallel_loop3A_1043 = arith.addi %parallel_loop3A_1024, %parallel_loop3A_996 : vector<16xi32>
        %parallel_loop3A_1044 = tpu.vector_load_idx %arg5[%parallel_loop3A_1043] : memref<73728xi32, #tpu.memory_space<vmem>>[vector<16xi32>], vector<16xi32>,
        %parallel_loop3A_1045 = arith.addi %parallel_loop3A_1028, %parallel_loop3A_996 : vector<16xi32>
        %parallel_loop3A_1046 = tpu.vector_load_idx %arg5[%parallel_loop3A_1045] : memref<73728xi32, #tpu.memory_space<vmem>>[vector<16xi32>], vector<16xi32>,
        %parallel_loop3A_1047 = arith.shli %parallel_loop3A_1040, %parallel_loop3A_1033 : vector<16xi32>
        %parallel_loop3A_1048 = vector.bitcast %parallel_loop3A_1047 : vector<16xi32> to vector<16xf32>
        %parallel_loop3A_1049 = arith.shli %parallel_loop3A_1042, %parallel_loop3A_1038 : vector<16xi32>
        %parallel_loop3A_1050 = vector.bitcast %parallel_loop3A_1049 : vector<16xi32> to vector<16xf32>
        %parallel_loop3A_1051 = arith.shli %parallel_loop3A_1044, %parallel_loop3A_1033 : vector<16xi32>
        %parallel_loop3A_1052 = vector.bitcast %parallel_loop3A_1051 : vector<16xi32> to vector<16xf32>
        %parallel_loop3A_1053 = arith.shli %parallel_loop3A_1046, %parallel_loop3A_1038 : vector<16xi32>
        %parallel_loop3A_1054 = vector.bitcast %parallel_loop3A_1053 : vector<16xi32> to vector<16xf32>
        %parallel_loop3A_1055 = arith.sitofp %parallel_loop3A_990 : vector<16xi32> to vector<16xf32>
        %parallel_loop3A_1056 = arith.sitofp %parallel_loop3A_996 : vector<16xi32> to vector<16xf32>
        %parallel_loop3A_1057 = arith.sitofp %parallel_loop3A_1002 : vector<16xi32> to vector<16xf32>
        %parallel_loop3A_1058 = arith.sitofp %parallel_loop3A_1008 : vector<16xi32> to vector<16xf32>
        %parallel_loop3A_1059 = arith.subf %parallel_loop3A_1056, %parallel_loop3A_974 : vector<16xf32>
        %parallel_loop3A_1060 = arith.subf %parallel_loop3A_974, %parallel_loop3A_1055 : vector<16xf32>
        %parallel_loop3A_1061 = arith.subf %parallel_loop3A_1058, %parallel_loop3A_976 : vector<16xf32>
        %parallel_loop3A_1062 = arith.subf %parallel_loop3A_976, %parallel_loop3A_1057 : vector<16xf32>
        %parallel_loop3A_1063 = arith.mulf %parallel_loop3A_1059, %parallel_loop3A_1048 : vector<16xf32>
        %parallel_loop3A_1064 = arith.mulf %parallel_loop3A_1060, %parallel_loop3A_1052 : vector<16xf32>
        %parallel_loop3A_1065 = arith.addf %parallel_loop3A_1063, %parallel_loop3A_1064 : vector<16xf32>
        %parallel_loop3A_1066 = arith.mulf %parallel_loop3A_1061, %parallel_loop3A_1065 : vector<16xf32>
        %parallel_loop3A_1067 = arith.mulf %parallel_loop3A_1059, %parallel_loop3A_1050 : vector<16xf32>
        %parallel_loop3A_1068 = arith.mulf %parallel_loop3A_1060, %parallel_loop3A_1054 : vector<16xf32>
        %parallel_loop3A_1069 = arith.addf %parallel_loop3A_1067, %parallel_loop3A_1068 : vector<16xf32>
        %parallel_loop3A_1070 = arith.mulf %parallel_loop3A_1062, %parallel_loop3A_1069 : vector<16xf32>
        %parallel_loop3A_1071 = arith.addf %parallel_loop3A_1066, %parallel_loop3A_1070 : vector<16xf32>
        %parallel_loop3A_1072 = arith.constant 0 : i32
        %parallel_loop3A_1073 = arith.index_cast %parallel_loop3A_1072 : i32 to index
        %parallel_loop3A_1074 = arith.index_cast %parallel_loop3A_951 : i32 to index
        %parallel_loop3A_1075 = tpu.vector_load %arg10[%parallel_loop3A_1073, %parallel_loop3A_1074] {strides = array<i32>} : memref<2x6144xf32, #tpu.memory_space<vmem>>, vector<16xf32>,
        tpu.vector_store %arg10[%parallel_loop3A_1073, %parallel_loop3A_1074], %parallel_loop3A_1071 {strides = array<i32>} : memref<2x6144xf32, #tpu.memory_space<vmem>>, vector<16xf32>,
      } {sc.loop_unroll_factor = 4 : i64, sc.parallel_access}
    }
    %scan3A_759 = arith.constant 16 : i32
    %mul3A_760 = arith.constant 384 : i32
    %mul3A_761 = arith.muli %add3A_753, %mul3A_760 : i32
    %add3A_762 = arith.addi %mul3A_58, %mul3A_761 : i32
    %dma_start3A_763 = arith.constant 0 : i32
    %dma_start3A_764 = arith.constant 0 : i32
    %dma_start3A_765 = tpu.memref_slice %arg10[%dma_start3A_763, %dma_start3A_764] : memref<2x6144xf32, #tpu.memory_space<vmem>> -> memref<1x6144xf32, #tpu.memory_space<vmem>>
    %dma_start3A_766 = tpu.memref_squeeze %dma_start3A_765 : memref<1x6144xf32, #tpu.memory_space<vmem>> -> memref<6144xf32, #tpu.memory_space<vmem>>
    %dma_start3A_767 = tpu.memref_slice %arg4[%add3A_762] : memref<1179648xf32, #tpu.memory_space<hbm>> -> memref<6144xf32, #tpu.memory_space<hbm>>
    %dma_start3A_768 = tpu.memref_slice %arg4[%add3A_762] : memref<1179648xf32, #tpu.memory_space<hbm>> -> memref<6144xf32, #tpu.memory_space<hbm>>
    %dma_start3A_769 = arith.constant 0 : i32
    %dma_start3A_770 = tpu.memref_slice %arg10[%dma_start3A_763, %dma_start3A_769] : memref<2x6144xf32, #tpu.memory_space<vmem>> -> memref<1x6144xf32, #tpu.memory_space<vmem>>
    %dma_start3A_771 = tpu.memref_squeeze %dma_start3A_770 : memref<1x6144xf32, #tpu.memory_space<vmem>> -> memref<6144xf32, #tpu.memory_space<vmem>>
    tpu.enqueue_dma source(%dma_start3A_771 : memref<6144xf32, #tpu.memory_space<vmem>>) target(%dma_start3A_768 : memref<6144xf32, #tpu.memory_space<hbm>>) target_semaphore(%arg14 : memref<!tpu.dma_semaphore, #tpu.memory_space<semaphore_mem>>)
    %add3A_772 = arith.constant 64 : i32
    %add3A_773 = arith.addi %mul3A_56, %add3A_772 : i32
    %mul3A_774 = arith.constant 384 : i32
    %mul3A_775 = arith.muli %add3A, %mul3A_774 : i32
    %add3A_776 = arith.addi %mul3A_775, %add3A_773 : i32
    %mul3A_777 = arith.constant 2 : i32
    %mul3A_778 = arith.muli %add3A_776, %mul3A_777 : i32
    %mul3A_779 = arith.constant 384 : i32
    %mul3A_780 = arith.muli %mul3A_778, %mul3A_779 : i32
    %dma_start3A_781 = arith.constant 0 : i32
    %dma_start3A_782 = arith.constant 0 : i32
    %dma_start3A_783 = tpu.memref_slice %arg9[%dma_start3A_781, %dma_start3A_782] : memref<2x12288xf32, #tpu.memory_space<vmem>> -> memref<1x12288xf32, #tpu.memory_space<vmem>>
    %dma_start3A_784 = tpu.memref_squeeze %dma_start3A_783 : memref<1x12288xf32, #tpu.memory_space<vmem>> -> memref<12288xf32, #tpu.memory_space<vmem>>
    %dma_start3A_785 = tpu.memref_slice %arg3[%mul3A_780] : memref<2359296xf32, #tpu.memory_space<hbm>> -> memref<12288xf32, #tpu.memory_space<hbm>>
    %dma_start3A_786 = arith.constant 0 : i32
    %dma_start3A_787 = tpu.memref_slice %arg9[%dma_start3A_781, %dma_start3A_786] : memref<2x12288xf32, #tpu.memory_space<vmem>> -> memref<1x12288xf32, #tpu.memory_space<vmem>>
    %dma_start3A_788 = tpu.memref_squeeze %dma_start3A_787 : memref<1x12288xf32, #tpu.memory_space<vmem>> -> memref<12288xf32, #tpu.memory_space<vmem>>
    %dma_start3A_789 = tpu.memref_slice %arg3[%mul3A_780] : memref<2359296xf32, #tpu.memory_space<hbm>> -> memref<12288xf32, #tpu.memory_space<hbm>>
    tpu.enqueue_dma source(%dma_start3A_789 : memref<12288xf32, #tpu.memory_space<hbm>>) target(%dma_start3A_788 : memref<12288xf32, #tpu.memory_space<vmem>>) target_semaphore(%arg13 : memref<!tpu.dma_semaphore, #tpu.memory_space<semaphore_mem>>)
    %dma_wait3A_790 = arith.constant 1 : i32
    %dma_wait3A_791 = arith.constant 0 : i32
    %dma_wait3A_792 = tpu.memref_slice %arg9[%dma_wait3A_790, %dma_wait3A_791] : memref<2x12288xf32, #tpu.memory_space<vmem>> -> memref<1x12288xf32, #tpu.memory_space<vmem>>
    %dma_wait3A_793 = tpu.memref_squeeze %dma_wait3A_792 : memref<1x12288xf32, #tpu.memory_space<vmem>> -> memref<12288xf32, #tpu.memory_space<vmem>>
    %dma_wait3A_794 = tpu.memref_slice %arg3[%mul3A_724] : memref<2359296xf32, #tpu.memory_space<hbm>> -> memref<12288xf32, #tpu.memory_space<hbm>>
    %dma_wait3A_795 = arith.constant 0 : i32
    %dma_wait3A_796 = tpu.memref_slice %arg9[%dma_wait3A_790, %dma_wait3A_795] : memref<2x12288xf32, #tpu.memory_space<vmem>> -> memref<1x12288xf32, #tpu.memory_space<vmem>>
    %dma_wait3A_797 = tpu.memref_squeeze %dma_wait3A_796 : memref<1x12288xf32, #tpu.memory_space<vmem>> -> memref<12288xf32, #tpu.memory_space<vmem>>
    %dma_wait3A_798 = tpu.memref_slice %arg3[%mul3A_724] : memref<2359296xf32, #tpu.memory_space<hbm>> -> memref<12288xf32, #tpu.memory_space<hbm>>
    tpu.wait_dma2 semaphore(%arg13 : memref<!tpu.dma_semaphore, #tpu.memory_space<semaphore_mem>>) src(%dma_wait3A_798 : memref<12288xf32, #tpu.memory_space<hbm>>) dst(%dma_wait3A_797 : memref<12288xf32, #tpu.memory_space<vmem>>)
    %dma_wait3A_799 = arith.constant 1 : i32
    %dma_wait3A_800 = arith.constant 0 : i32
    %dma_wait3A_801 = tpu.memref_slice %arg10[%dma_wait3A_799, %dma_wait3A_800] : memref<2x6144xf32, #tpu.memory_space<vmem>> -> memref<1x6144xf32, #tpu.memory_space<vmem>>
    %dma_wait3A_802 = tpu.memref_squeeze %dma_wait3A_801 : memref<1x6144xf32, #tpu.memory_space<vmem>> -> memref<6144xf32, #tpu.memory_space<vmem>>
    %dma_wait3A_803 = tpu.memref_slice %arg4[%add3A_706] : memref<1179648xf32, #tpu.memory_space<hbm>> -> memref<6144xf32, #tpu.memory_space<hbm>>
    %dma_wait3A_804 = tpu.memref_slice %arg4[%add3A_706] : memref<1179648xf32, #tpu.memory_space<hbm>> -> memref<6144xf32, #tpu.memory_space<hbm>>
    %dma_wait3A_805 = arith.constant 0 : i32
    %dma_wait3A_806 = tpu.memref_slice %arg10[%dma_wait3A_799, %dma_wait3A_805] : memref<2x6144xf32, #tpu.memory_space<vmem>> -> memref<1x6144xf32, #tpu.memory_space<vmem>>
    %dma_wait3A_807 = tpu.memref_squeeze %dma_wait3A_806 : memref<1x6144xf32, #tpu.memory_space<vmem>> -> memref<6144xf32, #tpu.memory_space<vmem>>
    tpu.wait_dma2 semaphore(%arg14 : memref<!tpu.dma_semaphore, #tpu.memory_space<semaphore_mem>>) src(%dma_wait3A_807 : memref<6144xf32, #tpu.memory_space<vmem>>) dst(%dma_wait3A_804 : memref<6144xf32, #tpu.memory_space<hbm>>)
    %add3A_808 = arith.constant 48 : i32
    %add3A_809 = arith.addi %mul3A_56, %add3A_808 : i32
    %scan3A_810 = arith.constant 0 : i32
    %scan3A_811 = arith.constant 0 : i32
    %scan3A_812 = arith.constant 16 : i32
    %scan3A_813 = arith.addi %scan3A_811, %scan3A_812 : i32
    %scan3A_814 = arith.constant 1 : i32
    scf.for %scan3A_940 = %scan3A_811 to %scan3A_813 step %scan3A_814  : i32 {
      %add3A_941 = arith.addi %add3A_809, %scan3A_940 : i32
      %convert_element_type3A_942 = arith.sitofp %add3A_941 : i32 to f32
      %parallel_loop3A_943 = arith.constant 0 : i32
      %parallel_loop3A_944 = arith.constant 24 : i32
      %parallel_loop3A_945 = arith.constant 1 : i32
      scf.for %parallel_loop3A_946 = %parallel_loop3A_943 to %parallel_loop3A_944 step %parallel_loop3A_945  : i32 {
        %parallel_loop3A_947 = arith.constant 384 : i32
        %parallel_loop3A_948 = arith.muli %scan3A_940, %parallel_loop3A_947 : i32
        %parallel_loop3A_949 = arith.constant 16 : i32
        %parallel_loop3A_950 = arith.muli %parallel_loop3A_946, %parallel_loop3A_949 : i32
        %parallel_loop3A_951 = arith.addi %parallel_loop3A_948, %parallel_loop3A_950 : i32
        %parallel_loop3A_952 = arith.constant 2 : i32
        %parallel_loop3A_953 = arith.muli %parallel_loop3A_952, %scan3A_940 : i32
        %parallel_loop3A_954 = arith.constant 384 : i32
        %parallel_loop3A_955 = arith.muli %parallel_loop3A_953, %parallel_loop3A_954 : i32
        %parallel_loop3A_956 = arith.constant 16 : i32
        %parallel_loop3A_957 = arith.muli %parallel_loop3A_946, %parallel_loop3A_956 : i32
        %parallel_loop3A_958 = arith.addi %parallel_loop3A_955, %parallel_loop3A_957 : i32
        %parallel_loop3A_959 = arith.constant 1 : i32
        %parallel_loop3A_960 = arith.index_cast %parallel_loop3A_959 : i32 to index
        %parallel_loop3A_961 = arith.index_cast %parallel_loop3A_958 : i32 to index
        %parallel_loop3A_962 = tpu.vector_load %arg9[%parallel_loop3A_960, %parallel_loop3A_961] {strides = array<i32>} : memref<2x12288xf32, #tpu.memory_space<vmem>>, vector<16xf32>,
        %parallel_loop3A_963 = arith.constant 384 : i32
        %parallel_loop3A_964 = arith.addi %parallel_loop3A_958, %parallel_loop3A_963 : i32
        %parallel_loop3A_965 = arith.constant 1 : i32
        %parallel_loop3A_966 = arith.index_cast %parallel_loop3A_965 : i32 to index
        %parallel_loop3A_967 = arith.index_cast %parallel_loop3A_964 : i32 to index
        %parallel_loop3A_968 = tpu.vector_load %arg9[%parallel_loop3A_966, %parallel_loop3A_967] {strides = array<i32>} : memref<2x12288xf32, #tpu.memory_space<vmem>>, vector<16xf32>,
        %parallel_loop3A_969 = arith.constant 16 : i32
        %parallel_loop3A_970 = arith.muli %parallel_loop3A_946, %parallel_loop3A_969 : i32
        %parallel_loop3A_971 = arith.sitofp %parallel_loop3A_970 : i32 to f32
        %parallel_loop3A_972 = vector.broadcast %parallel_loop3A_971 : f32 to vector<16xf32>
        %parallel_loop3A_973 = arith.addf %parallel_loop3A_972, %convert_element_type3A_604 : vector<16xf32>
        %parallel_loop3A_974 = arith.addf %parallel_loop3A_973, %parallel_loop3A_962 : vector<16xf32>
        %parallel_loop3A_975 = vector.broadcast %convert_element_type3A_942 : f32 to vector<16xf32>
        %parallel_loop3A_976 = arith.addf %parallel_loop3A_975, %parallel_loop3A_968 : vector<16xf32>
        %parallel_loop3A_977 = arith.fptosi %parallel_loop3A_974 : vector<16xf32> to vector<16xi32>
        %parallel_loop3A_978 = arith.fptosi %parallel_loop3A_976 : vector<16xf32> to vector<16xi32>
        %parallel_loop3A_979 = arith.constant 1 : i32
        %parallel_loop3A_980 = vector.broadcast %parallel_loop3A_979 : i32 to vector<16xi32>
        %parallel_loop3A_981 = arith.addi %parallel_loop3A_977, %parallel_loop3A_980 : vector<16xi32>
        %parallel_loop3A_982 = arith.constant 1 : i32
        %parallel_loop3A_983 = vector.broadcast %parallel_loop3A_982 : i32 to vector<16xi32>
        %parallel_loop3A_984 = arith.addi %parallel_loop3A_978, %parallel_loop3A_983 : vector<16xi32>
        %parallel_loop3A_985 = arith.constant 0 : i32
        %parallel_loop3A_986 = arith.constant 383 : i32
        %parallel_loop3A_987 = vector.broadcast %parallel_loop3A_985 : i32 to vector<16xi32>
        %parallel_loop3A_988 = arith.maxsi %parallel_loop3A_987, %parallel_loop3A_977 : vector<16xi32>
        %parallel_loop3A_989 = vector.broadcast %parallel_loop3A_986 : i32 to vector<16xi32>
        %parallel_loop3A_990 = arith.minsi %parallel_loop3A_989, %parallel_loop3A_988 : vector<16xi32>
        %parallel_loop3A_991 = arith.constant 0 : i32
        %parallel_loop3A_992 = arith.constant 383 : i32
        %parallel_loop3A_993 = vector.broadcast %parallel_loop3A_991 : i32 to vector<16xi32>
        %parallel_loop3A_994 = arith.maxsi %parallel_loop3A_993, %parallel_loop3A_981 : vector<16xi32>
        %parallel_loop3A_995 = vector.broadcast %parallel_loop3A_992 : i32 to vector<16xi32>
        %parallel_loop3A_996 = arith.minsi %parallel_loop3A_995, %parallel_loop3A_994 : vector<16xi32>
        %parallel_loop3A_997 = arith.constant 0 : i32
        %parallel_loop3A_998 = arith.constant 383 : i32
        %parallel_loop3A_999 = vector.broadcast %parallel_loop3A_997 : i32 to vector<16xi32>
        %parallel_loop3A_1000 = arith.maxsi %parallel_loop3A_999, %parallel_loop3A_978 : vector<16xi32>
        %parallel_loop3A_1001 = vector.broadcast %parallel_loop3A_998 : i32 to vector<16xi32>
        %parallel_loop3A_1002 = arith.minsi %parallel_loop3A_1001, %parallel_loop3A_1000 : vector<16xi32>
        %parallel_loop3A_1003 = arith.constant 0 : i32
        %parallel_loop3A_1004 = arith.constant 383 : i32
        %parallel_loop3A_1005 = vector.broadcast %parallel_loop3A_1003 : i32 to vector<16xi32>
        %parallel_loop3A_1006 = arith.maxsi %parallel_loop3A_1005, %parallel_loop3A_984 : vector<16xi32>
        %parallel_loop3A_1007 = vector.broadcast %parallel_loop3A_1004 : i32 to vector<16xi32>
        %parallel_loop3A_1008 = arith.minsi %parallel_loop3A_1007, %parallel_loop3A_1006 : vector<16xi32>
        %parallel_loop3A_1009 = arith.constant 384 : i32
        %parallel_loop3A_1010 = vector.broadcast %parallel_loop3A_1009 : i32 to vector<16xi32>
        %parallel_loop3A_1011 = arith.muli %parallel_loop3A_1002, %parallel_loop3A_1010 : vector<16xi32>
        %parallel_loop3A_1012 = arith.constant 384 : i32
        %parallel_loop3A_1013 = vector.broadcast %parallel_loop3A_1012 : i32 to vector<16xi32>
        %parallel_loop3A_1014 = arith.muli %parallel_loop3A_1008, %parallel_loop3A_1013 : vector<16xi32>
        %parallel_loop3A_1015 = arith.constant 192 : i32
        %parallel_loop3A_1016 = vector.broadcast %parallel_loop3A_1015 : i32 to vector<16xi32>
        %parallel_loop3A_1017 = arith.cmpi slt, %parallel_loop3A_1002, %parallel_loop3A_1016 : vector<16xi32>
        %parallel_loop3A_1018 = arith.constant 192 : i32
        %parallel_loop3A_1019 = vector.broadcast %parallel_loop3A_1018 : i32 to vector<16xi32>
        %parallel_loop3A_1020 = arith.cmpi slt, %parallel_loop3A_1008, %parallel_loop3A_1019 : vector<16xi32>
        %parallel_loop3A_1021 = arith.constant 73728 : i32
        %parallel_loop3A_1022 = vector.broadcast %parallel_loop3A_1021 : i32 to vector<16xi32>
        %parallel_loop3A_1023 = arith.subi %parallel_loop3A_1011, %parallel_loop3A_1022 : vector<16xi32>
        %parallel_loop3A_1024 = arith.select %parallel_loop3A_1017, %parallel_loop3A_1011, %parallel_loop3A_1023 : vector<16xi1>, vector<16xi32>
        %parallel_loop3A_1025 = arith.constant 73728 : i32
        %parallel_loop3A_1026 = vector.broadcast %parallel_loop3A_1025 : i32 to vector<16xi32>
        %parallel_loop3A_1027 = arith.subi %parallel_loop3A_1014, %parallel_loop3A_1026 : vector<16xi32>
        %parallel_loop3A_1028 = arith.select %parallel_loop3A_1020, %parallel_loop3A_1014, %parallel_loop3A_1027 : vector<16xi1>, vector<16xi32>
        %parallel_loop3A_1029 = arith.constant 16 : i32
        %parallel_loop3A_1030 = arith.constant 0 : i32
        %parallel_loop3A_1031 = vector.broadcast %parallel_loop3A_1029 : i32 to vector<16xi32>
        %parallel_loop3A_1032 = vector.broadcast %parallel_loop3A_1030 : i32 to vector<16xi32>
        %parallel_loop3A_1033 = arith.select %parallel_loop3A_1017, %parallel_loop3A_1031, %parallel_loop3A_1032 : vector<16xi1>, vector<16xi32>
        %parallel_loop3A_1034 = arith.constant 16 : i32
        %parallel_loop3A_1035 = arith.constant 0 : i32
        %parallel_loop3A_1036 = vector.broadcast %parallel_loop3A_1034 : i32 to vector<16xi32>
        %parallel_loop3A_1037 = vector.broadcast %parallel_loop3A_1035 : i32 to vector<16xi32>
        %parallel_loop3A_1038 = arith.select %parallel_loop3A_1020, %parallel_loop3A_1036, %parallel_loop3A_1037 : vector<16xi1>, vector<16xi32>
        %parallel_loop3A_1039 = arith.addi %parallel_loop3A_1024, %parallel_loop3A_990 : vector<16xi32>
        %parallel_loop3A_1040 = tpu.vector_load_idx %arg5[%parallel_loop3A_1039] : memref<73728xi32, #tpu.memory_space<vmem>>[vector<16xi32>], vector<16xi32>,
        %parallel_loop3A_1041 = arith.addi %parallel_loop3A_1028, %parallel_loop3A_990 : vector<16xi32>
        %parallel_loop3A_1042 = tpu.vector_load_idx %arg5[%parallel_loop3A_1041] : memref<73728xi32, #tpu.memory_space<vmem>>[vector<16xi32>], vector<16xi32>,
        %parallel_loop3A_1043 = arith.addi %parallel_loop3A_1024, %parallel_loop3A_996 : vector<16xi32>
        %parallel_loop3A_1044 = tpu.vector_load_idx %arg5[%parallel_loop3A_1043] : memref<73728xi32, #tpu.memory_space<vmem>>[vector<16xi32>], vector<16xi32>,
        %parallel_loop3A_1045 = arith.addi %parallel_loop3A_1028, %parallel_loop3A_996 : vector<16xi32>
        %parallel_loop3A_1046 = tpu.vector_load_idx %arg5[%parallel_loop3A_1045] : memref<73728xi32, #tpu.memory_space<vmem>>[vector<16xi32>], vector<16xi32>,
        %parallel_loop3A_1047 = arith.shli %parallel_loop3A_1040, %parallel_loop3A_1033 : vector<16xi32>
        %parallel_loop3A_1048 = vector.bitcast %parallel_loop3A_1047 : vector<16xi32> to vector<16xf32>
        %parallel_loop3A_1049 = arith.shli %parallel_loop3A_1042, %parallel_loop3A_1038 : vector<16xi32>
        %parallel_loop3A_1050 = vector.bitcast %parallel_loop3A_1049 : vector<16xi32> to vector<16xf32>
        %parallel_loop3A_1051 = arith.shli %parallel_loop3A_1044, %parallel_loop3A_1033 : vector<16xi32>
        %parallel_loop3A_1052 = vector.bitcast %parallel_loop3A_1051 : vector<16xi32> to vector<16xf32>
        %parallel_loop3A_1053 = arith.shli %parallel_loop3A_1046, %parallel_loop3A_1038 : vector<16xi32>
        %parallel_loop3A_1054 = vector.bitcast %parallel_loop3A_1053 : vector<16xi32> to vector<16xf32>
        %parallel_loop3A_1055 = arith.sitofp %parallel_loop3A_990 : vector<16xi32> to vector<16xf32>
        %parallel_loop3A_1056 = arith.sitofp %parallel_loop3A_996 : vector<16xi32> to vector<16xf32>
        %parallel_loop3A_1057 = arith.sitofp %parallel_loop3A_1002 : vector<16xi32> to vector<16xf32>
        %parallel_loop3A_1058 = arith.sitofp %parallel_loop3A_1008 : vector<16xi32> to vector<16xf32>
        %parallel_loop3A_1059 = arith.subf %parallel_loop3A_1056, %parallel_loop3A_974 : vector<16xf32>
        %parallel_loop3A_1060 = arith.subf %parallel_loop3A_974, %parallel_loop3A_1055 : vector<16xf32>
        %parallel_loop3A_1061 = arith.subf %parallel_loop3A_1058, %parallel_loop3A_976 : vector<16xf32>
        %parallel_loop3A_1062 = arith.subf %parallel_loop3A_976, %parallel_loop3A_1057 : vector<16xf32>
        %parallel_loop3A_1063 = arith.mulf %parallel_loop3A_1059, %parallel_loop3A_1048 : vector<16xf32>
        %parallel_loop3A_1064 = arith.mulf %parallel_loop3A_1060, %parallel_loop3A_1052 : vector<16xf32>
        %parallel_loop3A_1065 = arith.addf %parallel_loop3A_1063, %parallel_loop3A_1064 : vector<16xf32>
        %parallel_loop3A_1066 = arith.mulf %parallel_loop3A_1061, %parallel_loop3A_1065 : vector<16xf32>
        %parallel_loop3A_1067 = arith.mulf %parallel_loop3A_1059, %parallel_loop3A_1050 : vector<16xf32>
        %parallel_loop3A_1068 = arith.mulf %parallel_loop3A_1060, %parallel_loop3A_1054 : vector<16xf32>
        %parallel_loop3A_1069 = arith.addf %parallel_loop3A_1067, %parallel_loop3A_1068 : vector<16xf32>
        %parallel_loop3A_1070 = arith.mulf %parallel_loop3A_1062, %parallel_loop3A_1069 : vector<16xf32>
        %parallel_loop3A_1071 = arith.addf %parallel_loop3A_1066, %parallel_loop3A_1070 : vector<16xf32>
        %parallel_loop3A_1072 = arith.constant 1 : i32
        %parallel_loop3A_1073 = arith.index_cast %parallel_loop3A_1072 : i32 to index
        %parallel_loop3A_1074 = arith.index_cast %parallel_loop3A_951 : i32 to index
        %parallel_loop3A_1075 = tpu.vector_load %arg10[%parallel_loop3A_1073, %parallel_loop3A_1074] {strides = array<i32>} : memref<2x6144xf32, #tpu.memory_space<vmem>>, vector<16xf32>,
        tpu.vector_store %arg10[%parallel_loop3A_1073, %parallel_loop3A_1074], %parallel_loop3A_1071 {strides = array<i32>} : memref<2x6144xf32, #tpu.memory_space<vmem>>, vector<16xf32>,
      } {sc.loop_unroll_factor = 4 : i64, sc.parallel_access}
    }
    %scan3A_815 = arith.constant 16 : i32
    %mul3A_816 = arith.constant 384 : i32
    %mul3A_817 = arith.muli %add3A_809, %mul3A_816 : i32
    %add3A_818 = arith.addi %mul3A_58, %mul3A_817 : i32
    %dma_start3A_819 = arith.constant 1 : i32
    %dma_start3A_820 = arith.constant 0 : i32
    %dma_start3A_821 = tpu.memref_slice %arg10[%dma_start3A_819, %dma_start3A_820] : memref<2x6144xf32, #tpu.memory_space<vmem>> -> memref<1x6144xf32, #tpu.memory_space<vmem>>
    %dma_start3A_822 = tpu.memref_squeeze %dma_start3A_821 : memref<1x6144xf32, #tpu.memory_space<vmem>> -> memref<6144xf32, #tpu.memory_space<vmem>>
    %dma_start3A_823 = tpu.memref_slice %arg4[%add3A_818] : memref<1179648xf32, #tpu.memory_space<hbm>> -> memref<6144xf32, #tpu.memory_space<hbm>>
    %dma_start3A_824 = tpu.memref_slice %arg4[%add3A_818] : memref<1179648xf32, #tpu.memory_space<hbm>> -> memref<6144xf32, #tpu.memory_space<hbm>>
    %dma_start3A_825 = arith.constant 0 : i32
    %dma_start3A_826 = tpu.memref_slice %arg10[%dma_start3A_819, %dma_start3A_825] : memref<2x6144xf32, #tpu.memory_space<vmem>> -> memref<1x6144xf32, #tpu.memory_space<vmem>>
    %dma_start3A_827 = tpu.memref_squeeze %dma_start3A_826 : memref<1x6144xf32, #tpu.memory_space<vmem>> -> memref<6144xf32, #tpu.memory_space<vmem>>
    tpu.enqueue_dma source(%dma_start3A_827 : memref<6144xf32, #tpu.memory_space<vmem>>) target(%dma_start3A_824 : memref<6144xf32, #tpu.memory_space<hbm>>) target_semaphore(%arg14 : memref<!tpu.dma_semaphore, #tpu.memory_space<semaphore_mem>>)
    %add3A_828 = arith.constant 80 : i32
    %add3A_829 = arith.addi %mul3A_56, %add3A_828 : i32
    %mul3A_830 = arith.constant 384 : i32
    %mul3A_831 = arith.muli %add3A, %mul3A_830 : i32
    %add3A_832 = arith.addi %mul3A_831, %add3A_829 : i32
    %mul3A_833 = arith.constant 2 : i32
    %mul3A_834 = arith.muli %add3A_832, %mul3A_833 : i32
    %mul3A_835 = arith.constant 384 : i32
    %mul3A_836 = arith.muli %mul3A_834, %mul3A_835 : i32
    %dma_start3A_837 = arith.constant 1 : i32
    %dma_start3A_838 = arith.constant 0 : i32
    %dma_start3A_839 = tpu.memref_slice %arg9[%dma_start3A_837, %dma_start3A_838] : memref<2x12288xf32, #tpu.memory_space<vmem>> -> memref<1x12288xf32, #tpu.memory_space<vmem>>
    %dma_start3A_840 = tpu.memref_squeeze %dma_start3A_839 : memref<1x12288xf32, #tpu.memory_space<vmem>> -> memref<12288xf32, #tpu.memory_space<vmem>>
    %dma_start3A_841 = tpu.memref_slice %arg3[%mul3A_836] : memref<2359296xf32, #tpu.memory_space<hbm>> -> memref<12288xf32, #tpu.memory_space<hbm>>
    %dma_start3A_842 = arith.constant 0 : i32
    %dma_start3A_843 = tpu.memref_slice %arg9[%dma_start3A_837, %dma_start3A_842] : memref<2x12288xf32, #tpu.memory_space<vmem>> -> memref<1x12288xf32, #tpu.memory_space<vmem>>
    %dma_start3A_844 = tpu.memref_squeeze %dma_start3A_843 : memref<1x12288xf32, #tpu.memory_space<vmem>> -> memref<12288xf32, #tpu.memory_space<vmem>>
    %dma_start3A_845 = tpu.memref_slice %arg3[%mul3A_836] : memref<2359296xf32, #tpu.memory_space<hbm>> -> memref<12288xf32, #tpu.memory_space<hbm>>
    tpu.enqueue_dma source(%dma_start3A_845 : memref<12288xf32, #tpu.memory_space<hbm>>) target(%dma_start3A_844 : memref<12288xf32, #tpu.memory_space<vmem>>) target_semaphore(%arg13 : memref<!tpu.dma_semaphore, #tpu.memory_space<semaphore_mem>>)
    %dma_wait3A_846 = arith.constant 0 : i32
    %dma_wait3A_847 = arith.constant 0 : i32
    %dma_wait3A_848 = tpu.memref_slice %arg9[%dma_wait3A_846, %dma_wait3A_847] : memref<2x12288xf32, #tpu.memory_space<vmem>> -> memref<1x12288xf32, #tpu.memory_space<vmem>>
    %dma_wait3A_849 = tpu.memref_squeeze %dma_wait3A_848 : memref<1x12288xf32, #tpu.memory_space<vmem>> -> memref<12288xf32, #tpu.memory_space<vmem>>
    %dma_wait3A_850 = tpu.memref_slice %arg3[%mul3A_780] : memref<2359296xf32, #tpu.memory_space<hbm>> -> memref<12288xf32, #tpu.memory_space<hbm>>
    %dma_wait3A_851 = arith.constant 0 : i32
    %dma_wait3A_852 = tpu.memref_slice %arg9[%dma_wait3A_846, %dma_wait3A_851] : memref<2x12288xf32, #tpu.memory_space<vmem>> -> memref<1x12288xf32, #tpu.memory_space<vmem>>
    %dma_wait3A_853 = tpu.memref_squeeze %dma_wait3A_852 : memref<1x12288xf32, #tpu.memory_space<vmem>> -> memref<12288xf32, #tpu.memory_space<vmem>>
    %dma_wait3A_854 = tpu.memref_slice %arg3[%mul3A_780] : memref<2359296xf32, #tpu.memory_space<hbm>> -> memref<12288xf32, #tpu.memory_space<hbm>>
    tpu.wait_dma2 semaphore(%arg13 : memref<!tpu.dma_semaphore, #tpu.memory_space<semaphore_mem>>) src(%dma_wait3A_854 : memref<12288xf32, #tpu.memory_space<hbm>>) dst(%dma_wait3A_853 : memref<12288xf32, #tpu.memory_space<vmem>>)
    %dma_wait3A_855 = arith.constant 0 : i32
    %dma_wait3A_856 = arith.constant 0 : i32
    %dma_wait3A_857 = tpu.memref_slice %arg10[%dma_wait3A_855, %dma_wait3A_856] : memref<2x6144xf32, #tpu.memory_space<vmem>> -> memref<1x6144xf32, #tpu.memory_space<vmem>>
    %dma_wait3A_858 = tpu.memref_squeeze %dma_wait3A_857 : memref<1x6144xf32, #tpu.memory_space<vmem>> -> memref<6144xf32, #tpu.memory_space<vmem>>
    %dma_wait3A_859 = tpu.memref_slice %arg4[%add3A_762] : memref<1179648xf32, #tpu.memory_space<hbm>> -> memref<6144xf32, #tpu.memory_space<hbm>>
    %dma_wait3A_860 = tpu.memref_slice %arg4[%add3A_762] : memref<1179648xf32, #tpu.memory_space<hbm>> -> memref<6144xf32, #tpu.memory_space<hbm>>
    %dma_wait3A_861 = arith.constant 0 : i32
    %dma_wait3A_862 = tpu.memref_slice %arg10[%dma_wait3A_855, %dma_wait3A_861] : memref<2x6144xf32, #tpu.memory_space<vmem>> -> memref<1x6144xf32, #tpu.memory_space<vmem>>
    %dma_wait3A_863 = tpu.memref_squeeze %dma_wait3A_862 : memref<1x6144xf32, #tpu.memory_space<vmem>> -> memref<6144xf32, #tpu.memory_space<vmem>>
    tpu.wait_dma2 semaphore(%arg14 : memref<!tpu.dma_semaphore, #tpu.memory_space<semaphore_mem>>) src(%dma_wait3A_863 : memref<6144xf32, #tpu.memory_space<vmem>>) dst(%dma_wait3A_860 : memref<6144xf32, #tpu.memory_space<hbm>>)
    %add3A_864 = arith.constant 64 : i32
    %add3A_865 = arith.addi %mul3A_56, %add3A_864 : i32
    %scan3A_866 = arith.constant 0 : i32
    %scan3A_867 = arith.constant 0 : i32
    %scan3A_868 = arith.constant 16 : i32
    %scan3A_869 = arith.addi %scan3A_867, %scan3A_868 : i32
    %scan3A_870 = arith.constant 1 : i32
    scf.for %scan3A_940 = %scan3A_867 to %scan3A_869 step %scan3A_870  : i32 {
      %add3A_941 = arith.addi %add3A_865, %scan3A_940 : i32
      %convert_element_type3A_942 = arith.sitofp %add3A_941 : i32 to f32
      %parallel_loop3A_943 = arith.constant 0 : i32
      %parallel_loop3A_944 = arith.constant 24 : i32
      %parallel_loop3A_945 = arith.constant 1 : i32
      scf.for %parallel_loop3A_946 = %parallel_loop3A_943 to %parallel_loop3A_944 step %parallel_loop3A_945  : i32 {
        %parallel_loop3A_947 = arith.constant 384 : i32
        %parallel_loop3A_948 = arith.muli %scan3A_940, %parallel_loop3A_947 : i32
        %parallel_loop3A_949 = arith.constant 16 : i32
        %parallel_loop3A_950 = arith.muli %parallel_loop3A_946, %parallel_loop3A_949 : i32
        %parallel_loop3A_951 = arith.addi %parallel_loop3A_948, %parallel_loop3A_950 : i32
        %parallel_loop3A_952 = arith.constant 2 : i32
        %parallel_loop3A_953 = arith.muli %parallel_loop3A_952, %scan3A_940 : i32
        %parallel_loop3A_954 = arith.constant 384 : i32
        %parallel_loop3A_955 = arith.muli %parallel_loop3A_953, %parallel_loop3A_954 : i32
        %parallel_loop3A_956 = arith.constant 16 : i32
        %parallel_loop3A_957 = arith.muli %parallel_loop3A_946, %parallel_loop3A_956 : i32
        %parallel_loop3A_958 = arith.addi %parallel_loop3A_955, %parallel_loop3A_957 : i32
        %parallel_loop3A_959 = arith.constant 0 : i32
        %parallel_loop3A_960 = arith.index_cast %parallel_loop3A_959 : i32 to index
        %parallel_loop3A_961 = arith.index_cast %parallel_loop3A_958 : i32 to index
        %parallel_loop3A_962 = tpu.vector_load %arg9[%parallel_loop3A_960, %parallel_loop3A_961] {strides = array<i32>} : memref<2x12288xf32, #tpu.memory_space<vmem>>, vector<16xf32>,
        %parallel_loop3A_963 = arith.constant 384 : i32
        %parallel_loop3A_964 = arith.addi %parallel_loop3A_958, %parallel_loop3A_963 : i32
        %parallel_loop3A_965 = arith.constant 0 : i32
        %parallel_loop3A_966 = arith.index_cast %parallel_loop3A_965 : i32 to index
        %parallel_loop3A_967 = arith.index_cast %parallel_loop3A_964 : i32 to index
        %parallel_loop3A_968 = tpu.vector_load %arg9[%parallel_loop3A_966, %parallel_loop3A_967] {strides = array<i32>} : memref<2x12288xf32, #tpu.memory_space<vmem>>, vector<16xf32>,
        %parallel_loop3A_969 = arith.constant 16 : i32
        %parallel_loop3A_970 = arith.muli %parallel_loop3A_946, %parallel_loop3A_969 : i32
        %parallel_loop3A_971 = arith.sitofp %parallel_loop3A_970 : i32 to f32
        %parallel_loop3A_972 = vector.broadcast %parallel_loop3A_971 : f32 to vector<16xf32>
        %parallel_loop3A_973 = arith.addf %parallel_loop3A_972, %convert_element_type3A_604 : vector<16xf32>
        %parallel_loop3A_974 = arith.addf %parallel_loop3A_973, %parallel_loop3A_962 : vector<16xf32>
        %parallel_loop3A_975 = vector.broadcast %convert_element_type3A_942 : f32 to vector<16xf32>
        %parallel_loop3A_976 = arith.addf %parallel_loop3A_975, %parallel_loop3A_968 : vector<16xf32>
        %parallel_loop3A_977 = arith.fptosi %parallel_loop3A_974 : vector<16xf32> to vector<16xi32>
        %parallel_loop3A_978 = arith.fptosi %parallel_loop3A_976 : vector<16xf32> to vector<16xi32>
        %parallel_loop3A_979 = arith.constant 1 : i32
        %parallel_loop3A_980 = vector.broadcast %parallel_loop3A_979 : i32 to vector<16xi32>
        %parallel_loop3A_981 = arith.addi %parallel_loop3A_977, %parallel_loop3A_980 : vector<16xi32>
        %parallel_loop3A_982 = arith.constant 1 : i32
        %parallel_loop3A_983 = vector.broadcast %parallel_loop3A_982 : i32 to vector<16xi32>
        %parallel_loop3A_984 = arith.addi %parallel_loop3A_978, %parallel_loop3A_983 : vector<16xi32>
        %parallel_loop3A_985 = arith.constant 0 : i32
        %parallel_loop3A_986 = arith.constant 383 : i32
        %parallel_loop3A_987 = vector.broadcast %parallel_loop3A_985 : i32 to vector<16xi32>
        %parallel_loop3A_988 = arith.maxsi %parallel_loop3A_987, %parallel_loop3A_977 : vector<16xi32>
        %parallel_loop3A_989 = vector.broadcast %parallel_loop3A_986 : i32 to vector<16xi32>
        %parallel_loop3A_990 = arith.minsi %parallel_loop3A_989, %parallel_loop3A_988 : vector<16xi32>
        %parallel_loop3A_991 = arith.constant 0 : i32
        %parallel_loop3A_992 = arith.constant 383 : i32
        %parallel_loop3A_993 = vector.broadcast %parallel_loop3A_991 : i32 to vector<16xi32>
        %parallel_loop3A_994 = arith.maxsi %parallel_loop3A_993, %parallel_loop3A_981 : vector<16xi32>
        %parallel_loop3A_995 = vector.broadcast %parallel_loop3A_992 : i32 to vector<16xi32>
        %parallel_loop3A_996 = arith.minsi %parallel_loop3A_995, %parallel_loop3A_994 : vector<16xi32>
        %parallel_loop3A_997 = arith.constant 0 : i32
        %parallel_loop3A_998 = arith.constant 383 : i32
        %parallel_loop3A_999 = vector.broadcast %parallel_loop3A_997 : i32 to vector<16xi32>
        %parallel_loop3A_1000 = arith.maxsi %parallel_loop3A_999, %parallel_loop3A_978 : vector<16xi32>
        %parallel_loop3A_1001 = vector.broadcast %parallel_loop3A_998 : i32 to vector<16xi32>
        %parallel_loop3A_1002 = arith.minsi %parallel_loop3A_1001, %parallel_loop3A_1000 : vector<16xi32>
        %parallel_loop3A_1003 = arith.constant 0 : i32
        %parallel_loop3A_1004 = arith.constant 383 : i32
        %parallel_loop3A_1005 = vector.broadcast %parallel_loop3A_1003 : i32 to vector<16xi32>
        %parallel_loop3A_1006 = arith.maxsi %parallel_loop3A_1005, %parallel_loop3A_984 : vector<16xi32>
        %parallel_loop3A_1007 = vector.broadcast %parallel_loop3A_1004 : i32 to vector<16xi32>
        %parallel_loop3A_1008 = arith.minsi %parallel_loop3A_1007, %parallel_loop3A_1006 : vector<16xi32>
        %parallel_loop3A_1009 = arith.constant 384 : i32
        %parallel_loop3A_1010 = vector.broadcast %parallel_loop3A_1009 : i32 to vector<16xi32>
        %parallel_loop3A_1011 = arith.muli %parallel_loop3A_1002, %parallel_loop3A_1010 : vector<16xi32>
        %parallel_loop3A_1012 = arith.constant 384 : i32
        %parallel_loop3A_1013 = vector.broadcast %parallel_loop3A_1012 : i32 to vector<16xi32>
        %parallel_loop3A_1014 = arith.muli %parallel_loop3A_1008, %parallel_loop3A_1013 : vector<16xi32>
        %parallel_loop3A_1015 = arith.constant 192 : i32
        %parallel_loop3A_1016 = vector.broadcast %parallel_loop3A_1015 : i32 to vector<16xi32>
        %parallel_loop3A_1017 = arith.cmpi slt, %parallel_loop3A_1002, %parallel_loop3A_1016 : vector<16xi32>
        %parallel_loop3A_1018 = arith.constant 192 : i32
        %parallel_loop3A_1019 = vector.broadcast %parallel_loop3A_1018 : i32 to vector<16xi32>
        %parallel_loop3A_1020 = arith.cmpi slt, %parallel_loop3A_1008, %parallel_loop3A_1019 : vector<16xi32>
        %parallel_loop3A_1021 = arith.constant 73728 : i32
        %parallel_loop3A_1022 = vector.broadcast %parallel_loop3A_1021 : i32 to vector<16xi32>
        %parallel_loop3A_1023 = arith.subi %parallel_loop3A_1011, %parallel_loop3A_1022 : vector<16xi32>
        %parallel_loop3A_1024 = arith.select %parallel_loop3A_1017, %parallel_loop3A_1011, %parallel_loop3A_1023 : vector<16xi1>, vector<16xi32>
        %parallel_loop3A_1025 = arith.constant 73728 : i32
        %parallel_loop3A_1026 = vector.broadcast %parallel_loop3A_1025 : i32 to vector<16xi32>
        %parallel_loop3A_1027 = arith.subi %parallel_loop3A_1014, %parallel_loop3A_1026 : vector<16xi32>
        %parallel_loop3A_1028 = arith.select %parallel_loop3A_1020, %parallel_loop3A_1014, %parallel_loop3A_1027 : vector<16xi1>, vector<16xi32>
        %parallel_loop3A_1029 = arith.constant 16 : i32
        %parallel_loop3A_1030 = arith.constant 0 : i32
        %parallel_loop3A_1031 = vector.broadcast %parallel_loop3A_1029 : i32 to vector<16xi32>
        %parallel_loop3A_1032 = vector.broadcast %parallel_loop3A_1030 : i32 to vector<16xi32>
        %parallel_loop3A_1033 = arith.select %parallel_loop3A_1017, %parallel_loop3A_1031, %parallel_loop3A_1032 : vector<16xi1>, vector<16xi32>
        %parallel_loop3A_1034 = arith.constant 16 : i32
        %parallel_loop3A_1035 = arith.constant 0 : i32
        %parallel_loop3A_1036 = vector.broadcast %parallel_loop3A_1034 : i32 to vector<16xi32>
        %parallel_loop3A_1037 = vector.broadcast %parallel_loop3A_1035 : i32 to vector<16xi32>
        %parallel_loop3A_1038 = arith.select %parallel_loop3A_1020, %parallel_loop3A_1036, %parallel_loop3A_1037 : vector<16xi1>, vector<16xi32>
        %parallel_loop3A_1039 = arith.addi %parallel_loop3A_1024, %parallel_loop3A_990 : vector<16xi32>
        %parallel_loop3A_1040 = tpu.vector_load_idx %arg5[%parallel_loop3A_1039] : memref<73728xi32, #tpu.memory_space<vmem>>[vector<16xi32>], vector<16xi32>,
        %parallel_loop3A_1041 = arith.addi %parallel_loop3A_1028, %parallel_loop3A_990 : vector<16xi32>
        %parallel_loop3A_1042 = tpu.vector_load_idx %arg5[%parallel_loop3A_1041] : memref<73728xi32, #tpu.memory_space<vmem>>[vector<16xi32>], vector<16xi32>,
        %parallel_loop3A_1043 = arith.addi %parallel_loop3A_1024, %parallel_loop3A_996 : vector<16xi32>
        %parallel_loop3A_1044 = tpu.vector_load_idx %arg5[%parallel_loop3A_1043] : memref<73728xi32, #tpu.memory_space<vmem>>[vector<16xi32>], vector<16xi32>,
        %parallel_loop3A_1045 = arith.addi %parallel_loop3A_1028, %parallel_loop3A_996 : vector<16xi32>
        %parallel_loop3A_1046 = tpu.vector_load_idx %arg5[%parallel_loop3A_1045] : memref<73728xi32, #tpu.memory_space<vmem>>[vector<16xi32>], vector<16xi32>,
        %parallel_loop3A_1047 = arith.shli %parallel_loop3A_1040, %parallel_loop3A_1033 : vector<16xi32>
        %parallel_loop3A_1048 = vector.bitcast %parallel_loop3A_1047 : vector<16xi32> to vector<16xf32>
        %parallel_loop3A_1049 = arith.shli %parallel_loop3A_1042, %parallel_loop3A_1038 : vector<16xi32>
        %parallel_loop3A_1050 = vector.bitcast %parallel_loop3A_1049 : vector<16xi32> to vector<16xf32>
        %parallel_loop3A_1051 = arith.shli %parallel_loop3A_1044, %parallel_loop3A_1033 : vector<16xi32>
        %parallel_loop3A_1052 = vector.bitcast %parallel_loop3A_1051 : vector<16xi32> to vector<16xf32>
        %parallel_loop3A_1053 = arith.shli %parallel_loop3A_1046, %parallel_loop3A_1038 : vector<16xi32>
        %parallel_loop3A_1054 = vector.bitcast %parallel_loop3A_1053 : vector<16xi32> to vector<16xf32>
        %parallel_loop3A_1055 = arith.sitofp %parallel_loop3A_990 : vector<16xi32> to vector<16xf32>
        %parallel_loop3A_1056 = arith.sitofp %parallel_loop3A_996 : vector<16xi32> to vector<16xf32>
        %parallel_loop3A_1057 = arith.sitofp %parallel_loop3A_1002 : vector<16xi32> to vector<16xf32>
        %parallel_loop3A_1058 = arith.sitofp %parallel_loop3A_1008 : vector<16xi32> to vector<16xf32>
        %parallel_loop3A_1059 = arith.subf %parallel_loop3A_1056, %parallel_loop3A_974 : vector<16xf32>
        %parallel_loop3A_1060 = arith.subf %parallel_loop3A_974, %parallel_loop3A_1055 : vector<16xf32>
        %parallel_loop3A_1061 = arith.subf %parallel_loop3A_1058, %parallel_loop3A_976 : vector<16xf32>
        %parallel_loop3A_1062 = arith.subf %parallel_loop3A_976, %parallel_loop3A_1057 : vector<16xf32>
        %parallel_loop3A_1063 = arith.mulf %parallel_loop3A_1059, %parallel_loop3A_1048 : vector<16xf32>
        %parallel_loop3A_1064 = arith.mulf %parallel_loop3A_1060, %parallel_loop3A_1052 : vector<16xf32>
        %parallel_loop3A_1065 = arith.addf %parallel_loop3A_1063, %parallel_loop3A_1064 : vector<16xf32>
        %parallel_loop3A_1066 = arith.mulf %parallel_loop3A_1061, %parallel_loop3A_1065 : vector<16xf32>
        %parallel_loop3A_1067 = arith.mulf %parallel_loop3A_1059, %parallel_loop3A_1050 : vector<16xf32>
        %parallel_loop3A_1068 = arith.mulf %parallel_loop3A_1060, %parallel_loop3A_1054 : vector<16xf32>
        %parallel_loop3A_1069 = arith.addf %parallel_loop3A_1067, %parallel_loop3A_1068 : vector<16xf32>
        %parallel_loop3A_1070 = arith.mulf %parallel_loop3A_1062, %parallel_loop3A_1069 : vector<16xf32>
        %parallel_loop3A_1071 = arith.addf %parallel_loop3A_1066, %parallel_loop3A_1070 : vector<16xf32>
        %parallel_loop3A_1072 = arith.constant 0 : i32
        %parallel_loop3A_1073 = arith.index_cast %parallel_loop3A_1072 : i32 to index
        %parallel_loop3A_1074 = arith.index_cast %parallel_loop3A_951 : i32 to index
        %parallel_loop3A_1075 = tpu.vector_load %arg10[%parallel_loop3A_1073, %parallel_loop3A_1074] {strides = array<i32>} : memref<2x6144xf32, #tpu.memory_space<vmem>>, vector<16xf32>,
        tpu.vector_store %arg10[%parallel_loop3A_1073, %parallel_loop3A_1074], %parallel_loop3A_1071 {strides = array<i32>} : memref<2x6144xf32, #tpu.memory_space<vmem>>, vector<16xf32>,
      } {sc.loop_unroll_factor = 4 : i64, sc.parallel_access}
    }
    %scan3A_871 = arith.constant 16 : i32
    %mul3A_872 = arith.constant 384 : i32
    %mul3A_873 = arith.muli %add3A_865, %mul3A_872 : i32
    %add3A_874 = arith.addi %mul3A_58, %mul3A_873 : i32
    %dma_start3A_875 = arith.constant 0 : i32
    %dma_start3A_876 = arith.constant 0 : i32
    %dma_start3A_877 = tpu.memref_slice %arg10[%dma_start3A_875, %dma_start3A_876] : memref<2x6144xf32, #tpu.memory_space<vmem>> -> memref<1x6144xf32, #tpu.memory_space<vmem>>
    %dma_start3A_878 = tpu.memref_squeeze %dma_start3A_877 : memref<1x6144xf32, #tpu.memory_space<vmem>> -> memref<6144xf32, #tpu.memory_space<vmem>>
    %dma_start3A_879 = tpu.memref_slice %arg4[%add3A_874] : memref<1179648xf32, #tpu.memory_space<hbm>> -> memref<6144xf32, #tpu.memory_space<hbm>>
    %dma_start3A_880 = tpu.memref_slice %arg4[%add3A_874] : memref<1179648xf32, #tpu.memory_space<hbm>> -> memref<6144xf32, #tpu.memory_space<hbm>>
    %dma_start3A_881 = arith.constant 0 : i32
    %dma_start3A_882 = tpu.memref_slice %arg10[%dma_start3A_875, %dma_start3A_881] : memref<2x6144xf32, #tpu.memory_space<vmem>> -> memref<1x6144xf32, #tpu.memory_space<vmem>>
    %dma_start3A_883 = tpu.memref_squeeze %dma_start3A_882 : memref<1x6144xf32, #tpu.memory_space<vmem>> -> memref<6144xf32, #tpu.memory_space<vmem>>
    tpu.enqueue_dma source(%dma_start3A_883 : memref<6144xf32, #tpu.memory_space<vmem>>) target(%dma_start3A_880 : memref<6144xf32, #tpu.memory_space<hbm>>) target_semaphore(%arg14 : memref<!tpu.dma_semaphore, #tpu.memory_space<semaphore_mem>>)
    %dma_wait3A_884 = arith.constant 1 : i32
    %dma_wait3A_885 = arith.constant 0 : i32
    %dma_wait3A_886 = tpu.memref_slice %arg9[%dma_wait3A_884, %dma_wait3A_885] : memref<2x12288xf32, #tpu.memory_space<vmem>> -> memref<1x12288xf32, #tpu.memory_space<vmem>>
    %dma_wait3A_887 = tpu.memref_squeeze %dma_wait3A_886 : memref<1x12288xf32, #tpu.memory_space<vmem>> -> memref<12288xf32, #tpu.memory_space<vmem>>
    %dma_wait3A_888 = tpu.memref_slice %arg3[%mul3A_836] : memref<2359296xf32, #tpu.memory_space<hbm>> -> memref<12288xf32, #tpu.memory_space<hbm>>
    %dma_wait3A_889 = arith.constant 0 : i32
    %dma_wait3A_890 = tpu.memref_slice %arg9[%dma_wait3A_884, %dma_wait3A_889] : memref<2x12288xf32, #tpu.memory_space<vmem>> -> memref<1x12288xf32, #tpu.memory_space<vmem>>
    %dma_wait3A_891 = tpu.memref_squeeze %dma_wait3A_890 : memref<1x12288xf32, #tpu.memory_space<vmem>> -> memref<12288xf32, #tpu.memory_space<vmem>>
    %dma_wait3A_892 = tpu.memref_slice %arg3[%mul3A_836] : memref<2359296xf32, #tpu.memory_space<hbm>> -> memref<12288xf32, #tpu.memory_space<hbm>>
    tpu.wait_dma2 semaphore(%arg13 : memref<!tpu.dma_semaphore, #tpu.memory_space<semaphore_mem>>) src(%dma_wait3A_892 : memref<12288xf32, #tpu.memory_space<hbm>>) dst(%dma_wait3A_891 : memref<12288xf32, #tpu.memory_space<vmem>>)
    %dma_wait3A_893 = arith.constant 1 : i32
    %dma_wait3A_894 = arith.constant 0 : i32
    %dma_wait3A_895 = tpu.memref_slice %arg10[%dma_wait3A_893, %dma_wait3A_894] : memref<2x6144xf32, #tpu.memory_space<vmem>> -> memref<1x6144xf32, #tpu.memory_space<vmem>>
    %dma_wait3A_896 = tpu.memref_squeeze %dma_wait3A_895 : memref<1x6144xf32, #tpu.memory_space<vmem>> -> memref<6144xf32, #tpu.memory_space<vmem>>
    %dma_wait3A_897 = tpu.memref_slice %arg4[%add3A_818] : memref<1179648xf32, #tpu.memory_space<hbm>> -> memref<6144xf32, #tpu.memory_space<hbm>>
    %dma_wait3A_898 = tpu.memref_slice %arg4[%add3A_818] : memref<1179648xf32, #tpu.memory_space<hbm>> -> memref<6144xf32, #tpu.memory_space<hbm>>
    %dma_wait3A_899 = arith.constant 0 : i32
    %dma_wait3A_900 = tpu.memref_slice %arg10[%dma_wait3A_893, %dma_wait3A_899] : memref<2x6144xf32, #tpu.memory_space<vmem>> -> memref<1x6144xf32, #tpu.memory_space<vmem>>
    %dma_wait3A_901 = tpu.memref_squeeze %dma_wait3A_900 : memref<1x6144xf32, #tpu.memory_space<vmem>> -> memref<6144xf32, #tpu.memory_space<vmem>>
    tpu.wait_dma2 semaphore(%arg14 : memref<!tpu.dma_semaphore, #tpu.memory_space<semaphore_mem>>) src(%dma_wait3A_901 : memref<6144xf32, #tpu.memory_space<vmem>>) dst(%dma_wait3A_898 : memref<6144xf32, #tpu.memory_space<hbm>>)
    %add3A_902 = arith.constant 80 : i32
    %add3A_903 = arith.addi %mul3A_56, %add3A_902 : i32
    %scan3A_904 = arith.constant 0 : i32
    %scan3A_905 = arith.constant 0 : i32
    %scan3A_906 = arith.constant 16 : i32
    %scan3A_907 = arith.addi %scan3A_905, %scan3A_906 : i32
    %scan3A_908 = arith.constant 1 : i32
    scf.for %scan3A_940 = %scan3A_905 to %scan3A_907 step %scan3A_908  : i32 {
      %add3A_941 = arith.addi %add3A_903, %scan3A_940 : i32
      %convert_element_type3A_942 = arith.sitofp %add3A_941 : i32 to f32
      %parallel_loop3A_943 = arith.constant 0 : i32
      %parallel_loop3A_944 = arith.constant 24 : i32
      %parallel_loop3A_945 = arith.constant 1 : i32
      scf.for %parallel_loop3A_946 = %parallel_loop3A_943 to %parallel_loop3A_944 step %parallel_loop3A_945  : i32 {
        %parallel_loop3A_947 = arith.constant 384 : i32
        %parallel_loop3A_948 = arith.muli %scan3A_940, %parallel_loop3A_947 : i32
        %parallel_loop3A_949 = arith.constant 16 : i32
        %parallel_loop3A_950 = arith.muli %parallel_loop3A_946, %parallel_loop3A_949 : i32
        %parallel_loop3A_951 = arith.addi %parallel_loop3A_948, %parallel_loop3A_950 : i32
        %parallel_loop3A_952 = arith.constant 2 : i32
        %parallel_loop3A_953 = arith.muli %parallel_loop3A_952, %scan3A_940 : i32
        %parallel_loop3A_954 = arith.constant 384 : i32
        %parallel_loop3A_955 = arith.muli %parallel_loop3A_953, %parallel_loop3A_954 : i32
        %parallel_loop3A_956 = arith.constant 16 : i32
        %parallel_loop3A_957 = arith.muli %parallel_loop3A_946, %parallel_loop3A_956 : i32
        %parallel_loop3A_958 = arith.addi %parallel_loop3A_955, %parallel_loop3A_957 : i32
        %parallel_loop3A_959 = arith.constant 1 : i32
        %parallel_loop3A_960 = arith.index_cast %parallel_loop3A_959 : i32 to index
        %parallel_loop3A_961 = arith.index_cast %parallel_loop3A_958 : i32 to index
        %parallel_loop3A_962 = tpu.vector_load %arg9[%parallel_loop3A_960, %parallel_loop3A_961] {strides = array<i32>} : memref<2x12288xf32, #tpu.memory_space<vmem>>, vector<16xf32>,
        %parallel_loop3A_963 = arith.constant 384 : i32
        %parallel_loop3A_964 = arith.addi %parallel_loop3A_958, %parallel_loop3A_963 : i32
        %parallel_loop3A_965 = arith.constant 1 : i32
        %parallel_loop3A_966 = arith.index_cast %parallel_loop3A_965 : i32 to index
        %parallel_loop3A_967 = arith.index_cast %parallel_loop3A_964 : i32 to index
        %parallel_loop3A_968 = tpu.vector_load %arg9[%parallel_loop3A_966, %parallel_loop3A_967] {strides = array<i32>} : memref<2x12288xf32, #tpu.memory_space<vmem>>, vector<16xf32>,
        %parallel_loop3A_969 = arith.constant 16 : i32
        %parallel_loop3A_970 = arith.muli %parallel_loop3A_946, %parallel_loop3A_969 : i32
        %parallel_loop3A_971 = arith.sitofp %parallel_loop3A_970 : i32 to f32
        %parallel_loop3A_972 = vector.broadcast %parallel_loop3A_971 : f32 to vector<16xf32>
        %parallel_loop3A_973 = arith.addf %parallel_loop3A_972, %convert_element_type3A_604 : vector<16xf32>
        %parallel_loop3A_974 = arith.addf %parallel_loop3A_973, %parallel_loop3A_962 : vector<16xf32>
        %parallel_loop3A_975 = vector.broadcast %convert_element_type3A_942 : f32 to vector<16xf32>
        %parallel_loop3A_976 = arith.addf %parallel_loop3A_975, %parallel_loop3A_968 : vector<16xf32>
        %parallel_loop3A_977 = arith.fptosi %parallel_loop3A_974 : vector<16xf32> to vector<16xi32>
        %parallel_loop3A_978 = arith.fptosi %parallel_loop3A_976 : vector<16xf32> to vector<16xi32>
        %parallel_loop3A_979 = arith.constant 1 : i32
        %parallel_loop3A_980 = vector.broadcast %parallel_loop3A_979 : i32 to vector<16xi32>
        %parallel_loop3A_981 = arith.addi %parallel_loop3A_977, %parallel_loop3A_980 : vector<16xi32>
        %parallel_loop3A_982 = arith.constant 1 : i32
        %parallel_loop3A_983 = vector.broadcast %parallel_loop3A_982 : i32 to vector<16xi32>
        %parallel_loop3A_984 = arith.addi %parallel_loop3A_978, %parallel_loop3A_983 : vector<16xi32>
        %parallel_loop3A_985 = arith.constant 0 : i32
        %parallel_loop3A_986 = arith.constant 383 : i32
        %parallel_loop3A_987 = vector.broadcast %parallel_loop3A_985 : i32 to vector<16xi32>
        %parallel_loop3A_988 = arith.maxsi %parallel_loop3A_987, %parallel_loop3A_977 : vector<16xi32>
        %parallel_loop3A_989 = vector.broadcast %parallel_loop3A_986 : i32 to vector<16xi32>
        %parallel_loop3A_990 = arith.minsi %parallel_loop3A_989, %parallel_loop3A_988 : vector<16xi32>
        %parallel_loop3A_991 = arith.constant 0 : i32
        %parallel_loop3A_992 = arith.constant 383 : i32
        %parallel_loop3A_993 = vector.broadcast %parallel_loop3A_991 : i32 to vector<16xi32>
        %parallel_loop3A_994 = arith.maxsi %parallel_loop3A_993, %parallel_loop3A_981 : vector<16xi32>
        %parallel_loop3A_995 = vector.broadcast %parallel_loop3A_992 : i32 to vector<16xi32>
        %parallel_loop3A_996 = arith.minsi %parallel_loop3A_995, %parallel_loop3A_994 : vector<16xi32>
        %parallel_loop3A_997 = arith.constant 0 : i32
        %parallel_loop3A_998 = arith.constant 383 : i32
        %parallel_loop3A_999 = vector.broadcast %parallel_loop3A_997 : i32 to vector<16xi32>
        %parallel_loop3A_1000 = arith.maxsi %parallel_loop3A_999, %parallel_loop3A_978 : vector<16xi32>
        %parallel_loop3A_1001 = vector.broadcast %parallel_loop3A_998 : i32 to vector<16xi32>
        %parallel_loop3A_1002 = arith.minsi %parallel_loop3A_1001, %parallel_loop3A_1000 : vector<16xi32>
        %parallel_loop3A_1003 = arith.constant 0 : i32
        %parallel_loop3A_1004 = arith.constant 383 : i32
        %parallel_loop3A_1005 = vector.broadcast %parallel_loop3A_1003 : i32 to vector<16xi32>
        %parallel_loop3A_1006 = arith.maxsi %parallel_loop3A_1005, %parallel_loop3A_984 : vector<16xi32>
        %parallel_loop3A_1007 = vector.broadcast %parallel_loop3A_1004 : i32 to vector<16xi32>
        %parallel_loop3A_1008 = arith.minsi %parallel_loop3A_1007, %parallel_loop3A_1006 : vector<16xi32>
        %parallel_loop3A_1009 = arith.constant 384 : i32
        %parallel_loop3A_1010 = vector.broadcast %parallel_loop3A_1009 : i32 to vector<16xi32>
        %parallel_loop3A_1011 = arith.muli %parallel_loop3A_1002, %parallel_loop3A_1010 : vector<16xi32>
        %parallel_loop3A_1012 = arith.constant 384 : i32
        %parallel_loop3A_1013 = vector.broadcast %parallel_loop3A_1012 : i32 to vector<16xi32>
        %parallel_loop3A_1014 = arith.muli %parallel_loop3A_1008, %parallel_loop3A_1013 : vector<16xi32>
        %parallel_loop3A_1015 = arith.constant 192 : i32
        %parallel_loop3A_1016 = vector.broadcast %parallel_loop3A_1015 : i32 to vector<16xi32>
        %parallel_loop3A_1017 = arith.cmpi slt, %parallel_loop3A_1002, %parallel_loop3A_1016 : vector<16xi32>
        %parallel_loop3A_1018 = arith.constant 192 : i32
        %parallel_loop3A_1019 = vector.broadcast %parallel_loop3A_1018 : i32 to vector<16xi32>
        %parallel_loop3A_1020 = arith.cmpi slt, %parallel_loop3A_1008, %parallel_loop3A_1019 : vector<16xi32>
        %parallel_loop3A_1021 = arith.constant 73728 : i32
        %parallel_loop3A_1022 = vector.broadcast %parallel_loop3A_1021 : i32 to vector<16xi32>
        %parallel_loop3A_1023 = arith.subi %parallel_loop3A_1011, %parallel_loop3A_1022 : vector<16xi32>
        %parallel_loop3A_1024 = arith.select %parallel_loop3A_1017, %parallel_loop3A_1011, %parallel_loop3A_1023 : vector<16xi1>, vector<16xi32>
        %parallel_loop3A_1025 = arith.constant 73728 : i32
        %parallel_loop3A_1026 = vector.broadcast %parallel_loop3A_1025 : i32 to vector<16xi32>
        %parallel_loop3A_1027 = arith.subi %parallel_loop3A_1014, %parallel_loop3A_1026 : vector<16xi32>
        %parallel_loop3A_1028 = arith.select %parallel_loop3A_1020, %parallel_loop3A_1014, %parallel_loop3A_1027 : vector<16xi1>, vector<16xi32>
        %parallel_loop3A_1029 = arith.constant 16 : i32
        %parallel_loop3A_1030 = arith.constant 0 : i32
        %parallel_loop3A_1031 = vector.broadcast %parallel_loop3A_1029 : i32 to vector<16xi32>
        %parallel_loop3A_1032 = vector.broadcast %parallel_loop3A_1030 : i32 to vector<16xi32>
        %parallel_loop3A_1033 = arith.select %parallel_loop3A_1017, %parallel_loop3A_1031, %parallel_loop3A_1032 : vector<16xi1>, vector<16xi32>
        %parallel_loop3A_1034 = arith.constant 16 : i32
        %parallel_loop3A_1035 = arith.constant 0 : i32
        %parallel_loop3A_1036 = vector.broadcast %parallel_loop3A_1034 : i32 to vector<16xi32>
        %parallel_loop3A_1037 = vector.broadcast %parallel_loop3A_1035 : i32 to vector<16xi32>
        %parallel_loop3A_1038 = arith.select %parallel_loop3A_1020, %parallel_loop3A_1036, %parallel_loop3A_1037 : vector<16xi1>, vector<16xi32>
        %parallel_loop3A_1039 = arith.addi %parallel_loop3A_1024, %parallel_loop3A_990 : vector<16xi32>
        %parallel_loop3A_1040 = tpu.vector_load_idx %arg5[%parallel_loop3A_1039] : memref<73728xi32, #tpu.memory_space<vmem>>[vector<16xi32>], vector<16xi32>,
        %parallel_loop3A_1041 = arith.addi %parallel_loop3A_1028, %parallel_loop3A_990 : vector<16xi32>
        %parallel_loop3A_1042 = tpu.vector_load_idx %arg5[%parallel_loop3A_1041] : memref<73728xi32, #tpu.memory_space<vmem>>[vector<16xi32>], vector<16xi32>,
        %parallel_loop3A_1043 = arith.addi %parallel_loop3A_1024, %parallel_loop3A_996 : vector<16xi32>
        %parallel_loop3A_1044 = tpu.vector_load_idx %arg5[%parallel_loop3A_1043] : memref<73728xi32, #tpu.memory_space<vmem>>[vector<16xi32>], vector<16xi32>,
        %parallel_loop3A_1045 = arith.addi %parallel_loop3A_1028, %parallel_loop3A_996 : vector<16xi32>
        %parallel_loop3A_1046 = tpu.vector_load_idx %arg5[%parallel_loop3A_1045] : memref<73728xi32, #tpu.memory_space<vmem>>[vector<16xi32>], vector<16xi32>,
        %parallel_loop3A_1047 = arith.shli %parallel_loop3A_1040, %parallel_loop3A_1033 : vector<16xi32>
        %parallel_loop3A_1048 = vector.bitcast %parallel_loop3A_1047 : vector<16xi32> to vector<16xf32>
        %parallel_loop3A_1049 = arith.shli %parallel_loop3A_1042, %parallel_loop3A_1038 : vector<16xi32>
        %parallel_loop3A_1050 = vector.bitcast %parallel_loop3A_1049 : vector<16xi32> to vector<16xf32>
        %parallel_loop3A_1051 = arith.shli %parallel_loop3A_1044, %parallel_loop3A_1033 : vector<16xi32>
        %parallel_loop3A_1052 = vector.bitcast %parallel_loop3A_1051 : vector<16xi32> to vector<16xf32>
        %parallel_loop3A_1053 = arith.shli %parallel_loop3A_1046, %parallel_loop3A_1038 : vector<16xi32>
        %parallel_loop3A_1054 = vector.bitcast %parallel_loop3A_1053 : vector<16xi32> to vector<16xf32>
        %parallel_loop3A_1055 = arith.sitofp %parallel_loop3A_990 : vector<16xi32> to vector<16xf32>
        %parallel_loop3A_1056 = arith.sitofp %parallel_loop3A_996 : vector<16xi32> to vector<16xf32>
        %parallel_loop3A_1057 = arith.sitofp %parallel_loop3A_1002 : vector<16xi32> to vector<16xf32>
        %parallel_loop3A_1058 = arith.sitofp %parallel_loop3A_1008 : vector<16xi32> to vector<16xf32>
        %parallel_loop3A_1059 = arith.subf %parallel_loop3A_1056, %parallel_loop3A_974 : vector<16xf32>
        %parallel_loop3A_1060 = arith.subf %parallel_loop3A_974, %parallel_loop3A_1055 : vector<16xf32>
        %parallel_loop3A_1061 = arith.subf %parallel_loop3A_1058, %parallel_loop3A_976 : vector<16xf32>
        %parallel_loop3A_1062 = arith.subf %parallel_loop3A_976, %parallel_loop3A_1057 : vector<16xf32>
        %parallel_loop3A_1063 = arith.mulf %parallel_loop3A_1059, %parallel_loop3A_1048 : vector<16xf32>
        %parallel_loop3A_1064 = arith.mulf %parallel_loop3A_1060, %parallel_loop3A_1052 : vector<16xf32>
        %parallel_loop3A_1065 = arith.addf %parallel_loop3A_1063, %parallel_loop3A_1064 : vector<16xf32>
        %parallel_loop3A_1066 = arith.mulf %parallel_loop3A_1061, %parallel_loop3A_1065 : vector<16xf32>
        %parallel_loop3A_1067 = arith.mulf %parallel_loop3A_1059, %parallel_loop3A_1050 : vector<16xf32>
        %parallel_loop3A_1068 = arith.mulf %parallel_loop3A_1060, %parallel_loop3A_1054 : vector<16xf32>
        %parallel_loop3A_1069 = arith.addf %parallel_loop3A_1067, %parallel_loop3A_1068 : vector<16xf32>
        %parallel_loop3A_1070 = arith.mulf %parallel_loop3A_1062, %parallel_loop3A_1069 : vector<16xf32>
        %parallel_loop3A_1071 = arith.addf %parallel_loop3A_1066, %parallel_loop3A_1070 : vector<16xf32>
        %parallel_loop3A_1072 = arith.constant 1 : i32
        %parallel_loop3A_1073 = arith.index_cast %parallel_loop3A_1072 : i32 to index
        %parallel_loop3A_1074 = arith.index_cast %parallel_loop3A_951 : i32 to index
        %parallel_loop3A_1075 = tpu.vector_load %arg10[%parallel_loop3A_1073, %parallel_loop3A_1074] {strides = array<i32>} : memref<2x6144xf32, #tpu.memory_space<vmem>>, vector<16xf32>,
        tpu.vector_store %arg10[%parallel_loop3A_1073, %parallel_loop3A_1074], %parallel_loop3A_1071 {strides = array<i32>} : memref<2x6144xf32, #tpu.memory_space<vmem>>, vector<16xf32>,
      } {sc.loop_unroll_factor = 4 : i64, sc.parallel_access}
    }
    %scan3A_909 = arith.constant 16 : i32
    %mul3A_910 = arith.constant 384 : i32
    %mul3A_911 = arith.muli %add3A_903, %mul3A_910 : i32
    %add3A_912 = arith.addi %mul3A_58, %mul3A_911 : i32
    %dma_start3A_913 = arith.constant 1 : i32
    %dma_start3A_914 = arith.constant 0 : i32
    %dma_start3A_915 = tpu.memref_slice %arg10[%dma_start3A_913, %dma_start3A_914] : memref<2x6144xf32, #tpu.memory_space<vmem>> -> memref<1x6144xf32, #tpu.memory_space<vmem>>
    %dma_start3A_916 = tpu.memref_squeeze %dma_start3A_915 : memref<1x6144xf32, #tpu.memory_space<vmem>> -> memref<6144xf32, #tpu.memory_space<vmem>>
    %dma_start3A_917 = tpu.memref_slice %arg4[%add3A_912] : memref<1179648xf32, #tpu.memory_space<hbm>> -> memref<6144xf32, #tpu.memory_space<hbm>>
    %dma_start3A_918 = tpu.memref_slice %arg4[%add3A_912] : memref<1179648xf32, #tpu.memory_space<hbm>> -> memref<6144xf32, #tpu.memory_space<hbm>>
    %dma_start3A_919 = arith.constant 0 : i32
    %dma_start3A_920 = tpu.memref_slice %arg10[%dma_start3A_913, %dma_start3A_919] : memref<2x6144xf32, #tpu.memory_space<vmem>> -> memref<1x6144xf32, #tpu.memory_space<vmem>>
    %dma_start3A_921 = tpu.memref_squeeze %dma_start3A_920 : memref<1x6144xf32, #tpu.memory_space<vmem>> -> memref<6144xf32, #tpu.memory_space<vmem>>
    tpu.enqueue_dma source(%dma_start3A_921 : memref<6144xf32, #tpu.memory_space<vmem>>) target(%dma_start3A_918 : memref<6144xf32, #tpu.memory_space<hbm>>) target_semaphore(%arg14 : memref<!tpu.dma_semaphore, #tpu.memory_space<semaphore_mem>>)
    %dma_wait3A_922 = arith.constant 0 : i32
    %dma_wait3A_923 = arith.constant 0 : i32
    %dma_wait3A_924 = tpu.memref_slice %arg10[%dma_wait3A_922, %dma_wait3A_923] : memref<2x6144xf32, #tpu.memory_space<vmem>> -> memref<1x6144xf32, #tpu.memory_space<vmem>>
    %dma_wait3A_925 = tpu.memref_squeeze %dma_wait3A_924 : memref<1x6144xf32, #tpu.memory_space<vmem>> -> memref<6144xf32, #tpu.memory_space<vmem>>
    %dma_wait3A_926 = tpu.memref_slice %arg4[%add3A_874] : memref<1179648xf32, #tpu.memory_space<hbm>> -> memref<6144xf32, #tpu.memory_space<hbm>>
    %dma_wait3A_927 = tpu.memref_slice %arg4[%add3A_874] : memref<1179648xf32, #tpu.memory_space<hbm>> -> memref<6144xf32, #tpu.memory_space<hbm>>
    %dma_wait3A_928 = arith.constant 0 : i32
    %dma_wait3A_929 = tpu.memref_slice %arg10[%dma_wait3A_922, %dma_wait3A_928] : memref<2x6144xf32, #tpu.memory_space<vmem>> -> memref<1x6144xf32, #tpu.memory_space<vmem>>
    %dma_wait3A_930 = tpu.memref_squeeze %dma_wait3A_929 : memref<1x6144xf32, #tpu.memory_space<vmem>> -> memref<6144xf32, #tpu.memory_space<vmem>>
    tpu.wait_dma2 semaphore(%arg14 : memref<!tpu.dma_semaphore, #tpu.memory_space<semaphore_mem>>) src(%dma_wait3A_930 : memref<6144xf32, #tpu.memory_space<vmem>>) dst(%dma_wait3A_927 : memref<6144xf32, #tpu.memory_space<hbm>>)
    %dma_wait3A_931 = arith.constant 1 : i32
    %dma_wait3A_932 = arith.constant 0 : i32
    %dma_wait3A_933 = tpu.memref_slice %arg10[%dma_wait3A_931, %dma_wait3A_932] : memref<2x6144xf32, #tpu.memory_space<vmem>> -> memref<1x6144xf32, #tpu.memory_space<vmem>>
    %dma_wait3A_934 = tpu.memref_squeeze %dma_wait3A_933 : memref<1x6144xf32, #tpu.memory_space<vmem>> -> memref<6144xf32, #tpu.memory_space<vmem>>
    %dma_wait3A_935 = tpu.memref_slice %arg4[%add3A_912] : memref<1179648xf32, #tpu.memory_space<hbm>> -> memref<6144xf32, #tpu.memory_space<hbm>>
    %dma_wait3A_936 = tpu.memref_slice %arg4[%add3A_912] : memref<1179648xf32, #tpu.memory_space<hbm>> -> memref<6144xf32, #tpu.memory_space<hbm>>
    %dma_wait3A_937 = arith.constant 0 : i32
    %dma_wait3A_938 = tpu.memref_slice %arg10[%dma_wait3A_931, %dma_wait3A_937] : memref<2x6144xf32, #tpu.memory_space<vmem>> -> memref<1x6144xf32, #tpu.memory_space<vmem>>
    %dma_wait3A_939 = tpu.memref_squeeze %dma_wait3A_938 : memref<1x6144xf32, #tpu.memory_space<vmem>> -> memref<6144xf32, #tpu.memory_space<vmem>>
    tpu.wait_dma2 semaphore(%arg14 : memref<!tpu.dma_semaphore, #tpu.memory_space<semaphore_mem>>) src(%dma_wait3A_939 : memref<6144xf32, #tpu.memory_space<vmem>>) dst(%dma_wait3A_936 : memref<6144xf32, #tpu.memory_space<hbm>>)
    return
  }
}

</mosaic_0001>

<sc_bundles>
// kernel: bilerp_sc.3.cloned.1.call-start
scs
__scs_entry_jumppad:
0x0: {  	(pc) =	sbr.rel $0x88, $3  }
0x1: {  	(tag) =	ssettag $0x0;
	lr =	simm.s32 $0x1  }
0x2: {  	[smem:$0x3F9F] =	sst lr;
	_ =	strace $0xD0000000  }
0x3: {  	_ = 	snop  }
0x4: {  	_ = 	snop  }
0x5: {  	_ = 	snop  }
0x6: {  	_ = 	snop  }
0x7: {  	_ = 	snop  }
__scs_overlays_trampoline_lowered:
0x8: {  	[smem:$0x3FAE] =	sst s0  }
0x9: {  	[smem:$0x3FAF] =	sst s1  }
0xa: {  	[smem:$0x3FB0] =	sst s2  }
0xb: {  	[smem:$0x3FB1] =	sst s3  }
0xc: {  	[smem:$0x3FB2] =	sst s4  }
0xd: {  	[smem:$0x3FB3] =	sst s5  }
0xe: {  	[smem:$0x3FB4] =	sst s6  }
0xf: {  	[smem:$0x3FB5] =	sst s7  }
0x10: {  	[smem:$0x3FB6] =	sst s8  }
0x11: {  	[smem:$0x3FB7] =	sst s9;
	s0 =	simm.s32 @!p0 $0x0  }
0x12: {  	s1 =	sld [smem:$0x3F9D];
	s0 =	simm.s32 @p0 $0x1  }
0x13: {  	[smem:$0x3FB8] =	sst s0;
	s0 =	simm.s32 @!p1 $0x0  }
0x14: {  	s2 =	sld [smem:$0x3F9C];
	s0 =	simm.s32 @p1 $0x1  }
0x15: {  	[smem:$0x3FB9] =	sst s0;
	s0 =	simm.s32 @!p2 $0x0  }
0x16: {  	s3 =	sld [smem:$0x3FDB];
	s0 =	simm.s32 @p2 $0x1  }
0x17: {  	s4 =	simm.s32 $0x1BF5;
	[smem:$0x3FBB] =	sst s0  }
0x18: {  	s0 =	sld [smem:$0x3F9E];
	_ =	swait.ge [sflag:s4], $0x0  }
0x19: {  	s7 =	sld [smem:$0x3F9F]  }
0x1a: {  	s8 =	sadd.s32 $0xFFFFE003, lr  }
0x1b: {  	s9 =	sadd.s32 $0xFFFFFEF7, lr;
	s5 =	simm.s32 $0xFFFFFFFF;
	p2 =	slt.u32 s8, $0xFFFFF086  }
0x1c: {  	p1 =	slt.u32 s9, $0xF7A;
	s5 =	simm.s32 @!p2 $0x0  }
0x1d: {  	s5 =	simm.s32 @p1 $0x1;
	p0 =	seq.s32 s7, s2  }
0x1e: {  	s7 =	smul.u32 @!p0 $0xF7A, s2;
	p2 =	seq.s32 @!p0 s5, $0x0  }
0x1f: {  	s9 =	smul.u32 $0xF7A, s1;
	s8 =	simm.s32 @!p0 $0x1BF5;
	p2 =	por !p2, p0  }
0x20: {  	[sflag:s8] =	ssyncset.s32 @!p0 $0xFFFFF086;
	s6 =	sadd.s32 @!p0 s3, s7;
	s7 =	simm.s32 @!p0 $0x108  }
0x21: {  	s3 =	sadd.s32 s3, s9;
	s6 =	sadd.s32 @!p0 $0x88, s6;
	s7 =	simm.s32 @p2 $0x1082  }
0x22: {  	[simem:s7], [sflag:s8] =	dma.local @!p0 [hbm:s6], $0xF7A  }
0x23: {  	s9 =	sor.u32 $0xD0000000, s2;
	s6 =	simm.s32 $0x108;
	_ =	swait.ge @!p0 [sflag:s8], $0x0  }
0x24: {  	s3 =	sadd.s32 $0x88, s3;
	s6 =	simm.s32 @!p1 $0x1082;
	[sflag:s4] =	ssyncset.s32 $0xFFFFF086  }
0x25: {  	[simem:s6], [sflag:s4] =	dma.local [hbm:s3], $0xF7A  }
0x26: {  	[smem:$0x3F9F] =	sst s1;
	(tag) =	ssettag s2;
	_ =	strace s9  }
0x27: {  	s1 =	sld [smem:$0x3FAF]  }
0x28: {  	s2 =	sld [smem:$0x3FB0]  }
0x29: {  	s4 =	sld [smem:$0x3FB2]  }
0x2a: {  	p0 =	seq.s32 s5, $0x0;
	s5 =	sld [smem:$0x3FB3]  }
0x2b: {  	s6 =	sld [smem:$0x3FB4]  }
0x2c: {  	s7 =	sld [smem:$0x3FB5]  }
0x2d: {  	s3 =	simm.s32 $0x108;
	s8 =	sld [smem:$0x3FB6]  }
0x2e: {  	s3 =	simm.s32 @!p0 $0x1082;
	s9 =	sld [smem:$0x3FB7]  }
0x2f: {  	lr =	sadd.s32 s0, s3;
	s0 =	sld [smem:$0x3FAE]  }
0x30: {  	s3 =	sld [smem:$0x3FB1]  }
0x31: {  	[smem:$0x3FBA] =	sst s10  }
0x32: {  	s10 =	sld [smem:$0x3FB8];
	_ =	sdelay $0x3  }
0x33: {  	p0 =	seq.s32 s10, $0x1;
	s10 =	sld [smem:$0x3FBA];
	_ =	sdelay $0x3  }
0x34: {  	[smem:$0x3FBA] =	sst s10  }
0x35: {  	s10 =	sld [smem:$0x3FB9];
	_ =	sdelay $0x3  }
0x36: {  	p1 =	seq.s32 s10, $0x1;
	s10 =	sld [smem:$0x3FBA];
	_ =	sdelay $0x3  }
0x37: {  	[smem:$0x3FBA] =	sst s10  }
0x38: {  	s10 =	sld [smem:$0x3FBB]  }
0x39: {  	_ = 	snop;
	(pc) =	sbr.ind lr, $3  }
0x3a: {  	_ = 	snop  }
0x3b: {  	_ = 	snop  }
0x3c: {  	p2 =	seq.s32 s10, $0x1;
	s10 =	sld [smem:$0x3FBA]  }
0x3d: {  	_ =	shalt  }
0x3e: {  	_ =	shalt  }
0x3f: {  	_ =	shalt  }
0x40: {  	_ =	shalt  }
0x41: {  	_ =	shalt  }
0x42: {  	_ =	shalt  }
0x43: {  	_ =	shalt  }
0x44: {  	_ =	shalt  }
0x45: {  	_ =	shalt  }
0x46: {  	_ =	shalt  }
0x47: {  	_ =	shalt  }
0x48: {  	_ =	shalt  }
0x49: {  	_ =	shalt  }
0x4a: {  	_ =	shalt  }
0x4b: {  	_ =	shalt  }
0x4c: {  	_ =	shalt  }
0x4d: {  	_ =	shalt  }
0x4e: {  	_ =	shalt  }
0x4f: {  	_ =	shalt  }
0x50: {  	_ =	shalt  }
0x51: {  	_ =	shalt  }
0x52: {  	_ =	shalt  }
0x53: {  	_ =	shalt  }
0x54: {  	_ =	shalt  }
0x55: {  	_ =	shalt  }
0x56: {  	_ =	shalt  }
0x57: {  	_ =	shalt  }
0x58: {  	_ =	shalt  }
0x59: {  	_ =	shalt  }
0x5a: {  	_ =	shalt  }
0x5b: {  	_ =	shalt  }
0x5c: {  	_ =	shalt  }
0x5d: {  	_ =	shalt  }
0x5e: {  	_ =	shalt  }
0x5f: {  	_ =	shalt  }
0x60: {  	_ =	shalt  }
0x61: {  	_ =	shalt  }
0x62: {  	_ =	shalt  }
0x63: {  	_ =	shalt  }
0x64: {  	_ =	shalt  }
0x65: {  	_ =	shalt  }
0x66: {  	_ =	shalt  }
0x67: {  	_ =	shalt  }
0x68: {  	_ =	shalt  }
0x69: {  	_ =	shalt  }
0x6a: {  	_ =	shalt  }
0x6b: {  	_ =	shalt  }
0x6c: {  	_ =	shalt  }
0x6d: {  	_ =	shalt  }
0x6e: {  	_ =	shalt  }
0x6f: {  	_ =	shalt  }
0x70: {  	_ =	shalt  }
0x71: {  	_ =	shalt  }
0x72: {  	_ =	shalt  }
0x73: {  	_ =	shalt  }
0x74: {  	_ =	shalt  }
0x75: {  	_ =	shalt  }
0x76: {  	_ =	shalt  }
0x77: {  	_ =	shalt  }
0x78: {  	_ =	shalt  }
0x79: {  	_ =	shalt  }
0x7a: {  	_ =	shalt  }
0x7b: {  	_ =	shalt  }
0x7c: {  	_ =	shalt  }
0x7d: {  	_ =	shalt  }
0x7e: {  	_ =	shalt  }
0x7f: {  	_ =	shalt  }
0x80: {  	_ =	shalt  }
0x81: {  	_ =	shalt  }
0x82: {  	_ =	shalt  }
0x83: {  	_ =	shalt  }
0x84: {  	_ =	shalt  }
0x85: {  	_ =	shalt  }
0x86: {  	_ =	shalt  }
0x87: {  	_ =	shalt  }
.Lfunc_end0:
.L_simem_size_0:
called_computation_lowered:
.L_overlay_start_0:
0x88: {  	s2 =	sld [smem:$0x3FD9]  }
0x89: {  	s3 =	sld [smem:$0x3FFE];
	_ =	sdelay $0x1  }
0x8a: {  	s1 =	srdreg.scid  }
0x8b: {  	s0 =	sand.u32 $0x1, s1  }
0x8c: {  	s18 =	sshll.u32 s0, $0xA;
	s2 =	sadd.s32 s3, s2  }
0x8d: {  	s2 =	sadd.s32 s2, s18  }
0x8e: {  	[smem:$0x3FC6] =	sst s2  }
0x8f: {  	_ = 	snop  }
0x90: {  	s2 =	sld [smem:$0x3FC9]  }
0x91: {  	s19 =	sld [smem:$0x3FC8]  }
0x92: {  	s4 =	sld [smem:$0x3FD0];
	(tm) =	ssettm $0x1  }
0x93: {  	s5 =	sld [smem:$0x3FFB];
	_ =	sdelay $0x3  }
0x94: {  	_ =	strace s5  }
0x95: {  	s5 =	sld [smem:$0x3FFC];
	_ =	sdelay $0x3  }
0x96: {  	_ =	strace s5  }
0x97: {  	s5 =	sld [smem:$0x3FFD];
	_ =	sdelay $0x3  }
0x98: {  	_ =	strace s5  }
0x99: {  	_ =	strace $0x8FFFFFFF  }
0x9a: {  	s20 =	sld [smem:$0x3FDB];
	_ =	sdelay $0x1  }
0x9b: {  	s6 =	simm.s32 $_scs_section_size  }
0x9c: {  	s7 =	simm.s32 $_size__tile_overlayer_lowered;
	s8 =	simm.s32 $_tile_overlayer_lowered  }
0x9d: {  	s23 =	simm.s32 $0x1BFF;
	s22 =	sshll.u32 s8, $0x1;
	s5 =	sadd.s32 s6, s20  }
0x9e: {  	s9 =	simm.s32 $0x0;
	s21 =	sshll.u32 s7, $0x1;
	s7 =	sadd.s32 s22, s5  }
0x9f: {  	[timem:s9], [sflag:s23] =	dma.local [hbm:s7], s21  }
0xa0: {  	_ =	swait.ge [sflag:s23], s21  }
0xa1: {  	s6 =	ssub.s32 $0x0, s21;
	[sflag:s23] =	ssyncset.done $0x0  }
0xa2: {  	[sflag:s23] =	ssyncadd.s32 s6;
	_ =	sdelay $0x1  }
0xa3: {  	s24 =	simm.s32 $0x1B8B  }
0xa4: {  	_ =	swait.ge [sflag:s24], $0x1  }
0xa5: {  	[sflag:s24] =	ssyncset.done $0x0  }
0xa6: {  	s25 =	simm.s32 $0x1B8E;
	[sflag:s24] =	ssyncadd.s32 $0xFFFFFFFF  }
0xa7: {  	s26 =	simm.s32 $execute0_lowered;
	[smem:$0x3FD2] =	sst s25  }
0xa8: {  	s6 =	sshll.u32 s26, $0x1;
	_ =	strace $0x80000046;
	[dreg:$0x1] =	wrdreg $0xFFFFFFFF  }
0xa9: {  	s28 =	simm.s32 $_size_execute0_lowered;
	s5 =	sadd.s32 s5, s6;
	[dreg:$0x0] =	wrdreg $0x0  }
0xaa: {  	s6 =	sshll.u32 s28, $0x1;
	[dreg:$0x2] =	wrdreg s5  }
0xab: {  	[dreg:$0x3] =	wrdreg s6  }
0xac: {  	[dreg:$0x4] =	wrdreg $0xC0  }
0xad: {  	_ =	task [dreg:s9], $0x5FFFF  }
0xae: {  	[dreg:$0x1] =	wrdreg $0xFFFFFFFF  }
0xaf: {  	[dreg:$0x0] =	wrdreg $0x60  }
0xb0: {  	[dreg:$0x2] =	wrdreg s2  }
0xb1: {  	[dreg:$0x3] =	wrdreg s19  }
0xb2: {  	[dreg:$0x4] =	wrdreg s4  }
0xb3: {  	[dreg:$0x5] =	wrdreg $0x120000  }
0xb4: {  	[dreg:$0x6] =	wrdreg $0x9  }
0xb5: {  	_ =	task.clear_ibuf [dreg:s9], $0x7FFFF;
	_ =	strace $0x90000046  }
0xb6: {  	s29 =	simm.s32 $0x9;
	_ =	strace $0x80000048  }
0xb7: {  	_ =	swait.ge [sflag:s29], $0x1  }
0xb8: {  	[sflag:s29] =	ssyncadd.s32 $0xFFFFFFFF  }
0xb9: {  	_ =	strace $0x90000048  }
0xba: {  	_ =	sfence  }
0xbb: {  	s30 =	sld [smem:$0x0];
	_ =	sdelay $0x2  }
0xbc: {  	s31 =	sshll.u32 s1, $0xD;
	s1 =	sshrl.u32 s1, $0x2  }
0xbd: {  	s3 =	sand.u32 $0x4000, s31;
	s1 =	sadd.s32 s1, s30  }
0xbe: {  	s0 =	sor.u32 s3, s0;
	s1 =	sshll.u32 s1, $0x11  }
0xbf: {  	s0 =	sor.u32 s1, s0  }
0xc0: {  	s0 =	sadd.s32 $0x8F2B, s0  }
0xc1: {  	[sflag:s0] =	ssyncadd.remote.s32 $0x1  }
0xc2: {  	_ =	sfence.sel $0xFFFF  }
0xc3: {  	[dreg:$0x0] =	wrdreg $0xFFFFFFFF;
	(pc) =	sbr.abs _section_cstart, $3  }
0xc4: {  	[dreg:$0x1] =	wrdreg $0xFFFFFFFF  }
0xc5: {  	_ =	task.clear_ibuf [dreg:s9], $0x2FFFF;
	_ =	strace $0x9FFFFFFF  }
0xc6: {  	(tm) =	ssettm $0x7FFFFFFF  }
0xc7: {  	_ =	shalt  }
tec
execute0_lowered:
.L_overlay_start_1:
0x0: {  	(tag) =	ssettag $0x1  }
0x1: {  	s0 =	srdreg.scid  }
0x2: {  	s5 =	stileid.u32;
	s0 =	sand.u32 $0x1, s0  }
0x3: {  	s3 =	sshrl.u32 s5, $0x2;
	s1 =	sshll.u32 s0, $0x2  }
0x4: {  	s4 =	sor.u32 s3, s1;
	s3 =	smul.u32 $0x3000, s3  }
0x5: {  	s1 =	sand.u32 $0x3, s5;
	s5 =	smul.u32 $0x24000, s4  }
0x6: {  	s6 =	rddreg [dreg:$0x0];
	s2 =	ssub.s32 $0x2, s0;
	s17 =	smul.u32 $0x4800, s1  }
0x7: {  	s0 =	rddreg [dreg:$0x1];
	s7 =	sshrl.u32 s2, $0x1;
	s11 =	smul.u32 $0x60, s1  }
0x8: {  	s2 =	ssub.s32 s2, s7;
	s4 =	smul.u32 $0x180, s4;
	s3 =	sshrl.u32 s3, $0x2  }
0x9: {  	s7 =	sadd.s32 $0x12000, s5;
	s8 =	sadd.s32 s17, s5;
	s14 =	sadd.s32 $0x1200, s17  }
0xa: {  	s21 =	sadd.s32 $0x2400, s17;
	s20 =	sadd.s32 s11, s4;
	[dreg:$0x6] =	wrdreg s11  }
0xb: {  	s9 =	sadd.s32 s17, s7;
	s8 =	sshrl.u32 s8, $0x3;
	s22 =	sadd.s32 s14, s5  }
0xc: {  	s23 =	sadd.s32 s14, s7;
	s25 =	sadd.s32 s21, s5;
	s13 =	sadd.s32 s21, s7  }
0xd: {  	s9 =	sshrl.u32 s9, $0x3;
	s12 =	sadd.s32 s6, s8;
	s8 =	sshrl.u32 s22, $0x3  }
0xe: {  	s24 =	sshrl.u32 s23, $0x3;
	s26 =	sshrl.u32 s25, $0x3;
	s10 =	sshrl.u32 s13, $0x3  }
0xf: {  	s22 =	sadd.s32 $0x3600, s17;
	s15 =	sadd.s32 s6, s9;
	s18 =	sadd.s32 s6, s8  }
0x10: {  	s19 =	sadd.s32 s6, s24;
	s23 =	sadd.s32 s6, s26;
	s24 =	sadd.s32 s6, s10  }
0x11: {  	s16 =	sadd.s32 s22, s5;
	s7 =	sadd.s32 s22, s7;
	s9 =	sor.u32 $0x10, s11  }
0x12: {  	s10 =	smul.u32 $0x9000, s1;
	s26 =	rddreg [dreg:$0x3];
	s8 =	sshrl.u32 s16, $0x3  }
0x13: {  	s7 =	sshrl.u32 s7, $0x3;
	s16 =	sadd.s32 $0x20, s11;
	[dreg:$0x11] =	wrdreg s9  }
0x14: {  	s25 =	smul.u32 $0x180, s9;
	s8 =	sadd.s32 s6, s8;
	[dreg:$0x13] =	wrdreg s16  }
0x15: {  	s6 =	sadd.s32 s6, s7;
	s13 =	smul.u32 $0x180, s16;
	[dreg:$0x10] =	wrdreg s8  }
0x16: {  	s8 =	smul.u32 $0x60, s20;
	[dreg:$0x12] =	wrdreg s6;
	s20 =	sadd.s32 s3, s26  }
0x17: {  	s3 =	sadd.s32 s10, s5;
	s6 =	sadd.s32 s5, s25;
	s10 =	sadd.s32 $0x30, s11  }
0x18: {  	s26 =	sadd.s32 $0x50, s11;
	s5 =	sadd.s32 s5, s13;
	[dreg:$0x16] =	wrdreg s10  }
0x19: {  	s13 =	sadd.s32 s10, s4;
	[dreg:$0x18] =	wrdreg s26;
	s7 =	sadd.s32 s0, s8  }
0x1a: {  	s8 =	sadd.s32 s9, s4;
	s9 =	sadd.s32 s16, s4;
	s10 =	smul.u32 $0x60, s13  }
0x1b: {  	s16 =	sadd.s32 $0x40, s11;
	[dreg:$0x15] =	wrdreg s7;
	s7 =	smul.u32 $0x60, s8  }
0x1c: {  	s8 =	smul.u32 $0x60, s9;
	[dreg:$0x17] =	wrdreg s16;
	s25 =	sadd.s32 s16, s4  }
0x1d: {  	s4 =	sadd.s32 s26, s4;
	s16 =	rddreg [dreg:$0x2];
	s13 =	sadd.s32 s0, s10  }
0x1e: {  	s11 =	smul.u32 $0x60, s25;
	s7 =	sadd.s32 s0, s7;
	[dreg:$0x1b] =	wrdreg s13  }
0x1f: {  	s4 =	smul.u32 $0x60, s4;
	s8 =	sadd.s32 s0, s8;
	[dreg:$0x19] =	wrdreg s7  }
0x20: {  	v0 =	vimm.f32 $1.500000000e+01;
	vm0 =	vcmask $0x300;
	[dreg:$0x1a] =	wrdreg s8;
	s7 =	sadd.s32 s0, s11  }
0x21: {  	vm14 =	vcmask $0x704;
	v0 =	vsel vm0, $0x0, v0;
	s25 =	sadd.s32 s0, s4;
	s0 =	simm.s32 $0x0;
	[dreg:$0x1c] =	wrdreg s7  }
0x22: {  	vm15 =	vcmask $0xB08;
	v0 =	vsel vm14, $0x3F800000, v0;
	s13 =	smax.u32 s2, $0x1;
	[smem:$0x7FF] =	sst s0  }
0x23: {  	vm4 =	vcmask $0xF0C;
	v0 =	vsel vm15, $0x40000000, v0;
	_ =	strace $0x80000047;
	[dreg:$0x1d] =	wrdreg s13  }
0x24: {  	vm5 =	vcmask $0x1310;
	v0 =	vsel vm4, $0x40400000, v0;
	[dreg:$0x14] =	wrdreg s20  }
0x25: {  	vm6 =	vcmask $0x1714;
	p0 =	seq.s32 s1, $0x0;
	v0 =	vsel vm5, $0x40800000, v0;
	[dreg:$0x5] =	wrdreg s17  }
0x26: {  	vm7 =	vcmask $0x1B18;
	p1 =	seq.s32 s1, $0x2;
	p2 =	seq.s32 s1, $0x3;
	v0 =	vsel vm6, $0x40A00000, v0;
	[dreg:$0x7] =	wrdreg s14  }
0x27: {  	vm8 =	vcmask $0x1F1C;
	p3 =	seq.s32 s1, $0x1;
	v0 =	vsel vm7, $0x40C00000, v0;
	s26 =	sshrl.u32 s3, $0x3;
	[dreg:$0x8] =	wrdreg s12  }
0x28: {  	vm9 =	vcmask $0x2320;
	v0 =	vsel vm8, $0x40E00000, v0;
	s26 =	sadd.s32 s16, s26;
	s10 =	sadd.s32 $0x6000, s3;
	[dreg:$0x9] =	wrdreg s15  }
0x29: {  	vm10 =	vcmask $0x2724;
	v0 =	vsel vm9, $0x41000000, v0;
	s4 =	sshrl.u32 s6, $0x3;
	s6 =	sshrl.u32 s5, $0x3;
	[dreg:$0xa] =	wrdreg s21  }
0x2a: {  	vm11 =	vcmask $0x2B28;
	v0 =	vsel vm10, $0x41100000, v0;
	s8 =	sadd.s32 $0x4800, s3;
	s11 =	sshrl.u32 s10, $0x3;
	[dreg:$0xb] =	wrdreg s18  }
0x2b: {  	vm12 =	vcmask $0x2F2C;
	v0 =	vsel vm11, $0x41200000, v0;
	s3 =	sadd.s32 $0x7800, s3;
	s28 =	sadd.s32 s16, s4;
	[dreg:$0xc] =	wrdreg s19  }
0x2c: {  	vm13 =	vcmask $0x3330;
	v0 =	vsel vm12, $0x41300000, v0;
	s29 =	sadd.s32 s16, s6;
	s9 =	sshrl.u32 s8, $0x3;
	[dreg:$0xd] =	wrdreg s22  }
0x2d: {  	vm14 =	vcmask $0x3734;
	v0 =	vsel vm13, $0x41400000, v0;
	s31 =	sadd.s32 s16, s11;
	s3 =	sshrl.u32 s3, $0x3;
	[dreg:$0xe] =	wrdreg s23  }
0x2e: {  	vm15 =	vcmask $0x3B38;
	v0 =	vsel vm14, $0x41500000, v0;
	s30 =	sadd.s32 s16, s9;
	s20 =	sadd.s32 $0x3000, s20;
	[dreg:$0xf] =	wrdreg s24  }
0x2f: {  	v1 =	vimm.s32 $0x0;
	v0 =	vsel vm15, $0x41600000, v0;
	s16 =	sadd.s32 s16, s3;
	s3 =	simm.s32 $0x0;
	[dreg:$0x1e] =	wrdreg s20  }
.LBB2_1:
0x30: {  	[dreg:$0x1f] =	wrdreg s3;
	s1 =	simm.s32 $0x12600  }
0x31: {  	s2 =	simm.s32 $0x10;
	s4 =	sadd.s32 $0x0, s12;
	s3 =	simm.s32 $0x12700  }
.LBB2_2:
0x32: {  	[tilespmem:s1], [sflag:$0x1] =	stream.linear.gather [hbm4b:s4+s0], $0x80, $0x38;
	[tilespmem:$0x1FE00] =	vst v63  }
0x33: {  	s4 =	smov.u32 s2;
	s1 =	smov.u32 s3;
	p4 =	sne.s32 s2, $0x230  }
.Ltmp0:
0x34: {  	s2 =	sadd.s32 $0x10, s2;
	(pc) =	sbr.rel @p4 .LBB2_2-.Ltmp0, $2  }
0x35: {  	_ =	sdelay $0x2  }
0x36: {  	s3 =	sadd.s32 $0x100, s3;
	s4 =	sadd.s32 s4, s12  }
0x37: {  	[tilespmem:s1], [sflag:$0x1] =	stream.linear.gather [hbm4b:s4+s0], $0x80, $0x38;
	[tilespmem:$0x1FE00] =	vst v63  }
0x38: {  	s1 =	simm.s32 $0x14A00  }
0x39: {  	s2 =	simm.s32 $0x10;
	s4 =	sadd.s32 $0x0, s15;
	s3 =	simm.s32 $0x14B00  }
.LBB2_4:
0x3a: {  	[tilespmem:s1], [sflag:$0x2] =	stream.linear.gather [hbm4b:s4+s0], $0x80, $0x38;
	[tilespmem:$0x1FE00] =	vst v63  }
0x3b: {  	s4 =	smov.u32 s2;
	s1 =	smov.u32 s3;
	p4 =	sne.s32 s2, $0x230  }
.Ltmp1:
0x3c: {  	s2 =	sadd.s32 $0x10, s2;
	(pc) =	sbr.rel @p4 .LBB2_4-.Ltmp1, $2  }
0x3d: {  	_ =	sdelay $0x2  }
0x3e: {  	s3 =	sadd.s32 $0x100, s3;
	s4 =	sadd.s32 s4, s15  }
0x3f: {  	[tilespmem:s1], [sflag:$0x2] =	stream.linear.gather [hbm4b:s4+s0], $0x80, $0x38;
	[tilespmem:$0x1FE00] =	vst v63  }
0x40: {  	s1 =	simm.s32 $0x12680  }
0x41: {  	s2 =	simm.s32 $0x10;
	s4 =	sadd.s32 $0x0, s18;
	s3 =	simm.s32 $0x12780  }
.LBB2_6:
0x42: {  	[tilespmem:s1], [sflag:$0x1] =	stream.linear.gather [hbm4b:s4+s0], $0x80, $0x38;
	[tilespmem:$0x1FE00] =	vst v63  }
0x43: {  	s4 =	smov.u32 s2;
	s1 =	smov.u32 s3;
	p4 =	sne.s32 s2, $0x230  }
.Ltmp2:
0x44: {  	s2 =	sadd.s32 $0x10, s2;
	(pc) =	sbr.rel @p4 .LBB2_6-.Ltmp2, $2  }
0x45: {  	_ =	sdelay $0x2  }
0x46: {  	s3 =	sadd.s32 $0x100, s3;
	s4 =	sadd.s32 s4, s18  }
0x47: {  	[tilespmem:s1], [sflag:$0x1] =	stream.linear.gather [hbm4b:s4+s0], $0x80, $0x38;
	[tilespmem:$0x1FE00] =	vst v63  }
0x48: {  	s1 =	simm.s32 $0x14A80  }
0x49: {  	s2 =	simm.s32 $0x10;
	s4 =	sadd.s32 $0x0, s19;
	s3 =	simm.s32 $0x14B80  }
.LBB2_8:
0x4a: {  	[tilespmem:s1], [sflag:$0x2] =	stream.linear.gather [hbm4b:s4+s0], $0x80, $0x38;
	[tilespmem:$0x1FE00] =	vst v63  }
0x4b: {  	s4 =	smov.u32 s2;
	s1 =	smov.u32 s3;
	p4 =	sne.s32 s2, $0x230  }
.Ltmp3:
0x4c: {  	s2 =	sadd.s32 $0x10, s2;
	(pc) =	sbr.rel @p4 .LBB2_8-.Ltmp3, $2  }
0x4d: {  	_ =	sdelay $0x2  }
0x4e: {  	s3 =	sadd.s32 $0x100, s3;
	s4 =	sadd.s32 s4, s19  }
0x4f: {  	[tilespmem:s1], [sflag:$0x2] =	stream.linear.gather [hbm4b:s4+s0], $0x80, $0x38;
	[tilespmem:$0x1FE00] =	vst v63  }
0x50: {  	s7 =	simm.s32 $0x1  }
0x51: {  	_ =	swait.ge [sflag:s7], $0x1200  }
0x52: {  	[sflag:s7] =	ssyncset.done $0x0  }
0x53: {  	s8 =	simm.s32 $0x0;
	s2 =	simm.s32 $0x2;
	[sflag:s7] =	ssyncadd.s32 $0xFFFFEE00  }
0x54: {  	s7 =	sand.u32 $0x40, s8;
	_ =	swait.ge [sflag:s2], $0x1200  }
0x55: {  	s1 =	sand.u32 $0x3F00, s8;
	s8 =	sor.u32 $0x30, s7;
	[sflag:s2] =	ssyncset.done $0x0  }
0x56: {  	s9 =	sor.u32 s1, s8;
	[sflag:s2] =	ssyncadd.s32 $0xFFFFEE00  }
0x57: {  	s18 =	sor.u32 $0x10, s7;
	v2 =	vld [tilespmem:s9+$0x12600]  }
0x58: {  	s3 =	sor.u32 s1, s18;
	v3 =	vld [tilespmem:s9+$0x14A00]  }
0x59: {  	s9 =	sor.u32 $0x20, s7;
	v4 =	vld [tilespmem:s3+$0x12600]  }
0x5a: {  	v5 =	vld [tilespmem:s3+$0x14A00];
	s10 =	sor.u32 s1, s9  }
0x5b: {  	s13 =	simm.s32 $0x40;
	v6 =	vld [tilespmem:s10+$0x12600]  }
0x5c: {  	s5 =	sor.u32 s7, s1;
	s3 =	simm.s32 $0x80;
	s1 =	sand.u32 $0x40, s13;
	v7 =	vld [tilespmem:s10+$0x14A00]  }
0x5d: {  	v8 =	vld [tilespmem:s5+$0x12600];
	s15 =	sand.u32 $0x3F00, s3;
	s4 =	sor.u32 $0x30, s1  }
0x5e: {  	v9 =	vld [tilespmem:s5+$0x14A00];
	s6 =	sor.u32 s15, s4;
	v2 =	vadd.s32 $0x8000, v2;
	v3 =	vadd.s32 $0x8000, v3;
	v4 =	vadd.s32 $0x8000, v4  }
0x5f: {  	s11 =	sadd.s32 $0x0, s17;
	s2 =	sor.u32 $0x10, s1;
	v5 =	vadd.s32 $0x8000, v5;
	v10 =	vshrl.u32 v2, $0x10;
	v3 =	vand.u32 $0xFFFF0000, v3;
	v2 =	vld [tilespmem:s6+$0x12600]  }
0x60: {  	s19 =	sand.u32 $0x1FF80, s11;
	s20 =	sor.u32 s15, s2;
	v4 =	vshrl.u32 v4, $0x10;
	v5 =	vand.u32 $0xFFFF0000, v5;
	v10 =	vor.u32 v10, v3;
	v3 =	vld [tilespmem:s6+$0x14A00]  }
0x61: {  	s12 =	sor.u32 s18, s19;
	s5 =	sor.u32 $0x20, s1;
	s10 =	sor.u32 s8, s19;
	v6 =	vadd.s32 $0x8000, v6;
	v11 =	vor.u32 v4, v5;
	v4 =	vld [tilespmem:s20+$0x12600];
	v7 =	vadd.s32 $0x8000, v7  }
0x62: {  	s7 =	sor.u32 s7, s19;
	s8 =	sor.u32 s1, s15;
	s15 =	sor.u32 s15, s5;
	v8 =	vadd.s32 $0x8000, v8;
	v5 =	vld [tilespmem:s20+$0x14A00];
	[tilespmem:s10+$0x0] =	vst v10;
	v10 =	vshrl.u32 v6, $0x10;
	v12 =	vand.u32 $0xFFFF0000, v7  }
0x63: {  	s18 =	sor.u32 s9, s19;
	v9 =	vadd.s32 $0x8000, v9;
	s6 =	simm.s32 $0x4;
	[tilespmem:s12+$0x0] =	vst v11;
	v6 =	vld [tilespmem:s15+$0x12600];
	s10 =	simm.s32 $0x80;
	v7 =	vshrl.u32 v8, $0x10;
	v8 =	vor.u32 v10, v12  }
.LBB2_10:
0x64: {  	s19 =	sand.u32 $0x40, s10  }
0x65: {  	s13 =	sadd.s32 s13, s17;
	v10 =	vld [tilespmem:s15+$0x14A00];
	s3 =	sadd.s32 $0x80, s3;
	v9 =	vand.u32 $0xFFFF0000, v9;
	[tilespmem:s18+$0x0] =	vst v8;
	s6 =	sadd.s32 $0x4, s6  }
0x66: {  	v2 =	vadd.s32 $0x8000, v2;
	s15 =	sand.u32 $0x3F00, s3;
	s20 =	sor.u32 $0x30, s19;
	v8 =	vld [tilespmem:s8+$0x12600];
	v3 =	vadd.s32 $0x8000, v3;
	v7 =	vor.u32 v7, v9;
	p4 =	slt.u32 s6, $0x11C  }
0x67: {  	s13 =	sand.u32 $0x1FF80, s13;
	v11 =	vshrl.u32 v2, $0x10;
	s11 =	sor.u32 $0x10, s19;
	s18 =	sor.u32 s15, s20;
	v9 =	vld [tilespmem:s8+$0x14A00];
	v4 =	vadd.s32 $0x8000, v4;
	v3 =	vand.u32 $0xFFFF0000, v3;
	[tilespmem:s7+$0x0] =	vst v7  }
.Ltmp4:
0x68: {  	s9 =	sor.u32 $0x20, s19;
	s4 =	sor.u32 s4, s13;
	v2 =	vld [tilespmem:s18+$0x12600];
	v7 =	vshrl.u32 v4, $0x10;
	v4 =	vadd.s32 $0x8000, v5;
	v5 =	vor.u32 v11, v3;
	(pc) =	sbr.rel @p4 .LBB2_10-.Ltmp4, $4  }
0x69: {  	s8 =	sor.u32 s19, s15;
	s12 =	sor.u32 s15, s11;
	s15 =	sor.u32 s15, s9;
	v3 =	vld [tilespmem:s18+$0x14A00];
	v11 =	vand.u32 $0xFFFF0000, v4;
	v6 =	vadd.s32 $0x8000, v6;
	[tilespmem:s4+$0x0] =	vst v5  }
0x6a: {  	s7 =	sor.u32 s1, s13;
	s1 =	sor.u32 s2, s13;
	s18 =	sor.u32 s5, s13;
	v4 =	vld [tilespmem:s12+$0x12600];
	v7 =	vor.u32 v7, v11;
	v11 =	vshrl.u32 v6, $0x10;
	v6 =	vadd.s32 $0x8000, v10  }
0x6b: {  	s2 =	smov.u32 s11;
	s4 =	smov.u32 s20;
	v5 =	vld [tilespmem:s12+$0x14A00];
	v8 =	vadd.s32 $0x8000, v8;
	[tilespmem:s1+$0x0] =	vst v7;
	v10 =	vand.u32 $0xFFFF0000, v6;
	s1 =	smov.u32 s19  }
0x6c: {  	s5 =	smov.u32 s9;
	s13 =	smov.u32 s10;
	s10 =	sadd.s32 $0x40, s10;
	v6 =	vld [tilespmem:s15+$0x12600];
	v7 =	vshrl.u32 v8, $0x10;
	v9 =	vadd.s32 $0x8000, v9;
	v8 =	vor.u32 v11, v10  }
0x6d: {  	v10 =	vld [tilespmem:s15+$0x14A00]  }
0x6e: {  	v9 =	vand.u32 $0xFFFF0000, v9;
	v11 =	vld [tilespmem:s8+$0x12600]  }
0x6f: {  	v2 =	vadd.s32 $0x8000, v2;
	v58 =	vld [tilespmem:s8+$0x14A00];
	v7 =	vor.u32 v7, v9  }
0x70: {  	v3 =	vadd.s32 $0x8000, v3;
	v2 =	vshrl.u32 v2, $0x10;
	v4 =	vadd.s32 $0x8000, v4  }
0x71: {  	s3 =	sadd.s32 s13, s17;
	v3 =	vand.u32 $0xFFFF0000, v3;
	v4 =	vshrl.u32 v4, $0x10;
	v5 =	vadd.s32 $0x8000, v5  }
0x72: {  	[tilespmem:s18+$0x0] =	vst v8;
	s3 =	sand.u32 $0x1FF80, s3;
	v2 =	vor.u32 v2, v3;
	v3 =	vand.u32 $0xFFFF0000, v5;
	v59 =	vadd.s32 $0x8000, v6  }
0x73: {  	[tilespmem:s7+$0x0] =	vst v7;
	s4 =	sor.u32 s4, s3;
	v3 =	vor.u32 v4, v3;
	v60 =	vshrl.u32 v59, $0x10;
	v61 =	vadd.s32 $0x8000, v10  }
0x74: {  	s2 =	sor.u32 s2, s3;
	[tilespmem:s4+$0x0] =	vst v2;
	v2 =	vadd.s32 $0x8000, v11;
	v62 =	vadd.s32 $0x8000, v58;
	v5 =	vand.u32 $0xFFFF0000, v61  }
0x75: {  	s19 =	sor.u32 s5, s3;
	[tilespmem:s2+$0x0] =	vst v3;
	v2 =	vshrl.u32 v2, $0x10;
	v63 =	vand.u32 $0xFFFF0000, v62;
	v3 =	vor.u32 v60, v5  }
0x76: {  	s20 =	sor.u32 s1, s3;
	s1 =	simm.s32 $0x12600;
	v2 =	vor.u32 v2, v63;
	[tilespmem:s19+$0x0] =	vst v3  }
0x77: {  	s3 =	simm.s32 $0x12700;
	s4 =	sadd.s32 $0x0, s23;
	s2 =	simm.s32 $0x10;
	[tilespmem:s20+$0x0] =	vst v2  }
.LBB2_12:
0x78: {  	[tilespmem:s1], [sflag:$0x1] =	stream.linear.gather [hbm4b:s4+s0], $0x80, $0x38;
	[tilespmem:$0x1FE00] =	vst v63  }
0x79: {  	s4 =	smov.u32 s2;
	s1 =	smov.u32 s3;
	p4 =	sne.s32 s2, $0x230  }
.Ltmp5:
0x7a: {  	s2 =	sadd.s32 $0x10, s2;
	(pc) =	sbr.rel @p4 .LBB2_12-.Ltmp5, $2  }
0x7b: {  	_ =	sdelay $0x2  }
0x7c: {  	s3 =	sadd.s32 $0x100, s3;
	s4 =	sadd.s32 s4, s23  }
0x7d: {  	[tilespmem:s1], [sflag:$0x1] =	stream.linear.gather [hbm4b:s4+s0], $0x80, $0x38;
	[tilespmem:$0x1FE00] =	vst v63  }
0x7e: {  	s1 =	simm.s32 $0x14A00  }
0x7f: {  	s2 =	simm.s32 $0x10;
	s4 =	sadd.s32 $0x0, s24;
	s3 =	simm.s32 $0x14B00  }
.LBB2_14:
0x80: {  	[tilespmem:s1], [sflag:$0x2] =	stream.linear.gather [hbm4b:s4+s0], $0x80, $0x38;
	[tilespmem:$0x1FE00] =	vst v63  }
0x81: {  	s4 =	smov.u32 s2;
	s1 =	smov.u32 s3;
	p4 =	sne.s32 s2, $0x230  }
.Ltmp6:
0x82: {  	s2 =	sadd.s32 $0x10, s2;
	(pc) =	sbr.rel @p4 .LBB2_14-.Ltmp6, $2  }
0x83: {  	_ =	sdelay $0x2  }
0x84: {  	s3 =	sadd.s32 $0x100, s3;
	s4 =	sadd.s32 s4, s24  }
0x85: {  	[tilespmem:s1], [sflag:$0x2] =	stream.linear.gather [hbm4b:s4+s0], $0x80, $0x38;
	[tilespmem:$0x1FE00] =	vst v63  }
0x86: {  	s2 =	simm.s32 $0x1  }
0x87: {  	p4 =	por $0x0, $0x0;
	s1 =	simm.s32 $0x1;
	_ =	swait.ge [sflag:s2], $0x1200  }
0x88: {  	s1 =	simm.s32 @!p4 $0x0;
	[sflag:s2] =	ssyncset.done $0x0  }
0x89: {  	s3 =	simm.s32 $0x2;
	s1 =	sshll.u32 s1, $0x6;
	[sflag:s2] =	ssyncadd.s32 $0xFFFFEE00  }
0x8a: {  	s1 =	sadd.s32 $0x0, s1;
	_ =	swait.ge [sflag:s3], $0x1200  }
0x8b: {  	s13 =	sadd.s32 $0x30, s1;
	[sflag:s3] =	ssyncset.done $0x0  }
0x8c: {  	s2 =	sor.u32 $0x80, s13;
	[sflag:s3] =	ssyncadd.s32 $0xFFFFEE00  }
0x8d: {  	s15 =	sadd.s32 $0x10, s1;
	v2 =	vld [tilespmem:s2+$0x12600]  }
0x8e: {  	s3 =	sor.u32 $0x80, s15;
	v4 =	vld [tilespmem:s2+$0x14A00]  }
0x8f: {  	v5 =	vld [tilespmem:s3+$0x12600]  }
0x90: {  	s4 =	simm.s32 $0x1;
	p4 =	por !p4, !p4;
	s18 =	sadd.s32 $0x20, s1;
	v6 =	vld [tilespmem:s3+$0x14A00]  }
0x91: {  	s4 =	simm.s32 @!p4 $0x0;
	s2 =	sor.u32 $0x80, s18  }
0x92: {  	s19 =	sshll.u32 s4, $0x6;
	v7 =	vld [tilespmem:s2+$0x12600]  }
0x93: {  	s7 =	sadd.s32 $0x0, s14;
	s5 =	sor.u32 $0x80, s1;
	s6 =	sadd.s32 $0x80, s19;
	v9 =	vld [tilespmem:s2+$0x14A00]  }
0x94: {  	s9 =	sand.u32 $0x3FF80, s7;
	s20 =	sadd.s32 $0x30, s6;
	v3 =	vld [tilespmem:s5+$0x12600];
	v2 =	vadd.s32 $0x8000, v2  }
0x95: {  	p4 =	por !p4, !p4;
	s1 =	simm.s32 $0x0;
	s8 =	sor.u32 $0x80, s20;
	v8 =	vadd.s32 $0x8000, v4;
	v4 =	vld [tilespmem:s5+$0x14A00];
	v5 =	vadd.s32 $0x8000, v5;
	v6 =	vadd.s32 $0x8000, v6  }
0x96: {  	s4 =	simm.s32 $0x80;
	s23 =	sadd.s32 $0x10, s6;
	s24 =	sand.u32 $0x40, s1;
	v10 =	vshrl.u32 v2, $0x10;
	v8 =	vand.u32 $0xFFFF0000, v8;
	v2 =	vld [tilespmem:s8+$0x12600];
	v11 =	vshrl.u32 v5, $0x10  }
0x97: {  	s10 =	sadd.s32 $0x20, s6;
	s7 =	sor.u32 $0x80, s23;
	s2 =	sor.u32 s24, s9;
	v5 =	vld [tilespmem:s8+$0x14A00];
	v12 =	vadd.s32 $0x8000, v7;
	v8 =	vor.u32 v10, v8;
	v10 =	vand.u32 $0xFFFF0000, v6  }
0x98: {  	s3 =	simm.s32 $0x4;
	s5 =	sor.u32 $0x80, s6;
	s6 =	sor.u32 $0x80, s10;
	v9 =	vadd.s32 $0x8000, v9;
	v6 =	vld [tilespmem:s7+$0x12600];
	[tilespmem:s2+$0x30] =	vst v8;
	v7 =	vor.u32 v11, v10;
	v8 =	vshrl.u32 v12, $0x10  }
.LBB2_16:
0x99: {  	s8 =	simm.s32 $0x1  }
0x9a: {  	v10 =	vld [tilespmem:s7+$0x14A00];
	v3 =	vadd.s32 $0x8000, v3;
	[tilespmem:s2+$0x10] =	vst v7;
	v7 =	vand.u32 $0xFFFF0000, v9;
	s3 =	sadd.s32 $0x4, s3;
	s8 =	simm.s32 @!p4 $0x0  }
0x9b: {  	s4 =	sadd.s32 $0x80, s4;
	s1 =	sadd.s32 $0x40, s1;
	v11 =	vshrl.u32 v3, $0x10;
	v3 =	vadd.s32 $0x8000, v4;
	v4 =	vor.u32 v8, v7;
	s7 =	sshll.u32 s8, $0x6;
	v9 =	vld [tilespmem:s6+$0x12600]  }
0x9c: {  	p5 =	slt.u32 s3, $0x11C;
	s9 =	sadd.s32 s1, s14;
	v7 =	vand.u32 $0xFFFF0000, v3;
	s8 =	sadd.s32 s7, s4;
	v12 =	vld [tilespmem:s6+$0x14A00];
	[tilespmem:s2+$0x20] =	vst v4  }
.Ltmp7:
0x9d: {  	v2 =	vadd.s32 $0x8000, v2;
	v5 =	vadd.s32 $0x8000, v5;
	v7 =	vor.u32 v11, v7;
	s6 =	sadd.s32 $0x10, s8;
	s7 =	sadd.s32 $0x30, s8;
	v3 =	vld [tilespmem:s5+$0x12600];
	(pc) =	sbr.rel @p5 .LBB2_16-.Ltmp7, $4  }
0x9e: {  	s11 =	sand.u32 $0x40, s1;
	v8 =	vshrl.u32 v2, $0x10;
	v6 =	vadd.s32 $0x8000, v6;
	v5 =	vand.u32 $0xFFFF0000, v5;
	s10 =	sor.u32 $0x80, s7;
	v4 =	vld [tilespmem:s5+$0x14A00];
	s5 =	sand.u32 $0x3FF80, s9;
	[tilespmem:s2+$0x0] =	vst v7  }
0x9f: {  	s7 =	sor.u32 $0x80, s6;
	s6 =	sadd.s32 $0x20, s8;
	v7 =	vshrl.u32 v6, $0x10;
	v6 =	vadd.s32 $0x8000, v10;
	v8 =	vor.u32 v8, v5;
	v2 =	vld [tilespmem:s10+$0x12600];
	s2 =	sor.u32 s11, s5  }
0xa0: {  	s5 =	sor.u32 $0x80, s8;
	s6 =	sor.u32 $0x80, s6;
	v10 =	vand.u32 $0xFFFF0000, v6;
	v5 =	vld [tilespmem:s10+$0x14A00];
	v9 =	vadd.s32 $0x8000, v9;
	[tilespmem:s2+$0x30] =	vst v8  }
0xa1: {  	p4 =	por !p4, !p4;
	v7 =	vor.u32 v7, v10;
	v6 =	vld [tilespmem:s7+$0x12600];
	v8 =	vshrl.u32 v9, $0x10;
	v9 =	vadd.s32 $0x8000, v12  }
0xa2: {  	v10 =	vld [tilespmem:s7+$0x14A00]  }
0xa3: {  	v11 =	vld [tilespmem:s6+$0x12600]  }
0xa4: {  	v3 =	vadd.s32 $0x8000, v3;
	v12 =	vld [tilespmem:s6+$0x14A00];
	v4 =	vadd.s32 $0x8000, v4  }
0xa5: {  	v9 =	vand.u32 $0xFFFF0000, v9;
	v58 =	vld [tilespmem:s5+$0x14A00];
	v3 =	vshrl.u32 v3, $0x10;
	v4 =	vand.u32 $0xFFFF0000, v4  }
0xa6: {  	v13 =	vld [tilespmem:s5+$0x12600];
	v8 =	vor.u32 v8, v9;
	v2 =	vadd.s32 $0x8000, v2;
	v3 =	vor.u32 v3, v4  }
0xa7: {  	s1 =	sadd.s32 $0x40, s1;
	v5 =	vadd.s32 $0x8000, v5;
	v2 =	vshrl.u32 v2, $0x10;
	v6 =	vadd.s32 $0x8000, v6  }
0xa8: {  	[tilespmem:s2+$0x10] =	vst v7;
	s3 =	sadd.s32 s1, s14;
	v5 =	vand.u32 $0xFFFF0000, v5;
	v6 =	vshrl.u32 v6, $0x10;
	v59 =	vadd.s32 $0x8000, v10  }
0xa9: {  	s1 =	sand.u32 $0x40, s1;
	[tilespmem:s2+$0x20] =	vst v8;
	s3 =	sand.u32 $0x3FF80, s3;
	v2 =	vor.u32 v2, v5;
	v61 =	vadd.s32 $0x8000, v11;
	v63 =	vadd.s32 $0x8000, v12  }
0xaa: {  	s24 =	sor.u32 s1, s3;
	[tilespmem:s2+$0x0] =	vst v3;
	v4 =	vadd.s32 $0x8000, v58;
	v60 =	vand.u32 $0xFFFF0000, v59;
	v62 =	vshrl.u32 v61, $0x10  }
0xab: {  	[tilespmem:s24+$0x30] =	vst v2;
	v2 =	vadd.s32 $0x8000, v13;
	v3 =	vor.u32 v6, v60;
	v6 =	vand.u32 $0xFFFF0000, v63  }
0xac: {  	v4 =	vand.u32 $0xFFFF0000, v4;
	v2 =	vshrl.u32 v2, $0x10;
	[tilespmem:s24+$0x10] =	vst v3;
	v3 =	vor.u32 v62, v6  }
0xad: {  	v2 =	vor.u32 v2, v4;
	[tilespmem:s24+$0x20] =	vst v3  }
0xae: {  	[tilespmem:s24+$0x0] =	vst v2  }
0xaf: {  	s1 =	simm.s32 $0x12680;
	s5 =	rddreg [dreg:$0x10]  }
0xb0: {  	s3 =	simm.s32 $0x12780;
	s2 =	simm.s32 $0x10;
	s4 =	sadd.s32 $0x0, s5  }
.LBB2_18:
0xb1: {  	[tilespmem:s1], [sflag:$0x1] =	stream.linear.gather [hbm4b:s4+s0], $0x80, $0x38;
	[tilespmem:$0x1FE00] =	vst v63  }
0xb2: {  	s4 =	smov.u32 s2;
	s1 =	smov.u32 s3;
	p4 =	sne.s32 s2, $0x230  }
.Ltmp8:
0xb3: {  	s2 =	sadd.s32 $0x10, s2;
	(pc) =	sbr.rel @p4 .LBB2_18-.Ltmp8, $2  }
0xb4: {  	_ =	sdelay $0x2  }
0xb5: {  	s3 =	sadd.s32 $0x100, s3;
	s4 =	sadd.s32 s4, s5  }
0xb6: {  	[tilespmem:s1], [sflag:$0x1] =	stream.linear.gather [hbm4b:s4+s0], $0x80, $0x38;
	[tilespmem:$0x1FE00] =	vst v63  }
0xb7: {  	s1 =	simm.s32 $0x14A80;
	s5 =	rddreg [dreg:$0x12]  }
0xb8: {  	s2 =	simm.s32 $0x10;
	s3 =	simm.s32 $0x14B80;
	s4 =	sadd.s32 $0x0, s5  }
.LBB2_20:
0xb9: {  	[tilespmem:s1], [sflag:$0x2] =	stream.linear.gather [hbm4b:s4+s0], $0x80, $0x38;
	[tilespmem:$0x1FE00] =	vst v63  }
0xba: {  	s4 =	smov.u32 s2;
	s1 =	smov.u32 s3;
	p4 =	sne.s32 s2, $0x230  }
.Ltmp9:
0xbb: {  	s2 =	sadd.s32 $0x10, s2;
	(pc) =	sbr.rel @p4 .LBB2_20-.Ltmp9, $2  }
0xbc: {  	_ =	sdelay $0x2  }
0xbd: {  	s3 =	sadd.s32 $0x100, s3;
	s4 =	sadd.s32 s4, s5  }
0xbe: {  	[tilespmem:s1], [sflag:$0x2] =	stream.linear.gather [hbm4b:s4+s0], $0x80, $0x38;
	[tilespmem:$0x1FE00] =	vst v63  }
0xbf: {  	s18 =	simm.s32 $0x1  }
0xc0: {  	_ =	swait.ge [sflag:s18], $0x1200  }
0xc1: {  	[sflag:s18] =	ssyncset.done $0x0  }
0xc2: {  	s19 =	simm.s32 $0x0;
	s2 =	simm.s32 $0x2;
	[sflag:s18] =	ssyncadd.s32 $0xFFFFEE00  }
0xc3: {  	s7 =	sand.u32 $0x40, s19;
	_ =	swait.ge [sflag:s2], $0x1200  }
0xc4: {  	s1 =	sand.u32 $0x3F00, s19;
	s8 =	sor.u32 $0x30, s7;
	[sflag:s2] =	ssyncset.done $0x0  }
0xc5: {  	s20 =	sor.u32 s1, s8;
	[sflag:s2] =	ssyncadd.s32 $0xFFFFEE00  }
0xc6: {  	s9 =	sor.u32 $0x10, s7;
	v2 =	vld [tilespmem:s20+$0x12600]  }
0xc7: {  	s3 =	sor.u32 s1, s9;
	v3 =	vld [tilespmem:s20+$0x14A00]  }
0xc8: {  	s10 =	sor.u32 $0x20, s7;
	v4 =	vld [tilespmem:s3+$0x12600]  }
0xc9: {  	s23 =	sor.u32 s1, s10;
	v5 =	vld [tilespmem:s3+$0x14A00]  }
0xca: {  	s13 =	simm.s32 $0x40;
	v6 =	vld [tilespmem:s23+$0x12600]  }
0xcb: {  	s5 =	sor.u32 s7, s1;
	s1 =	sand.u32 $0x40, s13;
	v7 =	vld [tilespmem:s23+$0x14A00];
	s3 =	simm.s32 $0x80  }
0xcc: {  	s4 =	sor.u32 $0x30, s1;
	v8 =	vld [tilespmem:s5+$0x12600];
	s11 =	sand.u32 $0x3F00, s3  }
0xcd: {  	v9 =	vld [tilespmem:s5+$0x14A00];
	s6 =	sor.u32 s11, s4;
	v2 =	vadd.s32 $0x8000, v2;
	v3 =	vadd.s32 $0x8000, v3;
	v4 =	vadd.s32 $0x8000, v4  }
0xce: {  	s24 =	sadd.s32 $0x0, s21;
	s2 =	sor.u32 $0x10, s1;
	v5 =	vadd.s32 $0x8000, v5;
	v10 =	vshrl.u32 v2, $0x10;
	v3 =	vand.u32 $0xFFFF0000, v3;
	v2 =	vld [tilespmem:s6+$0x12600]  }
0xcf: {  	s12 =	sand.u32 $0x3FF80, s24;
	s18 =	sor.u32 s11, s2;
	v4 =	vshrl.u32 v4, $0x10;
	v5 =	vand.u32 $0xFFFF0000, v5;
	v10 =	vor.u32 v10, v3;
	v3 =	vld [tilespmem:s6+$0x14A00]  }
0xd0: {  	s7 =	sor.u32 s7, s12;
	s19 =	sor.u32 s8, s12;
	s5 =	sor.u32 $0x20, s1;
	v6 =	vadd.s32 $0x8000, v6;
	v7 =	vadd.s32 $0x8000, v7;
	v11 =	vor.u32 v4, v5;
	v4 =	vld [tilespmem:s18+$0x12600]  }
0xd1: {  	s9 =	sor.u32 s9, s12;
	s8 =	sor.u32 s1, s11;
	s15 =	sor.u32 s11, s5;
	v8 =	vadd.s32 $0x8000, v8;
	v12 =	vand.u32 $0xFFFF0000, v7;
	v5 =	vld [tilespmem:s18+$0x14A00];
	[tilespmem:s19+$0x0] =	vst v10;
	v10 =	vshrl.u32 v6, $0x10  }
0xd2: {  	v9 =	vadd.s32 $0x8000, v9;
	v7 =	vshrl.u32 v8, $0x10;
	s6 =	simm.s32 $0x4;
	s18 =	sor.u32 s10, s12;
	s10 =	simm.s32 $0x80;
	[tilespmem:s9+$0x0] =	vst v11;
	v6 =	vld [tilespmem:s15+$0x12600];
	v8 =	vor.u32 v10, v12  }
.LBB2_22:
0xd3: {  	s9 =	sand.u32 $0x40, s10  }
0xd4: {  	s11 =	sadd.s32 s13, s21;
	v10 =	vld [tilespmem:s15+$0x14A00];
	s3 =	sadd.s32 $0x80, s3;
	v9 =	vand.u32 $0xFFFF0000, v9;
	[tilespmem:s18+$0x0] =	vst v8;
	s6 =	sadd.s32 $0x4, s6  }
0xd5: {  	v2 =	vadd.s32 $0x8000, v2;
	s12 =	sand.u32 $0x3F00, s3;
	s13 =	sor.u32 $0x30, s9;
	v8 =	vld [tilespmem:s8+$0x12600];
	v3 =	vadd.s32 $0x8000, v3;
	v7 =	vor.u32 v7, v9;
	p4 =	slt.u32 s6, $0x11C  }
0xd6: {  	s11 =	sand.u32 $0x3FF80, s11;
	v11 =	vshrl.u32 v2, $0x10;
	s19 =	sor.u32 $0x10, s9;
	s18 =	sor.u32 s12, s13;
	v9 =	vld [tilespmem:s8+$0x14A00];
	v4 =	vadd.s32 $0x8000, v4;
	v3 =	vand.u32 $0xFFFF0000, v3;
	[tilespmem:s7+$0x0] =	vst v7  }
.Ltmp10:
0xd7: {  	s20 =	sor.u32 $0x20, s9;
	s4 =	sor.u32 s4, s11;
	v2 =	vld [tilespmem:s18+$0x12600];
	v7 =	vshrl.u32 v4, $0x10;
	v4 =	vadd.s32 $0x8000, v5;
	v5 =	vor.u32 v11, v3;
	(pc) =	sbr.rel @p4 .LBB2_22-.Ltmp10, $4  }
0xd8: {  	s8 =	sor.u32 s9, s12;
	s14 =	sor.u32 s12, s19;
	s15 =	sor.u32 s12, s20;
	v3 =	vld [tilespmem:s18+$0x14A00];
	v11 =	vand.u32 $0xFFFF0000, v4;
	v6 =	vadd.s32 $0x8000, v6;
	[tilespmem:s4+$0x0] =	vst v5  }
0xd9: {  	s7 =	sor.u32 s1, s11;
	s1 =	sor.u32 s2, s11;
	s18 =	sor.u32 s5, s11;
	v4 =	vld [tilespmem:s14+$0x12600];
	v7 =	vor.u32 v7, v11;
	v11 =	vshrl.u32 v6, $0x10;
	v6 =	vadd.s32 $0x8000, v10  }
0xda: {  	s2 =	smov.u32 s19;
	s4 =	smov.u32 s13;
	v5 =	vld [tilespmem:s14+$0x14A00];
	v8 =	vadd.s32 $0x8000, v8;
	[tilespmem:s1+$0x0] =	vst v7;
	v10 =	vand.u32 $0xFFFF0000, v6;
	s1 =	smov.u32 s9  }
0xdb: {  	s5 =	smov.u32 s20;
	s13 =	smov.u32 s10;
	s10 =	sadd.s32 $0x40, s10;
	v6 =	vld [tilespmem:s15+$0x12600];
	v7 =	vshrl.u32 v8, $0x10;
	v9 =	vadd.s32 $0x8000, v9;
	v8 =	vor.u32 v11, v10  }
0xdc: {  	v10 =	vld [tilespmem:s15+$0x14A00]  }
0xdd: {  	v9 =	vand.u32 $0xFFFF0000, v9;
	v11 =	vld [tilespmem:s8+$0x12600]  }
0xde: {  	v2 =	vadd.s32 $0x8000, v2;
	v7 =	vor.u32 v7, v9;
	v9 =	vld [tilespmem:s8+$0x14A00]  }
0xdf: {  	v3 =	vadd.s32 $0x8000, v3;
	v2 =	vshrl.u32 v2, $0x10;
	v4 =	vadd.s32 $0x8000, v4  }
0xe0: {  	s3 =	sadd.s32 s13, s21;
	v3 =	vand.u32 $0xFFFF0000, v3;
	v4 =	vshrl.u32 v4, $0x10;
	v5 =	vadd.s32 $0x8000, v5  }
0xe1: {  	[tilespmem:s18+$0x0] =	vst v8;
	s3 =	sand.u32 $0x3FF80, s3;
	v2 =	vor.u32 v2, v3;
	v3 =	vand.u32 $0xFFFF0000, v5;
	v5 =	vadd.s32 $0x8000, v6  }
0xe2: {  	[tilespmem:s7+$0x0] =	vst v7;
	s4 =	sor.u32 s4, s3;
	v3 =	vor.u32 v4, v3;
	v4 =	vshrl.u32 v5, $0x10;
	v5 =	vadd.s32 $0x8000, v10  }
0xe3: {  	s2 =	sor.u32 s2, s3;
	[tilespmem:s4+$0x0] =	vst v2;
	v2 =	vadd.s32 $0x8000, v11;
	v5 =	vand.u32 $0xFFFF0000, v5;
	v6 =	vadd.s32 $0x8000, v9  }
0xe4: {  	s9 =	sor.u32 s5, s3;
	[tilespmem:s2+$0x0] =	vst v3;
	v2 =	vshrl.u32 v2, $0x10;
	v3 =	vor.u32 v4, v5;
	v4 =	vand.u32 $0xFFFF0000, v6  }
0xe5: {  	s1 =	sor.u32 s1, s3;
	[tilespmem:s9+$0x0] =	vst v3;
	v2 =	vor.u32 v2, v4  }
0xe6: {  	s10 =	simm.s32 $0x1;
	[tilespmem:s1+$0x0] =	vst v2  }
0xe7: {  	p4 =	por $0x0, $0x0;
	s1 =	simm.s32 $0x1;
	_ =	swait.ge [sflag:s10], $0x1200  }
0xe8: {  	s1 =	simm.s32 @!p4 $0x0;
	[sflag:s10] =	ssyncset.done $0x0  }
0xe9: {  	s11 =	simm.s32 $0x2;
	s1 =	sshll.u32 s1, $0x6;
	[sflag:s10] =	ssyncadd.s32 $0xFFFFEE00  }
0xea: {  	s1 =	sadd.s32 $0x0, s1;
	_ =	swait.ge [sflag:s11], $0x1200  }
0xeb: {  	s12 =	sadd.s32 $0x30, s1;
	[sflag:s11] =	ssyncset.done $0x0  }
0xec: {  	s2 =	sor.u32 $0x80, s12;
	[sflag:s11] =	ssyncadd.s32 $0xFFFFEE00  }
0xed: {  	s13 =	sadd.s32 $0x10, s1;
	v2 =	vld [tilespmem:s2+$0x12600]  }
0xee: {  	s3 =	sor.u32 $0x80, s13;
	v4 =	vld [tilespmem:s2+$0x14A00]  }
0xef: {  	v5 =	vld [tilespmem:s3+$0x12600]  }
0xf0: {  	s4 =	simm.s32 $0x1;
	p4 =	por !p4, !p4;
	s14 =	sadd.s32 $0x20, s1;
	v6 =	vld [tilespmem:s3+$0x14A00]  }
0xf1: {  	s4 =	simm.s32 @!p4 $0x0;
	s2 =	sor.u32 $0x80, s14  }
0xf2: {  	s15 =	sshll.u32 s4, $0x6;
	v7 =	vld [tilespmem:s2+$0x12600]  }
0xf3: {  	s20 =	sadd.s32 $0x0, s22;
	s18 =	sor.u32 $0x80, s1;
	s6 =	sadd.s32 $0x80, s15;
	v9 =	vld [tilespmem:s2+$0x14A00]  }
0xf4: {  	s9 =	sand.u32 $0x3FF80, s20;
	s19 =	sadd.s32 $0x30, s6;
	v3 =	vld [tilespmem:s18+$0x12600];
	v2 =	vadd.s32 $0x8000, v2  }
0xf5: {  	p4 =	por !p4, !p4;
	s1 =	simm.s32 $0x0;
	s21 =	sor.u32 $0x80, s19;
	v8 =	vadd.s32 $0x8000, v4;
	v4 =	vld [tilespmem:s18+$0x14A00];
	v5 =	vadd.s32 $0x8000, v5;
	v6 =	vadd.s32 $0x8000, v6  }
0xf6: {  	s4 =	simm.s32 $0x80;
	s23 =	sadd.s32 $0x10, s6;
	s24 =	sand.u32 $0x40, s1;
	v10 =	vshrl.u32 v2, $0x10;
	v8 =	vand.u32 $0xFFFF0000, v8;
	v2 =	vld [tilespmem:s21+$0x12600];
	v11 =	vshrl.u32 v5, $0x10  }
0xf7: {  	s10 =	sadd.s32 $0x20, s6;
	s7 =	sor.u32 $0x80, s23;
	s2 =	sor.u32 s24, s9;
	v5 =	vld [tilespmem:s21+$0x14A00];
	v12 =	vadd.s32 $0x8000, v7;
	v8 =	vor.u32 v10, v8;
	v10 =	vand.u32 $0xFFFF0000, v6  }
0xf8: {  	s5 =	sor.u32 $0x80, s6;
	s6 =	sor.u32 $0x80, s10;
	s3 =	simm.s32 $0x4;
	v9 =	vadd.s32 $0x8000, v9;
	v6 =	vld [tilespmem:s7+$0x12600];
	[tilespmem:s2+$0x30] =	vst v8;
	v7 =	vor.u32 v11, v10;
	v8 =	vshrl.u32 v12, $0x10  }
.LBB2_24:
0xf9: {  	s8 =	simm.s32 $0x1  }
0xfa: {  	v10 =	vld [tilespmem:s7+$0x14A00];
	v3 =	vadd.s32 $0x8000, v3;
	[tilespmem:s2+$0x10] =	vst v7;
	v7 =	vand.u32 $0xFFFF0000, v9;
	s3 =	sadd.s32 $0x4, s3;
	s8 =	simm.s32 @!p4 $0x0  }
0xfb: {  	s4 =	sadd.s32 $0x80, s4;
	s1 =	sadd.s32 $0x40, s1;
	v11 =	vshrl.u32 v3, $0x10;
	v3 =	vadd.s32 $0x8000, v4;
	v4 =	vor.u32 v8, v7;
	s7 =	sshll.u32 s8, $0x6;
	v9 =	vld [tilespmem:s6+$0x12600]  }
0xfc: {  	p5 =	slt.u32 s3, $0x11C;
	s9 =	sadd.s32 s1, s22;
	v7 =	vand.u32 $0xFFFF0000, v3;
	s8 =	sadd.s32 s7, s4;
	v12 =	vld [tilespmem:s6+$0x14A00];
	[tilespmem:s2+$0x20] =	vst v4  }
.Ltmp11:
0xfd: {  	v2 =	vadd.s32 $0x8000, v2;
	v5 =	vadd.s32 $0x8000, v5;
	v7 =	vor.u32 v11, v7;
	s6 =	sadd.s32 $0x10, s8;
	s7 =	sadd.s32 $0x30, s8;
	v3 =	vld [tilespmem:s5+$0x12600];
	(pc) =	sbr.rel @p5 .LBB2_24-.Ltmp11, $4  }
0xfe: {  	s11 =	sand.u32 $0x40, s1;
	v8 =	vshrl.u32 v2, $0x10;
	v6 =	vadd.s32 $0x8000, v6;
	v5 =	vand.u32 $0xFFFF0000, v5;
	s10 =	sor.u32 $0x80, s7;
	v4 =	vld [tilespmem:s5+$0x14A00];
	s5 =	sand.u32 $0x3FF80, s9;
	[tilespmem:s2+$0x0] =	vst v7  }
0xff: {  	s7 =	sor.u32 $0x80, s6;
	s6 =	sadd.s32 $0x20, s8;
	v7 =	vshrl.u32 v6, $0x10;
	v6 =	vadd.s32 $0x8000, v10;
	v8 =	vor.u32 v8, v5;
	v2 =	vld [tilespmem:s10+$0x12600];
	s2 =	sor.u32 s11, s5  }
0x100: {  	s5 =	sor.u32 $0x80, s8;
	s6 =	sor.u32 $0x80, s6;
	v10 =	vand.u32 $0xFFFF0000, v6;
	v5 =	vld [tilespmem:s10+$0x14A00];
	v9 =	vadd.s32 $0x8000, v9;
	[tilespmem:s2+$0x30] =	vst v8  }
0x101: {  	p4 =	por !p4, !p4;
	v7 =	vor.u32 v7, v10;
	v6 =	vld [tilespmem:s7+$0x12600];
	v8 =	vshrl.u32 v9, $0x10;
	v9 =	vadd.s32 $0x8000, v12  }
0x102: {  	v10 =	vld [tilespmem:s7+$0x14A00]  }
0x103: {  	v11 =	vld [tilespmem:s6+$0x12600]  }
0x104: {  	v3 =	vadd.s32 $0x8000, v3;
	v12 =	vld [tilespmem:s6+$0x14A00];
	v4 =	vadd.s32 $0x8000, v4  }
0x105: {  	v9 =	vand.u32 $0xFFFF0000, v9;
	v58 =	vld [tilespmem:s5+$0x14A00];
	v3 =	vshrl.u32 v3, $0x10;
	v4 =	vand.u32 $0xFFFF0000, v4  }
0x106: {  	v13 =	vld [tilespmem:s5+$0x12600];
	v8 =	vor.u32 v8, v9;
	v2 =	vadd.s32 $0x8000, v2;
	v3 =	vor.u32 v3, v4  }
0x107: {  	s1 =	sadd.s32 $0x40, s1;
	v5 =	vadd.s32 $0x8000, v5;
	v2 =	vshrl.u32 v2, $0x10;
	v6 =	vadd.s32 $0x8000, v6  }
0x108: {  	[tilespmem:s2+$0x10] =	vst v7;
	s3 =	sadd.s32 s1, s22;
	v5 =	vand.u32 $0xFFFF0000, v5;
	v6 =	vshrl.u32 v6, $0x10;
	v59 =	vadd.s32 $0x8000, v10  }
0x109: {  	s1 =	sand.u32 $0x40, s1;
	[tilespmem:s2+$0x20] =	vst v8;
	s3 =	sand.u32 $0x3FF80, s3;
	v2 =	vor.u32 v2, v5;
	v61 =	vadd.s32 $0x8000, v11;
	v63 =	vadd.s32 $0x8000, v12  }
0x10a: {  	s1 =	sor.u32 s1, s3;
	[tilespmem:s2+$0x0] =	vst v3;
	v4 =	vadd.s32 $0x8000, v58;
	v60 =	vand.u32 $0xFFFF0000, v59;
	v62 =	vshrl.u32 v61, $0x10  }
.Ltmp12:
0x10b: {  	[tilespmem:s1+$0x30] =	vst v2;
	v2 =	vadd.s32 $0x8000, v13;
	v3 =	vor.u32 v6, v60;
	v6 =	vand.u32 $0xFFFF0000, v63;
	(pc) =	sbr.rel @p0 .LBB2_28-.Ltmp12, $4  }
0x10c: {  	v4 =	vand.u32 $0xFFFF0000, v4;
	v2 =	vshrl.u32 v2, $0x10;
	[tilespmem:s1+$0x10] =	vst v3;
	v3 =	vor.u32 v62, v6  }
0x10d: {  	v2 =	vor.u32 v2, v4;
	[tilespmem:s1+$0x20] =	vst v3  }
0x10e: {  	[tilespmem:s1+$0x0] =	vst v2  }
0x10f: {  	s1 =	rddreg [dreg:$0x14]  }
0x110: {  	[bflag:$0x0] =	sbarrier.arrive $0xFFFF;
	s3 =	simm.s32 $0x5  }
0x111: {  	[tilespmem:s0], [sflag:$0x5] =	stream.linear.gather [spmem:s1], $0xC00, $0x38;
	[tilespmem:$0x1FE00] =	vst v63  }
0x112: {  	_ =	swait.ge [sflag:s3], $0xC00  }
0x113: {  	[sflag:s3] =	ssyncset.done $0x0  }
0x114: {  	[sflag:s3] =	ssyncadd.s32 $0xFFFFF400  }
0x115: {  	[bflag:$0x0] =	sbarrier.arrive $0xFFFF  }
0x116: {  	s4 =	simm.s32 $0xC00;
	s2 =	rddreg [dreg:$0x1e]  }
0x117: {  	[tilespmem:s4], [sflag:$0x5] =	stream.linear.gather [spmem:s2], $0xC00, $0x38;
	[tilespmem:$0x1FE00] =	vst v63  }
0x118: {  	_ =	swait.ge [sflag:s3], $0xC00  }
0x119: {  	[sflag:s3] =	ssyncset.done $0x0  }
0x11a: {  	[sflag:s3] =	ssyncadd.s32 $0xFFFFF400  }
0x11b: {  	s21 =	simm.s32 $0x1800;
	[bflag:$0x0] =	sbarrier.arrive $0xFFFF  }
0x11c: {  	[tilespmem:s21], [sflag:$0x5] =	stream.linear.gather [spmem:s1], $0xC00, $0x38;
	[tilespmem:$0x1FE00] =	vst v63  }
0x11d: {  	_ =	swait.ge [sflag:s3], $0xC00  }
0x11e: {  	[sflag:s3] =	ssyncset.done $0x0  }
0x11f: {  	[sflag:s3] =	ssyncadd.s32 $0xFFFFF400  }
0x120: {  	s22 =	simm.s32 $0x2400;
	[bflag:$0x0] =	sbarrier.arrive $0xFFFF  }
0x121: {  	[tilespmem:s22], [sflag:$0x5] =	stream.linear.gather [spmem:s2], $0xC00, $0x38;
	[tilespmem:$0x1FE00] =	vst v63  }
0x122: {  	_ =	swait.ge [sflag:s3], $0xC00  }
0x123: {  	[sflag:s3] =	ssyncset.done $0x0  }
0x124: {  	[sflag:s3] =	ssyncadd.s32 $0xFFFFF400  }
0x125: {  	s23 =	simm.s32 $0x3000;
	[bflag:$0x0] =	sbarrier.arrive $0xFFFF  }
0x126: {  	[tilespmem:s23], [sflag:$0x5] =	stream.linear.gather [spmem:s1], $0xC00, $0x38;
	[tilespmem:$0x1FE00] =	vst v63  }
0x127: {  	_ =	swait.ge [sflag:s3], $0xC00  }
0x128: {  	[sflag:s3] =	ssyncset.done $0x0  }
0x129: {  	[sflag:s3] =	ssyncadd.s32 $0xFFFFF400  }
.Ltmp13:
0x12a: {  	s24 =	simm.s32 $0x3C00;
	[bflag:$0x0] =	sbarrier.arrive $0xFFFF;
	(pc) =	sbr.rel @!p3 .LBB2_29-.Ltmp13, $4  }
0x12b: {  	[tilespmem:s24], [sflag:$0x5] =	stream.linear.gather [spmem:s2], $0xC00, $0x38;
	[tilespmem:$0x1FE00] =	vst v63  }
0x12c: {  	_ =	swait.ge [sflag:s3], $0xC00  }
0x12d: {  	[sflag:s3] =	ssyncset.done $0x0  }
0x12e: {  	s5 =	rddreg [dreg:$0x15];
	[sflag:s3] =	ssyncadd.s32 $0xFFFFF400  }
0x12f: {  	s4 =	simm.s32 $0x4800  }
0x130: {  	[spmem:s1] =	stream.linear.scatter [tilespmem:s4], [sflag:$0x5], $0xC00, $0x38;
	[tilespmem:$0x1FE00] =	vst v63  }
0x131: {  	_ =	swait.ge [sflag:s3], $0xC00  }
0x132: {  	[sflag:s3] =	ssyncset.done $0x0  }
0x133: {  	[sflag:s3] =	ssyncadd.s32 $0xFFFFF400  }
0x134: {  	s20 =	simm.s32 $0x5400;
	[bflag:$0x0] =	sbarrier.arrive $0xFFFF  }
0x135: {  	[spmem:s2] =	stream.linear.scatter [tilespmem:s20], [sflag:$0x5], $0xC00, $0x38;
	[tilespmem:$0x1FE00] =	vst v63  }
0x136: {  	_ =	swait.ge [sflag:s3], $0xC00  }
0x137: {  	[sflag:s3] =	ssyncset.done $0x0  }
0x138: {  	[sflag:s3] =	ssyncadd.s32 $0xFFFFF400  }
0x139: {  	s21 =	simm.s32 $0x6000;
	[bflag:$0x0] =	sbarrier.arrive $0xFFFF  }
0x13a: {  	[spmem:s1] =	stream.linear.scatter [tilespmem:s21], [sflag:$0x5], $0xC00, $0x38;
	[tilespmem:$0x1FE00] =	vst v63  }
0x13b: {  	_ =	swait.ge [sflag:s3], $0xC00  }
0x13c: {  	[sflag:s3] =	ssyncset.done $0x0  }
0x13d: {  	[sflag:s3] =	ssyncadd.s32 $0xFFFFF400  }
0x13e: {  	s22 =	simm.s32 $0x6C00;
	[bflag:$0x0] =	sbarrier.arrive $0xFFFF  }
0x13f: {  	[spmem:s2] =	stream.linear.scatter [tilespmem:s22], [sflag:$0x5], $0xC00, $0x38;
	[tilespmem:$0x1FE00] =	vst v63  }
0x140: {  	_ =	swait.ge [sflag:s3], $0xC00  }
0x141: {  	[sflag:s3] =	ssyncset.done $0x0  }
0x142: {  	[sflag:s3] =	ssyncadd.s32 $0xFFFFF400  }
0x143: {  	s23 =	simm.s32 $0x7800;
	[bflag:$0x0] =	sbarrier.arrive $0xFFFF  }
0x144: {  	[spmem:s1] =	stream.linear.scatter [tilespmem:s23], [sflag:$0x5], $0xC00, $0x38;
	[tilespmem:$0x1FE00] =	vst v63  }
0x145: {  	_ =	swait.ge [sflag:s3], $0xC00  }
0x146: {  	[sflag:s3] =	ssyncset.done $0x0  }
0x147: {  	[sflag:s3] =	ssyncadd.s32 $0xFFFFF400  }
0x148: {  	s24 =	simm.s32 $0x8400;
	[bflag:$0x0] =	sbarrier.arrive $0xFFFF  }
0x149: {  	[spmem:s2] =	stream.linear.scatter [tilespmem:s24], [sflag:$0x5], $0xC00, $0x38;
	[tilespmem:$0x1FE00] =	vst v63  }
.Ltmp14:
0x14a: {  	_ =	swait.ge [sflag:s3], $0xC00;
	(pc) =	sbr.rel .LBB2_30-.Ltmp14, $3  }
0x14b: {  	[sflag:s3] =	ssyncset.done $0x0  }
0x14c: {  	[sflag:s3] =	ssyncadd.s32 $0xFFFFF400  }
0x14d: {  	[bflag:$0x0] =	sbarrier.arrive $0xFFFF;
	_ =	sdelay $0x1  }
.LBB2_28:
0x14e: {  	[spmem:s1] =	stream.linear.scatter [tilespmem:s17], [sflag:$0x5], $0xC00, $0x38;
	[tilespmem:$0x1FE00] =	vst v63  }
0x14f: {  	s3 =	simm.s32 $0x5  }
0x150: {  	_ =	swait.ge [sflag:s3], $0xC00  }
0x151: {  	[sflag:s3] =	ssyncset.done $0x0  }
0x152: {  	[sflag:s3] =	ssyncadd.s32 $0xFFFFF400  }
0x153: {  	[bflag:$0x0] =	sbarrier.arrive $0xFFFF  }
0x154: {  	s4 =	simm.s32 $0xC00;
	s2 =	rddreg [dreg:$0x1e]  }
0x155: {  	[spmem:s2] =	stream.linear.scatter [tilespmem:s4], [sflag:$0x5], $0xC00, $0x38;
	[tilespmem:$0x1FE00] =	vst v63  }
0x156: {  	_ =	swait.ge [sflag:s3], $0xC00  }
0x157: {  	[sflag:s3] =	ssyncset.done $0x0  }
0x158: {  	[sflag:s3] =	ssyncadd.s32 $0xFFFFF400  }
0x159: {  	s21 =	simm.s32 $0x1800;
	[bflag:$0x0] =	sbarrier.arrive $0xFFFF  }
0x15a: {  	[spmem:s1] =	stream.linear.scatter [tilespmem:s21], [sflag:$0x5], $0xC00, $0x38;
	[tilespmem:$0x1FE00] =	vst v63  }
0x15b: {  	_ =	swait.ge [sflag:s3], $0xC00  }
0x15c: {  	[sflag:s3] =	ssyncset.done $0x0  }
0x15d: {  	[sflag:s3] =	ssyncadd.s32 $0xFFFFF400  }
0x15e: {  	s22 =	simm.s32 $0x2400;
	[bflag:$0x0] =	sbarrier.arrive $0xFFFF  }
0x15f: {  	[spmem:s2] =	stream.linear.scatter [tilespmem:s22], [sflag:$0x5], $0xC00, $0x38;
	[tilespmem:$0x1FE00] =	vst v63  }
0x160: {  	_ =	swait.ge [sflag:s3], $0xC00  }
0x161: {  	[sflag:s3] =	ssyncset.done $0x0  }
0x162: {  	[sflag:s3] =	ssyncadd.s32 $0xFFFFF400  }
0x163: {  	s23 =	simm.s32 $0x3000;
	[bflag:$0x0] =	sbarrier.arrive $0xFFFF  }
0x164: {  	[spmem:s1] =	stream.linear.scatter [tilespmem:s23], [sflag:$0x5], $0xC00, $0x38;
	[tilespmem:$0x1FE00] =	vst v63  }
0x165: {  	_ =	swait.ge [sflag:s3], $0xC00  }
0x166: {  	[sflag:s3] =	ssyncset.done $0x0  }
0x167: {  	[sflag:s3] =	ssyncadd.s32 $0xFFFFF400  }
0x168: {  	s24 =	simm.s32 $0x3C00;
	[bflag:$0x0] =	sbarrier.arrive $0xFFFF  }
0x169: {  	[spmem:s2] =	stream.linear.scatter [tilespmem:s24], [sflag:$0x5], $0xC00, $0x38;
	[tilespmem:$0x1FE00] =	vst v63  }
0x16a: {  	_ =	swait.ge [sflag:s3], $0xC00  }
0x16b: {  	[sflag:s3] =	ssyncset.done $0x0  }
0x16c: {  	[sflag:s3] =	ssyncadd.s32 $0xFFFFF400  }
0x16d: {  	[bflag:$0x0] =	sbarrier.arrive $0xFFFF  }
0x16e: {  	s5 =	rddreg [dreg:$0x15]  }
.LBB2_29:
0x16f: {  	[bflag:$0x0] =	sbarrier.arrive $0xFFFF;
	s4 =	simm.s32 $0x4800  }
0x170: {  	[tilespmem:s4], [sflag:$0x5] =	stream.linear.gather [spmem:s1], $0xC00, $0x38;
	[tilespmem:$0x1FE00] =	vst v63  }
0x171: {  	_ =	swait.ge [sflag:s3], $0xC00  }
0x172: {  	[sflag:s3] =	ssyncset.done $0x0  }
0x173: {  	[sflag:s3] =	ssyncadd.s32 $0xFFFFF400  }
0x174: {  	s20 =	simm.s32 $0x5400;
	[bflag:$0x0] =	sbarrier.arrive $0xFFFF  }
0x175: {  	[tilespmem:s20], [sflag:$0x5] =	stream.linear.gather [spmem:s2], $0xC00, $0x38;
	[tilespmem:$0x1FE00] =	vst v63  }
0x176: {  	_ =	swait.ge [sflag:s3], $0xC00  }
0x177: {  	[sflag:s3] =	ssyncset.done $0x0  }
0x178: {  	[sflag:s3] =	ssyncadd.s32 $0xFFFFF400  }
0x179: {  	s21 =	simm.s32 $0x6000;
	[bflag:$0x0] =	sbarrier.arrive $0xFFFF  }
0x17a: {  	[tilespmem:s21], [sflag:$0x5] =	stream.linear.gather [spmem:s1], $0xC00, $0x38;
	[tilespmem:$0x1FE00] =	vst v63  }
0x17b: {  	_ =	swait.ge [sflag:s3], $0xC00  }
0x17c: {  	[sflag:s3] =	ssyncset.done $0x0  }
0x17d: {  	[sflag:s3] =	ssyncadd.s32 $0xFFFFF400  }
0x17e: {  	s22 =	simm.s32 $0x6C00;
	[bflag:$0x0] =	sbarrier.arrive $0xFFFF  }
0x17f: {  	[tilespmem:s22], [sflag:$0x5] =	stream.linear.gather [spmem:s2], $0xC00, $0x38;
	[tilespmem:$0x1FE00] =	vst v63  }
0x180: {  	_ =	swait.ge [sflag:s3], $0xC00  }
0x181: {  	[sflag:s3] =	ssyncset.done $0x0  }
0x182: {  	[sflag:s3] =	ssyncadd.s32 $0xFFFFF400  }
0x183: {  	s23 =	simm.s32 $0x7800;
	[bflag:$0x0] =	sbarrier.arrive $0xFFFF  }
0x184: {  	[tilespmem:s23], [sflag:$0x5] =	stream.linear.gather [spmem:s1], $0xC00, $0x38;
	[tilespmem:$0x1FE00] =	vst v63  }
0x185: {  	_ =	swait.ge [sflag:s3], $0xC00  }
0x186: {  	[sflag:s3] =	ssyncset.done $0x0  }
0x187: {  	[sflag:s3] =	ssyncadd.s32 $0xFFFFF400  }
.Ltmp15:
0x188: {  	s24 =	simm.s32 $0x8400;
	[bflag:$0x0] =	sbarrier.arrive $0xFFFF;
	(pc) =	sbr.rel @!p1 .LBB2_30-.Ltmp15, $4  }
0x189: {  	[tilespmem:s24], [sflag:$0x5] =	stream.linear.gather [spmem:s2], $0xC00, $0x38;
	[tilespmem:$0x1FE00] =	vst v63  }
0x18a: {  	_ =	swait.ge [sflag:s3], $0xC00  }
0x18b: {  	[sflag:s3] =	ssyncset.done $0x0  }
0x18c: {  	[sflag:s3] =	ssyncadd.s32 $0xFFFFF400  }
0x18d: {  	s4 =	simm.s32 $0x9000  }
0x18e: {  	[spmem:s1] =	stream.linear.scatter [tilespmem:s4], [sflag:$0x5], $0xC00, $0x38;
	[tilespmem:$0x1FE00] =	vst v63  }
0x18f: {  	_ =	swait.ge [sflag:s3], $0xC00  }
0x190: {  	[sflag:s3] =	ssyncset.done $0x0  }
0x191: {  	[sflag:s3] =	ssyncadd.s32 $0xFFFFF400  }
0x192: {  	s20 =	simm.s32 $0x9C00;
	[bflag:$0x0] =	sbarrier.arrive $0xFFFF  }
0x193: {  	[spmem:s2] =	stream.linear.scatter [tilespmem:s20], [sflag:$0x5], $0xC00, $0x38;
	[tilespmem:$0x1FE00] =	vst v63  }
0x194: {  	_ =	swait.ge [sflag:s3], $0xC00  }
0x195: {  	[sflag:s3] =	ssyncset.done $0x0  }
0x196: {  	[sflag:s3] =	ssyncadd.s32 $0xFFFFF400  }
0x197: {  	s21 =	simm.s32 $0xA800;
	[bflag:$0x0] =	sbarrier.arrive $0xFFFF  }
0x198: {  	[spmem:s1] =	stream.linear.scatter [tilespmem:s21], [sflag:$0x5], $0xC00, $0x38;
	[tilespmem:$0x1FE00] =	vst v63  }
0x199: {  	_ =	swait.ge [sflag:s3], $0xC00  }
0x19a: {  	[sflag:s3] =	ssyncset.done $0x0  }
0x19b: {  	[sflag:s3] =	ssyncadd.s32 $0xFFFFF400  }
0x19c: {  	s22 =	simm.s32 $0xB400;
	[bflag:$0x0] =	sbarrier.arrive $0xFFFF  }
0x19d: {  	[spmem:s2] =	stream.linear.scatter [tilespmem:s22], [sflag:$0x5], $0xC00, $0x38;
	[tilespmem:$0x1FE00] =	vst v63  }
0x19e: {  	_ =	swait.ge [sflag:s3], $0xC00  }
0x19f: {  	[sflag:s3] =	ssyncset.done $0x0  }
0x1a0: {  	[sflag:s3] =	ssyncadd.s32 $0xFFFFF400  }
0x1a1: {  	s23 =	simm.s32 $0xC000;
	[bflag:$0x0] =	sbarrier.arrive $0xFFFF  }
0x1a2: {  	[spmem:s1] =	stream.linear.scatter [tilespmem:s23], [sflag:$0x5], $0xC00, $0x38;
	[tilespmem:$0x1FE00] =	vst v63  }
0x1a3: {  	_ =	swait.ge [sflag:s3], $0xC00  }
0x1a4: {  	[sflag:s3] =	ssyncset.done $0x0  }
0x1a5: {  	[sflag:s3] =	ssyncadd.s32 $0xFFFFF400  }
0x1a6: {  	s24 =	simm.s32 $0xCC00;
	[bflag:$0x0] =	sbarrier.arrive $0xFFFF  }
0x1a7: {  	[spmem:s2] =	stream.linear.scatter [tilespmem:s24], [sflag:$0x5], $0xC00, $0x38;
	[tilespmem:$0x1FE00] =	vst v63  }
.Ltmp16:
0x1a8: {  	_ =	swait.ge [sflag:s3], $0xC00;
	(pc) =	sbr.rel .LBB2_33-.Ltmp16, $3  }
0x1a9: {  	[sflag:s3] =	ssyncset.done $0x0  }
0x1aa: {  	[sflag:s3] =	ssyncadd.s32 $0xFFFFF400  }
0x1ab: {  	[bflag:$0x0] =	sbarrier.arrive $0xFFFF;
	_ =	sdelay $0x1  }
.LBB2_30:
0x1ac: {  	[bflag:$0x0] =	sbarrier.arrive $0xFFFF;
	s4 =	simm.s32 $0x9000  }
0x1ad: {  	[tilespmem:s4], [sflag:$0x5] =	stream.linear.gather [spmem:s1], $0xC00, $0x38;
	[tilespmem:$0x1FE00] =	vst v63  }
0x1ae: {  	_ =	swait.ge [sflag:s3], $0xC00  }
0x1af: {  	[sflag:s3] =	ssyncset.done $0x0  }
0x1b0: {  	[sflag:s3] =	ssyncadd.s32 $0xFFFFF400  }
0x1b1: {  	s20 =	simm.s32 $0x9C00;
	[bflag:$0x0] =	sbarrier.arrive $0xFFFF  }
0x1b2: {  	[tilespmem:s20], [sflag:$0x5] =	stream.linear.gather [spmem:s2], $0xC00, $0x38;
	[tilespmem:$0x1FE00] =	vst v63  }
0x1b3: {  	_ =	swait.ge [sflag:s3], $0xC00  }
0x1b4: {  	[sflag:s3] =	ssyncset.done $0x0  }
0x1b5: {  	[sflag:s3] =	ssyncadd.s32 $0xFFFFF400  }
0x1b6: {  	s21 =	simm.s32 $0xA800;
	[bflag:$0x0] =	sbarrier.arrive $0xFFFF  }
0x1b7: {  	[tilespmem:s21], [sflag:$0x5] =	stream.linear.gather [spmem:s1], $0xC00, $0x38;
	[tilespmem:$0x1FE00] =	vst v63  }
0x1b8: {  	_ =	swait.ge [sflag:s3], $0xC00  }
0x1b9: {  	[sflag:s3] =	ssyncset.done $0x0  }
0x1ba: {  	[sflag:s3] =	ssyncadd.s32 $0xFFFFF400  }
0x1bb: {  	s22 =	simm.s32 $0xB400;
	[bflag:$0x0] =	sbarrier.arrive $0xFFFF  }
0x1bc: {  	[tilespmem:s22], [sflag:$0x5] =	stream.linear.gather [spmem:s2], $0xC00, $0x38;
	[tilespmem:$0x1FE00] =	vst v63  }
0x1bd: {  	_ =	swait.ge [sflag:s3], $0xC00  }
0x1be: {  	[sflag:s3] =	ssyncset.done $0x0  }
0x1bf: {  	[sflag:s3] =	ssyncadd.s32 $0xFFFFF400  }
0x1c0: {  	s23 =	simm.s32 $0xC000;
	[bflag:$0x0] =	sbarrier.arrive $0xFFFF  }
0x1c1: {  	[tilespmem:s23], [sflag:$0x5] =	stream.linear.gather [spmem:s1], $0xC00, $0x38;
	[tilespmem:$0x1FE00] =	vst v63  }
0x1c2: {  	_ =	swait.ge [sflag:s3], $0xC00  }
0x1c3: {  	[sflag:s3] =	ssyncset.done $0x0  }
0x1c4: {  	[sflag:s3] =	ssyncadd.s32 $0xFFFFF400  }
.Ltmp17:
0x1c5: {  	s24 =	simm.s32 $0xCC00;
	[bflag:$0x0] =	sbarrier.arrive $0xFFFF;
	(pc) =	sbr.rel @!p2 .LBB2_33-.Ltmp17, $4  }
0x1c6: {  	[tilespmem:s24], [sflag:$0x5] =	stream.linear.gather [spmem:s2], $0xC00, $0x38;
	[tilespmem:$0x1FE00] =	vst v63  }
0x1c7: {  	_ =	swait.ge [sflag:s3], $0xC00  }
0x1c8: {  	[sflag:s3] =	ssyncset.done $0x0  }
0x1c9: {  	[sflag:s3] =	ssyncadd.s32 $0xFFFFF400  }
0x1ca: {  	s4 =	simm.s32 $0xD800  }
0x1cb: {  	[spmem:s1] =	stream.linear.scatter [tilespmem:s4], [sflag:$0x5], $0xC00, $0x38;
	[tilespmem:$0x1FE00] =	vst v63  }
0x1cc: {  	_ =	swait.ge [sflag:s3], $0xC00  }
0x1cd: {  	[sflag:s3] =	ssyncset.done $0x0  }
0x1ce: {  	[sflag:s3] =	ssyncadd.s32 $0xFFFFF400  }
0x1cf: {  	s20 =	simm.s32 $0xE400;
	[bflag:$0x0] =	sbarrier.arrive $0xFFFF  }
0x1d0: {  	[spmem:s2] =	stream.linear.scatter [tilespmem:s20], [sflag:$0x5], $0xC00, $0x38;
	[tilespmem:$0x1FE00] =	vst v63  }
0x1d1: {  	_ =	swait.ge [sflag:s3], $0xC00  }
0x1d2: {  	[sflag:s3] =	ssyncset.done $0x0  }
0x1d3: {  	[sflag:s3] =	ssyncadd.s32 $0xFFFFF400  }
0x1d4: {  	s21 =	simm.s32 $0xF000;
	[bflag:$0x0] =	sbarrier.arrive $0xFFFF  }
0x1d5: {  	[spmem:s1] =	stream.linear.scatter [tilespmem:s21], [sflag:$0x5], $0xC00, $0x38;
	[tilespmem:$0x1FE00] =	vst v63  }
0x1d6: {  	_ =	swait.ge [sflag:s3], $0xC00  }
0x1d7: {  	[sflag:s3] =	ssyncset.done $0x0  }
0x1d8: {  	[sflag:s3] =	ssyncadd.s32 $0xFFFFF400  }
0x1d9: {  	s22 =	simm.s32 $0xFC00;
	[bflag:$0x0] =	sbarrier.arrive $0xFFFF  }
0x1da: {  	[spmem:s2] =	stream.linear.scatter [tilespmem:s22], [sflag:$0x5], $0xC00, $0x38;
	[tilespmem:$0x1FE00] =	vst v63  }
0x1db: {  	_ =	swait.ge [sflag:s3], $0xC00  }
0x1dc: {  	[sflag:s3] =	ssyncset.done $0x0  }
0x1dd: {  	[sflag:s3] =	ssyncadd.s32 $0xFFFFF400  }
0x1de: {  	s23 =	simm.s32 $0x10800;
	[bflag:$0x0] =	sbarrier.arrive $0xFFFF  }
0x1df: {  	[spmem:s1] =	stream.linear.scatter [tilespmem:s23], [sflag:$0x5], $0xC00, $0x38;
	[tilespmem:$0x1FE00] =	vst v63  }
0x1e0: {  	_ =	swait.ge [sflag:s3], $0xC00  }
0x1e1: {  	[sflag:s3] =	ssyncset.done $0x0  }
0x1e2: {  	[sflag:s3] =	ssyncadd.s32 $0xFFFFF400  }
0x1e3: {  	s24 =	simm.s32 $0x11400;
	[bflag:$0x0] =	sbarrier.arrive $0xFFFF  }
0x1e4: {  	[spmem:s2] =	stream.linear.scatter [tilespmem:s24], [sflag:$0x5], $0xC00, $0x38;
	[tilespmem:$0x1FE00] =	vst v63  }
.Ltmp18:
0x1e5: {  	_ =	swait.ge [sflag:s3], $0xC00;
	(pc) =	sbr.rel .LBB2_34-.Ltmp18, $3  }
0x1e6: {  	[sflag:s3] =	ssyncset.done $0x0  }
0x1e7: {  	[sflag:s3] =	ssyncadd.s32 $0xFFFFF400  }
0x1e8: {  	[bflag:$0x0] =	sbarrier.arrive $0xFFFF;
	_ =	sdelay $0x1  }
.LBB2_33:
0x1e9: {  	[bflag:$0x0] =	sbarrier.arrive $0xFFFF;
	s4 =	simm.s32 $0xD800  }
0x1ea: {  	[tilespmem:s4], [sflag:$0x5] =	stream.linear.gather [spmem:s1], $0xC00, $0x38;
	[tilespmem:$0x1FE00] =	vst v63  }
0x1eb: {  	_ =	swait.ge [sflag:s3], $0xC00  }
0x1ec: {  	[sflag:s3] =	ssyncset.done $0x0  }
0x1ed: {  	[sflag:s3] =	ssyncadd.s32 $0xFFFFF400  }
0x1ee: {  	s20 =	simm.s32 $0xE400;
	[bflag:$0x0] =	sbarrier.arrive $0xFFFF  }
0x1ef: {  	[tilespmem:s20], [sflag:$0x5] =	stream.linear.gather [spmem:s2], $0xC00, $0x38;
	[tilespmem:$0x1FE00] =	vst v63  }
0x1f0: {  	_ =	swait.ge [sflag:s3], $0xC00  }
0x1f1: {  	[sflag:s3] =	ssyncset.done $0x0  }
0x1f2: {  	[sflag:s3] =	ssyncadd.s32 $0xFFFFF400  }
0x1f3: {  	s21 =	simm.s32 $0xF000;
	[bflag:$0x0] =	sbarrier.arrive $0xFFFF  }
0x1f4: {  	[tilespmem:s21], [sflag:$0x5] =	stream.linear.gather [spmem:s1], $0xC00, $0x38;
	[tilespmem:$0x1FE00] =	vst v63  }
0x1f5: {  	_ =	swait.ge [sflag:s3], $0xC00  }
0x1f6: {  	[sflag:s3] =	ssyncset.done $0x0  }
0x1f7: {  	[sflag:s3] =	ssyncadd.s32 $0xFFFFF400  }
0x1f8: {  	s22 =	simm.s32 $0xFC00;
	[bflag:$0x0] =	sbarrier.arrive $0xFFFF  }
0x1f9: {  	[tilespmem:s22], [sflag:$0x5] =	stream.linear.gather [spmem:s2], $0xC00, $0x38;
	[tilespmem:$0x1FE00] =	vst v63  }
0x1fa: {  	_ =	swait.ge [sflag:s3], $0xC00  }
0x1fb: {  	[sflag:s3] =	ssyncset.done $0x0  }
0x1fc: {  	[sflag:s3] =	ssyncadd.s32 $0xFFFFF400  }
0x1fd: {  	s23 =	simm.s32 $0x10800;
	[bflag:$0x0] =	sbarrier.arrive $0xFFFF  }
0x1fe: {  	[tilespmem:s23], [sflag:$0x5] =	stream.linear.gather [spmem:s1], $0xC00, $0x38;
	[tilespmem:$0x1FE00] =	vst v63  }
0x1ff: {  	_ =	swait.ge [sflag:s3], $0xC00  }
0x200: {  	[sflag:s3] =	ssyncset.done $0x0  }
0x201: {  	[sflag:s3] =	ssyncadd.s32 $0xFFFFF400  }
0x202: {  	s24 =	simm.s32 $0x11400;
	[bflag:$0x0] =	sbarrier.arrive $0xFFFF  }
0x203: {  	[tilespmem:s24], [sflag:$0x5] =	stream.linear.gather [spmem:s2], $0xC00, $0x38;
	[tilespmem:$0x1FE00] =	vst v63  }
0x204: {  	_ =	swait.ge [sflag:s3], $0xC00  }
0x205: {  	[sflag:s3] =	ssyncset.done $0x0  }
0x206: {  	[sflag:s3] =	ssyncadd.s32 $0xFFFFF400  }
.LBB2_34:
0x207: {  	[bflag:$0x0] =	sbarrier.arrive $0xFFFF;
	s1 =	simm.s32 $0x16E00  }
0x208: {  	s2 =	simm.s32 $0x10;
	s4 =	sadd.s32 $0x0, s5;
	s3 =	simm.s32 $0x16F00  }
.LBB2_35:
0x209: {  	[tilespmem:s1], [sflag:$0x3] =	stream.linear.gather [hbm4b:s4+s0], $0x80, $0x38;
	[tilespmem:$0x1FE00] =	vst v63  }
0x20a: {  	s4 =	smov.u32 s2;
	s1 =	smov.u32 s3;
	p4 =	sne.s32 s2, $0x5F0  }
.Ltmp19:
0x20b: {  	s2 =	sadd.s32 $0x10, s2;
	(pc) =	sbr.rel @p4 .LBB2_35-.Ltmp19, $2  }
0x20c: {  	_ =	sdelay $0x2  }
0x20d: {  	s3 =	sadd.s32 $0x100, s3;
	s4 =	sadd.s32 s4, s5  }
0x20e: {  	[tilespmem:s1], [sflag:$0x3] =	stream.linear.gather [hbm4b:s4+s0], $0x80, $0x38;
	[tilespmem:$0x1FE00] =	vst v63  }
0x20f: {  	s1 =	simm.s32 $0x16E80;
	s5 =	rddreg [dreg:$0x19]  }
0x210: {  	s2 =	simm.s32 $0x10;
	s3 =	simm.s32 $0x16F80;
	s4 =	sadd.s32 $0x0, s5  }
.LBB2_37:
0x211: {  	[tilespmem:s1], [sflag:$0x3] =	stream.linear.gather [hbm4b:s4+s0], $0x80, $0x38;
	[tilespmem:$0x1FE00] =	vst v63  }
0x212: {  	s4 =	smov.u32 s2;
	s1 =	smov.u32 s3;
	p4 =	sne.s32 s2, $0x5F0  }
.Ltmp20:
0x213: {  	s2 =	sadd.s32 $0x10, s2;
	(pc) =	sbr.rel @p4 .LBB2_37-.Ltmp20, $2  }
0x214: {  	_ =	sdelay $0x2  }
0x215: {  	s3 =	sadd.s32 $0x100, s3;
	s4 =	sadd.s32 s4, s5  }
0x216: {  	[tilespmem:s1], [sflag:$0x3] =	stream.linear.gather [hbm4b:s4+s0], $0x80, $0x38;
	[tilespmem:$0x1FE00] =	vst v63  }
0x217: {  	s24 =	simm.s32 $0x3  }
0x218: {  	_ =	swait.ge [sflag:s24], $0x3000  }
0x219: {  	s13 =	simm.s32 $0x0;
	[sflag:s24] =	ssyncset.done $0x0  }
0x21a: {  	s15 =	simm.s32 $0x0;
	s18 =	simm.s32 $0x0;
	[sflag:s24] =	ssyncadd.s32 $0xFFFFD000  }
.LBB2_39:
0x21b: {  	s19 =	simm.s32 $0x30;
	s1 =	sand.u32 $0xFF00, s15  }
0x21c: {  	s4 =	rddreg [dreg:$0x6];
	s5 =	sadd.s32 $0x17100, s1;
	s2 =	sand.u32 $0x70, s19  }
0x21d: {  	s7 =	simm.s32 $0x0;
	s6 =	sadd.s32 $0x16E00, s1;
	s3 =	sor.u32 s2, s5  }
0x21e: {  	s8 =	simm.s32 $0x10;
	s1 =	sor.u32 s2, s6;
	v3 =	vld [tilespmem:s3+$0x0];
	s3 =	sand.u32 $0x40, s7  }
0x21f: {  	s9 =	simm.s32 $0x20;
	s4 =	sor.u32 s4, s18;
	v4 =	vld [tilespmem:s1+$0x0];
	s10 =	sor.u32 s3, s5  }
0x220: {  	s11 =	scvt.s32.f32 s19;
	s4 =	scvt.s32.f32 s4;
	s1 =	sand.u32 $0x50, s8;
	v5 =	vld [tilespmem:s10+$0x0]  }
0x221: {  	s14 =	sand.u32 $0x60, s9;
	s12 =	sor.u32 s1, s5  }
0x222: {  	s17 =	scvt.s32.f32 s9;
	v7 =	vadd.f32 s11, v0;
	v2 =	vmov s4;
	s5 =	sor.u32 s14, s5;
	v6 =	vld [tilespmem:s12+$0x0]  }
0x223: {  	s8 =	scvt.s32.f32 s8;
	v9 =	vadd.f32 v3, v2;
	v3 =	vld [tilespmem:s5+$0x0]  }
0x224: {  	s7 =	scvt.s32.f32 s7;
	v12 =	vadd.f32 s17, v0;
	v10 =	vadd.f32 v4, v7  }
0x225: {  	v11 =	vadd.f32 s8, v0;
	v4 =	vtrunc.f32 v9;
	v5 =	vadd.f32 v5, v2  }
0x226: {  	v7 =	vadd.f32 s7, v0;
	v13 =	vtrunc.f32 v10;
	v8 =	vcvt.f32.s32 v4  }
0x227: {  	v4 =	vadd.f32 v6, v2;
	v6 =	vcvt.f32.s32 v13;
	v22 =	vtrunc.f32 v5  }
0x228: {  	vm0 =	vgt.s32 v8, $0x0;
	v3 =	vadd.f32 v3, v2;
	v13 =	vadd.s32 $0x1, v8  }
0x229: {  	vm14 =	vlt.s32 v8, $0xC0;
	vm1 =	vgt.s32 v6, $0x0;
	v22 =	vcvt.f32.s32 v22  }
0x22a: {  	v14 =	vnsel vm0, $0x0, v8;
	vm2 =	vgt.s32 v13, $0x0;
	v8 =	vadd.s32 $0x1, v6  }
0x22b: {  	v6 =	vnsel vm1, $0x0, v6;
	vm15 =	vlt.s32 v13, $0xC0;
	v31 =	vsel vm14, $0x10, v1  }
0x22c: {  	v14 =	vmin.u32 v14, $0x17F;
	v15 =	vnsel vm2, $0x0, v13;
	vm9 =	vgt.s32 v8, $0x0  }
0x22d: {  	v20 =	vmin.u32 v6, $0x17F;
	v23 =	vtrunc.f32 v3;
	v16 =	vmul.u32 $0x180, v14  }
0x22e: {  	s20 =	sor.u32 s3, s6;
	vm4 =	vgt.s32 v22, $0x0;
	v32 =	vsel vm15, $0x10, v1;
	v15 =	vmin.u32 v15, $0x17F  }
0x22f: {  	s21 =	sor.u32 s1, s6;
	v17 =	vld [tilespmem:s20+$0x0];
	v6 =	vnsel vm9, $0x0, v8;
	v13 =	vmul.u32 $0x180, v15;
	v19 =	vadd.s32 $0xFFFEE000, v16  }
0x230: {  	s22 =	sor.u32 s14, s6;
	v18 =	vld [tilespmem:s21+$0x0];
	v14 =	vcvt.s32.f32 v14;
	v15 =	vcvt.s32.f32 v15;
	v8 =	vsel vm14, v16, v19  }
0x231: {  	v16 =	vmin.u32 v6, $0x17F;
	v6 =	vadd.s32 $0xFFFEE000, v13;
	v19 =	vld [tilespmem:s22+$0x0];
	v21 =	vadd.s32 v20, v8  }
0x232: {  	v15 =	vsub.f32 v15, v9;
	v6 =	vsel vm15, v13, v6;
	v13 =	vadd.s32 v16, v8  }
0x233: {  	v9 =	vsub.f32 v9, v14;
	v8 =	vtrunc.f32 v4;
	v24 =	vadd.s32 v20, v6  }
0x234: {  	v25 =	vcvt.f32.s32 v8;
	v26 =	vadd.s32 v16, v6;
	v8 =	vadd.f32 v17, v7  }
0x235: {  	v7 =	vadd.f32 v18, v11;
	v11 =	vcvt.f32.s32 v23;
	v17 =	vadd.s32 $0x1, v22  }
0x236: {  	v16 =	vcvt.s32.f32 v16;
	v20 =	vcvt.s32.f32 v20;
	v6 =	vadd.f32 v19, v12;
	v12 =	vld.idx.msk [tilespmem:v21+s0+$0x0], $0xffff  }
0x237: {  	vm10 =	vgt.s32 v17, $0x0;
	v18 =	vadd.s32 $0x1, v25;
	vm5 =	vgt.s32 v25, $0x0;
	v13 =	vld.idx.msk [tilespmem:v13+s0+$0x0], $0xffff  }
0x238: {  	v23 =	vtrunc.f32 v8;
	vm7 =	vgt.s32 v11, $0x0;
	v27 =	vnsel vm10, $0x0, v17;
	v21 =	vld.idx.msk [tilespmem:v24+s0+$0x0], $0xffff  }
0x239: {  	v16 =	vsub.f32 v16, v10;
	v10 =	vsub.f32 v10, v20;
	vm10 =	vlt.s32 v17, $0xC0;
	v26 =	vld.idx.msk [tilespmem:v26+s0+$0x0], $0xffff  }
0x23a: {  	vm3 =	vgt.s32 v18, $0x0;
	v19 =	vadd.s32 $0x1, v11;
	v14 =	vnsel vm7, $0x0, v11  }
0x23b: {  	v39 =	vsel vm10, $0x10, v1;
	vm6 =	vgt.s32 v19, $0x0;
	v29 =	vnsel vm3, $0x0, v18  }
0x23c: {  	v24 =	vtrunc.f32 v7;
	v28 =	vtrunc.f32 v6;
	v12 =	vshll.u32 v12, v31  }
0x23d: {  	v30 =	vnsel vm6, $0x0, v19;
	v13 =	vshll.u32 v13, v31;
	v12 =	vmul.f32 v12, v16  }
0x23e: {  	v20 =	vshll.u32 v21, v32;
	v21 =	vshll.u32 v26, v32;
	v13 =	vmul.f32 v13, v10  }
0x23f: {  	v26 =	vnsel vm4, $0x0, v22;
	v16 =	vmul.f32 v20, v16;
	v10 =	vmul.f32 v21, v10  }
0x240: {  	v20 =	vnsel vm5, $0x0, v25;
	v21 =	vmin.u32 v27, $0x17F;
	v12 =	vadd.f32 v13, v12  }
0x241: {  	v13 =	vcvt.f32.s32 v23;
	v23 =	vmin.u32 v29, $0x17F;
	v27 =	vmin.u32 v20, $0x17F  }
0x242: {  	v10 =	vadd.f32 v10, v16;
	v16 =	vcvt.f32.s32 v24;
	v24 =	vmin.u32 v26, $0x17F  }
0x243: {  	v26 =	vmin.u32 v30, $0x17F;
	v29 =	vmul.u32 $0x180, v27;
	v12 =	vmul.f32 v12, v15  }
0x244: {  	v15 =	vmul.u32 $0x180, v26;
	v20 =	vmul.u32 $0x180, v24;
	v31 =	vadd.s32 $0x1, v13  }
0x245: {  	vm14 =	vgt.s32 v13, $0x0;
	v9 =	vmul.f32 v10, v9;
	v10 =	vcvt.f32.s32 v28  }
0x246: {  	v28 =	vmin.u32 v14, $0x17F;
	v14 =	vmul.u32 $0x180, v23;
	v53 =	vadd.s32 $0x1, v16  }
0x247: {  	vm11 =	vgt.s32 v31, $0x0;
	vm15 =	vgt.s32 v16, $0x0;
	v38 =	vadd.s32 $0xFFFEE000, v29  }
0x248: {  	v13 =	vnsel vm14, $0x0, v13;
	vm14 =	vlt.s32 v25, $0xC0;
	v30 =	vmul.u32 $0x180, v28  }
0x249: {  	vm12 =	vgt.s32 v53, $0x0;
	v36 =	vadd.s32 $0xFFFEE000, v15;
	v37 =	vadd.s32 $0xFFFEE000, v20  }
0x24a: {  	v31 =	vnsel vm11, $0x0, v31;
	v16 =	vnsel vm15, $0x0, v16;
	vm11 =	vlt.s32 v18, $0xC0  }
0x24b: {  	vm15 =	vlt.s32 v11, $0xC0;
	v18 =	vsel vm14, v29, v38;
	v13 =	vmin.u32 v13, $0x17F  }
0x24c: {  	v9 =	vadd.f32 v9, v12;
	v12 =	vmul.u32 $0x180, v21;
	v33 =	vadd.s32 $0x1, v10  }
0x24d: {  	vm9 =	vgt.s32 v10, $0x0;
	v35 =	vadd.s32 $0xFFFEE000, v14;
	v32 =	vnsel vm12, $0x0, v53  }
0x24e: {  	vm12 =	vlt.s32 v19, $0xC0;
	v19 =	vmin.u32 v31, $0x17F;
	v16 =	vmin.u32 v16, $0x17F  }
0x24f: {  	v40 =	vsel vm11, $0x10, v1;
	vm13 =	vgt.s32 v33, $0x0;
	v17 =	vadd.s32 $0xFFFEE000, v30  }
0x250: {  	v10 =	vnsel vm9, $0x0, v10;
	v57 =	vadd.s32 v16, v18;
	v34 =	vadd.s32 $0xFFFEE000, v12  }
0x251: {  	v41 =	vsel vm12, $0x10, v1;
	v33 =	vnsel vm13, $0x0, v33;
	v11 =	vsel vm10, v12, v34  }
0x252: {  	vm13 =	vlt.s32 v22, $0xC0;
	v17 =	vsel vm15, v30, v17;
	v25 =	vadd.s32 v13, v11  }
0x253: {  	v12 =	vsel vm11, v14, v35;
	v14 =	vsel vm12, v15, v36;
	v11 =	vadd.s32 v19, v11  }
0x254: {  	v15 =	vsel vm13, v20, v37;
	v20 =	vmin.u32 v32, $0x17F;
	v29 =	vadd.s32 v16, v12  }
0x255: {  	v10 =	vmin.u32 v10, $0x17F;
	v22 =	vmin.u32 v33, $0x17F;
	v30 =	vadd.s32 v20, v12  }
0x256: {  	s23 =	sand.u32 $0x7F00, s13;
	v59 =	vadd.s32 v10, v17;
	v31 =	vadd.s32 v10, v14;
	v54 =	vadd.s32 v22, v14  }
0x257: {  	s24 =	sadd.s32 $0x1CE00, s23;
	v55 =	vadd.s32 v13, v15;
	v56 =	vadd.s32 v19, v15;
	v12 =	vcvt.s32.f32 v19;
	v19 =	vld.idx.msk [tilespmem:v25+s0+$0x0], $0xffff  }
0x258: {  	s2 =	sor.u32 s2, s24;
	v60 =	vadd.s32 v22, v17;
	v13 =	vcvt.s32.f32 v13;
	v17 =	vcvt.s32.f32 v22;
	v25 =	vld.idx.msk [tilespmem:v11+s0+$0x0], $0xffff  }
0x259: {  	[tilespmem:s2+$0x0] =	vst v9;
	v9 =	vcvt.s32.f32 v28;
	v58 =	vadd.s32 v20, v18;
	v14 =	vcvt.s32.f32 v20;
	v29 =	vld.idx.msk [tilespmem:v29+s0+$0x0], $0xffff  }
0x25a: {  	v16 =	vcvt.s32.f32 v16;
	v11 =	vsub.f32 v17, v6;
	v17 =	vsub.f32 v8, v13;
	v13 =	vld.idx.msk [tilespmem:v30+s0+$0x0], $0xffff  }
0x25b: {  	v20 =	vcvt.s32.f32 v10;
	v18 =	vsel vm13, $0x10, v1;
	v15 =	vsub.f32 v12, v8;
	v30 =	vld.idx.msk [tilespmem:v54+s0+$0x0], $0xffff  }
0x25c: {  	v10 =	vsel vm15, $0x10, v1;
	v12 =	vsub.f32 v14, v7;
	v14 =	vsub.f32 v7, v16;
	v7 =	vld.idx.msk [tilespmem:v31+s0+$0x0], $0xffff  }
0x25d: {  	v22 =	vcvt.s32.f32 v26;
	v8 =	vsub.f32 v6, v20;
	v6 =	vcvt.s32.f32 v21;
	v31 =	vld.idx.msk [tilespmem:v55+s0+$0x0], $0xffff  }
0x25e: {  	v16 =	vsel vm14, $0x10, v1;
	v21 =	vcvt.s32.f32 v23;
	v20 =	vcvt.s32.f32 v24  }
0x25f: {  	v6 =	vsub.f32 v6, v5;
	v19 =	vshll.u32 v19, v39;
	v23 =	vshll.u32 v25, v39  }
0x260: {  	v26 =	vld.idx.msk [tilespmem:v56+s0+$0x0], $0xffff;
	v24 =	vshll.u32 v29, v40;
	v63 =	vshll.u32 v30, v41;
	v61 =	vmul.f32 v19, v15  }
0x261: {  	v25 =	vld.idx.msk [tilespmem:v57+s0+$0x0], $0xffff;
	v19 =	vcvt.s32.f32 v27;
	v23 =	vmul.f32 v23, v17;
	v27 =	vshll.u32 v13, v40  }
0x262: {  	v30 =	vshll.u32 v31, v18;
	v29 =	vmul.f32 v24, v12;
	v24 =	vld.idx.msk [tilespmem:v58+s0+$0x0], $0xffff;
	v62 =	vmul.f32 v27, v14  }
0x263: {  	s4 =	smov.u32 s13;
	s20 =	sor.u32 s14, s24;
	s5 =	sor.u32 s3, s24;
	v27 =	vshll.u32 v7, v41;
	v7 =	vsub.f32 v21, v4;
	v13 =	vadd.f32 v23, v61;
	v23 =	vld.idx.msk [tilespmem:v59+s0+$0x0], $0xffff  }
0x264: {  	s3 =	sor.u32 s1, s24;
	s1 =	sadd.s32 $0x80, s15;
	s2 =	simm.s32 $0x0;
	v28 =	vmul.f32 v27, v11;
	v27 =	vld.idx.msk [tilespmem:v60+s0+$0x0], $0xffff;
	v21 =	vadd.f32 v62, v29;
	v29 =	vmul.f32 v63, v8  }
.LBB2_40:
0x265: {  	s6 =	sand.u32 $0xFF00, s1;
	v18 =	vshll.u32 v26, v18;
	v15 =	vmul.f32 v30, v15;
	v22 =	vsub.f32 v22, v3;
	s19 =	sadd.s32 $0x40, s19  }
0x266: {  	s9 =	sadd.s32 $0x17100, s6;
	s11 =	sadd.s32 $0xFFFFFFE0, s19;
	s7 =	sand.u32 $0x70, s19;
	v17 =	vmul.f32 v18, v17;
	v18 =	vshll.u32 v25, v16;
	v25 =	vadd.f32 v29, v28  }
0x267: {  	s2 =	sadd.s32 $0x4, s2;
	v5 =	vsub.f32 v5, v20;
	s12 =	sadd.s32 $0xFFFFFFF0, s19;
	v16 =	vshll.u32 v24, v16;
	s8 =	sor.u32 s7, s9;
	v12 =	vmul.f32 v18, v12  }
0x268: {  	s14 =	sadd.s32 $0xFFFFFFD0, s19;
	s17 =	sadd.s32 $0x16E00, s6;
	p4 =	slt.u32 s2, $0x14;
	v14 =	vmul.f32 v16, v14;
	v16 =	vshll.u32 v23, v10;
	v18 =	vld [tilespmem:s8+$0x0];
	v15 =	vadd.f32 v17, v15  }
0x269: {  	v4 =	vsub.f32 v4, v19;
	s6 =	sand.u32 $0x50, s11;
	s21 =	sor.u32 s7, s17;
	s8 =	sand.u32 $0x40, s14;
	v10 =	vshll.u32 v27, v10;
	v11 =	vmul.f32 v16, v11  }
0x26a: {  	v3 =	vsub.f32 v3, v9;
	s10 =	sand.u32 $0x60, s12;
	s23 =	sor.u32 s6, s9;
	s22 =	sor.u32 s8, s9;
	v12 =	vadd.f32 v14, v12;
	v8 =	vmul.f32 v10, v8;
	v16 =	vld [tilespmem:s21+$0x0]  }
0x26b: {  	v5 =	vmul.f32 v13, v5;
	s9 =	sor.u32 s10, s9;
	v10 =	vmul.f32 v21, v4;
	s21 =	sor.u32 s8, s17;
	v9 =	vld [tilespmem:s22+$0x0];
	s22 =	scvt.s32.f32 s19  }
0x26c: {  	s14 =	scvt.s32.f32 s14;
	s24 =	sor.u32 s6, s17;
	s17 =	sor.u32 s10, s17;
	v13 =	vmul.f32 v15, v6;
	v6 =	vmul.f32 v25, v3;
	v8 =	vadd.f32 v8, v11;
	v4 =	vld [tilespmem:s23+$0x0]  }
0x26d: {  	s11 =	scvt.s32.f32 s11;
	v12 =	vmul.f32 v12, v7;
	v3 =	vld [tilespmem:s9+$0x0];
	s9 =	scvt.s32.f32 s12;
	v11 =	vadd.f32 s22, v0;
	v14 =	vadd.f32 v18, v2  }
0x26e: {  	v17 =	vadd.f32 s14, v0;
	v13 =	vadd.f32 v5, v13;
	v7 =	vmul.f32 v8, v22;
	v15 =	vld [tilespmem:s21+$0x0]  }
0x26f: {  	v18 =	vadd.f32 s11, v0;
	v8 =	vld [tilespmem:s24+$0x0];
	v11 =	vadd.f32 v16, v11;
	v16 =	vtrunc.f32 v14  }
0x270: {  	v19 =	vadd.f32 s9, v0;
	v5 =	vadd.f32 v9, v2;
	v9 =	vld [tilespmem:s17+$0x0];
	v16 =	vcvt.f32.s32 v16;
	[tilespmem:s5+$0x0] =	vst v13  }
0x271: {  	v10 =	vadd.f32 v10, v12;
	v4 =	vadd.f32 v4, v2;
	v13 =	vtrunc.f32 v11  }
0x272: {  	v3 =	vadd.f32 v3, v2;
	v12 =	vcvt.f32.s32 v13;
	vm0 =	vgt.s32 v16, $0x0  }
0x273: {  	v13 =	vadd.s32 $0x1, v16;
	v20 =	vnsel vm0, $0x0, v16;
	vm0 =	vlt.s32 v16, $0xC0;
	[tilespmem:s3+$0x0] =	vst v10  }
0x274: {  	vm2 =	vgt.s32 v13, $0x0;
	vm1 =	vgt.s32 v12, $0x0;
	v16 =	vmin.u32 v20, $0x17F  }
0x275: {  	v10 =	vadd.s32 $0x1, v12;
	v20 =	vnsel vm2, $0x0, v13;
	v21 =	vmul.u32 $0x180, v16  }
0x276: {  	v12 =	vnsel vm1, $0x0, v12;
	v20 =	vmin.u32 v20, $0x17F;
	vm1 =	vlt.s32 v13, $0xC0  }
0x277: {  	vm2 =	vgt.s32 v10, $0x0;
	v13 =	vmul.u32 $0x180, v20;
	v22 =	vadd.s32 $0xFFFEE000, v21  }
0x278: {  	v12 =	vmin.u32 v12, $0x17F;
	v10 =	vnsel vm2, $0x0, v10;
	v21 =	vsel vm0, v21, v22  }
0x279: {  	v22 =	vmin.u32 v10, $0x17F;
	v10 =	vadd.s32 $0xFFFEE000, v13;
	v23 =	vadd.s32 v12, v21  }
0x27a: {  	v24 =	vtrunc.f32 v5;
	v10 =	vsel vm1, v13, v10;
	v13 =	vadd.s32 v22, v21  }
0x27b: {  	v25 =	vtrunc.f32 v3;
	v21 =	vtrunc.f32 v4;
	v26 =	vadd.s32 v12, v10  }
0x27c: {  	v24 =	vcvt.f32.s32 v24;
	v21 =	vcvt.f32.s32 v21;
	v27 =	vadd.s32 v22, v10  }
0x27d: {  	v8 =	vadd.f32 v8, v18;
	v10 =	vadd.f32 v15, v17;
	v15 =	vcvt.f32.s32 v25  }
0x27e: {  	v9 =	vadd.f32 v9, v19;
	v17 =	vadd.s32 $0x1, v24;
	v18 =	vadd.s32 $0x1, v21;
	v19 =	vld.idx.msk [tilespmem:v23+s0+$0x0], $0xffff  }
0x27f: {  	vm5 =	vgt.s32 v17, $0x0;
	vm6 =	vgt.s32 v18, $0x0;
	v23 =	vadd.s32 $0x1, v15;
	v13 =	vld.idx.msk [tilespmem:v13+s0+$0x0], $0xffff  }
0x280: {  	vm4 =	vgt.s32 v24, $0x0;
	vm2 =	vgt.s32 v21, $0x0;
	vm7 =	vgt.s32 v23, $0x0;
	v25 =	vld.idx.msk [tilespmem:v26+s0+$0x0], $0xffff  }
0x281: {  	v28 =	vtrunc.f32 v8;
	vm3 =	vgt.s32 v15, $0x0;
	v26 =	vtrunc.f32 v10;
	v27 =	vld.idx.msk [tilespmem:v27+s0+$0x0], $0xffff  }
0x282: {  	v30 =	vtrunc.f32 v9;
	v22 =	vcvt.s32.f32 v22;
	v29 =	vnsel vm5, $0x0, v17  }
0x283: {  	v12 =	vcvt.s32.f32 v12;
	v31 =	vnsel vm6, $0x0, v18;
	v32 =	vnsel vm7, $0x0, v23  }
0x284: {  	v33 =	vsel vm0, $0x10, v1;
	v34 =	vsel vm1, $0x10, v1;
	v22 =	vsub.f32 v22, v11  }
0x285: {  	v16 =	vcvt.s32.f32 v16;
	v11 =	vsub.f32 v11, v12;
	v19 =	vshll.u32 v19, v33  }
0x286: {  	v12 =	vshll.u32 v13, v33;
	v13 =	vcvt.s32.f32 v20;
	v19 =	vmul.f32 v19, v22  }
0x287: {  	v20 =	vshll.u32 v25, v34;
	v12 =	vmul.f32 v12, v11;
	v25 =	vshll.u32 v27, v34  }
0x288: {  	v27 =	vnsel vm4, $0x0, v24;
	v20 =	vmul.f32 v20, v22;
	v11 =	vmul.f32 v25, v11  }
0x289: {  	v22 =	vnsel vm2, $0x0, v21;
	v13 =	vsub.f32 v13, v14;
	v14 =	vsub.f32 v14, v16  }
0x28a: {  	v16 =	vnsel vm3, $0x0, v15;
	v12 =	vadd.f32 v12, v19;
	v11 =	vadd.f32 v11, v20  }
0x28b: {  	v19 =	vcvt.f32.s32 v26;
	v25 =	vcvt.f32.s32 v28;
	v20 =	vmin.u32 v29, $0x17F  }
0x28c: {  	s4 =	sadd.s32 $0x80, s4;
	v26 =	vmin.u32 v31, $0x17F;
	v12 =	vmul.f32 v12, v13;
	v11 =	vmul.f32 v11, v14  }
0x28d: {  	s3 =	sand.u32 $0x7F00, s4;
	v27 =	vmin.u32 v27, $0x17F;
	v28 =	vmin.u32 v32, $0x17F;
	v14 =	vcvt.f32.s32 v30  }
0x28e: {  	s9 =	sadd.s32 $0x1CE00, s3;
	v29 =	vmin.u32 v22, $0x17F;
	v13 =	vmin.u32 v16, $0x17F;
	v11 =	vadd.f32 v11, v12  }
0x28f: {  	s5 =	sor.u32 s8, s9;
	s3 =	sor.u32 s6, s9;
	s7 =	sor.u32 s7, s9;
	v16 =	vmul.u32 $0x180, v26;
	v22 =	vmul.u32 $0x180, v28;
	v12 =	vmul.u32 $0x180, v20  }
0x290: {  	s6 =	sor.u32 s10, s9;
	v31 =	vmul.u32 $0x180, v29;
	v32 =	vmul.u32 $0x180, v13;
	v30 =	vmul.u32 $0x180, v27;
	[tilespmem:s7+$0x0] =	vst v11  }
0x291: {  	v33 =	vadd.s32 $0x1, v25;
	v34 =	vadd.s32 $0x1, v14;
	v11 =	vadd.s32 $0x1, v19  }
0x292: {  	vm1 =	vgt.s32 v33, $0x0;
	vm2 =	vgt.s32 v34, $0x0;
	vm0 =	vgt.s32 v11, $0x0  }
0x293: {  	vm3 =	vgt.s32 v19, $0x0;
	vm4 =	vgt.s32 v25, $0x0;
	vm6 =	vgt.s32 v14, $0x0  }
0x294: {  	v36 =	vadd.s32 $0xFFFEE000, v16;
	v37 =	vadd.s32 $0xFFFEE000, v22;
	v35 =	vadd.s32 $0xFFFEE000, v12  }
0x295: {  	v39 =	vadd.s32 $0xFFFEE000, v31;
	v40 =	vadd.s32 $0xFFFEE000, v32;
	v38 =	vadd.s32 $0xFFFEE000, v30  }
0x296: {  	v33 =	vnsel vm1, $0x0, v33;
	v34 =	vnsel vm2, $0x0, v34;
	v11 =	vnsel vm0, $0x0, v11  }
0x297: {  	vm5 =	vlt.s32 v17, $0xC0;
	v17 =	vnsel vm4, $0x0, v25;
	v19 =	vnsel vm3, $0x0, v19  }
0x298: {  	vm4 =	vlt.s32 v18, $0xC0;
	v14 =	vnsel vm6, $0x0, v14;
	vm3 =	vlt.s32 v23, $0xC0  }
0x299: {  	vm1 =	vlt.s32 v15, $0xC0;
	vm2 =	vlt.s32 v24, $0xC0;
	vm0 =	vlt.s32 v21, $0xC0  }
0x29a: {  	v15 =	vsel vm4, v16, v36;
	v12 =	vsel vm5, v12, v35;
	v16 =	vsel vm3, v22, v37  }
0x29b: {  	v18 =	vsel vm2, v30, v38;
	v22 =	vsel vm1, v32, v40;
	v21 =	vsel vm0, v31, v39  }
0x29c: {  	v23 =	vmin.u32 v33, $0x17F;
	v24 =	vmin.u32 v34, $0x17F;
	v11 =	vmin.u32 v11, $0x17F  }
0x29d: {  	v17 =	vmin.u32 v17, $0x17F;
	v14 =	vmin.u32 v14, $0x17F;
	v19 =	vmin.u32 v19, $0x17F  }
0x29e: {  	v30 =	vadd.s32 v17, v15;
	v25 =	vadd.s32 v19, v12;
	v12 =	vadd.s32 v11, v12  }
0x29f: {  	v32 =	vadd.s32 v14, v16;
	v33 =	vadd.s32 v24, v16;
	v31 =	vadd.s32 v23, v15  }
0x2a0: {  	v34 =	vadd.s32 v19, v18;
	v35 =	vadd.s32 v11, v18;
	v36 =	vadd.s32 v17, v21  }
0x2a1: {  	v37 =	vadd.s32 v14, v22;
	v38 =	vadd.s32 v24, v22;
	v21 =	vadd.s32 v23, v21  }
0x2a2: {  	v16 =	vcvt.s32.f32 v23;
	v39 =	vsel vm5, $0x10, v1;
	v11 =	vcvt.s32.f32 v11  }
0x2a3: {  	v19 =	vcvt.s32.f32 v19;
	v23 =	vsel vm4, $0x10, v1;
	v18 =	vcvt.s32.f32 v24;
	v22 =	vld.idx.msk [tilespmem:v25+s0+$0x0], $0xffff  }
0x2a4: {  	v40 =	vcvt.s32.f32 v14;
	v15 =	vsub.f32 v11, v10;
	v25 =	vcvt.s32.f32 v17;
	v24 =	vld.idx.msk [tilespmem:v12+s0+$0x0], $0xffff  }
0x2a5: {  	v41 =	vsel vm3, $0x10, v1;
	v11 =	vsub.f32 v18, v9;
	v12 =	vsub.f32 v16, v8;
	v30 =	vld.idx.msk [tilespmem:v30+s0+$0x0], $0xffff  }
0x2a6: {  	v18 =	vsel vm2, $0x10, v1;
	v17 =	vsub.f32 v10, v19;
	v14 =	vsub.f32 v8, v25;
	v31 =	vld.idx.msk [tilespmem:v31+s0+$0x0], $0xffff  }
0x2a7: {  	v10 =	vsel vm1, $0x10, v1;
	v16 =	vsel vm0, $0x10, v1;
	v8 =	vsub.f32 v9, v40;
	v32 =	vld.idx.msk [tilespmem:v32+s0+$0x0], $0xffff  }
0x2a8: {  	v6 =	vadd.f32 v6, v7;
	v42 =	vcvt.s32.f32 v26;
	v40 =	vcvt.s32.f32 v20;
	v33 =	vld.idx.msk [tilespmem:v33+s0+$0x0], $0xffff  }
0x2a9: {  	v20 =	vcvt.s32.f32 v27;
	v7 =	vshll.u32 v22, v39;
	v22 =	vcvt.s32.f32 v28;
	v34 =	vld.idx.msk [tilespmem:v34+s0+$0x0], $0xffff  }
0x2aa: {  	v19 =	vcvt.s32.f32 v29;
	v9 =	vshll.u32 v24, v39;
	v7 =	vmul.f32 v7, v15;
	v26 =	vld.idx.msk [tilespmem:v35+s0+$0x0], $0xffff;
	[tilespmem:s20+$0x0] =	vst v6;
	s20 =	smov.u32 s6  }
.Ltmp21:
0x2ab: {  	v27 =	vmul.f32 v9, v17;
	v28 =	vshll.u32 v30, v23;
	v9 =	vcvt.s32.f32 v13;
	v25 =	vld.idx.msk [tilespmem:v36+s0+$0x0], $0xffff;
	(pc) =	sbr.rel @p4 .LBB2_40-.Ltmp21, $4  }
0x2ac: {  	v6 =	vsub.f32 v40, v5;
	v29 =	vmul.f32 v28, v12;
	v24 =	vld.idx.msk [tilespmem:v21+s0+$0x0], $0xffff;
	v21 =	vshll.u32 v31, v23  }
0x2ad: {  	v13 =	vadd.f32 v27, v7;
	v28 =	vshll.u32 v32, v41;
	v21 =	vmul.f32 v21, v14;
	v23 =	vld.idx.msk [tilespmem:v37+s0+$0x0], $0xffff  }
0x2ae: {  	v7 =	vsub.f32 v42, v4;
	v31 =	vshll.u32 v33, v41;
	v28 =	vmul.f32 v28, v11;
	v27 =	vld.idx.msk [tilespmem:v38+s0+$0x0], $0xffff  }
0x2af: {  	s1 =	sadd.s32 $0x80, s1;
	v30 =	vshll.u32 v34, v18;
	v21 =	vadd.f32 v21, v29;
	v29 =	vmul.f32 v31, v8  }
0x2b0: {  	v2 =	vshll.u32 v26, v18  }
0x2b1: {  	v15 =	vmul.f32 v30, v15;
	v55 =	vsub.f32 v22, v3;
	v5 =	vsub.f32 v5, v20  }
0x2b2: {  	v56 =	vshll.u32 v25, v16;
	v4 =	vsub.f32 v4, v19;
	v3 =	vsub.f32 v3, v9  }
0x2b3: {  	v2 =	vmul.f32 v2, v17;
	v58 =	vshll.u32 v24, v16;
	v12 =	vmul.f32 v56, v12  }
0x2b4: {  	v14 =	vmul.f32 v58, v14;
	v59 =	vshll.u32 v23, v10;
	v60 =	vshll.u32 v27, v10  }
0x2b5: {  	v2 =	vadd.f32 v2, v15;
	v11 =	vmul.f32 v59, v11;
	v8 =	vmul.f32 v60, v8  }
0x2b6: {  	v57 =	vadd.f32 v29, v28;
	v61 =	vadd.f32 v14, v12  }
0x2b7: {  	s18 =	sadd.s32 $0x1, s18;
	v5 =	vmul.f32 v13, v5;
	v2 =	vmul.f32 v2, v6;
	v62 =	vadd.f32 v8, v11  }
0x2b8: {  	p4 =	sne.s32 s18, $0x10;
	v4 =	vmul.f32 v21, v4;
	v7 =	vmul.f32 v61, v7  }
.Ltmp22:
0x2b9: {  	v3 =	vmul.f32 v57, v3;
	v2 =	vadd.f32 v5, v2;
	v63 =	vmul.f32 v62, v55;
	(pc) =	sbr.rel @p4 .LBB2_39-.Ltmp22, $4  }
0x2ba: {  	v4 =	vadd.f32 v4, v7  }
0x2bb: {  	[tilespmem:s5+$0x0] =	vst v2;
	v2 =	vadd.f32 v3, v63  }
0x2bc: {  	[tilespmem:s3+$0x0] =	vst v4  }
0x2bd: {  	s13 =	sadd.s32 $0x300, s13;
	s15 =	sadd.s32 $0x600, s15;
	[tilespmem:s20+$0x0] =	vst v2  }
0x2be: {  	s1 =	simm.s32 $0x1CE00  }
0x2bf: {  	s2 =	simm.s32 $0x10;
	s4 =	sadd.s32 $0x0, s26;
	s3 =	simm.s32 $0x1CF00  }
.LBB2_43:
0x2c0: {  	[hbm4b:s4+s0] =	stream.linear.scatter [tilespmem:s1], [sflag:$0x4], $0x80, $0x38;
	[tilespmem:$0x1FE00] =	vst v63  }
0x2c1: {  	s4 =	smov.u32 s2;
	s1 =	smov.u32 s3;
	p4 =	sne.s32 s2, $0x2F0  }
.Ltmp23:
0x2c2: {  	s2 =	sadd.s32 $0x10, s2;
	(pc) =	sbr.rel @p4 .LBB2_43-.Ltmp23, $2  }
0x2c3: {  	_ =	sdelay $0x2  }
0x2c4: {  	s3 =	sadd.s32 $0x100, s3;
	s4 =	sadd.s32 s4, s26  }
0x2c5: {  	[hbm4b:s4+s0] =	stream.linear.scatter [tilespmem:s1], [sflag:$0x4], $0x80, $0x38;
	[tilespmem:$0x1FE00] =	vst v63  }
0x2c6: {  	s1 =	simm.s32 $0x16E00;
	s5 =	rddreg [dreg:$0x1a]  }
0x2c7: {  	s2 =	simm.s32 $0x10;
	s3 =	simm.s32 $0x16F00;
	s4 =	sadd.s32 $0x0, s5  }
.LBB2_45:
0x2c8: {  	[tilespmem:s1], [sflag:$0x3] =	stream.linear.gather [hbm4b:s4+s0], $0x80, $0x38;
	[tilespmem:$0x1FE00] =	vst v63  }
0x2c9: {  	s4 =	smov.u32 s2;
	s1 =	smov.u32 s3;
	p4 =	sne.s32 s2, $0x5F0  }
.Ltmp24:
0x2ca: {  	s2 =	sadd.s32 $0x10, s2;
	(pc) =	sbr.rel @p4 .LBB2_45-.Ltmp24, $2  }
0x2cb: {  	_ =	sdelay $0x2  }
0x2cc: {  	s3 =	sadd.s32 $0x100, s3;
	s4 =	sadd.s32 s4, s5  }
0x2cd: {  	[tilespmem:s1], [sflag:$0x3] =	stream.linear.gather [hbm4b:s4+s0], $0x80, $0x38;
	[tilespmem:$0x1FE00] =	vst v63  }
0x2ce: {  	s24 =	simm.s32 $0x3  }
0x2cf: {  	_ =	swait.ge [sflag:s24], $0x3000  }
0x2d0: {  	s1 =	simm.s32 $0x0;
	[sflag:s24] =	ssyncset.done $0x0  }
0x2d1: {  	s4 =	simm.s32 $0x0;
	s18 =	simm.s32 $0x0;
	[sflag:s24] =	ssyncadd.s32 $0xFFFFD000  }
.LBB2_47:
0x2d2: {  	s19 =	simm.s32 $0x30;
	s3 =	sand.u32 $0xFF00, s1;
	s7 =	rddreg [dreg:$0x11]  }
0x2d3: {  	s24 =	simm.s32 $0x0;
	s6 =	sadd.s32 $0x17180, s3;
	s2 =	sand.u32 $0x70, s19  }
0x2d4: {  	s9 =	simm.s32 $0x10;
	s8 =	sadd.s32 $0x16E00, s3;
	s5 =	sor.u32 s2, s6  }
0x2d5: {  	s10 =	simm.s32 $0x20;
	s11 =	sand.u32 $0x40, s24;
	s13 =	sor.u32 s2, s8;
	v3 =	vld [tilespmem:s5+$0x0]  }
0x2d6: {  	p4 =	por $0x0, $0x0;
	s7 =	sor.u32 s7, s18;
	s11 =	sor.u32 s11, s6;
	v4 =	vld [tilespmem:s13+$0x80]  }
0x2d7: {  	s12 =	scvt.s32.f32 s19;
	s23 =	scvt.s32.f32 s7;
	s5 =	sand.u32 $0x50, s9;
	v5 =	vld [tilespmem:s11+$0x0]  }
0x2d8: {  	s3 =	simm.s32 $0x1;
	s13 =	sand.u32 $0x60, s10;
	s14 =	sor.u32 s5, s6  }
0x2d9: {  	s17 =	scvt.s32.f32 s9;
	s3 =	simm.s32 @!p4 $0x0;
	v7 =	vadd.f32 s12, v0;
	v2 =	vmov s23;
	s6 =	sor.u32 s13, s6;
	v6 =	vld [tilespmem:s14+$0x0]  }
0x2da: {  	s20 =	scvt.s32.f32 s10;
	s3 =	sshll.u32 s3, $0x6;
	v8 =	vadd.f32 v3, v2;
	v3 =	vld [tilespmem:s6+$0x0]  }
0x2db: {  	s15 =	scvt.s32.f32 s24;
	v10 =	vadd.f32 s17, v0;
	s21 =	sadd.s32 s3, s1;
	s22 =	sor.u32 s5, s8;
	v9 =	vadd.f32 v4, v7  }
0x2dc: {  	v12 =	vadd.f32 s20, v0;
	v18 =	vld [tilespmem:s22+$0x80];
	v5 =	vadd.f32 v5, v2;
	s6 =	sor.u32 $0x80, s21;
	v4 =	vtrunc.f32 v8  }
0x2dd: {  	v7 =	vadd.f32 s15, v0;
	v17 =	vld [tilespmem:s6+$0x16E00];
	v13 =	vtrunc.f32 v9;
	v11 =	vcvt.f32.s32 v4  }
0x2de: {  	v22 =	vtrunc.f32 v5;
	v4 =	vadd.f32 v6, v2;
	v6 =	vcvt.f32.s32 v13  }
0x2df: {  	v22 =	vcvt.f32.s32 v22;
	vm0 =	vgt.s32 v11, $0x0;
	v3 =	vadd.f32 v3, v2  }
0x2e0: {  	v13 =	vadd.s32 $0x1, v11;
	vm14 =	vlt.s32 v11, $0xC0;
	vm1 =	vgt.s32 v6, $0x0  }
0x2e1: {  	vm4 =	vgt.s32 v22, $0x0;
	v14 =	vnsel vm0, $0x0, v11;
	vm2 =	vgt.s32 v13, $0x0  }
0x2e2: {  	vm15 =	vlt.s32 v13, $0xC0;
	v17 =	vadd.f32 v17, v7;
	v7 =	vadd.f32 v18, v10  }
0x2e3: {  	v18 =	vadd.s32 $0x1, v22;
	v31 =	vsel vm14, $0x10, v1;
	v11 =	vmin.u32 v14, $0x17F  }
0x2e4: {  	v14 =	vadd.s32 $0x1, v6;
	v15 =	vnsel vm2, $0x0, v13;
	v16 =	vmul.u32 $0x180, v11  }
0x2e5: {  	v6 =	vnsel vm1, $0x0, v6;
	v23 =	vtrunc.f32 v3;
	v15 =	vmin.u32 v15, $0x17F  }
0x2e6: {  	vm9 =	vgt.s32 v14, $0x0;
	v13 =	vmul.u32 $0x180, v15;
	v19 =	vadd.s32 $0xFFFEE000, v16  }
0x2e7: {  	s23 =	sor.u32 s13, s8;
	v20 =	vmin.u32 v6, $0x17F;
	v6 =	vnsel vm9, $0x0, v14;
	v14 =	vsel vm14, v16, v19  }
0x2e8: {  	v16 =	vmin.u32 v6, $0x17F;
	v6 =	vadd.s32 $0xFFFEE000, v13;
	v19 =	vld [tilespmem:s23+$0x80];
	v21 =	vadd.s32 v20, v14  }
0x2e9: {  	vm10 =	vgt.s32 v18, $0x0;
	v6 =	vsel vm15, v13, v6;
	v13 =	vadd.s32 v16, v14  }
0x2ea: {  	v32 =	vsel vm15, $0x10, v1;
	v10 =	vcvt.f32.s32 v23;
	v24 =	vadd.s32 v20, v6  }
0x2eb: {  	v26 =	vtrunc.f32 v7;
	v27 =	vnsel vm10, $0x0, v18;
	v25 =	vadd.s32 v16, v6  }
0x2ec: {  	v11 =	vcvt.s32.f32 v11;
	vm10 =	vlt.s32 v18, $0xC0;
	v15 =	vcvt.s32.f32 v15  }
0x2ed: {  	vm7 =	vgt.s32 v10, $0x0;
	v14 =	vtrunc.f32 v4;
	v6 =	vadd.f32 v19, v12;
	v12 =	vld.idx.msk [tilespmem:v21+s0+$0x0], $0xffff  }
0x2ee: {  	v15 =	vsub.f32 v15, v8;
	v14 =	vcvt.f32.s32 v14;
	v16 =	vcvt.s32.f32 v16;
	v13 =	vld.idx.msk [tilespmem:v13+s0+$0x0], $0xffff  }
0x2ef: {  	v8 =	vsub.f32 v8, v11;
	v11 =	vnsel vm7, $0x0, v10;
	v20 =	vcvt.s32.f32 v20;
	v21 =	vld.idx.msk [tilespmem:v24+s0+$0x0], $0xffff  }
0x2f0: {  	v23 =	vadd.s32 $0x1, v14;
	vm5 =	vgt.s32 v14, $0x0;
	v16 =	vsub.f32 v16, v9;
	v25 =	vld.idx.msk [tilespmem:v25+s0+$0x0], $0xffff  }
0x2f1: {  	v9 =	vsub.f32 v9, v20;
	vm3 =	vgt.s32 v23, $0x0;
	v19 =	vadd.s32 $0x1, v10  }
0x2f2: {  	vm6 =	vgt.s32 v19, $0x0;
	v29 =	vnsel vm3, $0x0, v23;
	v24 =	vtrunc.f32 v17  }
0x2f3: {  	v28 =	vtrunc.f32 v6;
	v30 =	vnsel vm6, $0x0, v19;
	v12 =	vshll.u32 v12, v31  }
0x2f4: {  	v13 =	vshll.u32 v13, v31;
	v31 =	vmin.u32 v11, $0x17F;
	v12 =	vmul.f32 v12, v16  }
0x2f5: {  	v20 =	vshll.u32 v21, v32;
	v21 =	vshll.u32 v25, v32;
	v13 =	vmul.f32 v13, v9  }
0x2f6: {  	v25 =	vnsel vm4, $0x0, v22;
	v16 =	vmul.f32 v20, v16;
	v9 =	vmul.f32 v21, v9  }
0x2f7: {  	v20 =	vnsel vm5, $0x0, v14;
	v21 =	vmul.u32 $0x180, v31;
	v12 =	vadd.f32 v13, v12  }
0x2f8: {  	v13 =	vcvt.f32.s32 v24;
	v24 =	vmin.u32 v27, $0x17F;
	v9 =	vadd.f32 v9, v16  }
0x2f9: {  	v16 =	vcvt.f32.s32 v26;
	v26 =	vmin.u32 v29, $0x17F;
	v29 =	vmin.u32 v25, $0x17F  }
0x2fa: {  	v18 =	vadd.s32 $0xFFFEE000, v21;
	v12 =	vmul.f32 v12, v15;
	v11 =	vmul.u32 $0x180, v26  }
0x2fb: {  	v15 =	vmul.u32 $0x180, v29;
	v25 =	vadd.s32 $0x1, v13;
	vm11 =	vgt.s32 v13, $0x0  }
0x2fc: {  	v8 =	vmul.f32 v9, v8;
	v9 =	vcvt.f32.s32 v28;
	v28 =	vmin.u32 v30, $0x17F  }
0x2fd: {  	v30 =	vmin.u32 v20, $0x17F;
	v27 =	vadd.s32 $0x1, v16;
	vm12 =	vgt.s32 v25, $0x0  }
0x2fe: {  	vm14 =	vgt.s32 v16, $0x0;
	v13 =	vnsel vm11, $0x0, v13;
	vm11 =	vlt.s32 v23, $0xC0  }
0x2ff: {  	v20 =	vmul.u32 $0x180, v30;
	vm13 =	vgt.s32 v27, $0x0;
	v35 =	vadd.s32 $0xFFFEE000, v11  }
0x300: {  	v37 =	vadd.s32 $0xFFFEE000, v15;
	v25 =	vnsel vm12, $0x0, v25;
	v16 =	vnsel vm14, $0x0, v16  }
0x301: {  	vm12 =	vlt.s32 v19, $0xC0;
	vm14 =	vlt.s32 v14, $0xC0;
	v13 =	vmin.u32 v13, $0x17F  }
0x302: {  	v56 =	vadd.f32 v8, v12;
	v8 =	vmul.u32 $0x180, v24;
	v12 =	vmul.u32 $0x180, v28  }
0x303: {  	v33 =	vadd.s32 $0x1, v9;
	vm15 =	vgt.s32 v9, $0x0;
	v27 =	vnsel vm13, $0x0, v27  }
0x304: {  	vm13 =	vlt.s32 v22, $0xC0;
	vm9 =	vgt.s32 v33, $0x0;
	v38 =	vadd.s32 $0xFFFEE000, v20  }
0x305: {  	v9 =	vnsel vm15, $0x0, v9;
	vm15 =	vlt.s32 v10, $0xC0;
	v10 =	vsel vm11, v11, v35  }
0x306: {  	v19 =	vmin.u32 v27, $0x17F;
	v34 =	vadd.s32 $0xFFFEE000, v8;
	v36 =	vadd.s32 $0xFFFEE000, v12  }
0x307: {  	v33 =	vnsel vm9, $0x0, v33;
	v14 =	vsel vm14, v20, v38;
	v20 =	vmin.u32 v16, $0x17F  }
0x308: {  	v9 =	vmin.u32 v9, $0x17F;
	v8 =	vsel vm10, v8, v34;
	v11 =	vsel vm12, v12, v36  }
0x309: {  	v12 =	vsel vm13, v15, v37;
	v15 =	vsel vm15, v21, v18;
	v18 =	vmin.u32 v25, $0x17F  }
0x30a: {  	v16 =	vmin.u32 v33, $0x17F;
	v22 =	vadd.s32 v20, v10;
	v10 =	vadd.s32 v19, v10  }
0x30b: {  	v59 =	vadd.s32 v20, v14;
	v21 =	vadd.s32 v13, v8;
	v8 =	vadd.s32 v18, v8  }
0x30c: {  	v23 =	vadd.s32 v9, v11;
	v25 =	vadd.s32 v16, v11;
	v57 =	vadd.s32 v13, v12  }
0x30d: {  	v58 =	vadd.s32 v18, v12;
	v11 =	vcvt.s32.f32 v18;
	v12 =	vcvt.s32.f32 v13  }
0x30e: {  	v60 =	vadd.s32 v19, v14;
	v61 =	vadd.s32 v9, v15;
	v15 =	vadd.s32 v16, v15  }
0x30f: {  	v27 =	vcvt.s32.f32 v16;
	v16 =	vsub.f32 v11, v17;
	v14 =	vsub.f32 v17, v12;
	v17 =	vld.idx.msk [tilespmem:v22+s0+$0x0], $0xffff  }
0x310: {  	v18 =	vcvt.s32.f32 v19;
	v41 =	vld.idx.msk [tilespmem:v10+s0+$0x0], $0xffff  }
0x311: {  	v62 =	vsel vm10, $0x10, v1;
	v39 =	vsel vm11, $0x10, v1;
	v13 =	vld.idx.msk [tilespmem:v21+s0+$0x0], $0xffff  }
0x312: {  	v19 =	vsel vm13, $0x10, v1;
	v11 =	vsub.f32 v18, v7;
	v18 =	vsel vm14, $0x10, v1;
	v40 =	vld.idx.msk [tilespmem:v8+s0+$0x0], $0xffff  }
0x313: {  	v10 =	vsel vm15, $0x10, v1;
	v8 =	vcvt.s32.f32 v20;
	v20 =	vcvt.s32.f32 v9;
	v42 =	vld.idx.msk [tilespmem:v23+s0+$0x0], $0xffff  }
0x314: {  	v22 =	vcvt.s32.f32 v28;
	v21 =	vsel vm12, $0x10, v1;
	v9 =	vsub.f32 v27, v6  }
0x315: {  	v28 =	vld.idx.msk [tilespmem:v60+s0+$0x0], $0xffff;
	v12 =	vsub.f32 v7, v8;
	v8 =	vsub.f32 v6, v20;
	v6 =	vcvt.s32.f32 v24  }
0x316: {  	s24 =	sand.u32 $0x7F00, s4;
	v27 =	vcvt.s32.f32 v26;
	v25 =	vld.idx.msk [tilespmem:v25+s0+$0x0], $0xffff;
	v20 =	vcvt.s32.f32 v29;
	v17 =	vshll.u32 v17, v39  }
0x317: {  	s6 =	sadd.s32 $0x1CE00, s24;
	v23 =	vld.idx.msk [tilespmem:v57+s0+$0x0], $0xffff;
	v6 =	vsub.f32 v6, v5;
	v7 =	vshll.u32 v13, v62;
	v13 =	vshll.u32 v40, v62  }
0x318: {  	p4 =	por !p4, !p4;
	s3 =	sadd.s32 s3, s4;
	s2 =	sor.u32 s2, s6;
	v26 =	vld.idx.msk [tilespmem:v59+s0+$0x0], $0xffff;
	v32 =	vshll.u32 v42, v21;
	v29 =	vmul.f32 v7, v16;
	v63 =	vmul.f32 v13, v14  }
0x319: {  	s3 =	sor.u32 $0x80, s3;
	s15 =	smov.u32 s4;
	s5 =	sor.u32 s5, s6;
	[tilespmem:s2+$0x80] =	vst v56;
	v24 =	vld.idx.msk [tilespmem:v58+s0+$0x0], $0xffff;
	v7 =	vcvt.s32.f32 v30;
	v13 =	vcvt.s32.f32 v31;
	v31 =	vshll.u32 v41, v39  }
0x31a: {  	s20 =	sor.u32 s13, s6;
	s13 =	smov.u32 s1;
	s2 =	simm.s32 $0x0;
	v30 =	vmul.f32 v17, v11;
	v31 =	vmul.f32 v31, v12;
	v17 =	vadd.f32 v63, v29;
	v29 =	vld.idx.msk [tilespmem:v61+s0+$0x0], $0xffff  }
.LBB2_48:
0x31b: {  	s6 =	simm.s32 $0x1  }
0x31c: {  	v27 =	vsub.f32 v27, v4;
	v15 =	vld.idx.msk [tilespmem:v15+s0+$0x0], $0xffff;
	v21 =	vshll.u32 v25, v21;
	v25 =	vmul.f32 v32, v9;
	s6 =	simm.s32 @!p4 $0x0  }
0x31d: {  	v23 =	vshll.u32 v23, v19;
	s13 =	sadd.s32 $0x80, s13;
	v30 =	vadd.f32 v31, v30;
	v21 =	vmul.f32 v21, v8;
	s8 =	sshll.u32 s6, $0x6  }
0x31e: {  	v22 =	vsub.f32 v22, v3;
	s19 =	sadd.s32 $0x40, s19;
	v19 =	vshll.u32 v24, v19;
	v16 =	vmul.f32 v23, v16;
	s6 =	sand.u32 $0xFF00, s13;
	s9 =	sadd.s32 s8, s13  }
0x31f: {  	s11 =	sadd.s32 $0xFFFFFFD0, s19;
	s7 =	sand.u32 $0x70, s19;
	v14 =	vmul.f32 v19, v14;
	v19 =	vshll.u32 v26, v18;
	s12 =	sadd.s32 $0x17180, s6;
	v21 =	vadd.f32 v21, v25  }
0x320: {  	s2 =	sadd.s32 $0x4, s2;
	v5 =	vsub.f32 v5, v20;
	s14 =	sadd.s32 $0xFFFFFFE0, s19;
	v18 =	vshll.u32 v28, v18;
	v11 =	vmul.f32 v19, v11;
	s10 =	sor.u32 s7, s12  }
0x321: {  	s21 =	sadd.s32 $0xFFFFFFF0, s19;
	p5 =	slt.u32 s2, $0x14;
	s17 =	sadd.s32 $0x16E00, s6;
	v14 =	vadd.f32 v14, v16;
	v12 =	vmul.f32 v18, v12;
	v16 =	vshll.u32 v29, v10;
	v19 =	vld [tilespmem:s10+$0x0]  }
0x322: {  	v4 =	vsub.f32 v4, v7;
	s6 =	sand.u32 $0x50, s14;
	s22 =	sor.u32 s7, s17;
	v7 =	vshll.u32 v15, v10;
	v9 =	vmul.f32 v16, v9;
	s10 =	sand.u32 $0x40, s11  }
0x323: {  	v3 =	vsub.f32 v3, v13;
	s24 =	sor.u32 s6, s12;
	v11 =	vadd.f32 v12, v11;
	v7 =	vmul.f32 v7, v8;
	s23 =	sor.u32 s10, s12;
	s10 =	sand.u32 $0x60, s21;
	v10 =	vld [tilespmem:s22+$0x80]  }
0x324: {  	v5 =	vmul.f32 v17, v5;
	s9 =	sor.u32 $0x80, s9;
	v12 =	vmul.f32 v30, v4;
	s12 =	sor.u32 s10, s12;
	s22 =	scvt.s32.f32 s19;
	v8 =	vld [tilespmem:s23+$0x0]  }
0x325: {  	s11 =	scvt.s32.f32 s11;
	v13 =	vmul.f32 v14, v6;
	v6 =	vmul.f32 v21, v3;
	v7 =	vadd.f32 v7, v9;
	s23 =	sor.u32 s6, s17;
	s17 =	sor.u32 s10, s17;
	v4 =	vld [tilespmem:s24+$0x0]  }
0x326: {  	s14 =	scvt.s32.f32 s14;
	v11 =	vmul.f32 v11, v27;
	v9 =	vadd.f32 s22, v0;
	v3 =	vld [tilespmem:s12+$0x0];
	s12 =	scvt.s32.f32 s21;
	v14 =	vadd.f32 v19, v2  }
0x327: {  	v16 =	vadd.f32 s11, v0;
	v13 =	vadd.f32 v5, v13;
	v7 =	vmul.f32 v7, v22;
	v15 =	vld [tilespmem:s9+$0x16E00]  }
0x328: {  	v18 =	vadd.f32 s14, v0;
	v17 =	vld [tilespmem:s23+$0x80];
	v19 =	vadd.f32 v10, v9;
	v9 =	vtrunc.f32 v14  }
0x329: {  	v20 =	vadd.f32 s12, v0;
	v5 =	vadd.f32 v8, v2;
	v8 =	vld [tilespmem:s17+$0x80];
	v9 =	vcvt.f32.s32 v9;
	[tilespmem:s3+$0x1CE00] =	vst v13  }
0x32a: {  	v11 =	vadd.f32 v12, v11;
	v4 =	vadd.f32 v4, v2;
	v10 =	vtrunc.f32 v19  }
0x32b: {  	v3 =	vadd.f32 v3, v2;
	v10 =	vcvt.f32.s32 v10;
	vm0 =	vgt.s32 v9, $0x0  }
0x32c: {  	v12 =	vadd.s32 $0x1, v9;
	v13 =	vnsel vm0, $0x0, v9;
	vm0 =	vlt.s32 v9, $0xC0;
	[tilespmem:s5+$0x80] =	vst v11  }
0x32d: {  	vm2 =	vgt.s32 v12, $0x0;
	vm1 =	vgt.s32 v10, $0x0;
	v13 =	vmin.u32 v13, $0x17F  }
0x32e: {  	v9 =	vadd.s32 $0x1, v10;
	v11 =	vnsel vm2, $0x0, v12;
	v21 =	vmul.u32 $0x180, v13  }
0x32f: {  	v10 =	vnsel vm1, $0x0, v10;
	v22 =	vmin.u32 v11, $0x17F;
	vm1 =	vlt.s32 v12, $0xC0  }
0x330: {  	vm2 =	vgt.s32 v9, $0x0;
	v11 =	vmul.u32 $0x180, v22;
	v12 =	vadd.s32 $0xFFFEE000, v21  }
0x331: {  	v23 =	vmin.u32 v10, $0x17F;
	v9 =	vnsel vm2, $0x0, v9;
	v10 =	vsel vm0, v21, v12  }
0x332: {  	v21 =	vmin.u32 v9, $0x17F;
	v9 =	vadd.s32 $0xFFFEE000, v11;
	v24 =	vadd.s32 v23, v10  }
0x333: {  	v12 =	vtrunc.f32 v5;
	v9 =	vsel vm1, v11, v9;
	v25 =	vadd.s32 v21, v10  }
0x334: {  	v26 =	vtrunc.f32 v3;
	v10 =	vtrunc.f32 v4;
	v27 =	vadd.s32 v23, v9  }
0x335: {  	v11 =	vcvt.f32.s32 v12;
	v12 =	vcvt.f32.s32 v10;
	v28 =	vadd.s32 v21, v9  }
0x336: {  	v10 =	vadd.f32 v15, v16;
	v9 =	vadd.f32 v17, v18;
	v15 =	vcvt.f32.s32 v26  }
0x337: {  	v8 =	vadd.f32 v8, v20;
	v16 =	vadd.s32 $0x1, v11;
	v18 =	vadd.s32 $0x1, v12;
	v17 =	vld.idx.msk [tilespmem:v24+s0+$0x0], $0xffff  }
0x338: {  	vm5 =	vgt.s32 v16, $0x0;
	v20 =	vadd.s32 $0x1, v15;
	vm6 =	vgt.s32 v18, $0x0;
	v24 =	vld.idx.msk [tilespmem:v25+s0+$0x0], $0xffff  }
0x339: {  	vm4 =	vgt.s32 v11, $0x0;
	vm2 =	vgt.s32 v12, $0x0;
	vm7 =	vgt.s32 v20, $0x0;
	v25 =	vld.idx.msk [tilespmem:v27+s0+$0x0], $0xffff  }
0x33a: {  	v26 =	vtrunc.f32 v10;
	vm3 =	vgt.s32 v15, $0x0;
	v27 =	vtrunc.f32 v9;
	v28 =	vld.idx.msk [tilespmem:v28+s0+$0x0], $0xffff  }
0x33b: {  	v30 =	vtrunc.f32 v8;
	v21 =	vcvt.s32.f32 v21;
	v29 =	vnsel vm5, $0x0, v16  }
0x33c: {  	v23 =	vcvt.s32.f32 v23;
	v31 =	vnsel vm6, $0x0, v18;
	v32 =	vnsel vm7, $0x0, v20  }
0x33d: {  	v33 =	vsel vm0, $0x10, v1;
	v34 =	vsel vm1, $0x10, v1;
	v21 =	vsub.f32 v21, v19  }
0x33e: {  	v13 =	vcvt.s32.f32 v13;
	v19 =	vsub.f32 v19, v23;
	v17 =	vshll.u32 v17, v33  }
0x33f: {  	v22 =	vcvt.s32.f32 v22;
	v23 =	vshll.u32 v24, v33;
	v17 =	vmul.f32 v17, v21  }
0x340: {  	v24 =	vshll.u32 v25, v34;
	v23 =	vmul.f32 v23, v19;
	v25 =	vshll.u32 v28, v34  }
0x341: {  	v28 =	vnsel vm4, $0x0, v11;
	v21 =	vmul.f32 v24, v21;
	v19 =	vmul.f32 v25, v19  }
0x342: {  	v13 =	vsub.f32 v14, v13;
	v22 =	vsub.f32 v22, v14;
	v24 =	vnsel vm2, $0x0, v12  }
0x343: {  	v14 =	vnsel vm3, $0x0, v15;
	v23 =	vadd.f32 v23, v17;
	v19 =	vadd.f32 v19, v21  }
0x344: {  	v17 =	vmin.u32 v29, $0x17F;
	v25 =	vcvt.f32.s32 v27;
	v21 =	vcvt.f32.s32 v26  }
0x345: {  	s15 =	sadd.s32 $0x80, s15;
	v26 =	vmin.u32 v31, $0x17F;
	v22 =	vmul.f32 v23, v22;
	v19 =	vmul.f32 v19, v13  }
0x346: {  	s3 =	sadd.s32 s8, s15;
	s5 =	sand.u32 $0x7F00, s15;
	v28 =	vmin.u32 v28, $0x17F;
	v29 =	vmin.u32 v32, $0x17F;
	v23 =	vcvt.f32.s32 v30  }
0x347: {  	s3 =	sor.u32 $0x80, s3;
	s8 =	sadd.s32 $0x1CE00, s5;
	v30 =	vmin.u32 v24, $0x17F;
	v13 =	vmin.u32 v14, $0x17F;
	v14 =	vadd.f32 v19, v22  }
0x348: {  	s5 =	sor.u32 s6, s8;
	s6 =	sor.u32 s10, s8;
	s7 =	sor.u32 s7, s8;
	v24 =	vmul.u32 $0x180, v29;
	v19 =	vmul.u32 $0x180, v17;
	v22 =	vmul.u32 $0x180, v26  }
0x349: {  	v27 =	vmul.u32 $0x180, v28;
	v31 =	vmul.u32 $0x180, v30;
	v32 =	vmul.u32 $0x180, v13;
	[tilespmem:s7+$0x80] =	vst v14  }
0x34a: {  	v33 =	vadd.s32 $0x1, v25;
	v34 =	vadd.s32 $0x1, v23;
	v14 =	vadd.s32 $0x1, v21  }
0x34b: {  	vm2 =	vgt.s32 v33, $0x0;
	vm0 =	vgt.s32 v21, $0x0;
	vm1 =	vgt.s32 v14, $0x0  }
0x34c: {  	vm3 =	vgt.s32 v25, $0x0;
	vm6 =	vgt.s32 v23, $0x0;
	vm4 =	vgt.s32 v34, $0x0  }
0x34d: {  	v37 =	vadd.s32 $0xFFFEE000, v24;
	v35 =	vadd.s32 $0xFFFEE000, v19;
	v36 =	vadd.s32 $0xFFFEE000, v22  }
0x34e: {  	v38 =	vadd.s32 $0xFFFEE000, v27;
	v39 =	vadd.s32 $0xFFFEE000, v31;
	v40 =	vadd.s32 $0xFFFEE000, v32  }
0x34f: {  	v33 =	vnsel vm2, $0x0, v33;
	v21 =	vnsel vm0, $0x0, v21;
	v14 =	vnsel vm1, $0x0, v14  }
0x350: {  	vm5 =	vlt.s32 v16, $0xC0;
	v16 =	vnsel vm3, $0x0, v25;
	v25 =	vnsel vm4, $0x0, v34  }
0x351: {  	vm3 =	vlt.s32 v20, $0xC0;
	vm4 =	vlt.s32 v18, $0xC0;
	v18 =	vnsel vm6, $0x0, v23  }
0x352: {  	vm2 =	vlt.s32 v11, $0xC0;
	vm0 =	vlt.s32 v12, $0xC0;
	vm1 =	vlt.s32 v15, $0xC0  }
0x353: {  	v11 =	vsel vm5, v19, v35;
	v12 =	vsel vm4, v22, v36;
	v15 =	vsel vm3, v24, v37  }
0x354: {  	v19 =	vsel vm2, v27, v38;
	v20 =	vsel vm0, v31, v39;
	v22 =	vsel vm1, v32, v40  }
0x355: {  	v23 =	vmin.u32 v33, $0x17F;
	v21 =	vmin.u32 v21, $0x17F;
	v14 =	vmin.u32 v14, $0x17F  }
0x356: {  	v18 =	vmin.u32 v18, $0x17F;
	v24 =	vmin.u32 v16, $0x17F;
	v16 =	vmin.u32 v25, $0x17F  }
0x357: {  	v25 =	vadd.s32 v21, v11;
	v27 =	vadd.s32 v24, v12;
	v11 =	vadd.s32 v14, v11  }
0x358: {  	v12 =	vadd.s32 v23, v12;
	v31 =	vadd.s32 v18, v15;
	v32 =	vadd.s32 v16, v15  }
0x359: {  	v33 =	vadd.s32 v21, v19;
	v35 =	vadd.s32 v24, v20;
	v34 =	vadd.s32 v14, v19  }
0x35a: {  	v36 =	vadd.s32 v23, v20;
	v37 =	vadd.s32 v18, v22;
	v15 =	vadd.s32 v16, v22  }
0x35b: {  	v38 =	vsel vm5, $0x10, v1;
	v19 =	vcvt.s32.f32 v21;
	v14 =	vcvt.s32.f32 v14  }
0x35c: {  	v39 =	vsel vm4, $0x10, v1;
	v21 =	vcvt.s32.f32 v23;
	v22 =	vcvt.s32.f32 v16;
	v20 =	vld.idx.msk [tilespmem:v25+s0+$0x0], $0xffff  }
0x35d: {  	v23 =	vcvt.s32.f32 v24;
	v24 =	vcvt.s32.f32 v18;
	v16 =	vsub.f32 v14, v10;
	v40 =	vld.idx.msk [tilespmem:v11+s0+$0x0], $0xffff  }
0x35e: {  	v14 =	vsub.f32 v10, v19;
	v11 =	vsub.f32 v21, v9;
	v21 =	vsel vm3, $0x10, v1;
	v41 =	vld.idx.msk [tilespmem:v27+s0+$0x0], $0xffff  }
0x35f: {  	v19 =	vsel vm2, $0x10, v1;
	v42 =	vld.idx.msk [tilespmem:v12+s0+$0x0], $0xffff;
	v12 =	vsub.f32 v9, v23;
	v9 =	vsub.f32 v22, v8  }
0x360: {  	v18 =	vsel vm0, $0x10, v1;
	v10 =	vsel vm1, $0x10, v1;
	v8 =	vsub.f32 v8, v24;
	v43 =	vld.idx.msk [tilespmem:v31+s0+$0x0], $0xffff  }
0x361: {  	v6 =	vadd.f32 v6, v7;
	v17 =	vcvt.s32.f32 v17;
	v27 =	vcvt.s32.f32 v26;
	v25 =	vld.idx.msk [tilespmem:v32+s0+$0x0], $0xffff  }
.Ltmp25:
0x362: {  	v22 =	vcvt.s32.f32 v29;
	v7 =	vshll.u32 v20, v38;
	v20 =	vcvt.s32.f32 v28;
	v23 =	vld.idx.msk [tilespmem:v33+s0+$0x0], $0xffff;
	(pc) =	sbr.rel @p5 .LBB2_48-.Ltmp25, $4  }
0x363: {  	v26 =	vshll.u32 v40, v38;
	v29 =	vmul.f32 v7, v16;
	v7 =	vcvt.s32.f32 v30;
	v24 =	vld.idx.msk [tilespmem:v34+s0+$0x0], $0xffff;
	[tilespmem:s20+$0x80] =	vst v6;
	s20 =	smov.u32 s6  }
0x364: {  	v13 =	vcvt.s32.f32 v13;
	v31 =	vmul.f32 v26, v14;
	v30 =	vshll.u32 v41, v39;
	v26 =	vld.idx.msk [tilespmem:v35+s0+$0x0], $0xffff  }
0x365: {  	v6 =	vsub.f32 v17, v5;
	v32 =	vshll.u32 v42, v39;
	v30 =	vmul.f32 v30, v11;
	v28 =	vld.idx.msk [tilespmem:v36+s0+$0x0], $0xffff  }
0x366: {  	p4 =	por !p4, !p4;
	v17 =	vadd.f32 v31, v29;
	v31 =	vmul.f32 v32, v12;
	v32 =	vshll.u32 v43, v21;
	v29 =	vld.idx.msk [tilespmem:v37+s0+$0x0], $0xffff  }
0x367: {  	_ =	sdelay $0x3  }
0x368: {  	v2 =	vsub.f32 v27, v4;
	v15 =	vld.idx.msk [tilespmem:v15+s0+$0x0], $0xffff;
	v21 =	vshll.u32 v25, v21;
	v52 =	vmul.f32 v32, v9  }
0x369: {  	v23 =	vshll.u32 v23, v19;
	v22 =	vsub.f32 v22, v3;
	v5 =	vsub.f32 v5, v20  }
0x36a: {  	v59 =	vsub.f32 v4, v7;
	v3 =	vsub.f32 v3, v13;
	v21 =	vmul.f32 v21, v8  }
0x36b: {  	v54 =	vshll.u32 v24, v19;
	v16 =	vmul.f32 v23, v16;
	v55 =	vshll.u32 v26, v18  }
0x36c: {  	v14 =	vmul.f32 v54, v14;
	v56 =	vshll.u32 v28, v18;
	v11 =	vmul.f32 v55, v11  }
0x36d: {  	v12 =	vmul.f32 v56, v12;
	v57 =	vshll.u32 v29, v10;
	v58 =	vshll.u32 v15, v10  }
0x36e: {  	v14 =	vadd.f32 v14, v16;
	v60 =	vmul.f32 v57, v9;
	v61 =	vmul.f32 v58, v8  }
0x36f: {  	v53 =	vadd.f32 v31, v30;
	v5 =	vmul.f32 v17, v5;
	v62 =	vadd.f32 v12, v11  }
0x370: {  	s18 =	sadd.s32 $0x1, s18;
	v21 =	vadd.f32 v21, v52;
	v6 =	vmul.f32 v14, v6;
	v7 =	vadd.f32 v61, v60  }
0x371: {  	p4 =	sne.s32 s18, $0x10;
	v4 =	vmul.f32 v53, v59;
	v2 =	vmul.f32 v62, v2  }
.Ltmp26:
0x372: {  	v3 =	vmul.f32 v21, v3;
	v5 =	vadd.f32 v5, v6;
	v63 =	vmul.f32 v7, v22;
	(pc) =	sbr.rel @p4 .LBB2_47-.Ltmp26, $4  }
0x373: {  	v2 =	vadd.f32 v4, v2  }
0x374: {  	[tilespmem:s3+$0x1CE00] =	vst v5;
	v3 =	vadd.f32 v3, v63  }
0x375: {  	[tilespmem:s5+$0x80] =	vst v2  }
0x376: {  	s4 =	sadd.s32 $0x300, s4;
	s1 =	sadd.s32 $0x600, s1;
	[tilespmem:s20+$0x80] =	vst v3  }
0x377: {  	s1 =	simm.s32 $0x1CE80  }
0x378: {  	s2 =	simm.s32 $0x10;
	s4 =	sadd.s32 $0x0, s28;
	s3 =	simm.s32 $0x1CF80  }
.LBB2_51:
0x379: {  	[hbm4b:s4+s0] =	stream.linear.scatter [tilespmem:s1], [sflag:$0x4], $0x80, $0x38;
	[tilespmem:$0x1FE00] =	vst v63  }
0x37a: {  	s4 =	smov.u32 s2;
	s1 =	smov.u32 s3;
	p4 =	sne.s32 s2, $0x2F0  }
.Ltmp27:
0x37b: {  	s2 =	sadd.s32 $0x10, s2;
	(pc) =	sbr.rel @p4 .LBB2_51-.Ltmp27, $2  }
0x37c: {  	_ =	sdelay $0x2  }
0x37d: {  	s3 =	sadd.s32 $0x100, s3;
	s4 =	sadd.s32 s4, s28  }
0x37e: {  	[hbm4b:s4+s0] =	stream.linear.scatter [tilespmem:s1], [sflag:$0x4], $0x80, $0x38;
	[tilespmem:$0x1FE00] =	vst v63  }
0x37f: {  	s1 =	simm.s32 $0x16E80;
	s5 =	rddreg [dreg:$0x1b]  }
0x380: {  	s2 =	simm.s32 $0x10;
	s3 =	simm.s32 $0x16F80;
	s4 =	sadd.s32 $0x0, s5  }
.LBB2_53:
0x381: {  	[tilespmem:s1], [sflag:$0x3] =	stream.linear.gather [hbm4b:s4+s0], $0x80, $0x38;
	[tilespmem:$0x1FE00] =	vst v63  }
0x382: {  	s4 =	smov.u32 s2;
	s1 =	smov.u32 s3;
	p4 =	sne.s32 s2, $0x5F0  }
.Ltmp28:
0x383: {  	s2 =	sadd.s32 $0x10, s2;
	(pc) =	sbr.rel @p4 .LBB2_53-.Ltmp28, $2  }
0x384: {  	_ =	sdelay $0x2  }
0x385: {  	s3 =	sadd.s32 $0x100, s3;
	s4 =	sadd.s32 s4, s5  }
0x386: {  	[tilespmem:s1], [sflag:$0x3] =	stream.linear.gather [hbm4b:s4+s0], $0x80, $0x38;
	[tilespmem:$0x1FE00] =	vst v63  }
0x387: {  	s23 =	simm.s32 $0x3  }
0x388: {  	_ =	swait.ge [sflag:s23], $0x3000  }
0x389: {  	[sflag:s23] =	ssyncset.done $0x0  }
0x38a: {  	s24 =	simm.s32 $0x4;
	[sflag:s23] =	ssyncadd.s32 $0xFFFFD000  }
0x38b: {  	_ =	swait.ge [sflag:s24], $0x1800  }
0x38c: {  	s13 =	simm.s32 $0x0;
	[sflag:s24] =	ssyncset.done $0x0  }
0x38d: {  	s15 =	simm.s32 $0x0;
	s18 =	simm.s32 $0x0;
	[sflag:s24] =	ssyncadd.s32 $0xFFFFE800  }
.LBB2_55:
0x38e: {  	s19 =	simm.s32 $0x30;
	s1 =	sand.u32 $0xFF00, s15  }
0x38f: {  	s4 =	rddreg [dreg:$0x13];
	s5 =	sadd.s32 $0x17100, s1;
	s2 =	sand.u32 $0x70, s19  }
0x390: {  	s7 =	simm.s32 $0x0;
	s6 =	sadd.s32 $0x16E00, s1;
	s3 =	sor.u32 s2, s5  }
0x391: {  	s8 =	simm.s32 $0x10;
	s1 =	sor.u32 s2, s6;
	v3 =	vld [tilespmem:s3+$0x0];
	s3 =	sand.u32 $0x40, s7  }
0x392: {  	s9 =	simm.s32 $0x20;
	s4 =	sor.u32 s4, s18;
	v4 =	vld [tilespmem:s1+$0x0];
	s10 =	sor.u32 s3, s5  }
0x393: {  	s11 =	scvt.s32.f32 s19;
	s4 =	scvt.s32.f32 s4;
	s1 =	sand.u32 $0x50, s8;
	v5 =	vld [tilespmem:s10+$0x0]  }
0x394: {  	s14 =	sand.u32 $0x60, s9;
	s12 =	sor.u32 s1, s5  }
0x395: {  	s17 =	scvt.s32.f32 s9;
	v7 =	vadd.f32 s11, v0;
	v2 =	vmov s4;
	s5 =	sor.u32 s14, s5;
	v6 =	vld [tilespmem:s12+$0x0]  }
0x396: {  	s8 =	scvt.s32.f32 s8;
	v9 =	vadd.f32 v3, v2;
	v3 =	vld [tilespmem:s5+$0x0]  }
0x397: {  	s7 =	scvt.s32.f32 s7;
	v12 =	vadd.f32 s17, v0;
	v10 =	vadd.f32 v4, v7  }
0x398: {  	v11 =	vadd.f32 s8, v0;
	v4 =	vtrunc.f32 v9;
	v5 =	vadd.f32 v5, v2  }
0x399: {  	v7 =	vadd.f32 s7, v0;
	v13 =	vtrunc.f32 v10;
	v8 =	vcvt.f32.s32 v4  }
0x39a: {  	v4 =	vadd.f32 v6, v2;
	v6 =	vcvt.f32.s32 v13;
	v22 =	vtrunc.f32 v5  }
0x39b: {  	vm0 =	vgt.s32 v8, $0x0;
	v3 =	vadd.f32 v3, v2;
	v13 =	vadd.s32 $0x1, v8  }
0x39c: {  	vm14 =	vlt.s32 v8, $0xC0;
	vm1 =	vgt.s32 v6, $0x0;
	v22 =	vcvt.f32.s32 v22  }
0x39d: {  	v14 =	vnsel vm0, $0x0, v8;
	vm2 =	vgt.s32 v13, $0x0;
	v8 =	vadd.s32 $0x1, v6  }
0x39e: {  	v6 =	vnsel vm1, $0x0, v6;
	vm15 =	vlt.s32 v13, $0xC0;
	v31 =	vsel vm14, $0x10, v1  }
0x39f: {  	v14 =	vmin.u32 v14, $0x17F;
	v15 =	vnsel vm2, $0x0, v13;
	vm9 =	vgt.s32 v8, $0x0  }
0x3a0: {  	v20 =	vmin.u32 v6, $0x17F;
	v23 =	vtrunc.f32 v3;
	v16 =	vmul.u32 $0x180, v14  }
0x3a1: {  	s20 =	sor.u32 s3, s6;
	vm4 =	vgt.s32 v22, $0x0;
	v32 =	vsel vm15, $0x10, v1;
	v15 =	vmin.u32 v15, $0x17F  }
0x3a2: {  	s21 =	sor.u32 s1, s6;
	v17 =	vld [tilespmem:s20+$0x0];
	v6 =	vnsel vm9, $0x0, v8;
	v13 =	vmul.u32 $0x180, v15;
	v19 =	vadd.s32 $0xFFFEE000, v16  }
0x3a3: {  	s22 =	sor.u32 s14, s6;
	v18 =	vld [tilespmem:s21+$0x0];
	v14 =	vcvt.s32.f32 v14;
	v15 =	vcvt.s32.f32 v15;
	v8 =	vsel vm14, v16, v19  }
0x3a4: {  	v16 =	vmin.u32 v6, $0x17F;
	v6 =	vadd.s32 $0xFFFEE000, v13;
	v19 =	vld [tilespmem:s22+$0x0];
	v21 =	vadd.s32 v20, v8  }
0x3a5: {  	v15 =	vsub.f32 v15, v9;
	v6 =	vsel vm15, v13, v6;
	v13 =	vadd.s32 v16, v8  }
0x3a6: {  	v9 =	vsub.f32 v9, v14;
	v8 =	vtrunc.f32 v4;
	v24 =	vadd.s32 v20, v6  }
0x3a7: {  	v25 =	vcvt.f32.s32 v8;
	v26 =	vadd.s32 v16, v6;
	v8 =	vadd.f32 v17, v7  }
0x3a8: {  	v7 =	vadd.f32 v18, v11;
	v11 =	vcvt.f32.s32 v23;
	v17 =	vadd.s32 $0x1, v22  }
0x3a9: {  	v16 =	vcvt.s32.f32 v16;
	v20 =	vcvt.s32.f32 v20;
	v6 =	vadd.f32 v19, v12;
	v12 =	vld.idx.msk [tilespmem:v21+s0+$0x0], $0xffff  }
0x3aa: {  	vm10 =	vgt.s32 v17, $0x0;
	v18 =	vadd.s32 $0x1, v25;
	vm5 =	vgt.s32 v25, $0x0;
	v13 =	vld.idx.msk [tilespmem:v13+s0+$0x0], $0xffff  }
0x3ab: {  	v23 =	vtrunc.f32 v8;
	vm7 =	vgt.s32 v11, $0x0;
	v27 =	vnsel vm10, $0x0, v17;
	v21 =	vld.idx.msk [tilespmem:v24+s0+$0x0], $0xffff  }
0x3ac: {  	v16 =	vsub.f32 v16, v10;
	v10 =	vsub.f32 v10, v20;
	vm10 =	vlt.s32 v17, $0xC0;
	v26 =	vld.idx.msk [tilespmem:v26+s0+$0x0], $0xffff  }
0x3ad: {  	vm3 =	vgt.s32 v18, $0x0;
	v19 =	vadd.s32 $0x1, v11;
	v14 =	vnsel vm7, $0x0, v11  }
0x3ae: {  	v39 =	vsel vm10, $0x10, v1;
	vm6 =	vgt.s32 v19, $0x0;
	v29 =	vnsel vm3, $0x0, v18  }
0x3af: {  	v24 =	vtrunc.f32 v7;
	v28 =	vtrunc.f32 v6;
	v12 =	vshll.u32 v12, v31  }
0x3b0: {  	v30 =	vnsel vm6, $0x0, v19;
	v13 =	vshll.u32 v13, v31;
	v12 =	vmul.f32 v12, v16  }
0x3b1: {  	v20 =	vshll.u32 v21, v32;
	v21 =	vshll.u32 v26, v32;
	v13 =	vmul.f32 v13, v10  }
0x3b2: {  	v26 =	vnsel vm4, $0x0, v22;
	v16 =	vmul.f32 v20, v16;
	v10 =	vmul.f32 v21, v10  }
0x3b3: {  	v20 =	vnsel vm5, $0x0, v25;
	v21 =	vmin.u32 v27, $0x17F;
	v12 =	vadd.f32 v13, v12  }
0x3b4: {  	v13 =	vcvt.f32.s32 v23;
	v23 =	vmin.u32 v29, $0x17F;
	v27 =	vmin.u32 v20, $0x17F  }
0x3b5: {  	v10 =	vadd.f32 v10, v16;
	v16 =	vcvt.f32.s32 v24;
	v24 =	vmin.u32 v26, $0x17F  }
0x3b6: {  	v26 =	vmin.u32 v30, $0x17F;
	v29 =	vmul.u32 $0x180, v27;
	v12 =	vmul.f32 v12, v15  }
0x3b7: {  	v15 =	vmul.u32 $0x180, v26;
	v20 =	vmul.u32 $0x180, v24;
	v31 =	vadd.s32 $0x1, v13  }
0x3b8: {  	vm14 =	vgt.s32 v13, $0x0;
	v9 =	vmul.f32 v10, v9;
	v10 =	vcvt.f32.s32 v28  }
0x3b9: {  	v28 =	vmin.u32 v14, $0x17F;
	v14 =	vmul.u32 $0x180, v23;
	v53 =	vadd.s32 $0x1, v16  }
0x3ba: {  	vm11 =	vgt.s32 v31, $0x0;
	vm15 =	vgt.s32 v16, $0x0;
	v38 =	vadd.s32 $0xFFFEE000, v29  }
0x3bb: {  	v13 =	vnsel vm14, $0x0, v13;
	vm14 =	vlt.s32 v25, $0xC0;
	v30 =	vmul.u32 $0x180, v28  }
0x3bc: {  	vm12 =	vgt.s32 v53, $0x0;
	v36 =	vadd.s32 $0xFFFEE000, v15;
	v37 =	vadd.s32 $0xFFFEE000, v20  }
0x3bd: {  	v31 =	vnsel vm11, $0x0, v31;
	v16 =	vnsel vm15, $0x0, v16;
	vm11 =	vlt.s32 v18, $0xC0  }
0x3be: {  	vm15 =	vlt.s32 v11, $0xC0;
	v18 =	vsel vm14, v29, v38;
	v13 =	vmin.u32 v13, $0x17F  }
0x3bf: {  	v9 =	vadd.f32 v9, v12;
	v12 =	vmul.u32 $0x180, v21;
	v33 =	vadd.s32 $0x1, v10  }
0x3c0: {  	vm9 =	vgt.s32 v10, $0x0;
	v35 =	vadd.s32 $0xFFFEE000, v14;
	v32 =	vnsel vm12, $0x0, v53  }
0x3c1: {  	vm12 =	vlt.s32 v19, $0xC0;
	v19 =	vmin.u32 v31, $0x17F;
	v16 =	vmin.u32 v16, $0x17F  }
0x3c2: {  	v40 =	vsel vm11, $0x10, v1;
	vm13 =	vgt.s32 v33, $0x0;
	v17 =	vadd.s32 $0xFFFEE000, v30  }
0x3c3: {  	v10 =	vnsel vm9, $0x0, v10;
	v57 =	vadd.s32 v16, v18;
	v34 =	vadd.s32 $0xFFFEE000, v12  }
0x3c4: {  	v41 =	vsel vm12, $0x10, v1;
	v33 =	vnsel vm13, $0x0, v33;
	v11 =	vsel vm10, v12, v34  }
0x3c5: {  	vm13 =	vlt.s32 v22, $0xC0;
	v17 =	vsel vm15, v30, v17;
	v25 =	vadd.s32 v13, v11  }
0x3c6: {  	v12 =	vsel vm11, v14, v35;
	v14 =	vsel vm12, v15, v36;
	v11 =	vadd.s32 v19, v11  }
0x3c7: {  	v15 =	vsel vm13, v20, v37;
	v20 =	vmin.u32 v32, $0x17F;
	v29 =	vadd.s32 v16, v12  }
0x3c8: {  	v10 =	vmin.u32 v10, $0x17F;
	v22 =	vmin.u32 v33, $0x17F;
	v30 =	vadd.s32 v20, v12  }
0x3c9: {  	s23 =	sand.u32 $0x7F00, s13;
	v59 =	vadd.s32 v10, v17;
	v31 =	vadd.s32 v10, v14;
	v54 =	vadd.s32 v22, v14  }
0x3ca: {  	s24 =	sadd.s32 $0x1CE00, s23;
	v55 =	vadd.s32 v13, v15;
	v56 =	vadd.s32 v19, v15;
	v12 =	vcvt.s32.f32 v19;
	v19 =	vld.idx.msk [tilespmem:v25+s0+$0x0], $0xffff  }
0x3cb: {  	s2 =	sor.u32 s2, s24;
	v60 =	vadd.s32 v22, v17;
	v13 =	vcvt.s32.f32 v13;
	v17 =	vcvt.s32.f32 v22;
	v25 =	vld.idx.msk [tilespmem:v11+s0+$0x0], $0xffff  }
0x3cc: {  	[tilespmem:s2+$0x0] =	vst v9;
	v9 =	vcvt.s32.f32 v28;
	v58 =	vadd.s32 v20, v18;
	v14 =	vcvt.s32.f32 v20;
	v29 =	vld.idx.msk [tilespmem:v29+s0+$0x0], $0xffff  }
0x3cd: {  	v16 =	vcvt.s32.f32 v16;
	v11 =	vsub.f32 v17, v6;
	v17 =	vsub.f32 v8, v13;
	v13 =	vld.idx.msk [tilespmem:v30+s0+$0x0], $0xffff  }
0x3ce: {  	v20 =	vcvt.s32.f32 v10;
	v18 =	vsel vm13, $0x10, v1;
	v15 =	vsub.f32 v12, v8;
	v30 =	vld.idx.msk [tilespmem:v54+s0+$0x0], $0xffff  }
0x3cf: {  	v10 =	vsel vm15, $0x10, v1;
	v12 =	vsub.f32 v14, v7;
	v14 =	vsub.f32 v7, v16;
	v7 =	vld.idx.msk [tilespmem:v31+s0+$0x0], $0xffff  }
0x3d0: {  	v22 =	vcvt.s32.f32 v26;
	v8 =	vsub.f32 v6, v20;
	v6 =	vcvt.s32.f32 v21;
	v31 =	vld.idx.msk [tilespmem:v55+s0+$0x0], $0xffff  }
0x3d1: {  	v16 =	vsel vm14, $0x10, v1;
	v21 =	vcvt.s32.f32 v23;
	v20 =	vcvt.s32.f32 v24  }
0x3d2: {  	v6 =	vsub.f32 v6, v5;
	v19 =	vshll.u32 v19, v39;
	v23 =	vshll.u32 v25, v39  }
0x3d3: {  	v26 =	vld.idx.msk [tilespmem:v56+s0+$0x0], $0xffff;
	v24 =	vshll.u32 v29, v40;
	v63 =	vshll.u32 v30, v41;
	v61 =	vmul.f32 v19, v15  }
0x3d4: {  	v25 =	vld.idx.msk [tilespmem:v57+s0+$0x0], $0xffff;
	v19 =	vcvt.s32.f32 v27;
	v23 =	vmul.f32 v23, v17;
	v27 =	vshll.u32 v13, v40  }
0x3d5: {  	v30 =	vshll.u32 v31, v18;
	v29 =	vmul.f32 v24, v12;
	v24 =	vld.idx.msk [tilespmem:v58+s0+$0x0], $0xffff;
	v62 =	vmul.f32 v27, v14  }
0x3d6: {  	s4 =	smov.u32 s13;
	s20 =	sor.u32 s14, s24;
	s5 =	sor.u32 s3, s24;
	v27 =	vshll.u32 v7, v41;
	v7 =	vsub.f32 v21, v4;
	v13 =	vadd.f32 v23, v61;
	v23 =	vld.idx.msk [tilespmem:v59+s0+$0x0], $0xffff  }
0x3d7: {  	s3 =	sor.u32 s1, s24;
	s1 =	sadd.s32 $0x80, s15;
	s2 =	simm.s32 $0x0;
	v28 =	vmul.f32 v27, v11;
	v27 =	vld.idx.msk [tilespmem:v60+s0+$0x0], $0xffff;
	v21 =	vadd.f32 v62, v29;
	v29 =	vmul.f32 v63, v8  }
.LBB2_56:
0x3d8: {  	s6 =	sand.u32 $0xFF00, s1;
	v18 =	vshll.u32 v26, v18;
	v15 =	vmul.f32 v30, v15;
	v22 =	vsub.f32 v22, v3;
	s19 =	sadd.s32 $0x40, s19  }
0x3d9: {  	s9 =	sadd.s32 $0x17100, s6;
	s11 =	sadd.s32 $0xFFFFFFE0, s19;
	s7 =	sand.u32 $0x70, s19;
	v17 =	vmul.f32 v18, v17;
	v18 =	vshll.u32 v25, v16;
	v25 =	vadd.f32 v29, v28  }
0x3da: {  	s2 =	sadd.s32 $0x4, s2;
	v5 =	vsub.f32 v5, v20;
	s12 =	sadd.s32 $0xFFFFFFF0, s19;
	v16 =	vshll.u32 v24, v16;
	s8 =	sor.u32 s7, s9;
	v12 =	vmul.f32 v18, v12  }
0x3db: {  	s14 =	sadd.s32 $0xFFFFFFD0, s19;
	s17 =	sadd.s32 $0x16E00, s6;
	p4 =	slt.u32 s2, $0x14;
	v14 =	vmul.f32 v16, v14;
	v16 =	vshll.u32 v23, v10;
	v18 =	vld [tilespmem:s8+$0x0];
	v15 =	vadd.f32 v17, v15  }
0x3dc: {  	v4 =	vsub.f32 v4, v19;
	s6 =	sand.u32 $0x50, s11;
	s21 =	sor.u32 s7, s17;
	s8 =	sand.u32 $0x40, s14;
	v10 =	vshll.u32 v27, v10;
	v11 =	vmul.f32 v16, v11  }
0x3dd: {  	v3 =	vsub.f32 v3, v9;
	s10 =	sand.u32 $0x60, s12;
	s23 =	sor.u32 s6, s9;
	s22 =	sor.u32 s8, s9;
	v12 =	vadd.f32 v14, v12;
	v8 =	vmul.f32 v10, v8;
	v16 =	vld [tilespmem:s21+$0x0]  }
0x3de: {  	v5 =	vmul.f32 v13, v5;
	s9 =	sor.u32 s10, s9;
	v10 =	vmul.f32 v21, v4;
	s21 =	sor.u32 s8, s17;
	v9 =	vld [tilespmem:s22+$0x0];
	s22 =	scvt.s32.f32 s19  }
0x3df: {  	s14 =	scvt.s32.f32 s14;
	s24 =	sor.u32 s6, s17;
	s17 =	sor.u32 s10, s17;
	v13 =	vmul.f32 v15, v6;
	v6 =	vmul.f32 v25, v3;
	v8 =	vadd.f32 v8, v11;
	v4 =	vld [tilespmem:s23+$0x0]  }
0x3e0: {  	s11 =	scvt.s32.f32 s11;
	v12 =	vmul.f32 v12, v7;
	v3 =	vld [tilespmem:s9+$0x0];
	s9 =	scvt.s32.f32 s12;
	v11 =	vadd.f32 s22, v0;
	v14 =	vadd.f32 v18, v2  }
0x3e1: {  	v17 =	vadd.f32 s14, v0;
	v13 =	vadd.f32 v5, v13;
	v7 =	vmul.f32 v8, v22;
	v15 =	vld [tilespmem:s21+$0x0]  }
0x3e2: {  	v18 =	vadd.f32 s11, v0;
	v8 =	vld [tilespmem:s24+$0x0];
	v11 =	vadd.f32 v16, v11;
	v16 =	vtrunc.f32 v14  }
0x3e3: {  	v19 =	vadd.f32 s9, v0;
	v5 =	vadd.f32 v9, v2;
	v9 =	vld [tilespmem:s17+$0x0];
	v16 =	vcvt.f32.s32 v16;
	[tilespmem:s5+$0x0] =	vst v13  }
0x3e4: {  	v10 =	vadd.f32 v10, v12;
	v4 =	vadd.f32 v4, v2;
	v13 =	vtrunc.f32 v11  }
0x3e5: {  	v3 =	vadd.f32 v3, v2;
	v12 =	vcvt.f32.s32 v13;
	vm0 =	vgt.s32 v16, $0x0  }
0x3e6: {  	v13 =	vadd.s32 $0x1, v16;
	v20 =	vnsel vm0, $0x0, v16;
	vm0 =	vlt.s32 v16, $0xC0;
	[tilespmem:s3+$0x0] =	vst v10  }
0x3e7: {  	vm2 =	vgt.s32 v13, $0x0;
	vm1 =	vgt.s32 v12, $0x0;
	v16 =	vmin.u32 v20, $0x17F  }
0x3e8: {  	v10 =	vadd.s32 $0x1, v12;
	v20 =	vnsel vm2, $0x0, v13;
	v21 =	vmul.u32 $0x180, v16  }
0x3e9: {  	v12 =	vnsel vm1, $0x0, v12;
	v20 =	vmin.u32 v20, $0x17F;
	vm1 =	vlt.s32 v13, $0xC0  }
0x3ea: {  	vm2 =	vgt.s32 v10, $0x0;
	v13 =	vmul.u32 $0x180, v20;
	v22 =	vadd.s32 $0xFFFEE000, v21  }
0x3eb: {  	v12 =	vmin.u32 v12, $0x17F;
	v10 =	vnsel vm2, $0x0, v10;
	v21 =	vsel vm0, v21, v22  }
0x3ec: {  	v22 =	vmin.u32 v10, $0x17F;
	v10 =	vadd.s32 $0xFFFEE000, v13;
	v23 =	vadd.s32 v12, v21  }
0x3ed: {  	v24 =	vtrunc.f32 v5;
	v10 =	vsel vm1, v13, v10;
	v13 =	vadd.s32 v22, v21  }
0x3ee: {  	v25 =	vtrunc.f32 v3;
	v21 =	vtrunc.f32 v4;
	v26 =	vadd.s32 v12, v10  }
0x3ef: {  	v24 =	vcvt.f32.s32 v24;
	v21 =	vcvt.f32.s32 v21;
	v27 =	vadd.s32 v22, v10  }
0x3f0: {  	v8 =	vadd.f32 v8, v18;
	v10 =	vadd.f32 v15, v17;
	v15 =	vcvt.f32.s32 v25  }
0x3f1: {  	v9 =	vadd.f32 v9, v19;
	v17 =	vadd.s32 $0x1, v24;
	v18 =	vadd.s32 $0x1, v21;
	v19 =	vld.idx.msk [tilespmem:v23+s0+$0x0], $0xffff  }
0x3f2: {  	vm5 =	vgt.s32 v17, $0x0;
	vm6 =	vgt.s32 v18, $0x0;
	v23 =	vadd.s32 $0x1, v15;
	v13 =	vld.idx.msk [tilespmem:v13+s0+$0x0], $0xffff  }
0x3f3: {  	vm4 =	vgt.s32 v24, $0x0;
	vm2 =	vgt.s32 v21, $0x0;
	vm7 =	vgt.s32 v23, $0x0;
	v25 =	vld.idx.msk [tilespmem:v26+s0+$0x0], $0xffff  }
0x3f4: {  	v28 =	vtrunc.f32 v8;
	vm3 =	vgt.s32 v15, $0x0;
	v26 =	vtrunc.f32 v10;
	v27 =	vld.idx.msk [tilespmem:v27+s0+$0x0], $0xffff  }
0x3f5: {  	v30 =	vtrunc.f32 v9;
	v22 =	vcvt.s32.f32 v22;
	v29 =	vnsel vm5, $0x0, v17  }
0x3f6: {  	v12 =	vcvt.s32.f32 v12;
	v31 =	vnsel vm6, $0x0, v18;
	v32 =	vnsel vm7, $0x0, v23  }
0x3f7: {  	v33 =	vsel vm0, $0x10, v1;
	v34 =	vsel vm1, $0x10, v1;
	v22 =	vsub.f32 v22, v11  }
0x3f8: {  	v16 =	vcvt.s32.f32 v16;
	v11 =	vsub.f32 v11, v12;
	v19 =	vshll.u32 v19, v33  }
0x3f9: {  	v12 =	vshll.u32 v13, v33;
	v13 =	vcvt.s32.f32 v20;
	v19 =	vmul.f32 v19, v22  }
0x3fa: {  	v20 =	vshll.u32 v25, v34;
	v12 =	vmul.f32 v12, v11;
	v25 =	vshll.u32 v27, v34  }
0x3fb: {  	v27 =	vnsel vm4, $0x0, v24;
	v20 =	vmul.f32 v20, v22;
	v11 =	vmul.f32 v25, v11  }
0x3fc: {  	v22 =	vnsel vm2, $0x0, v21;
	v13 =	vsub.f32 v13, v14;
	v14 =	vsub.f32 v14, v16  }
0x3fd: {  	v16 =	vnsel vm3, $0x0, v15;
	v12 =	vadd.f32 v12, v19;
	v11 =	vadd.f32 v11, v20  }
0x3fe: {  	v19 =	vcvt.f32.s32 v26;
	v25 =	vcvt.f32.s32 v28;
	v20 =	vmin.u32 v29, $0x17F  }
0x3ff: {  	s4 =	sadd.s32 $0x80, s4;
	v26 =	vmin.u32 v31, $0x17F;
	v12 =	vmul.f32 v12, v13;
	v11 =	vmul.f32 v11, v14  }
0x400: {  	s3 =	sand.u32 $0x7F00, s4;
	v27 =	vmin.u32 v27, $0x17F;
	v28 =	vmin.u32 v32, $0x17F;
	v14 =	vcvt.f32.s32 v30  }
0x401: {  	s9 =	sadd.s32 $0x1CE00, s3;
	v29 =	vmin.u32 v22, $0x17F;
	v13 =	vmin.u32 v16, $0x17F;
	v11 =	vadd.f32 v11, v12  }
0x402: {  	s5 =	sor.u32 s8, s9;
	s3 =	sor.u32 s6, s9;
	s7 =	sor.u32 s7, s9;
	v16 =	vmul.u32 $0x180, v26;
	v22 =	vmul.u32 $0x180, v28;
	v12 =	vmul.u32 $0x180, v20  }
0x403: {  	s6 =	sor.u32 s10, s9;
	v31 =	vmul.u32 $0x180, v29;
	v32 =	vmul.u32 $0x180, v13;
	v30 =	vmul.u32 $0x180, v27;
	[tilespmem:s7+$0x0] =	vst v11  }
0x404: {  	v33 =	vadd.s32 $0x1, v25;
	v34 =	vadd.s32 $0x1, v14;
	v11 =	vadd.s32 $0x1, v19  }
0x405: {  	vm1 =	vgt.s32 v33, $0x0;
	vm2 =	vgt.s32 v34, $0x0;
	vm0 =	vgt.s32 v11, $0x0  }
0x406: {  	vm3 =	vgt.s32 v19, $0x0;
	vm4 =	vgt.s32 v25, $0x0;
	vm6 =	vgt.s32 v14, $0x0  }
0x407: {  	v36 =	vadd.s32 $0xFFFEE000, v16;
	v37 =	vadd.s32 $0xFFFEE000, v22;
	v35 =	vadd.s32 $0xFFFEE000, v12  }
0x408: {  	v39 =	vadd.s32 $0xFFFEE000, v31;
	v40 =	vadd.s32 $0xFFFEE000, v32;
	v38 =	vadd.s32 $0xFFFEE000, v30  }
0x409: {  	v33 =	vnsel vm1, $0x0, v33;
	v34 =	vnsel vm2, $0x0, v34;
	v11 =	vnsel vm0, $0x0, v11  }
0x40a: {  	vm5 =	vlt.s32 v17, $0xC0;
	v17 =	vnsel vm4, $0x0, v25;
	v19 =	vnsel vm3, $0x0, v19  }
0x40b: {  	vm4 =	vlt.s32 v18, $0xC0;
	v14 =	vnsel vm6, $0x0, v14;
	vm3 =	vlt.s32 v23, $0xC0  }
0x40c: {  	vm1 =	vlt.s32 v15, $0xC0;
	vm2 =	vlt.s32 v24, $0xC0;
	vm0 =	vlt.s32 v21, $0xC0  }
0x40d: {  	v15 =	vsel vm4, v16, v36;
	v12 =	vsel vm5, v12, v35;
	v16 =	vsel vm3, v22, v37  }
0x40e: {  	v18 =	vsel vm2, v30, v38;
	v22 =	vsel vm1, v32, v40;
	v21 =	vsel vm0, v31, v39  }
0x40f: {  	v23 =	vmin.u32 v33, $0x17F;
	v24 =	vmin.u32 v34, $0x17F;
	v11 =	vmin.u32 v11, $0x17F  }
0x410: {  	v17 =	vmin.u32 v17, $0x17F;
	v14 =	vmin.u32 v14, $0x17F;
	v19 =	vmin.u32 v19, $0x17F  }
0x411: {  	v30 =	vadd.s32 v17, v15;
	v25 =	vadd.s32 v19, v12;
	v12 =	vadd.s32 v11, v12  }
0x412: {  	v32 =	vadd.s32 v14, v16;
	v33 =	vadd.s32 v24, v16;
	v31 =	vadd.s32 v23, v15  }
0x413: {  	v34 =	vadd.s32 v19, v18;
	v35 =	vadd.s32 v11, v18;
	v36 =	vadd.s32 v17, v21  }
0x414: {  	v37 =	vadd.s32 v14, v22;
	v38 =	vadd.s32 v24, v22;
	v21 =	vadd.s32 v23, v21  }
0x415: {  	v16 =	vcvt.s32.f32 v23;
	v39 =	vsel vm5, $0x10, v1;
	v11 =	vcvt.s32.f32 v11  }
0x416: {  	v19 =	vcvt.s32.f32 v19;
	v23 =	vsel vm4, $0x10, v1;
	v18 =	vcvt.s32.f32 v24;
	v22 =	vld.idx.msk [tilespmem:v25+s0+$0x0], $0xffff  }
0x417: {  	v40 =	vcvt.s32.f32 v14;
	v15 =	vsub.f32 v11, v10;
	v25 =	vcvt.s32.f32 v17;
	v24 =	vld.idx.msk [tilespmem:v12+s0+$0x0], $0xffff  }
0x418: {  	v41 =	vsel vm3, $0x10, v1;
	v11 =	vsub.f32 v18, v9;
	v12 =	vsub.f32 v16, v8;
	v30 =	vld.idx.msk [tilespmem:v30+s0+$0x0], $0xffff  }
0x419: {  	v18 =	vsel vm2, $0x10, v1;
	v17 =	vsub.f32 v10, v19;
	v14 =	vsub.f32 v8, v25;
	v31 =	vld.idx.msk [tilespmem:v31+s0+$0x0], $0xffff  }
0x41a: {  	v10 =	vsel vm1, $0x10, v1;
	v16 =	vsel vm0, $0x10, v1;
	v8 =	vsub.f32 v9, v40;
	v32 =	vld.idx.msk [tilespmem:v32+s0+$0x0], $0xffff  }
0x41b: {  	v6 =	vadd.f32 v6, v7;
	v42 =	vcvt.s32.f32 v26;
	v40 =	vcvt.s32.f32 v20;
	v33 =	vld.idx.msk [tilespmem:v33+s0+$0x0], $0xffff  }
0x41c: {  	v20 =	vcvt.s32.f32 v27;
	v7 =	vshll.u32 v22, v39;
	v22 =	vcvt.s32.f32 v28;
	v34 =	vld.idx.msk [tilespmem:v34+s0+$0x0], $0xffff  }
0x41d: {  	v19 =	vcvt.s32.f32 v29;
	v9 =	vshll.u32 v24, v39;
	v7 =	vmul.f32 v7, v15;
	v26 =	vld.idx.msk [tilespmem:v35+s0+$0x0], $0xffff;
	[tilespmem:s20+$0x0] =	vst v6;
	s20 =	smov.u32 s6  }
.Ltmp29:
0x41e: {  	v27 =	vmul.f32 v9, v17;
	v28 =	vshll.u32 v30, v23;
	v9 =	vcvt.s32.f32 v13;
	v25 =	vld.idx.msk [tilespmem:v36+s0+$0x0], $0xffff;
	(pc) =	sbr.rel @p4 .LBB2_56-.Ltmp29, $4  }
0x41f: {  	v6 =	vsub.f32 v40, v5;
	v29 =	vmul.f32 v28, v12;
	v24 =	vld.idx.msk [tilespmem:v21+s0+$0x0], $0xffff;
	v21 =	vshll.u32 v31, v23  }
0x420: {  	v13 =	vadd.f32 v27, v7;
	v28 =	vshll.u32 v32, v41;
	v21 =	vmul.f32 v21, v14;
	v23 =	vld.idx.msk [tilespmem:v37+s0+$0x0], $0xffff  }
0x421: {  	v7 =	vsub.f32 v42, v4;
	v31 =	vshll.u32 v33, v41;
	v28 =	vmul.f32 v28, v11;
	v27 =	vld.idx.msk [tilespmem:v38+s0+$0x0], $0xffff  }
0x422: {  	s1 =	sadd.s32 $0x80, s1;
	v30 =	vshll.u32 v34, v18;
	v21 =	vadd.f32 v21, v29;
	v29 =	vmul.f32 v31, v8  }
0x423: {  	v2 =	vshll.u32 v26, v18  }
0x424: {  	v15 =	vmul.f32 v30, v15;
	v55 =	vsub.f32 v22, v3;
	v5 =	vsub.f32 v5, v20  }
0x425: {  	v56 =	vshll.u32 v25, v16;
	v4 =	vsub.f32 v4, v19;
	v3 =	vsub.f32 v3, v9  }
0x426: {  	v2 =	vmul.f32 v2, v17;
	v58 =	vshll.u32 v24, v16;
	v12 =	vmul.f32 v56, v12  }
0x427: {  	v14 =	vmul.f32 v58, v14;
	v59 =	vshll.u32 v23, v10;
	v60 =	vshll.u32 v27, v10  }
0x428: {  	v2 =	vadd.f32 v2, v15;
	v11 =	vmul.f32 v59, v11;
	v8 =	vmul.f32 v60, v8  }
0x429: {  	v57 =	vadd.f32 v29, v28;
	v61 =	vadd.f32 v14, v12  }
0x42a: {  	s18 =	sadd.s32 $0x1, s18;
	v5 =	vmul.f32 v13, v5;
	v2 =	vmul.f32 v2, v6;
	v62 =	vadd.f32 v8, v11  }
0x42b: {  	p4 =	sne.s32 s18, $0x10;
	v4 =	vmul.f32 v21, v4;
	v7 =	vmul.f32 v61, v7  }
.Ltmp30:
0x42c: {  	v3 =	vmul.f32 v57, v3;
	v2 =	vadd.f32 v5, v2;
	v63 =	vmul.f32 v62, v55;
	(pc) =	sbr.rel @p4 .LBB2_55-.Ltmp30, $4  }
0x42d: {  	v4 =	vadd.f32 v4, v7  }
0x42e: {  	[tilespmem:s5+$0x0] =	vst v2;
	v2 =	vadd.f32 v3, v63  }
0x42f: {  	[tilespmem:s3+$0x0] =	vst v4  }
0x430: {  	s13 =	sadd.s32 $0x300, s13;
	s15 =	sadd.s32 $0x600, s15;
	[tilespmem:s20+$0x0] =	vst v2  }
0x431: {  	s1 =	simm.s32 $0x1CE00  }
0x432: {  	s2 =	simm.s32 $0x10;
	s4 =	sadd.s32 $0x0, s29;
	s3 =	simm.s32 $0x1CF00  }
.LBB2_59:
0x433: {  	[hbm4b:s4+s0] =	stream.linear.scatter [tilespmem:s1], [sflag:$0x4], $0x80, $0x38;
	[tilespmem:$0x1FE00] =	vst v63  }
0x434: {  	s4 =	smov.u32 s2;
	s1 =	smov.u32 s3;
	p4 =	sne.s32 s2, $0x2F0  }
.Ltmp31:
0x435: {  	s2 =	sadd.s32 $0x10, s2;
	(pc) =	sbr.rel @p4 .LBB2_59-.Ltmp31, $2  }
0x436: {  	_ =	sdelay $0x2  }
0x437: {  	s3 =	sadd.s32 $0x100, s3;
	s4 =	sadd.s32 s4, s29  }
0x438: {  	[hbm4b:s4+s0] =	stream.linear.scatter [tilespmem:s1], [sflag:$0x4], $0x80, $0x38;
	[tilespmem:$0x1FE00] =	vst v63  }
0x439: {  	s1 =	simm.s32 $0x16E00;
	s5 =	rddreg [dreg:$0x1c]  }
0x43a: {  	s2 =	simm.s32 $0x10;
	s3 =	simm.s32 $0x16F00;
	s4 =	sadd.s32 $0x0, s5  }
.LBB2_61:
0x43b: {  	[tilespmem:s1], [sflag:$0x3] =	stream.linear.gather [hbm4b:s4+s0], $0x80, $0x38;
	[tilespmem:$0x1FE00] =	vst v63  }
0x43c: {  	s4 =	smov.u32 s2;
	s1 =	smov.u32 s3;
	p4 =	sne.s32 s2, $0x5F0  }
.Ltmp32:
0x43d: {  	s2 =	sadd.s32 $0x10, s2;
	(pc) =	sbr.rel @p4 .LBB2_61-.Ltmp32, $2  }
0x43e: {  	_ =	sdelay $0x2  }
0x43f: {  	s3 =	sadd.s32 $0x100, s3;
	s4 =	sadd.s32 s4, s5  }
0x440: {  	[tilespmem:s1], [sflag:$0x3] =	stream.linear.gather [hbm4b:s4+s0], $0x80, $0x38;
	[tilespmem:$0x1FE00] =	vst v63  }
0x441: {  	s23 =	simm.s32 $0x3  }
0x442: {  	_ =	swait.ge [sflag:s23], $0x3000  }
0x443: {  	[sflag:s23] =	ssyncset.done $0x0  }
0x444: {  	s24 =	simm.s32 $0x4;
	[sflag:s23] =	ssyncadd.s32 $0xFFFFD000  }
0x445: {  	_ =	swait.ge [sflag:s24], $0x1800  }
0x446: {  	s13 =	simm.s32 $0x0;
	[sflag:s24] =	ssyncset.done $0x0  }
0x447: {  	s15 =	simm.s32 $0x0;
	s18 =	simm.s32 $0x0;
	[sflag:s24] =	ssyncadd.s32 $0xFFFFE800  }
.LBB2_63:
0x448: {  	s19 =	simm.s32 $0x30;
	s1 =	sand.u32 $0xFF00, s13  }
0x449: {  	s5 =	rddreg [dreg:$0x16];
	s3 =	sadd.s32 $0x17180, s1;
	s2 =	sand.u32 $0x70, s19  }
0x44a: {  	s24 =	simm.s32 $0x0;
	s6 =	sadd.s32 $0x16E00, s1;
	s4 =	sor.u32 s2, s3  }
0x44b: {  	s7 =	simm.s32 $0x10;
	s9 =	sand.u32 $0x40, s24;
	s1 =	sor.u32 s2, s6;
	v3 =	vld [tilespmem:s4+$0x0]  }
0x44c: {  	s8 =	simm.s32 $0x20;
	s5 =	sor.u32 s5, s18;
	s9 =	sor.u32 s9, s3;
	v4 =	vld [tilespmem:s1+$0x80]  }
0x44d: {  	s12 =	sand.u32 $0x50, s7;
	s10 =	scvt.s32.f32 s19;
	s23 =	scvt.s32.f32 s5;
	v5 =	vld [tilespmem:s9+$0x0]  }
0x44e: {  	s14 =	sand.u32 $0x60, s8;
	s11 =	sor.u32 s12, s3  }
0x44f: {  	s7 =	scvt.s32.f32 s7;
	s3 =	sor.u32 s14, s3;
	v6 =	vld [tilespmem:s11+$0x0];
	v7 =	vadd.f32 s10, v0;
	v2 =	vmov s23  }
0x450: {  	s17 =	scvt.s32.f32 s8;
	v8 =	vadd.f32 v3, v2;
	v3 =	vld [tilespmem:s3+$0x0]  }
0x451: {  	s5 =	scvt.s32.f32 s24;
	v10 =	vadd.f32 s7, v0;
	v9 =	vadd.f32 v4, v7  }
0x452: {  	v12 =	vadd.f32 s17, v0;
	v5 =	vadd.f32 v5, v2;
	v4 =	vtrunc.f32 v8  }
0x453: {  	v7 =	vadd.f32 s5, v0;
	v13 =	vtrunc.f32 v9;
	v11 =	vcvt.f32.s32 v4  }
0x454: {  	v22 =	vtrunc.f32 v5;
	v4 =	vadd.f32 v6, v2;
	v6 =	vcvt.f32.s32 v13  }
0x455: {  	p4 =	por $0x0, $0x0;
	s3 =	simm.s32 $0x1;
	v22 =	vcvt.f32.s32 v22;
	vm0 =	vgt.s32 v11, $0x0;
	v3 =	vadd.f32 v3, v2  }
0x456: {  	s3 =	simm.s32 @!p4 $0x0;
	v13 =	vadd.s32 $0x1, v11;
	vm14 =	vlt.s32 v11, $0xC0;
	vm1 =	vgt.s32 v6, $0x0  }
0x457: {  	s3 =	sshll.u32 s3, $0x6;
	vm4 =	vgt.s32 v22, $0x0;
	v14 =	vnsel vm0, $0x0, v11;
	vm2 =	vgt.s32 v13, $0x0  }
0x458: {  	s20 =	sadd.s32 s3, s13;
	vm15 =	vlt.s32 v13, $0xC0;
	v31 =	vsel vm14, $0x10, v1;
	v11 =	vmin.u32 v14, $0x17F  }
0x459: {  	s5 =	sor.u32 $0x80, s20;
	v14 =	vadd.s32 $0x1, v6;
	v15 =	vnsel vm2, $0x0, v13;
	v6 =	vnsel vm1, $0x0, v6  }
0x45a: {  	s21 =	sor.u32 s12, s6;
	v17 =	vld [tilespmem:s5+$0x16E00];
	v23 =	vtrunc.f32 v3;
	v32 =	vsel vm15, $0x10, v1;
	v16 =	vmul.u32 $0x180, v11  }
0x45b: {  	v18 =	vld [tilespmem:s21+$0x80];
	v15 =	vmin.u32 v15, $0x17F;
	vm9 =	vgt.s32 v14, $0x0;
	v20 =	vmin.u32 v6, $0x17F  }
0x45c: {  	v11 =	vcvt.s32.f32 v11;
	v13 =	vmul.u32 $0x180, v15;
	v19 =	vadd.s32 $0xFFFEE000, v16  }
0x45d: {  	s22 =	sor.u32 s14, s6;
	v6 =	vnsel vm9, $0x0, v14;
	v15 =	vcvt.s32.f32 v15;
	v14 =	vsel vm14, v16, v19  }
0x45e: {  	v16 =	vmin.u32 v6, $0x17F;
	v6 =	vadd.s32 $0xFFFEE000, v13;
	v19 =	vld [tilespmem:s22+$0x80];
	v21 =	vadd.s32 v20, v14  }
0x45f: {  	v17 =	vadd.f32 v17, v7;
	v6 =	vsel vm15, v13, v6;
	v13 =	vadd.s32 v16, v14  }
0x460: {  	v7 =	vadd.f32 v18, v10;
	v18 =	vadd.s32 $0x1, v22;
	v24 =	vadd.s32 v20, v6  }
0x461: {  	v10 =	vcvt.f32.s32 v23;
	vm10 =	vgt.s32 v18, $0x0;
	v25 =	vadd.s32 v16, v6  }
0x462: {  	v15 =	vsub.f32 v15, v8;
	v8 =	vsub.f32 v8, v11;
	v14 =	vtrunc.f32 v4  }
0x463: {  	v26 =	vtrunc.f32 v7;
	vm7 =	vgt.s32 v10, $0x0;
	v6 =	vadd.f32 v19, v12;
	v12 =	vld.idx.msk [tilespmem:v21+s0+$0x0], $0xffff  }
0x464: {  	v27 =	vnsel vm10, $0x0, v18;
	v14 =	vcvt.f32.s32 v14;
	v16 =	vcvt.s32.f32 v16;
	v13 =	vld.idx.msk [tilespmem:v13+s0+$0x0], $0xffff  }
0x465: {  	vm10 =	vlt.s32 v18, $0xC0;
	v20 =	vcvt.s32.f32 v20;
	v11 =	vnsel vm7, $0x0, v10;
	v21 =	vld.idx.msk [tilespmem:v24+s0+$0x0], $0xffff  }
0x466: {  	v23 =	vadd.s32 $0x1, v14;
	vm5 =	vgt.s32 v14, $0x0;
	v16 =	vsub.f32 v16, v9;
	v25 =	vld.idx.msk [tilespmem:v25+s0+$0x0], $0xffff  }
0x467: {  	v9 =	vsub.f32 v9, v20;
	vm3 =	vgt.s32 v23, $0x0;
	v19 =	vadd.s32 $0x1, v10  }
0x468: {  	vm6 =	vgt.s32 v19, $0x0;
	v29 =	vnsel vm3, $0x0, v23;
	v24 =	vtrunc.f32 v17  }
0x469: {  	v28 =	vtrunc.f32 v6;
	v30 =	vnsel vm6, $0x0, v19;
	v12 =	vshll.u32 v12, v31  }
0x46a: {  	v13 =	vshll.u32 v13, v31;
	v31 =	vmin.u32 v11, $0x17F;
	v12 =	vmul.f32 v12, v16  }
0x46b: {  	v20 =	vshll.u32 v21, v32;
	v21 =	vshll.u32 v25, v32;
	v13 =	vmul.f32 v13, v9  }
0x46c: {  	v25 =	vnsel vm4, $0x0, v22;
	v16 =	vmul.f32 v20, v16;
	v9 =	vmul.f32 v21, v9  }
0x46d: {  	v20 =	vnsel vm5, $0x0, v14;
	v21 =	vmul.u32 $0x180, v31;
	v12 =	vadd.f32 v13, v12  }
0x46e: {  	v13 =	vcvt.f32.s32 v24;
	v24 =	vmin.u32 v27, $0x17F;
	v9 =	vadd.f32 v9, v16  }
0x46f: {  	v16 =	vcvt.f32.s32 v26;
	v26 =	vmin.u32 v29, $0x17F;
	v29 =	vmin.u32 v25, $0x17F  }
0x470: {  	v18 =	vadd.s32 $0xFFFEE000, v21;
	v12 =	vmul.f32 v12, v15;
	v11 =	vmul.u32 $0x180, v26  }
0x471: {  	v15 =	vmul.u32 $0x180, v29;
	v25 =	vadd.s32 $0x1, v13;
	vm11 =	vgt.s32 v13, $0x0  }
0x472: {  	v8 =	vmul.f32 v9, v8;
	v9 =	vcvt.f32.s32 v28;
	v28 =	vmin.u32 v30, $0x17F  }
0x473: {  	v30 =	vmin.u32 v20, $0x17F;
	v27 =	vadd.s32 $0x1, v16;
	vm12 =	vgt.s32 v25, $0x0  }
0x474: {  	vm14 =	vgt.s32 v16, $0x0;
	v13 =	vnsel vm11, $0x0, v13;
	vm11 =	vlt.s32 v23, $0xC0  }
0x475: {  	v20 =	vmul.u32 $0x180, v30;
	vm13 =	vgt.s32 v27, $0x0;
	v35 =	vadd.s32 $0xFFFEE000, v11  }
0x476: {  	v37 =	vadd.s32 $0xFFFEE000, v15;
	v25 =	vnsel vm12, $0x0, v25;
	v16 =	vnsel vm14, $0x0, v16  }
0x477: {  	vm12 =	vlt.s32 v19, $0xC0;
	vm14 =	vlt.s32 v14, $0xC0;
	v13 =	vmin.u32 v13, $0x17F  }
0x478: {  	v56 =	vadd.f32 v8, v12;
	v8 =	vmul.u32 $0x180, v24;
	v12 =	vmul.u32 $0x180, v28  }
0x479: {  	v33 =	vadd.s32 $0x1, v9;
	vm15 =	vgt.s32 v9, $0x0;
	v27 =	vnsel vm13, $0x0, v27  }
0x47a: {  	vm13 =	vlt.s32 v22, $0xC0;
	vm9 =	vgt.s32 v33, $0x0;
	v38 =	vadd.s32 $0xFFFEE000, v20  }
0x47b: {  	v9 =	vnsel vm15, $0x0, v9;
	vm15 =	vlt.s32 v10, $0xC0;
	v10 =	vsel vm11, v11, v35  }
0x47c: {  	v19 =	vmin.u32 v27, $0x17F;
	v34 =	vadd.s32 $0xFFFEE000, v8;
	v36 =	vadd.s32 $0xFFFEE000, v12  }
0x47d: {  	v33 =	vnsel vm9, $0x0, v33;
	v14 =	vsel vm14, v20, v38;
	v20 =	vmin.u32 v16, $0x17F  }
0x47e: {  	v9 =	vmin.u32 v9, $0x17F;
	v8 =	vsel vm10, v8, v34;
	v11 =	vsel vm12, v12, v36  }
0x47f: {  	v12 =	vsel vm13, v15, v37;
	v15 =	vsel vm15, v21, v18;
	v18 =	vmin.u32 v25, $0x17F  }
0x480: {  	v16 =	vmin.u32 v33, $0x17F;
	v22 =	vadd.s32 v20, v10;
	v10 =	vadd.s32 v19, v10  }
0x481: {  	v59 =	vadd.s32 v20, v14;
	v21 =	vadd.s32 v13, v8;
	v8 =	vadd.s32 v18, v8  }
0x482: {  	v23 =	vadd.s32 v9, v11;
	v25 =	vadd.s32 v16, v11;
	v57 =	vadd.s32 v13, v12  }
0x483: {  	v58 =	vadd.s32 v18, v12;
	v11 =	vcvt.s32.f32 v18;
	v12 =	vcvt.s32.f32 v13  }
0x484: {  	v60 =	vadd.s32 v19, v14;
	v61 =	vadd.s32 v9, v15;
	v15 =	vadd.s32 v16, v15  }
0x485: {  	v27 =	vcvt.s32.f32 v16;
	v16 =	vsub.f32 v11, v17;
	v14 =	vsub.f32 v17, v12;
	v17 =	vld.idx.msk [tilespmem:v22+s0+$0x0], $0xffff  }
0x486: {  	v18 =	vcvt.s32.f32 v19;
	v41 =	vld.idx.msk [tilespmem:v10+s0+$0x0], $0xffff  }
0x487: {  	v62 =	vsel vm10, $0x10, v1;
	v39 =	vsel vm11, $0x10, v1;
	v13 =	vld.idx.msk [tilespmem:v21+s0+$0x0], $0xffff  }
0x488: {  	v19 =	vsel vm13, $0x10, v1;
	v11 =	vsub.f32 v18, v7;
	v18 =	vsel vm14, $0x10, v1;
	v40 =	vld.idx.msk [tilespmem:v8+s0+$0x0], $0xffff  }
0x489: {  	v10 =	vsel vm15, $0x10, v1;
	v8 =	vcvt.s32.f32 v20;
	v20 =	vcvt.s32.f32 v9;
	v42 =	vld.idx.msk [tilespmem:v23+s0+$0x0], $0xffff  }
0x48a: {  	v22 =	vcvt.s32.f32 v28;
	v21 =	vsel vm12, $0x10, v1;
	v9 =	vsub.f32 v27, v6  }
0x48b: {  	v28 =	vld.idx.msk [tilespmem:v60+s0+$0x0], $0xffff;
	v12 =	vsub.f32 v7, v8;
	v8 =	vsub.f32 v6, v20;
	v6 =	vcvt.s32.f32 v24  }
0x48c: {  	s23 =	sand.u32 $0x7F00, s15;
	v27 =	vcvt.s32.f32 v26;
	v25 =	vld.idx.msk [tilespmem:v25+s0+$0x0], $0xffff;
	v20 =	vcvt.s32.f32 v29;
	v17 =	vshll.u32 v17, v39  }
0x48d: {  	s24 =	sadd.s32 $0x1CE00, s23;
	v23 =	vld.idx.msk [tilespmem:v57+s0+$0x0], $0xffff;
	v6 =	vsub.f32 v6, v5;
	v7 =	vshll.u32 v13, v62;
	v13 =	vshll.u32 v40, v62  }
0x48e: {  	s1 =	smov.u32 s13;
	s2 =	sor.u32 s2, s24;
	s3 =	sadd.s32 s3, s15;
	v26 =	vld.idx.msk [tilespmem:v59+s0+$0x0], $0xffff;
	v32 =	vshll.u32 v42, v21;
	v29 =	vmul.f32 v7, v16;
	v63 =	vmul.f32 v13, v14  }
0x48f: {  	s4 =	smov.u32 s15;
	p4 =	por !p4, !p4;
	s3 =	sor.u32 $0x80, s3;
	[tilespmem:s2+$0x80] =	vst v56;
	v24 =	vld.idx.msk [tilespmem:v58+s0+$0x0], $0xffff;
	v7 =	vcvt.s32.f32 v30;
	v13 =	vcvt.s32.f32 v31;
	v31 =	vshll.u32 v41, v39  }
0x490: {  	s20 =	sor.u32 s14, s24;
	s5 =	sor.u32 s12, s24;
	s2 =	simm.s32 $0x0;
	v30 =	vmul.f32 v17, v11;
	v31 =	vmul.f32 v31, v12;
	v17 =	vadd.f32 v63, v29;
	v29 =	vld.idx.msk [tilespmem:v61+s0+$0x0], $0xffff  }
.LBB2_64:
0x491: {  	s6 =	simm.s32 $0x1  }
0x492: {  	v27 =	vsub.f32 v27, v4;
	v15 =	vld.idx.msk [tilespmem:v15+s0+$0x0], $0xffff;
	v21 =	vshll.u32 v25, v21;
	v25 =	vmul.f32 v32, v9;
	s6 =	simm.s32 @!p4 $0x0  }
0x493: {  	v23 =	vshll.u32 v23, v19;
	s1 =	sadd.s32 $0x80, s1;
	v30 =	vadd.f32 v31, v30;
	v21 =	vmul.f32 v21, v8;
	s8 =	sshll.u32 s6, $0x6  }
0x494: {  	v22 =	vsub.f32 v22, v3;
	s19 =	sadd.s32 $0x40, s19;
	v19 =	vshll.u32 v24, v19;
	v16 =	vmul.f32 v23, v16;
	s6 =	sand.u32 $0xFF00, s1;
	s9 =	sadd.s32 s8, s1  }
0x495: {  	s11 =	sadd.s32 $0xFFFFFFD0, s19;
	s7 =	sand.u32 $0x70, s19;
	v14 =	vmul.f32 v19, v14;
	v19 =	vshll.u32 v26, v18;
	s12 =	sadd.s32 $0x17180, s6;
	v21 =	vadd.f32 v21, v25  }
0x496: {  	s2 =	sadd.s32 $0x4, s2;
	v5 =	vsub.f32 v5, v20;
	s14 =	sadd.s32 $0xFFFFFFE0, s19;
	v18 =	vshll.u32 v28, v18;
	v11 =	vmul.f32 v19, v11;
	s10 =	sor.u32 s7, s12  }
0x497: {  	s21 =	sadd.s32 $0xFFFFFFF0, s19;
	p5 =	slt.u32 s2, $0x14;
	s17 =	sadd.s32 $0x16E00, s6;
	v14 =	vadd.f32 v14, v16;
	v12 =	vmul.f32 v18, v12;
	v16 =	vshll.u32 v29, v10;
	v19 =	vld [tilespmem:s10+$0x0]  }
0x498: {  	v4 =	vsub.f32 v4, v7;
	s6 =	sand.u32 $0x50, s14;
	s22 =	sor.u32 s7, s17;
	v7 =	vshll.u32 v15, v10;
	v9 =	vmul.f32 v16, v9;
	s10 =	sand.u32 $0x40, s11  }
0x499: {  	v3 =	vsub.f32 v3, v13;
	s24 =	sor.u32 s6, s12;
	v11 =	vadd.f32 v12, v11;
	v7 =	vmul.f32 v7, v8;
	s23 =	sor.u32 s10, s12;
	s10 =	sand.u32 $0x60, s21;
	v10 =	vld [tilespmem:s22+$0x80]  }
0x49a: {  	v5 =	vmul.f32 v17, v5;
	s9 =	sor.u32 $0x80, s9;
	v12 =	vmul.f32 v30, v4;
	s12 =	sor.u32 s10, s12;
	s22 =	scvt.s32.f32 s19;
	v8 =	vld [tilespmem:s23+$0x0]  }
0x49b: {  	s11 =	scvt.s32.f32 s11;
	v13 =	vmul.f32 v14, v6;
	v6 =	vmul.f32 v21, v3;
	v7 =	vadd.f32 v7, v9;
	s23 =	sor.u32 s6, s17;
	s17 =	sor.u32 s10, s17;
	v4 =	vld [tilespmem:s24+$0x0]  }
0x49c: {  	s14 =	scvt.s32.f32 s14;
	v11 =	vmul.f32 v11, v27;
	v9 =	vadd.f32 s22, v0;
	v3 =	vld [tilespmem:s12+$0x0];
	s12 =	scvt.s32.f32 s21;
	v14 =	vadd.f32 v19, v2  }
0x49d: {  	v16 =	vadd.f32 s11, v0;
	v13 =	vadd.f32 v5, v13;
	v7 =	vmul.f32 v7, v22;
	v15 =	vld [tilespmem:s9+$0x16E00]  }
0x49e: {  	v18 =	vadd.f32 s14, v0;
	v17 =	vld [tilespmem:s23+$0x80];
	v19 =	vadd.f32 v10, v9;
	v9 =	vtrunc.f32 v14  }
0x49f: {  	v20 =	vadd.f32 s12, v0;
	v5 =	vadd.f32 v8, v2;
	v8 =	vld [tilespmem:s17+$0x80];
	v9 =	vcvt.f32.s32 v9;
	[tilespmem:s3+$0x1CE00] =	vst v13  }
0x4a0: {  	v11 =	vadd.f32 v12, v11;
	v4 =	vadd.f32 v4, v2;
	v10 =	vtrunc.f32 v19  }
0x4a1: {  	v3 =	vadd.f32 v3, v2;
	v10 =	vcvt.f32.s32 v10;
	vm0 =	vgt.s32 v9, $0x0  }
0x4a2: {  	v12 =	vadd.s32 $0x1, v9;
	v13 =	vnsel vm0, $0x0, v9;
	vm0 =	vlt.s32 v9, $0xC0;
	[tilespmem:s5+$0x80] =	vst v11  }
0x4a3: {  	vm2 =	vgt.s32 v12, $0x0;
	vm1 =	vgt.s32 v10, $0x0;
	v13 =	vmin.u32 v13, $0x17F  }
0x4a4: {  	v9 =	vadd.s32 $0x1, v10;
	v11 =	vnsel vm2, $0x0, v12;
	v21 =	vmul.u32 $0x180, v13  }
0x4a5: {  	v10 =	vnsel vm1, $0x0, v10;
	v22 =	vmin.u32 v11, $0x17F;
	vm1 =	vlt.s32 v12, $0xC0  }
0x4a6: {  	vm2 =	vgt.s32 v9, $0x0;
	v11 =	vmul.u32 $0x180, v22;
	v12 =	vadd.s32 $0xFFFEE000, v21  }
0x4a7: {  	v23 =	vmin.u32 v10, $0x17F;
	v9 =	vnsel vm2, $0x0, v9;
	v10 =	vsel vm0, v21, v12  }
0x4a8: {  	v21 =	vmin.u32 v9, $0x17F;
	v9 =	vadd.s32 $0xFFFEE000, v11;
	v24 =	vadd.s32 v23, v10  }
0x4a9: {  	v12 =	vtrunc.f32 v5;
	v9 =	vsel vm1, v11, v9;
	v25 =	vadd.s32 v21, v10  }
0x4aa: {  	v26 =	vtrunc.f32 v3;
	v10 =	vtrunc.f32 v4;
	v27 =	vadd.s32 v23, v9  }
0x4ab: {  	v11 =	vcvt.f32.s32 v12;
	v12 =	vcvt.f32.s32 v10;
	v28 =	vadd.s32 v21, v9  }
0x4ac: {  	v10 =	vadd.f32 v15, v16;
	v9 =	vadd.f32 v17, v18;
	v15 =	vcvt.f32.s32 v26  }
0x4ad: {  	v8 =	vadd.f32 v8, v20;
	v16 =	vadd.s32 $0x1, v11;
	v18 =	vadd.s32 $0x1, v12;
	v17 =	vld.idx.msk [tilespmem:v24+s0+$0x0], $0xffff  }
0x4ae: {  	vm5 =	vgt.s32 v16, $0x0;
	v20 =	vadd.s32 $0x1, v15;
	vm6 =	vgt.s32 v18, $0x0;
	v24 =	vld.idx.msk [tilespmem:v25+s0+$0x0], $0xffff  }
0x4af: {  	vm4 =	vgt.s32 v11, $0x0;
	vm2 =	vgt.s32 v12, $0x0;
	vm7 =	vgt.s32 v20, $0x0;
	v25 =	vld.idx.msk [tilespmem:v27+s0+$0x0], $0xffff  }
0x4b0: {  	v26 =	vtrunc.f32 v10;
	vm3 =	vgt.s32 v15, $0x0;
	v27 =	vtrunc.f32 v9;
	v28 =	vld.idx.msk [tilespmem:v28+s0+$0x0], $0xffff  }
0x4b1: {  	v30 =	vtrunc.f32 v8;
	v21 =	vcvt.s32.f32 v21;
	v29 =	vnsel vm5, $0x0, v16  }
0x4b2: {  	v23 =	vcvt.s32.f32 v23;
	v31 =	vnsel vm6, $0x0, v18;
	v32 =	vnsel vm7, $0x0, v20  }
0x4b3: {  	v33 =	vsel vm0, $0x10, v1;
	v34 =	vsel vm1, $0x10, v1;
	v21 =	vsub.f32 v21, v19  }
0x4b4: {  	v13 =	vcvt.s32.f32 v13;
	v19 =	vsub.f32 v19, v23;
	v17 =	vshll.u32 v17, v33  }
0x4b5: {  	v22 =	vcvt.s32.f32 v22;
	v23 =	vshll.u32 v24, v33;
	v17 =	vmul.f32 v17, v21  }
0x4b6: {  	v24 =	vshll.u32 v25, v34;
	v23 =	vmul.f32 v23, v19;
	v25 =	vshll.u32 v28, v34  }
0x4b7: {  	v28 =	vnsel vm4, $0x0, v11;
	v21 =	vmul.f32 v24, v21;
	v19 =	vmul.f32 v25, v19  }
0x4b8: {  	v13 =	vsub.f32 v14, v13;
	v22 =	vsub.f32 v22, v14;
	v24 =	vnsel vm2, $0x0, v12  }
0x4b9: {  	v14 =	vnsel vm3, $0x0, v15;
	v23 =	vadd.f32 v23, v17;
	v19 =	vadd.f32 v19, v21  }
0x4ba: {  	v17 =	vmin.u32 v29, $0x17F;
	v25 =	vcvt.f32.s32 v27;
	v21 =	vcvt.f32.s32 v26  }
0x4bb: {  	s4 =	sadd.s32 $0x80, s4;
	v26 =	vmin.u32 v31, $0x17F;
	v22 =	vmul.f32 v23, v22;
	v19 =	vmul.f32 v19, v13  }
0x4bc: {  	s3 =	sadd.s32 s8, s4;
	s5 =	sand.u32 $0x7F00, s4;
	v28 =	vmin.u32 v28, $0x17F;
	v29 =	vmin.u32 v32, $0x17F;
	v23 =	vcvt.f32.s32 v30  }
0x4bd: {  	s3 =	sor.u32 $0x80, s3;
	s8 =	sadd.s32 $0x1CE00, s5;
	v30 =	vmin.u32 v24, $0x17F;
	v13 =	vmin.u32 v14, $0x17F;
	v14 =	vadd.f32 v19, v22  }
0x4be: {  	s5 =	sor.u32 s6, s8;
	s6 =	sor.u32 s10, s8;
	s7 =	sor.u32 s7, s8;
	v24 =	vmul.u32 $0x180, v29;
	v19 =	vmul.u32 $0x180, v17;
	v22 =	vmul.u32 $0x180, v26  }
0x4bf: {  	v27 =	vmul.u32 $0x180, v28;
	v31 =	vmul.u32 $0x180, v30;
	v32 =	vmul.u32 $0x180, v13;
	[tilespmem:s7+$0x80] =	vst v14  }
0x4c0: {  	v33 =	vadd.s32 $0x1, v25;
	v34 =	vadd.s32 $0x1, v23;
	v14 =	vadd.s32 $0x1, v21  }
0x4c1: {  	vm2 =	vgt.s32 v33, $0x0;
	vm0 =	vgt.s32 v21, $0x0;
	vm1 =	vgt.s32 v14, $0x0  }
0x4c2: {  	vm3 =	vgt.s32 v25, $0x0;
	vm6 =	vgt.s32 v23, $0x0;
	vm4 =	vgt.s32 v34, $0x0  }
0x4c3: {  	v37 =	vadd.s32 $0xFFFEE000, v24;
	v35 =	vadd.s32 $0xFFFEE000, v19;
	v36 =	vadd.s32 $0xFFFEE000, v22  }
0x4c4: {  	v38 =	vadd.s32 $0xFFFEE000, v27;
	v39 =	vadd.s32 $0xFFFEE000, v31;
	v40 =	vadd.s32 $0xFFFEE000, v32  }
0x4c5: {  	v33 =	vnsel vm2, $0x0, v33;
	v21 =	vnsel vm0, $0x0, v21;
	v14 =	vnsel vm1, $0x0, v14  }
0x4c6: {  	vm5 =	vlt.s32 v16, $0xC0;
	v16 =	vnsel vm3, $0x0, v25;
	v25 =	vnsel vm4, $0x0, v34  }
0x4c7: {  	vm3 =	vlt.s32 v20, $0xC0;
	vm4 =	vlt.s32 v18, $0xC0;
	v18 =	vnsel vm6, $0x0, v23  }
0x4c8: {  	vm2 =	vlt.s32 v11, $0xC0;
	vm0 =	vlt.s32 v12, $0xC0;
	vm1 =	vlt.s32 v15, $0xC0  }
0x4c9: {  	v11 =	vsel vm5, v19, v35;
	v12 =	vsel vm4, v22, v36;
	v15 =	vsel vm3, v24, v37  }
0x4ca: {  	v19 =	vsel vm2, v27, v38;
	v20 =	vsel vm0, v31, v39;
	v22 =	vsel vm1, v32, v40  }
0x4cb: {  	v23 =	vmin.u32 v33, $0x17F;
	v21 =	vmin.u32 v21, $0x17F;
	v14 =	vmin.u32 v14, $0x17F  }
0x4cc: {  	v18 =	vmin.u32 v18, $0x17F;
	v24 =	vmin.u32 v16, $0x17F;
	v16 =	vmin.u32 v25, $0x17F  }
0x4cd: {  	v25 =	vadd.s32 v21, v11;
	v27 =	vadd.s32 v24, v12;
	v11 =	vadd.s32 v14, v11  }
0x4ce: {  	v12 =	vadd.s32 v23, v12;
	v31 =	vadd.s32 v18, v15;
	v32 =	vadd.s32 v16, v15  }
0x4cf: {  	v33 =	vadd.s32 v21, v19;
	v35 =	vadd.s32 v24, v20;
	v34 =	vadd.s32 v14, v19  }
0x4d0: {  	v36 =	vadd.s32 v23, v20;
	v37 =	vadd.s32 v18, v22;
	v15 =	vadd.s32 v16, v22  }
0x4d1: {  	v38 =	vsel vm5, $0x10, v1;
	v19 =	vcvt.s32.f32 v21;
	v14 =	vcvt.s32.f32 v14  }
0x4d2: {  	v39 =	vsel vm4, $0x10, v1;
	v21 =	vcvt.s32.f32 v23;
	v22 =	vcvt.s32.f32 v16;
	v20 =	vld.idx.msk [tilespmem:v25+s0+$0x0], $0xffff  }
0x4d3: {  	v23 =	vcvt.s32.f32 v24;
	v24 =	vcvt.s32.f32 v18;
	v16 =	vsub.f32 v14, v10;
	v40 =	vld.idx.msk [tilespmem:v11+s0+$0x0], $0xffff  }
0x4d4: {  	v14 =	vsub.f32 v10, v19;
	v11 =	vsub.f32 v21, v9;
	v21 =	vsel vm3, $0x10, v1;
	v41 =	vld.idx.msk [tilespmem:v27+s0+$0x0], $0xffff  }
0x4d5: {  	v19 =	vsel vm2, $0x10, v1;
	v42 =	vld.idx.msk [tilespmem:v12+s0+$0x0], $0xffff;
	v12 =	vsub.f32 v9, v23;
	v9 =	vsub.f32 v22, v8  }
0x4d6: {  	v18 =	vsel vm0, $0x10, v1;
	v10 =	vsel vm1, $0x10, v1;
	v8 =	vsub.f32 v8, v24;
	v43 =	vld.idx.msk [tilespmem:v31+s0+$0x0], $0xffff  }
0x4d7: {  	v6 =	vadd.f32 v6, v7;
	v17 =	vcvt.s32.f32 v17;
	v27 =	vcvt.s32.f32 v26;
	v25 =	vld.idx.msk [tilespmem:v32+s0+$0x0], $0xffff  }
.Ltmp33:
0x4d8: {  	v22 =	vcvt.s32.f32 v29;
	v7 =	vshll.u32 v20, v38;
	v20 =	vcvt.s32.f32 v28;
	v23 =	vld.idx.msk [tilespmem:v33+s0+$0x0], $0xffff;
	(pc) =	sbr.rel @p5 .LBB2_64-.Ltmp33, $4  }
0x4d9: {  	v26 =	vshll.u32 v40, v38;
	v29 =	vmul.f32 v7, v16;
	v7 =	vcvt.s32.f32 v30;
	v24 =	vld.idx.msk [tilespmem:v34+s0+$0x0], $0xffff;
	[tilespmem:s20+$0x80] =	vst v6;
	s20 =	smov.u32 s6  }
0x4da: {  	v13 =	vcvt.s32.f32 v13;
	v31 =	vmul.f32 v26, v14;
	v30 =	vshll.u32 v41, v39;
	v26 =	vld.idx.msk [tilespmem:v35+s0+$0x0], $0xffff  }
0x4db: {  	v6 =	vsub.f32 v17, v5;
	v32 =	vshll.u32 v42, v39;
	v30 =	vmul.f32 v30, v11;
	v28 =	vld.idx.msk [tilespmem:v36+s0+$0x0], $0xffff  }
0x4dc: {  	p4 =	por !p4, !p4;
	v17 =	vadd.f32 v31, v29;
	v31 =	vmul.f32 v32, v12;
	v32 =	vshll.u32 v43, v21;
	v29 =	vld.idx.msk [tilespmem:v37+s0+$0x0], $0xffff  }
0x4dd: {  	_ =	sdelay $0x3  }
0x4de: {  	v2 =	vsub.f32 v27, v4;
	v15 =	vld.idx.msk [tilespmem:v15+s0+$0x0], $0xffff;
	v21 =	vshll.u32 v25, v21;
	v52 =	vmul.f32 v32, v9  }
0x4df: {  	v23 =	vshll.u32 v23, v19;
	v22 =	vsub.f32 v22, v3;
	v5 =	vsub.f32 v5, v20  }
0x4e0: {  	v59 =	vsub.f32 v4, v7;
	v3 =	vsub.f32 v3, v13;
	v21 =	vmul.f32 v21, v8  }
0x4e1: {  	v54 =	vshll.u32 v24, v19;
	v16 =	vmul.f32 v23, v16;
	v55 =	vshll.u32 v26, v18  }
0x4e2: {  	v14 =	vmul.f32 v54, v14;
	v56 =	vshll.u32 v28, v18;
	v11 =	vmul.f32 v55, v11  }
0x4e3: {  	v12 =	vmul.f32 v56, v12;
	v57 =	vshll.u32 v29, v10;
	v58 =	vshll.u32 v15, v10  }
0x4e4: {  	v14 =	vadd.f32 v14, v16;
	v60 =	vmul.f32 v57, v9;
	v61 =	vmul.f32 v58, v8  }
0x4e5: {  	v53 =	vadd.f32 v31, v30;
	v5 =	vmul.f32 v17, v5;
	v62 =	vadd.f32 v12, v11  }
0x4e6: {  	s18 =	sadd.s32 $0x1, s18;
	v21 =	vadd.f32 v21, v52;
	v6 =	vmul.f32 v14, v6;
	v7 =	vadd.f32 v61, v60  }
0x4e7: {  	p4 =	sne.s32 s18, $0x10;
	v4 =	vmul.f32 v53, v59;
	v2 =	vmul.f32 v62, v2  }
.Ltmp34:
0x4e8: {  	v3 =	vmul.f32 v21, v3;
	v5 =	vadd.f32 v5, v6;
	v63 =	vmul.f32 v7, v22;
	(pc) =	sbr.rel @p4 .LBB2_63-.Ltmp34, $4  }
0x4e9: {  	v2 =	vadd.f32 v4, v2  }
0x4ea: {  	[tilespmem:s3+$0x1CE00] =	vst v5;
	v3 =	vadd.f32 v3, v63  }
0x4eb: {  	[tilespmem:s5+$0x80] =	vst v2  }
0x4ec: {  	s15 =	sadd.s32 $0x300, s15;
	s13 =	sadd.s32 $0x600, s13;
	[tilespmem:s20+$0x80] =	vst v3  }
0x4ed: {  	s1 =	simm.s32 $0x1CE80  }
0x4ee: {  	s2 =	simm.s32 $0x10;
	s4 =	sadd.s32 $0x0, s30;
	s3 =	simm.s32 $0x1CF80  }
.LBB2_67:
0x4ef: {  	[hbm4b:s4+s0] =	stream.linear.scatter [tilespmem:s1], [sflag:$0x4], $0x80, $0x38;
	[tilespmem:$0x1FE00] =	vst v63  }
0x4f0: {  	s4 =	smov.u32 s2;
	s1 =	smov.u32 s3;
	p4 =	sne.s32 s2, $0x2F0  }
.Ltmp35:
0x4f1: {  	s2 =	sadd.s32 $0x10, s2;
	(pc) =	sbr.rel @p4 .LBB2_67-.Ltmp35, $2  }
0x4f2: {  	_ =	sdelay $0x2  }
0x4f3: {  	s3 =	sadd.s32 $0x100, s3;
	s4 =	sadd.s32 s4, s30  }
0x4f4: {  	[hbm4b:s4+s0] =	stream.linear.scatter [tilespmem:s1], [sflag:$0x4], $0x80, $0x38;
	[tilespmem:$0x1FE00] =	vst v63  }
0x4f5: {  	s1 =	simm.s32 $0x16E80  }
0x4f6: {  	s2 =	simm.s32 $0x10;
	s4 =	sadd.s32 $0x0, s25;
	s3 =	simm.s32 $0x16F80  }
.LBB2_69:
0x4f7: {  	[tilespmem:s1], [sflag:$0x3] =	stream.linear.gather [hbm4b:s4+s0], $0x80, $0x38;
	[tilespmem:$0x1FE00] =	vst v63  }
0x4f8: {  	s4 =	smov.u32 s2;
	s1 =	smov.u32 s3;
	p4 =	sne.s32 s2, $0x5F0  }
.Ltmp36:
0x4f9: {  	s2 =	sadd.s32 $0x10, s2;
	(pc) =	sbr.rel @p4 .LBB2_69-.Ltmp36, $2  }
0x4fa: {  	_ =	sdelay $0x2  }
0x4fb: {  	s3 =	sadd.s32 $0x100, s3;
	s4 =	sadd.s32 s4, s25  }
0x4fc: {  	[tilespmem:s1], [sflag:$0x3] =	stream.linear.gather [hbm4b:s4+s0], $0x80, $0x38;
	[tilespmem:$0x1FE00] =	vst v63  }
0x4fd: {  	s23 =	simm.s32 $0x3  }
0x4fe: {  	_ =	swait.ge [sflag:s23], $0x3000  }
0x4ff: {  	[sflag:s23] =	ssyncset.done $0x0  }
0x500: {  	s24 =	simm.s32 $0x4;
	[sflag:s23] =	ssyncadd.s32 $0xFFFFD000  }
0x501: {  	_ =	swait.ge [sflag:s24], $0x1800  }
0x502: {  	s13 =	simm.s32 $0x0;
	[sflag:s24] =	ssyncset.done $0x0  }
0x503: {  	s15 =	simm.s32 $0x0;
	s18 =	simm.s32 $0x0;
	[sflag:s24] =	ssyncadd.s32 $0xFFFFE800  }
.LBB2_71:
0x504: {  	s19 =	simm.s32 $0x30;
	s1 =	sand.u32 $0xFF00, s15  }
0x505: {  	s4 =	rddreg [dreg:$0x17];
	s5 =	sadd.s32 $0x17100, s1;
	s2 =	sand.u32 $0x70, s19  }
0x506: {  	s7 =	simm.s32 $0x0;
	s6 =	sadd.s32 $0x16E00, s1;
	s3 =	sor.u32 s2, s5  }
0x507: {  	s8 =	simm.s32 $0x10;
	s1 =	sor.u32 s2, s6;
	v3 =	vld [tilespmem:s3+$0x0];
	s3 =	sand.u32 $0x40, s7  }
0x508: {  	s9 =	simm.s32 $0x20;
	s4 =	sor.u32 s4, s18;
	v4 =	vld [tilespmem:s1+$0x0];
	s10 =	sor.u32 s3, s5  }
0x509: {  	s11 =	scvt.s32.f32 s19;
	s4 =	scvt.s32.f32 s4;
	s1 =	sand.u32 $0x50, s8;
	v5 =	vld [tilespmem:s10+$0x0]  }
0x50a: {  	s14 =	sand.u32 $0x60, s9;
	s12 =	sor.u32 s1, s5  }
0x50b: {  	s17 =	scvt.s32.f32 s9;
	v7 =	vadd.f32 s11, v0;
	v2 =	vmov s4;
	s5 =	sor.u32 s14, s5;
	v6 =	vld [tilespmem:s12+$0x0]  }
0x50c: {  	s8 =	scvt.s32.f32 s8;
	v9 =	vadd.f32 v3, v2;
	v3 =	vld [tilespmem:s5+$0x0]  }
0x50d: {  	s7 =	scvt.s32.f32 s7;
	v12 =	vadd.f32 s17, v0;
	v10 =	vadd.f32 v4, v7  }
0x50e: {  	v11 =	vadd.f32 s8, v0;
	v4 =	vtrunc.f32 v9;
	v5 =	vadd.f32 v5, v2  }
0x50f: {  	v7 =	vadd.f32 s7, v0;
	v13 =	vtrunc.f32 v10;
	v8 =	vcvt.f32.s32 v4  }
0x510: {  	v4 =	vadd.f32 v6, v2;
	v6 =	vcvt.f32.s32 v13;
	v22 =	vtrunc.f32 v5  }
0x511: {  	vm0 =	vgt.s32 v8, $0x0;
	v3 =	vadd.f32 v3, v2;
	v13 =	vadd.s32 $0x1, v8  }
0x512: {  	vm14 =	vlt.s32 v8, $0xC0;
	vm1 =	vgt.s32 v6, $0x0;
	v22 =	vcvt.f32.s32 v22  }
0x513: {  	v14 =	vnsel vm0, $0x0, v8;
	vm2 =	vgt.s32 v13, $0x0;
	v8 =	vadd.s32 $0x1, v6  }
0x514: {  	v6 =	vnsel vm1, $0x0, v6;
	vm15 =	vlt.s32 v13, $0xC0;
	v31 =	vsel vm14, $0x10, v1  }
0x515: {  	v14 =	vmin.u32 v14, $0x17F;
	v15 =	vnsel vm2, $0x0, v13;
	vm9 =	vgt.s32 v8, $0x0  }
0x516: {  	v20 =	vmin.u32 v6, $0x17F;
	v23 =	vtrunc.f32 v3;
	v16 =	vmul.u32 $0x180, v14  }
0x517: {  	s20 =	sor.u32 s3, s6;
	vm4 =	vgt.s32 v22, $0x0;
	v32 =	vsel vm15, $0x10, v1;
	v15 =	vmin.u32 v15, $0x17F  }
0x518: {  	s21 =	sor.u32 s1, s6;
	v17 =	vld [tilespmem:s20+$0x0];
	v6 =	vnsel vm9, $0x0, v8;
	v13 =	vmul.u32 $0x180, v15;
	v19 =	vadd.s32 $0xFFFEE000, v16  }
0x519: {  	s22 =	sor.u32 s14, s6;
	v18 =	vld [tilespmem:s21+$0x0];
	v14 =	vcvt.s32.f32 v14;
	v15 =	vcvt.s32.f32 v15;
	v8 =	vsel vm14, v16, v19  }
0x51a: {  	v16 =	vmin.u32 v6, $0x17F;
	v6 =	vadd.s32 $0xFFFEE000, v13;
	v19 =	vld [tilespmem:s22+$0x0];
	v21 =	vadd.s32 v20, v8  }
0x51b: {  	v15 =	vsub.f32 v15, v9;
	v6 =	vsel vm15, v13, v6;
	v13 =	vadd.s32 v16, v8  }
0x51c: {  	v9 =	vsub.f32 v9, v14;
	v8 =	vtrunc.f32 v4;
	v24 =	vadd.s32 v20, v6  }
0x51d: {  	v25 =	vcvt.f32.s32 v8;
	v26 =	vadd.s32 v16, v6;
	v8 =	vadd.f32 v17, v7  }
0x51e: {  	v7 =	vadd.f32 v18, v11;
	v11 =	vcvt.f32.s32 v23;
	v17 =	vadd.s32 $0x1, v22  }
0x51f: {  	v16 =	vcvt.s32.f32 v16;
	v20 =	vcvt.s32.f32 v20;
	v6 =	vadd.f32 v19, v12;
	v12 =	vld.idx.msk [tilespmem:v21+s0+$0x0], $0xffff  }
0x520: {  	vm10 =	vgt.s32 v17, $0x0;
	v18 =	vadd.s32 $0x1, v25;
	vm5 =	vgt.s32 v25, $0x0;
	v13 =	vld.idx.msk [tilespmem:v13+s0+$0x0], $0xffff  }
0x521: {  	v23 =	vtrunc.f32 v8;
	vm7 =	vgt.s32 v11, $0x0;
	v27 =	vnsel vm10, $0x0, v17;
	v21 =	vld.idx.msk [tilespmem:v24+s0+$0x0], $0xffff  }
0x522: {  	v16 =	vsub.f32 v16, v10;
	v10 =	vsub.f32 v10, v20;
	vm10 =	vlt.s32 v17, $0xC0;
	v26 =	vld.idx.msk [tilespmem:v26+s0+$0x0], $0xffff  }
0x523: {  	vm3 =	vgt.s32 v18, $0x0;
	v19 =	vadd.s32 $0x1, v11;
	v14 =	vnsel vm7, $0x0, v11  }
0x524: {  	v39 =	vsel vm10, $0x10, v1;
	vm6 =	vgt.s32 v19, $0x0;
	v29 =	vnsel vm3, $0x0, v18  }
0x525: {  	v24 =	vtrunc.f32 v7;
	v28 =	vtrunc.f32 v6;
	v12 =	vshll.u32 v12, v31  }
0x526: {  	v30 =	vnsel vm6, $0x0, v19;
	v13 =	vshll.u32 v13, v31;
	v12 =	vmul.f32 v12, v16  }
0x527: {  	v20 =	vshll.u32 v21, v32;
	v21 =	vshll.u32 v26, v32;
	v13 =	vmul.f32 v13, v10  }
0x528: {  	v26 =	vnsel vm4, $0x0, v22;
	v16 =	vmul.f32 v20, v16;
	v10 =	vmul.f32 v21, v10  }
0x529: {  	v20 =	vnsel vm5, $0x0, v25;
	v21 =	vmin.u32 v27, $0x17F;
	v12 =	vadd.f32 v13, v12  }
0x52a: {  	v13 =	vcvt.f32.s32 v23;
	v23 =	vmin.u32 v29, $0x17F;
	v27 =	vmin.u32 v20, $0x17F  }
0x52b: {  	v10 =	vadd.f32 v10, v16;
	v16 =	vcvt.f32.s32 v24;
	v24 =	vmin.u32 v26, $0x17F  }
0x52c: {  	v26 =	vmin.u32 v30, $0x17F;
	v29 =	vmul.u32 $0x180, v27;
	v12 =	vmul.f32 v12, v15  }
0x52d: {  	v15 =	vmul.u32 $0x180, v26;
	v20 =	vmul.u32 $0x180, v24;
	v31 =	vadd.s32 $0x1, v13  }
0x52e: {  	vm14 =	vgt.s32 v13, $0x0;
	v9 =	vmul.f32 v10, v9;
	v10 =	vcvt.f32.s32 v28  }
0x52f: {  	v28 =	vmin.u32 v14, $0x17F;
	v14 =	vmul.u32 $0x180, v23;
	v53 =	vadd.s32 $0x1, v16  }
0x530: {  	vm11 =	vgt.s32 v31, $0x0;
	vm15 =	vgt.s32 v16, $0x0;
	v38 =	vadd.s32 $0xFFFEE000, v29  }
0x531: {  	v13 =	vnsel vm14, $0x0, v13;
	vm14 =	vlt.s32 v25, $0xC0;
	v30 =	vmul.u32 $0x180, v28  }
0x532: {  	vm12 =	vgt.s32 v53, $0x0;
	v36 =	vadd.s32 $0xFFFEE000, v15;
	v37 =	vadd.s32 $0xFFFEE000, v20  }
0x533: {  	v31 =	vnsel vm11, $0x0, v31;
	v16 =	vnsel vm15, $0x0, v16;
	vm11 =	vlt.s32 v18, $0xC0  }
0x534: {  	vm15 =	vlt.s32 v11, $0xC0;
	v18 =	vsel vm14, v29, v38;
	v13 =	vmin.u32 v13, $0x17F  }
0x535: {  	v9 =	vadd.f32 v9, v12;
	v12 =	vmul.u32 $0x180, v21;
	v33 =	vadd.s32 $0x1, v10  }
0x536: {  	vm9 =	vgt.s32 v10, $0x0;
	v35 =	vadd.s32 $0xFFFEE000, v14;
	v32 =	vnsel vm12, $0x0, v53  }
0x537: {  	vm12 =	vlt.s32 v19, $0xC0;
	v19 =	vmin.u32 v31, $0x17F;
	v16 =	vmin.u32 v16, $0x17F  }
0x538: {  	v40 =	vsel vm11, $0x10, v1;
	vm13 =	vgt.s32 v33, $0x0;
	v17 =	vadd.s32 $0xFFFEE000, v30  }
0x539: {  	v10 =	vnsel vm9, $0x0, v10;
	v57 =	vadd.s32 v16, v18;
	v34 =	vadd.s32 $0xFFFEE000, v12  }
0x53a: {  	v41 =	vsel vm12, $0x10, v1;
	v33 =	vnsel vm13, $0x0, v33;
	v11 =	vsel vm10, v12, v34  }
0x53b: {  	vm13 =	vlt.s32 v22, $0xC0;
	v17 =	vsel vm15, v30, v17;
	v25 =	vadd.s32 v13, v11  }
0x53c: {  	v12 =	vsel vm11, v14, v35;
	v14 =	vsel vm12, v15, v36;
	v11 =	vadd.s32 v19, v11  }
0x53d: {  	v15 =	vsel vm13, v20, v37;
	v20 =	vmin.u32 v32, $0x17F;
	v29 =	vadd.s32 v16, v12  }
0x53e: {  	v10 =	vmin.u32 v10, $0x17F;
	v22 =	vmin.u32 v33, $0x17F;
	v30 =	vadd.s32 v20, v12  }
0x53f: {  	s23 =	sand.u32 $0x7F00, s13;
	v59 =	vadd.s32 v10, v17;
	v31 =	vadd.s32 v10, v14;
	v54 =	vadd.s32 v22, v14  }
0x540: {  	s24 =	sadd.s32 $0x1CE00, s23;
	v55 =	vadd.s32 v13, v15;
	v56 =	vadd.s32 v19, v15;
	v12 =	vcvt.s32.f32 v19;
	v19 =	vld.idx.msk [tilespmem:v25+s0+$0x0], $0xffff  }
0x541: {  	s2 =	sor.u32 s2, s24;
	v60 =	vadd.s32 v22, v17;
	v13 =	vcvt.s32.f32 v13;
	v17 =	vcvt.s32.f32 v22;
	v25 =	vld.idx.msk [tilespmem:v11+s0+$0x0], $0xffff  }
0x542: {  	[tilespmem:s2+$0x0] =	vst v9;
	v9 =	vcvt.s32.f32 v28;
	v58 =	vadd.s32 v20, v18;
	v14 =	vcvt.s32.f32 v20;
	v29 =	vld.idx.msk [tilespmem:v29+s0+$0x0], $0xffff  }
0x543: {  	v16 =	vcvt.s32.f32 v16;
	v11 =	vsub.f32 v17, v6;
	v17 =	vsub.f32 v8, v13;
	v13 =	vld.idx.msk [tilespmem:v30+s0+$0x0], $0xffff  }
0x544: {  	v20 =	vcvt.s32.f32 v10;
	v18 =	vsel vm13, $0x10, v1;
	v15 =	vsub.f32 v12, v8;
	v30 =	vld.idx.msk [tilespmem:v54+s0+$0x0], $0xffff  }
0x545: {  	v10 =	vsel vm15, $0x10, v1;
	v12 =	vsub.f32 v14, v7;
	v14 =	vsub.f32 v7, v16;
	v7 =	vld.idx.msk [tilespmem:v31+s0+$0x0], $0xffff  }
0x546: {  	v22 =	vcvt.s32.f32 v26;
	v8 =	vsub.f32 v6, v20;
	v6 =	vcvt.s32.f32 v21;
	v31 =	vld.idx.msk [tilespmem:v55+s0+$0x0], $0xffff  }
0x547: {  	v16 =	vsel vm14, $0x10, v1;
	v21 =	vcvt.s32.f32 v23;
	v20 =	vcvt.s32.f32 v24  }
0x548: {  	v6 =	vsub.f32 v6, v5;
	v19 =	vshll.u32 v19, v39;
	v23 =	vshll.u32 v25, v39  }
0x549: {  	v26 =	vld.idx.msk [tilespmem:v56+s0+$0x0], $0xffff;
	v24 =	vshll.u32 v29, v40;
	v63 =	vshll.u32 v30, v41;
	v61 =	vmul.f32 v19, v15  }
0x54a: {  	v25 =	vld.idx.msk [tilespmem:v57+s0+$0x0], $0xffff;
	v19 =	vcvt.s32.f32 v27;
	v23 =	vmul.f32 v23, v17;
	v27 =	vshll.u32 v13, v40  }
0x54b: {  	v30 =	vshll.u32 v31, v18;
	v29 =	vmul.f32 v24, v12;
	v24 =	vld.idx.msk [tilespmem:v58+s0+$0x0], $0xffff;
	v62 =	vmul.f32 v27, v14  }
0x54c: {  	s4 =	smov.u32 s13;
	s20 =	sor.u32 s14, s24;
	s5 =	sor.u32 s3, s24;
	v27 =	vshll.u32 v7, v41;
	v7 =	vsub.f32 v21, v4;
	v13 =	vadd.f32 v23, v61;
	v23 =	vld.idx.msk [tilespmem:v59+s0+$0x0], $0xffff  }
0x54d: {  	s3 =	sor.u32 s1, s24;
	s1 =	sadd.s32 $0x80, s15;
	s2 =	simm.s32 $0x0;
	v28 =	vmul.f32 v27, v11;
	v27 =	vld.idx.msk [tilespmem:v60+s0+$0x0], $0xffff;
	v21 =	vadd.f32 v62, v29;
	v29 =	vmul.f32 v63, v8  }
.LBB2_72:
0x54e: {  	s6 =	sand.u32 $0xFF00, s1;
	v18 =	vshll.u32 v26, v18;
	v15 =	vmul.f32 v30, v15;
	v22 =	vsub.f32 v22, v3;
	s19 =	sadd.s32 $0x40, s19  }
0x54f: {  	s9 =	sadd.s32 $0x17100, s6;
	s11 =	sadd.s32 $0xFFFFFFE0, s19;
	s7 =	sand.u32 $0x70, s19;
	v17 =	vmul.f32 v18, v17;
	v18 =	vshll.u32 v25, v16;
	v25 =	vadd.f32 v29, v28  }
0x550: {  	s2 =	sadd.s32 $0x4, s2;
	v5 =	vsub.f32 v5, v20;
	s12 =	sadd.s32 $0xFFFFFFF0, s19;
	v16 =	vshll.u32 v24, v16;
	s8 =	sor.u32 s7, s9;
	v12 =	vmul.f32 v18, v12  }
0x551: {  	s14 =	sadd.s32 $0xFFFFFFD0, s19;
	s17 =	sadd.s32 $0x16E00, s6;
	p4 =	slt.u32 s2, $0x14;
	v14 =	vmul.f32 v16, v14;
	v16 =	vshll.u32 v23, v10;
	v18 =	vld [tilespmem:s8+$0x0];
	v15 =	vadd.f32 v17, v15  }
0x552: {  	v4 =	vsub.f32 v4, v19;
	s6 =	sand.u32 $0x50, s11;
	s21 =	sor.u32 s7, s17;
	s8 =	sand.u32 $0x40, s14;
	v10 =	vshll.u32 v27, v10;
	v11 =	vmul.f32 v16, v11  }
0x553: {  	v3 =	vsub.f32 v3, v9;
	s10 =	sand.u32 $0x60, s12;
	s23 =	sor.u32 s6, s9;
	s22 =	sor.u32 s8, s9;
	v12 =	vadd.f32 v14, v12;
	v8 =	vmul.f32 v10, v8;
	v16 =	vld [tilespmem:s21+$0x0]  }
0x554: {  	v5 =	vmul.f32 v13, v5;
	s9 =	sor.u32 s10, s9;
	v10 =	vmul.f32 v21, v4;
	s21 =	sor.u32 s8, s17;
	v9 =	vld [tilespmem:s22+$0x0];
	s22 =	scvt.s32.f32 s19  }
0x555: {  	s14 =	scvt.s32.f32 s14;
	s24 =	sor.u32 s6, s17;
	s17 =	sor.u32 s10, s17;
	v13 =	vmul.f32 v15, v6;
	v6 =	vmul.f32 v25, v3;
	v8 =	vadd.f32 v8, v11;
	v4 =	vld [tilespmem:s23+$0x0]  }
0x556: {  	s11 =	scvt.s32.f32 s11;
	v12 =	vmul.f32 v12, v7;
	v3 =	vld [tilespmem:s9+$0x0];
	s9 =	scvt.s32.f32 s12;
	v11 =	vadd.f32 s22, v0;
	v14 =	vadd.f32 v18, v2  }
0x557: {  	v17 =	vadd.f32 s14, v0;
	v13 =	vadd.f32 v5, v13;
	v7 =	vmul.f32 v8, v22;
	v15 =	vld [tilespmem:s21+$0x0]  }
0x558: {  	v18 =	vadd.f32 s11, v0;
	v8 =	vld [tilespmem:s24+$0x0];
	v11 =	vadd.f32 v16, v11;
	v16 =	vtrunc.f32 v14  }
0x559: {  	v19 =	vadd.f32 s9, v0;
	v5 =	vadd.f32 v9, v2;
	v9 =	vld [tilespmem:s17+$0x0];
	v16 =	vcvt.f32.s32 v16;
	[tilespmem:s5+$0x0] =	vst v13  }
0x55a: {  	v10 =	vadd.f32 v10, v12;
	v4 =	vadd.f32 v4, v2;
	v13 =	vtrunc.f32 v11  }
0x55b: {  	v3 =	vadd.f32 v3, v2;
	v12 =	vcvt.f32.s32 v13;
	vm0 =	vgt.s32 v16, $0x0  }
0x55c: {  	v13 =	vadd.s32 $0x1, v16;
	v20 =	vnsel vm0, $0x0, v16;
	vm0 =	vlt.s32 v16, $0xC0;
	[tilespmem:s3+$0x0] =	vst v10  }
0x55d: {  	vm2 =	vgt.s32 v13, $0x0;
	vm1 =	vgt.s32 v12, $0x0;
	v16 =	vmin.u32 v20, $0x17F  }
0x55e: {  	v10 =	vadd.s32 $0x1, v12;
	v20 =	vnsel vm2, $0x0, v13;
	v21 =	vmul.u32 $0x180, v16  }
0x55f: {  	v12 =	vnsel vm1, $0x0, v12;
	v20 =	vmin.u32 v20, $0x17F;
	vm1 =	vlt.s32 v13, $0xC0  }
0x560: {  	vm2 =	vgt.s32 v10, $0x0;
	v13 =	vmul.u32 $0x180, v20;
	v22 =	vadd.s32 $0xFFFEE000, v21  }
0x561: {  	v12 =	vmin.u32 v12, $0x17F;
	v10 =	vnsel vm2, $0x0, v10;
	v21 =	vsel vm0, v21, v22  }
0x562: {  	v22 =	vmin.u32 v10, $0x17F;
	v10 =	vadd.s32 $0xFFFEE000, v13;
	v23 =	vadd.s32 v12, v21  }
0x563: {  	v24 =	vtrunc.f32 v5;
	v10 =	vsel vm1, v13, v10;
	v13 =	vadd.s32 v22, v21  }
0x564: {  	v25 =	vtrunc.f32 v3;
	v21 =	vtrunc.f32 v4;
	v26 =	vadd.s32 v12, v10  }
0x565: {  	v24 =	vcvt.f32.s32 v24;
	v21 =	vcvt.f32.s32 v21;
	v27 =	vadd.s32 v22, v10  }
0x566: {  	v8 =	vadd.f32 v8, v18;
	v10 =	vadd.f32 v15, v17;
	v15 =	vcvt.f32.s32 v25  }
0x567: {  	v9 =	vadd.f32 v9, v19;
	v17 =	vadd.s32 $0x1, v24;
	v18 =	vadd.s32 $0x1, v21;
	v19 =	vld.idx.msk [tilespmem:v23+s0+$0x0], $0xffff  }
0x568: {  	vm5 =	vgt.s32 v17, $0x0;
	vm6 =	vgt.s32 v18, $0x0;
	v23 =	vadd.s32 $0x1, v15;
	v13 =	vld.idx.msk [tilespmem:v13+s0+$0x0], $0xffff  }
0x569: {  	vm4 =	vgt.s32 v24, $0x0;
	vm2 =	vgt.s32 v21, $0x0;
	vm7 =	vgt.s32 v23, $0x0;
	v25 =	vld.idx.msk [tilespmem:v26+s0+$0x0], $0xffff  }
0x56a: {  	v28 =	vtrunc.f32 v8;
	vm3 =	vgt.s32 v15, $0x0;
	v26 =	vtrunc.f32 v10;
	v27 =	vld.idx.msk [tilespmem:v27+s0+$0x0], $0xffff  }
0x56b: {  	v30 =	vtrunc.f32 v9;
	v22 =	vcvt.s32.f32 v22;
	v29 =	vnsel vm5, $0x0, v17  }
0x56c: {  	v12 =	vcvt.s32.f32 v12;
	v31 =	vnsel vm6, $0x0, v18;
	v32 =	vnsel vm7, $0x0, v23  }
0x56d: {  	v33 =	vsel vm0, $0x10, v1;
	v34 =	vsel vm1, $0x10, v1;
	v22 =	vsub.f32 v22, v11  }
0x56e: {  	v16 =	vcvt.s32.f32 v16;
	v11 =	vsub.f32 v11, v12;
	v19 =	vshll.u32 v19, v33  }
0x56f: {  	v12 =	vshll.u32 v13, v33;
	v13 =	vcvt.s32.f32 v20;
	v19 =	vmul.f32 v19, v22  }
0x570: {  	v20 =	vshll.u32 v25, v34;
	v12 =	vmul.f32 v12, v11;
	v25 =	vshll.u32 v27, v34  }
0x571: {  	v27 =	vnsel vm4, $0x0, v24;
	v20 =	vmul.f32 v20, v22;
	v11 =	vmul.f32 v25, v11  }
0x572: {  	v22 =	vnsel vm2, $0x0, v21;
	v13 =	vsub.f32 v13, v14;
	v14 =	vsub.f32 v14, v16  }
0x573: {  	v16 =	vnsel vm3, $0x0, v15;
	v12 =	vadd.f32 v12, v19;
	v11 =	vadd.f32 v11, v20  }
0x574: {  	v19 =	vcvt.f32.s32 v26;
	v25 =	vcvt.f32.s32 v28;
	v20 =	vmin.u32 v29, $0x17F  }
0x575: {  	s4 =	sadd.s32 $0x80, s4;
	v26 =	vmin.u32 v31, $0x17F;
	v12 =	vmul.f32 v12, v13;
	v11 =	vmul.f32 v11, v14  }
0x576: {  	s3 =	sand.u32 $0x7F00, s4;
	v27 =	vmin.u32 v27, $0x17F;
	v28 =	vmin.u32 v32, $0x17F;
	v14 =	vcvt.f32.s32 v30  }
0x577: {  	s9 =	sadd.s32 $0x1CE00, s3;
	v29 =	vmin.u32 v22, $0x17F;
	v13 =	vmin.u32 v16, $0x17F;
	v11 =	vadd.f32 v11, v12  }
0x578: {  	s5 =	sor.u32 s8, s9;
	s3 =	sor.u32 s6, s9;
	s7 =	sor.u32 s7, s9;
	v16 =	vmul.u32 $0x180, v26;
	v22 =	vmul.u32 $0x180, v28;
	v12 =	vmul.u32 $0x180, v20  }
0x579: {  	s6 =	sor.u32 s10, s9;
	v31 =	vmul.u32 $0x180, v29;
	v32 =	vmul.u32 $0x180, v13;
	v30 =	vmul.u32 $0x180, v27;
	[tilespmem:s7+$0x0] =	vst v11  }
0x57a: {  	v33 =	vadd.s32 $0x1, v25;
	v34 =	vadd.s32 $0x1, v14;
	v11 =	vadd.s32 $0x1, v19  }
0x57b: {  	vm1 =	vgt.s32 v33, $0x0;
	vm2 =	vgt.s32 v34, $0x0;
	vm0 =	vgt.s32 v11, $0x0  }
0x57c: {  	vm3 =	vgt.s32 v19, $0x0;
	vm4 =	vgt.s32 v25, $0x0;
	vm6 =	vgt.s32 v14, $0x0  }
0x57d: {  	v36 =	vadd.s32 $0xFFFEE000, v16;
	v37 =	vadd.s32 $0xFFFEE000, v22;
	v35 =	vadd.s32 $0xFFFEE000, v12  }
0x57e: {  	v39 =	vadd.s32 $0xFFFEE000, v31;
	v40 =	vadd.s32 $0xFFFEE000, v32;
	v38 =	vadd.s32 $0xFFFEE000, v30  }
0x57f: {  	v33 =	vnsel vm1, $0x0, v33;
	v34 =	vnsel vm2, $0x0, v34;
	v11 =	vnsel vm0, $0x0, v11  }
0x580: {  	vm5 =	vlt.s32 v17, $0xC0;
	v17 =	vnsel vm4, $0x0, v25;
	v19 =	vnsel vm3, $0x0, v19  }
0x581: {  	vm4 =	vlt.s32 v18, $0xC0;
	v14 =	vnsel vm6, $0x0, v14;
	vm3 =	vlt.s32 v23, $0xC0  }
0x582: {  	vm1 =	vlt.s32 v15, $0xC0;
	vm2 =	vlt.s32 v24, $0xC0;
	vm0 =	vlt.s32 v21, $0xC0  }
0x583: {  	v15 =	vsel vm4, v16, v36;
	v12 =	vsel vm5, v12, v35;
	v16 =	vsel vm3, v22, v37  }
0x584: {  	v18 =	vsel vm2, v30, v38;
	v22 =	vsel vm1, v32, v40;
	v21 =	vsel vm0, v31, v39  }
0x585: {  	v23 =	vmin.u32 v33, $0x17F;
	v24 =	vmin.u32 v34, $0x17F;
	v11 =	vmin.u32 v11, $0x17F  }
0x586: {  	v17 =	vmin.u32 v17, $0x17F;
	v14 =	vmin.u32 v14, $0x17F;
	v19 =	vmin.u32 v19, $0x17F  }
0x587: {  	v30 =	vadd.s32 v17, v15;
	v25 =	vadd.s32 v19, v12;
	v12 =	vadd.s32 v11, v12  }
0x588: {  	v32 =	vadd.s32 v14, v16;
	v33 =	vadd.s32 v24, v16;
	v31 =	vadd.s32 v23, v15  }
0x589: {  	v34 =	vadd.s32 v19, v18;
	v35 =	vadd.s32 v11, v18;
	v36 =	vadd.s32 v17, v21  }
0x58a: {  	v37 =	vadd.s32 v14, v22;
	v38 =	vadd.s32 v24, v22;
	v21 =	vadd.s32 v23, v21  }
0x58b: {  	v16 =	vcvt.s32.f32 v23;
	v39 =	vsel vm5, $0x10, v1;
	v11 =	vcvt.s32.f32 v11  }
0x58c: {  	v19 =	vcvt.s32.f32 v19;
	v23 =	vsel vm4, $0x10, v1;
	v18 =	vcvt.s32.f32 v24;
	v22 =	vld.idx.msk [tilespmem:v25+s0+$0x0], $0xffff  }
0x58d: {  	v40 =	vcvt.s32.f32 v14;
	v15 =	vsub.f32 v11, v10;
	v25 =	vcvt.s32.f32 v17;
	v24 =	vld.idx.msk [tilespmem:v12+s0+$0x0], $0xffff  }
0x58e: {  	v41 =	vsel vm3, $0x10, v1;
	v11 =	vsub.f32 v18, v9;
	v12 =	vsub.f32 v16, v8;
	v30 =	vld.idx.msk [tilespmem:v30+s0+$0x0], $0xffff  }
0x58f: {  	v18 =	vsel vm2, $0x10, v1;
	v17 =	vsub.f32 v10, v19;
	v14 =	vsub.f32 v8, v25;
	v31 =	vld.idx.msk [tilespmem:v31+s0+$0x0], $0xffff  }
0x590: {  	v10 =	vsel vm1, $0x10, v1;
	v16 =	vsel vm0, $0x10, v1;
	v8 =	vsub.f32 v9, v40;
	v32 =	vld.idx.msk [tilespmem:v32+s0+$0x0], $0xffff  }
0x591: {  	v6 =	vadd.f32 v6, v7;
	v42 =	vcvt.s32.f32 v26;
	v40 =	vcvt.s32.f32 v20;
	v33 =	vld.idx.msk [tilespmem:v33+s0+$0x0], $0xffff  }
0x592: {  	v20 =	vcvt.s32.f32 v27;
	v7 =	vshll.u32 v22, v39;
	v22 =	vcvt.s32.f32 v28;
	v34 =	vld.idx.msk [tilespmem:v34+s0+$0x0], $0xffff  }
0x593: {  	v19 =	vcvt.s32.f32 v29;
	v9 =	vshll.u32 v24, v39;
	v7 =	vmul.f32 v7, v15;
	v26 =	vld.idx.msk [tilespmem:v35+s0+$0x0], $0xffff;
	[tilespmem:s20+$0x0] =	vst v6;
	s20 =	smov.u32 s6  }
.Ltmp37:
0x594: {  	v27 =	vmul.f32 v9, v17;
	v28 =	vshll.u32 v30, v23;
	v9 =	vcvt.s32.f32 v13;
	v25 =	vld.idx.msk [tilespmem:v36+s0+$0x0], $0xffff;
	(pc) =	sbr.rel @p4 .LBB2_72-.Ltmp37, $4  }
0x595: {  	v6 =	vsub.f32 v40, v5;
	v29 =	vmul.f32 v28, v12;
	v24 =	vld.idx.msk [tilespmem:v21+s0+$0x0], $0xffff;
	v21 =	vshll.u32 v31, v23  }
0x596: {  	v13 =	vadd.f32 v27, v7;
	v28 =	vshll.u32 v32, v41;
	v21 =	vmul.f32 v21, v14;
	v23 =	vld.idx.msk [tilespmem:v37+s0+$0x0], $0xffff  }
0x597: {  	v7 =	vsub.f32 v42, v4;
	v31 =	vshll.u32 v33, v41;
	v28 =	vmul.f32 v28, v11;
	v27 =	vld.idx.msk [tilespmem:v38+s0+$0x0], $0xffff  }
0x598: {  	s1 =	sadd.s32 $0x80, s1;
	v30 =	vshll.u32 v34, v18;
	v21 =	vadd.f32 v21, v29;
	v29 =	vmul.f32 v31, v8  }
0x599: {  	v2 =	vshll.u32 v26, v18  }
0x59a: {  	v15 =	vmul.f32 v30, v15;
	v55 =	vsub.f32 v22, v3;
	v5 =	vsub.f32 v5, v20  }
0x59b: {  	v56 =	vshll.u32 v25, v16;
	v4 =	vsub.f32 v4, v19;
	v3 =	vsub.f32 v3, v9  }
0x59c: {  	v2 =	vmul.f32 v2, v17;
	v58 =	vshll.u32 v24, v16;
	v12 =	vmul.f32 v56, v12  }
0x59d: {  	v14 =	vmul.f32 v58, v14;
	v59 =	vshll.u32 v23, v10;
	v60 =	vshll.u32 v27, v10  }
0x59e: {  	v2 =	vadd.f32 v2, v15;
	v11 =	vmul.f32 v59, v11;
	v8 =	vmul.f32 v60, v8  }
0x59f: {  	v57 =	vadd.f32 v29, v28;
	v61 =	vadd.f32 v14, v12  }
0x5a0: {  	s18 =	sadd.s32 $0x1, s18;
	v5 =	vmul.f32 v13, v5;
	v2 =	vmul.f32 v2, v6;
	v62 =	vadd.f32 v8, v11  }
0x5a1: {  	p4 =	sne.s32 s18, $0x10;
	v4 =	vmul.f32 v21, v4;
	v7 =	vmul.f32 v61, v7  }
.Ltmp38:
0x5a2: {  	v3 =	vmul.f32 v57, v3;
	v2 =	vadd.f32 v5, v2;
	v63 =	vmul.f32 v62, v55;
	(pc) =	sbr.rel @p4 .LBB2_71-.Ltmp38, $4  }
0x5a3: {  	v4 =	vadd.f32 v4, v7  }
0x5a4: {  	[tilespmem:s5+$0x0] =	vst v2;
	v2 =	vadd.f32 v3, v63  }
0x5a5: {  	[tilespmem:s3+$0x0] =	vst v4  }
0x5a6: {  	s13 =	sadd.s32 $0x300, s13;
	s15 =	sadd.s32 $0x600, s15;
	[tilespmem:s20+$0x0] =	vst v2  }
0x5a7: {  	s1 =	simm.s32 $0x1CE00  }
0x5a8: {  	s2 =	simm.s32 $0x10;
	s4 =	sadd.s32 $0x0, s31;
	s3 =	simm.s32 $0x1CF00  }
.LBB2_75:
0x5a9: {  	[hbm4b:s4+s0] =	stream.linear.scatter [tilespmem:s1], [sflag:$0x4], $0x80, $0x38;
	[tilespmem:$0x1FE00] =	vst v63  }
0x5aa: {  	s4 =	smov.u32 s2;
	s1 =	smov.u32 s3;
	p4 =	sne.s32 s2, $0x2F0  }
.Ltmp39:
0x5ab: {  	s2 =	sadd.s32 $0x10, s2;
	(pc) =	sbr.rel @p4 .LBB2_75-.Ltmp39, $2  }
0x5ac: {  	_ =	sdelay $0x2  }
0x5ad: {  	s3 =	sadd.s32 $0x100, s3;
	s4 =	sadd.s32 s4, s31  }
0x5ae: {  	[hbm4b:s4+s0] =	stream.linear.scatter [tilespmem:s1], [sflag:$0x4], $0x80, $0x38;
	[tilespmem:$0x1FE00] =	vst v63  }
0x5af: {  	s23 =	simm.s32 $0x3  }
0x5b0: {  	_ =	swait.ge [sflag:s23], $0x3000  }
0x5b1: {  	[sflag:s23] =	ssyncset.done $0x0  }
0x5b2: {  	s24 =	simm.s32 $0x4;
	[sflag:s23] =	ssyncadd.s32 $0xFFFFD000  }
0x5b3: {  	_ =	swait.ge [sflag:s24], $0x1800  }
0x5b4: {  	s13 =	simm.s32 $0x0;
	[sflag:s24] =	ssyncset.done $0x0  }
0x5b5: {  	s15 =	simm.s32 $0x0;
	s18 =	simm.s32 $0x0;
	[sflag:s24] =	ssyncadd.s32 $0xFFFFE800  }
.LBB2_77:
0x5b6: {  	s19 =	simm.s32 $0x30;
	s1 =	sand.u32 $0xFF00, s13  }
0x5b7: {  	s5 =	rddreg [dreg:$0x18];
	s3 =	sadd.s32 $0x17180, s1;
	s2 =	sand.u32 $0x70, s19  }
0x5b8: {  	s24 =	simm.s32 $0x0;
	s6 =	sadd.s32 $0x16E00, s1;
	s4 =	sor.u32 s2, s3  }
0x5b9: {  	s7 =	simm.s32 $0x10;
	s9 =	sand.u32 $0x40, s24;
	s1 =	sor.u32 s2, s6;
	v3 =	vld [tilespmem:s4+$0x0]  }
0x5ba: {  	s8 =	simm.s32 $0x20;
	s5 =	sor.u32 s5, s18;
	s9 =	sor.u32 s9, s3;
	v4 =	vld [tilespmem:s1+$0x80]  }
0x5bb: {  	s12 =	sand.u32 $0x50, s7;
	s10 =	scvt.s32.f32 s19;
	s23 =	scvt.s32.f32 s5;
	v5 =	vld [tilespmem:s9+$0x0]  }
0x5bc: {  	s14 =	sand.u32 $0x60, s8;
	s11 =	sor.u32 s12, s3  }
0x5bd: {  	s7 =	scvt.s32.f32 s7;
	s3 =	sor.u32 s14, s3;
	v6 =	vld [tilespmem:s11+$0x0];
	v7 =	vadd.f32 s10, v0;
	v2 =	vmov s23  }
0x5be: {  	s17 =	scvt.s32.f32 s8;
	v8 =	vadd.f32 v3, v2;
	v3 =	vld [tilespmem:s3+$0x0]  }
0x5bf: {  	s5 =	scvt.s32.f32 s24;
	v10 =	vadd.f32 s7, v0;
	v9 =	vadd.f32 v4, v7  }
0x5c0: {  	v12 =	vadd.f32 s17, v0;
	v5 =	vadd.f32 v5, v2;
	v4 =	vtrunc.f32 v8  }
0x5c1: {  	v7 =	vadd.f32 s5, v0;
	v13 =	vtrunc.f32 v9;
	v11 =	vcvt.f32.s32 v4  }
0x5c2: {  	v22 =	vtrunc.f32 v5;
	v4 =	vadd.f32 v6, v2;
	v6 =	vcvt.f32.s32 v13  }
0x5c3: {  	p4 =	por $0x0, $0x0;
	s3 =	simm.s32 $0x1;
	v22 =	vcvt.f32.s32 v22;
	vm0 =	vgt.s32 v11, $0x0;
	v3 =	vadd.f32 v3, v2  }
0x5c4: {  	s3 =	simm.s32 @!p4 $0x0;
	v13 =	vadd.s32 $0x1, v11;
	vm14 =	vlt.s32 v11, $0xC0;
	vm1 =	vgt.s32 v6, $0x0  }
0x5c5: {  	s3 =	sshll.u32 s3, $0x6;
	vm4 =	vgt.s32 v22, $0x0;
	v14 =	vnsel vm0, $0x0, v11;
	vm2 =	vgt.s32 v13, $0x0  }
0x5c6: {  	s20 =	sadd.s32 s3, s13;
	vm15 =	vlt.s32 v13, $0xC0;
	v31 =	vsel vm14, $0x10, v1;
	v11 =	vmin.u32 v14, $0x17F  }
0x5c7: {  	s5 =	sor.u32 $0x80, s20;
	v14 =	vadd.s32 $0x1, v6;
	v15 =	vnsel vm2, $0x0, v13;
	v6 =	vnsel vm1, $0x0, v6  }
0x5c8: {  	s21 =	sor.u32 s12, s6;
	v17 =	vld [tilespmem:s5+$0x16E00];
	v23 =	vtrunc.f32 v3;
	v32 =	vsel vm15, $0x10, v1;
	v16 =	vmul.u32 $0x180, v11  }
0x5c9: {  	v18 =	vld [tilespmem:s21+$0x80];
	v15 =	vmin.u32 v15, $0x17F;
	vm9 =	vgt.s32 v14, $0x0;
	v20 =	vmin.u32 v6, $0x17F  }
0x5ca: {  	v11 =	vcvt.s32.f32 v11;
	v13 =	vmul.u32 $0x180, v15;
	v19 =	vadd.s32 $0xFFFEE000, v16  }
0x5cb: {  	s22 =	sor.u32 s14, s6;
	v6 =	vnsel vm9, $0x0, v14;
	v15 =	vcvt.s32.f32 v15;
	v14 =	vsel vm14, v16, v19  }
0x5cc: {  	v16 =	vmin.u32 v6, $0x17F;
	v6 =	vadd.s32 $0xFFFEE000, v13;
	v19 =	vld [tilespmem:s22+$0x80];
	v21 =	vadd.s32 v20, v14  }
0x5cd: {  	v17 =	vadd.f32 v17, v7;
	v6 =	vsel vm15, v13, v6;
	v13 =	vadd.s32 v16, v14  }
0x5ce: {  	v7 =	vadd.f32 v18, v10;
	v18 =	vadd.s32 $0x1, v22;
	v24 =	vadd.s32 v20, v6  }
0x5cf: {  	v10 =	vcvt.f32.s32 v23;
	vm10 =	vgt.s32 v18, $0x0;
	v25 =	vadd.s32 v16, v6  }
0x5d0: {  	v15 =	vsub.f32 v15, v8;
	v8 =	vsub.f32 v8, v11;
	v14 =	vtrunc.f32 v4  }
0x5d1: {  	v26 =	vtrunc.f32 v7;
	vm7 =	vgt.s32 v10, $0x0;
	v6 =	vadd.f32 v19, v12;
	v12 =	vld.idx.msk [tilespmem:v21+s0+$0x0], $0xffff  }
0x5d2: {  	v27 =	vnsel vm10, $0x0, v18;
	v14 =	vcvt.f32.s32 v14;
	v16 =	vcvt.s32.f32 v16;
	v13 =	vld.idx.msk [tilespmem:v13+s0+$0x0], $0xffff  }
0x5d3: {  	vm10 =	vlt.s32 v18, $0xC0;
	v20 =	vcvt.s32.f32 v20;
	v11 =	vnsel vm7, $0x0, v10;
	v21 =	vld.idx.msk [tilespmem:v24+s0+$0x0], $0xffff  }
0x5d4: {  	v23 =	vadd.s32 $0x1, v14;
	vm5 =	vgt.s32 v14, $0x0;
	v16 =	vsub.f32 v16, v9;
	v25 =	vld.idx.msk [tilespmem:v25+s0+$0x0], $0xffff  }
0x5d5: {  	v9 =	vsub.f32 v9, v20;
	vm3 =	vgt.s32 v23, $0x0;
	v19 =	vadd.s32 $0x1, v10  }
0x5d6: {  	vm6 =	vgt.s32 v19, $0x0;
	v29 =	vnsel vm3, $0x0, v23;
	v24 =	vtrunc.f32 v17  }
0x5d7: {  	v28 =	vtrunc.f32 v6;
	v30 =	vnsel vm6, $0x0, v19;
	v12 =	vshll.u32 v12, v31  }
0x5d8: {  	v13 =	vshll.u32 v13, v31;
	v31 =	vmin.u32 v11, $0x17F;
	v12 =	vmul.f32 v12, v16  }
0x5d9: {  	v20 =	vshll.u32 v21, v32;
	v21 =	vshll.u32 v25, v32;
	v13 =	vmul.f32 v13, v9  }
0x5da: {  	v25 =	vnsel vm4, $0x0, v22;
	v16 =	vmul.f32 v20, v16;
	v9 =	vmul.f32 v21, v9  }
0x5db: {  	v20 =	vnsel vm5, $0x0, v14;
	v21 =	vmul.u32 $0x180, v31;
	v12 =	vadd.f32 v13, v12  }
0x5dc: {  	v13 =	vcvt.f32.s32 v24;
	v24 =	vmin.u32 v27, $0x17F;
	v9 =	vadd.f32 v9, v16  }
0x5dd: {  	v16 =	vcvt.f32.s32 v26;
	v26 =	vmin.u32 v29, $0x17F;
	v29 =	vmin.u32 v25, $0x17F  }
0x5de: {  	v18 =	vadd.s32 $0xFFFEE000, v21;
	v12 =	vmul.f32 v12, v15;
	v11 =	vmul.u32 $0x180, v26  }
0x5df: {  	v15 =	vmul.u32 $0x180, v29;
	v25 =	vadd.s32 $0x1, v13;
	vm11 =	vgt.s32 v13, $0x0  }
0x5e0: {  	v8 =	vmul.f32 v9, v8;
	v9 =	vcvt.f32.s32 v28;
	v28 =	vmin.u32 v30, $0x17F  }
0x5e1: {  	v30 =	vmin.u32 v20, $0x17F;
	v27 =	vadd.s32 $0x1, v16;
	vm12 =	vgt.s32 v25, $0x0  }
0x5e2: {  	vm14 =	vgt.s32 v16, $0x0;
	v13 =	vnsel vm11, $0x0, v13;
	vm11 =	vlt.s32 v23, $0xC0  }
0x5e3: {  	v20 =	vmul.u32 $0x180, v30;
	vm13 =	vgt.s32 v27, $0x0;
	v35 =	vadd.s32 $0xFFFEE000, v11  }
0x5e4: {  	v37 =	vadd.s32 $0xFFFEE000, v15;
	v25 =	vnsel vm12, $0x0, v25;
	v16 =	vnsel vm14, $0x0, v16  }
0x5e5: {  	vm12 =	vlt.s32 v19, $0xC0;
	vm14 =	vlt.s32 v14, $0xC0;
	v13 =	vmin.u32 v13, $0x17F  }
0x5e6: {  	v56 =	vadd.f32 v8, v12;
	v8 =	vmul.u32 $0x180, v24;
	v12 =	vmul.u32 $0x180, v28  }
0x5e7: {  	v33 =	vadd.s32 $0x1, v9;
	vm15 =	vgt.s32 v9, $0x0;
	v27 =	vnsel vm13, $0x0, v27  }
0x5e8: {  	vm13 =	vlt.s32 v22, $0xC0;
	vm9 =	vgt.s32 v33, $0x0;
	v38 =	vadd.s32 $0xFFFEE000, v20  }
0x5e9: {  	v9 =	vnsel vm15, $0x0, v9;
	vm15 =	vlt.s32 v10, $0xC0;
	v10 =	vsel vm11, v11, v35  }
0x5ea: {  	v19 =	vmin.u32 v27, $0x17F;
	v34 =	vadd.s32 $0xFFFEE000, v8;
	v36 =	vadd.s32 $0xFFFEE000, v12  }
0x5eb: {  	v33 =	vnsel vm9, $0x0, v33;
	v14 =	vsel vm14, v20, v38;
	v20 =	vmin.u32 v16, $0x17F  }
0x5ec: {  	v9 =	vmin.u32 v9, $0x17F;
	v8 =	vsel vm10, v8, v34;
	v11 =	vsel vm12, v12, v36  }
0x5ed: {  	v12 =	vsel vm13, v15, v37;
	v15 =	vsel vm15, v21, v18;
	v18 =	vmin.u32 v25, $0x17F  }
0x5ee: {  	v16 =	vmin.u32 v33, $0x17F;
	v22 =	vadd.s32 v20, v10;
	v10 =	vadd.s32 v19, v10  }
0x5ef: {  	v59 =	vadd.s32 v20, v14;
	v21 =	vadd.s32 v13, v8;
	v8 =	vadd.s32 v18, v8  }
0x5f0: {  	v23 =	vadd.s32 v9, v11;
	v25 =	vadd.s32 v16, v11;
	v57 =	vadd.s32 v13, v12  }
0x5f1: {  	v58 =	vadd.s32 v18, v12;
	v11 =	vcvt.s32.f32 v18;
	v12 =	vcvt.s32.f32 v13  }
0x5f2: {  	v60 =	vadd.s32 v19, v14;
	v61 =	vadd.s32 v9, v15;
	v15 =	vadd.s32 v16, v15  }
0x5f3: {  	v27 =	vcvt.s32.f32 v16;
	v16 =	vsub.f32 v11, v17;
	v14 =	vsub.f32 v17, v12;
	v17 =	vld.idx.msk [tilespmem:v22+s0+$0x0], $0xffff  }
0x5f4: {  	v18 =	vcvt.s32.f32 v19;
	v41 =	vld.idx.msk [tilespmem:v10+s0+$0x0], $0xffff  }
0x5f5: {  	v62 =	vsel vm10, $0x10, v1;
	v39 =	vsel vm11, $0x10, v1;
	v13 =	vld.idx.msk [tilespmem:v21+s0+$0x0], $0xffff  }
0x5f6: {  	v19 =	vsel vm13, $0x10, v1;
	v11 =	vsub.f32 v18, v7;
	v18 =	vsel vm14, $0x10, v1;
	v40 =	vld.idx.msk [tilespmem:v8+s0+$0x0], $0xffff  }
0x5f7: {  	v10 =	vsel vm15, $0x10, v1;
	v8 =	vcvt.s32.f32 v20;
	v20 =	vcvt.s32.f32 v9;
	v42 =	vld.idx.msk [tilespmem:v23+s0+$0x0], $0xffff  }
0x5f8: {  	v22 =	vcvt.s32.f32 v28;
	v21 =	vsel vm12, $0x10, v1;
	v9 =	vsub.f32 v27, v6  }
0x5f9: {  	v28 =	vld.idx.msk [tilespmem:v60+s0+$0x0], $0xffff;
	v12 =	vsub.f32 v7, v8;
	v8 =	vsub.f32 v6, v20;
	v6 =	vcvt.s32.f32 v24  }
0x5fa: {  	s23 =	sand.u32 $0x7F00, s15;
	v27 =	vcvt.s32.f32 v26;
	v25 =	vld.idx.msk [tilespmem:v25+s0+$0x0], $0xffff;
	v20 =	vcvt.s32.f32 v29;
	v17 =	vshll.u32 v17, v39  }
0x5fb: {  	s24 =	sadd.s32 $0x1CE00, s23;
	v23 =	vld.idx.msk [tilespmem:v57+s0+$0x0], $0xffff;
	v6 =	vsub.f32 v6, v5;
	v7 =	vshll.u32 v13, v62;
	v13 =	vshll.u32 v40, v62  }
0x5fc: {  	s1 =	smov.u32 s13;
	s2 =	sor.u32 s2, s24;
	s3 =	sadd.s32 s3, s15;
	v26 =	vld.idx.msk [tilespmem:v59+s0+$0x0], $0xffff;
	v32 =	vshll.u32 v42, v21;
	v29 =	vmul.f32 v7, v16;
	v63 =	vmul.f32 v13, v14  }
0x5fd: {  	s4 =	smov.u32 s15;
	p4 =	por !p4, !p4;
	s3 =	sor.u32 $0x80, s3;
	[tilespmem:s2+$0x80] =	vst v56;
	v24 =	vld.idx.msk [tilespmem:v58+s0+$0x0], $0xffff;
	v7 =	vcvt.s32.f32 v30;
	v13 =	vcvt.s32.f32 v31;
	v31 =	vshll.u32 v41, v39  }
0x5fe: {  	s20 =	sor.u32 s14, s24;
	s5 =	sor.u32 s12, s24;
	s2 =	simm.s32 $0x0;
	v30 =	vmul.f32 v17, v11;
	v31 =	vmul.f32 v31, v12;
	v17 =	vadd.f32 v63, v29;
	v29 =	vld.idx.msk [tilespmem:v61+s0+$0x0], $0xffff  }
.LBB2_78:
0x5ff: {  	s6 =	simm.s32 $0x1  }
0x600: {  	v27 =	vsub.f32 v27, v4;
	v15 =	vld.idx.msk [tilespmem:v15+s0+$0x0], $0xffff;
	v21 =	vshll.u32 v25, v21;
	v25 =	vmul.f32 v32, v9;
	s6 =	simm.s32 @!p4 $0x0  }
0x601: {  	v23 =	vshll.u32 v23, v19;
	s1 =	sadd.s32 $0x80, s1;
	v30 =	vadd.f32 v31, v30;
	v21 =	vmul.f32 v21, v8;
	s8 =	sshll.u32 s6, $0x6  }
0x602: {  	v22 =	vsub.f32 v22, v3;
	s19 =	sadd.s32 $0x40, s19;
	v19 =	vshll.u32 v24, v19;
	v16 =	vmul.f32 v23, v16;
	s6 =	sand.u32 $0xFF00, s1;
	s9 =	sadd.s32 s8, s1  }
0x603: {  	s11 =	sadd.s32 $0xFFFFFFD0, s19;
	s7 =	sand.u32 $0x70, s19;
	v14 =	vmul.f32 v19, v14;
	v19 =	vshll.u32 v26, v18;
	s12 =	sadd.s32 $0x17180, s6;
	v21 =	vadd.f32 v21, v25  }
0x604: {  	s2 =	sadd.s32 $0x4, s2;
	v5 =	vsub.f32 v5, v20;
	s14 =	sadd.s32 $0xFFFFFFE0, s19;
	v18 =	vshll.u32 v28, v18;
	v11 =	vmul.f32 v19, v11;
	s10 =	sor.u32 s7, s12  }
0x605: {  	s21 =	sadd.s32 $0xFFFFFFF0, s19;
	p5 =	slt.u32 s2, $0x14;
	s17 =	sadd.s32 $0x16E00, s6;
	v14 =	vadd.f32 v14, v16;
	v12 =	vmul.f32 v18, v12;
	v16 =	vshll.u32 v29, v10;
	v19 =	vld [tilespmem:s10+$0x0]  }
0x606: {  	v4 =	vsub.f32 v4, v7;
	s6 =	sand.u32 $0x50, s14;
	s22 =	sor.u32 s7, s17;
	v7 =	vshll.u32 v15, v10;
	v9 =	vmul.f32 v16, v9;
	s10 =	sand.u32 $0x40, s11  }
0x607: {  	v3 =	vsub.f32 v3, v13;
	s24 =	sor.u32 s6, s12;
	v11 =	vadd.f32 v12, v11;
	v7 =	vmul.f32 v7, v8;
	s23 =	sor.u32 s10, s12;
	s10 =	sand.u32 $0x60, s21;
	v10 =	vld [tilespmem:s22+$0x80]  }
0x608: {  	v5 =	vmul.f32 v17, v5;
	s9 =	sor.u32 $0x80, s9;
	v12 =	vmul.f32 v30, v4;
	s12 =	sor.u32 s10, s12;
	s22 =	scvt.s32.f32 s19;
	v8 =	vld [tilespmem:s23+$0x0]  }
0x609: {  	s11 =	scvt.s32.f32 s11;
	v13 =	vmul.f32 v14, v6;
	v6 =	vmul.f32 v21, v3;
	v7 =	vadd.f32 v7, v9;
	s23 =	sor.u32 s6, s17;
	s17 =	sor.u32 s10, s17;
	v4 =	vld [tilespmem:s24+$0x0]  }
0x60a: {  	s14 =	scvt.s32.f32 s14;
	v11 =	vmul.f32 v11, v27;
	v9 =	vadd.f32 s22, v0;
	v3 =	vld [tilespmem:s12+$0x0];
	s12 =	scvt.s32.f32 s21;
	v14 =	vadd.f32 v19, v2  }
0x60b: {  	v16 =	vadd.f32 s11, v0;
	v13 =	vadd.f32 v5, v13;
	v7 =	vmul.f32 v7, v22;
	v15 =	vld [tilespmem:s9+$0x16E00]  }
0x60c: {  	v18 =	vadd.f32 s14, v0;
	v17 =	vld [tilespmem:s23+$0x80];
	v19 =	vadd.f32 v10, v9;
	v9 =	vtrunc.f32 v14  }
0x60d: {  	v20 =	vadd.f32 s12, v0;
	v5 =	vadd.f32 v8, v2;
	v8 =	vld [tilespmem:s17+$0x80];
	v9 =	vcvt.f32.s32 v9;
	[tilespmem:s3+$0x1CE00] =	vst v13  }
0x60e: {  	v11 =	vadd.f32 v12, v11;
	v4 =	vadd.f32 v4, v2;
	v10 =	vtrunc.f32 v19  }
0x60f: {  	v3 =	vadd.f32 v3, v2;
	v10 =	vcvt.f32.s32 v10;
	vm0 =	vgt.s32 v9, $0x0  }
0x610: {  	v12 =	vadd.s32 $0x1, v9;
	v13 =	vnsel vm0, $0x0, v9;
	vm0 =	vlt.s32 v9, $0xC0;
	[tilespmem:s5+$0x80] =	vst v11  }
0x611: {  	vm2 =	vgt.s32 v12, $0x0;
	vm1 =	vgt.s32 v10, $0x0;
	v13 =	vmin.u32 v13, $0x17F  }
0x612: {  	v9 =	vadd.s32 $0x1, v10;
	v11 =	vnsel vm2, $0x0, v12;
	v21 =	vmul.u32 $0x180, v13  }
0x613: {  	v10 =	vnsel vm1, $0x0, v10;
	v22 =	vmin.u32 v11, $0x17F;
	vm1 =	vlt.s32 v12, $0xC0  }
0x614: {  	vm2 =	vgt.s32 v9, $0x0;
	v11 =	vmul.u32 $0x180, v22;
	v12 =	vadd.s32 $0xFFFEE000, v21  }
0x615: {  	v23 =	vmin.u32 v10, $0x17F;
	v9 =	vnsel vm2, $0x0, v9;
	v10 =	vsel vm0, v21, v12  }
0x616: {  	v21 =	vmin.u32 v9, $0x17F;
	v9 =	vadd.s32 $0xFFFEE000, v11;
	v24 =	vadd.s32 v23, v10  }
0x617: {  	v12 =	vtrunc.f32 v5;
	v9 =	vsel vm1, v11, v9;
	v25 =	vadd.s32 v21, v10  }
0x618: {  	v26 =	vtrunc.f32 v3;
	v10 =	vtrunc.f32 v4;
	v27 =	vadd.s32 v23, v9  }
0x619: {  	v11 =	vcvt.f32.s32 v12;
	v12 =	vcvt.f32.s32 v10;
	v28 =	vadd.s32 v21, v9  }
0x61a: {  	v10 =	vadd.f32 v15, v16;
	v9 =	vadd.f32 v17, v18;
	v15 =	vcvt.f32.s32 v26  }
0x61b: {  	v8 =	vadd.f32 v8, v20;
	v16 =	vadd.s32 $0x1, v11;
	v18 =	vadd.s32 $0x1, v12;
	v17 =	vld.idx.msk [tilespmem:v24+s0+$0x0], $0xffff  }
0x61c: {  	vm5 =	vgt.s32 v16, $0x0;
	v20 =	vadd.s32 $0x1, v15;
	vm6 =	vgt.s32 v18, $0x0;
	v24 =	vld.idx.msk [tilespmem:v25+s0+$0x0], $0xffff  }
0x61d: {  	vm4 =	vgt.s32 v11, $0x0;
	vm2 =	vgt.s32 v12, $0x0;
	vm7 =	vgt.s32 v20, $0x0;
	v25 =	vld.idx.msk [tilespmem:v27+s0+$0x0], $0xffff  }
0x61e: {  	v26 =	vtrunc.f32 v10;
	vm3 =	vgt.s32 v15, $0x0;
	v27 =	vtrunc.f32 v9;
	v28 =	vld.idx.msk [tilespmem:v28+s0+$0x0], $0xffff  }
0x61f: {  	v30 =	vtrunc.f32 v8;
	v21 =	vcvt.s32.f32 v21;
	v29 =	vnsel vm5, $0x0, v16  }
0x620: {  	v23 =	vcvt.s32.f32 v23;
	v31 =	vnsel vm6, $0x0, v18;
	v32 =	vnsel vm7, $0x0, v20  }
0x621: {  	v33 =	vsel vm0, $0x10, v1;
	v34 =	vsel vm1, $0x10, v1;
	v21 =	vsub.f32 v21, v19  }
0x622: {  	v13 =	vcvt.s32.f32 v13;
	v19 =	vsub.f32 v19, v23;
	v17 =	vshll.u32 v17, v33  }
0x623: {  	v22 =	vcvt.s32.f32 v22;
	v23 =	vshll.u32 v24, v33;
	v17 =	vmul.f32 v17, v21  }
0x624: {  	v24 =	vshll.u32 v25, v34;
	v23 =	vmul.f32 v23, v19;
	v25 =	vshll.u32 v28, v34  }
0x625: {  	v28 =	vnsel vm4, $0x0, v11;
	v21 =	vmul.f32 v24, v21;
	v19 =	vmul.f32 v25, v19  }
0x626: {  	v13 =	vsub.f32 v14, v13;
	v22 =	vsub.f32 v22, v14;
	v24 =	vnsel vm2, $0x0, v12  }
0x627: {  	v14 =	vnsel vm3, $0x0, v15;
	v23 =	vadd.f32 v23, v17;
	v19 =	vadd.f32 v19, v21  }
0x628: {  	v17 =	vmin.u32 v29, $0x17F;
	v25 =	vcvt.f32.s32 v27;
	v21 =	vcvt.f32.s32 v26  }
0x629: {  	s4 =	sadd.s32 $0x80, s4;
	v26 =	vmin.u32 v31, $0x17F;
	v22 =	vmul.f32 v23, v22;
	v19 =	vmul.f32 v19, v13  }
0x62a: {  	s3 =	sadd.s32 s8, s4;
	s5 =	sand.u32 $0x7F00, s4;
	v28 =	vmin.u32 v28, $0x17F;
	v29 =	vmin.u32 v32, $0x17F;
	v23 =	vcvt.f32.s32 v30  }
0x62b: {  	s3 =	sor.u32 $0x80, s3;
	s8 =	sadd.s32 $0x1CE00, s5;
	v30 =	vmin.u32 v24, $0x17F;
	v13 =	vmin.u32 v14, $0x17F;
	v14 =	vadd.f32 v19, v22  }
0x62c: {  	s5 =	sor.u32 s6, s8;
	s6 =	sor.u32 s10, s8;
	s7 =	sor.u32 s7, s8;
	v24 =	vmul.u32 $0x180, v29;
	v19 =	vmul.u32 $0x180, v17;
	v22 =	vmul.u32 $0x180, v26  }
0x62d: {  	v27 =	vmul.u32 $0x180, v28;
	v31 =	vmul.u32 $0x180, v30;
	v32 =	vmul.u32 $0x180, v13;
	[tilespmem:s7+$0x80] =	vst v14  }
0x62e: {  	v33 =	vadd.s32 $0x1, v25;
	v34 =	vadd.s32 $0x1, v23;
	v14 =	vadd.s32 $0x1, v21  }
0x62f: {  	vm2 =	vgt.s32 v33, $0x0;
	vm0 =	vgt.s32 v21, $0x0;
	vm1 =	vgt.s32 v14, $0x0  }
0x630: {  	vm3 =	vgt.s32 v25, $0x0;
	vm6 =	vgt.s32 v23, $0x0;
	vm4 =	vgt.s32 v34, $0x0  }
0x631: {  	v37 =	vadd.s32 $0xFFFEE000, v24;
	v35 =	vadd.s32 $0xFFFEE000, v19;
	v36 =	vadd.s32 $0xFFFEE000, v22  }
0x632: {  	v38 =	vadd.s32 $0xFFFEE000, v27;
	v39 =	vadd.s32 $0xFFFEE000, v31;
	v40 =	vadd.s32 $0xFFFEE000, v32  }
0x633: {  	v33 =	vnsel vm2, $0x0, v33;
	v21 =	vnsel vm0, $0x0, v21;
	v14 =	vnsel vm1, $0x0, v14  }
0x634: {  	vm5 =	vlt.s32 v16, $0xC0;
	v16 =	vnsel vm3, $0x0, v25;
	v25 =	vnsel vm4, $0x0, v34  }
0x635: {  	vm3 =	vlt.s32 v20, $0xC0;
	vm4 =	vlt.s32 v18, $0xC0;
	v18 =	vnsel vm6, $0x0, v23  }
0x636: {  	vm2 =	vlt.s32 v11, $0xC0;
	vm0 =	vlt.s32 v12, $0xC0;
	vm1 =	vlt.s32 v15, $0xC0  }
0x637: {  	v11 =	vsel vm5, v19, v35;
	v12 =	vsel vm4, v22, v36;
	v15 =	vsel vm3, v24, v37  }
0x638: {  	v19 =	vsel vm2, v27, v38;
	v20 =	vsel vm0, v31, v39;
	v22 =	vsel vm1, v32, v40  }
0x639: {  	v23 =	vmin.u32 v33, $0x17F;
	v21 =	vmin.u32 v21, $0x17F;
	v14 =	vmin.u32 v14, $0x17F  }
0x63a: {  	v18 =	vmin.u32 v18, $0x17F;
	v24 =	vmin.u32 v16, $0x17F;
	v16 =	vmin.u32 v25, $0x17F  }
0x63b: {  	v25 =	vadd.s32 v21, v11;
	v27 =	vadd.s32 v24, v12;
	v11 =	vadd.s32 v14, v11  }
0x63c: {  	v12 =	vadd.s32 v23, v12;
	v31 =	vadd.s32 v18, v15;
	v32 =	vadd.s32 v16, v15  }
0x63d: {  	v33 =	vadd.s32 v21, v19;
	v35 =	vadd.s32 v24, v20;
	v34 =	vadd.s32 v14, v19  }
0x63e: {  	v36 =	vadd.s32 v23, v20;
	v37 =	vadd.s32 v18, v22;
	v15 =	vadd.s32 v16, v22  }
0x63f: {  	v38 =	vsel vm5, $0x10, v1;
	v19 =	vcvt.s32.f32 v21;
	v14 =	vcvt.s32.f32 v14  }
0x640: {  	v39 =	vsel vm4, $0x10, v1;
	v21 =	vcvt.s32.f32 v23;
	v22 =	vcvt.s32.f32 v16;
	v20 =	vld.idx.msk [tilespmem:v25+s0+$0x0], $0xffff  }
0x641: {  	v23 =	vcvt.s32.f32 v24;
	v24 =	vcvt.s32.f32 v18;
	v16 =	vsub.f32 v14, v10;
	v40 =	vld.idx.msk [tilespmem:v11+s0+$0x0], $0xffff  }
0x642: {  	v14 =	vsub.f32 v10, v19;
	v11 =	vsub.f32 v21, v9;
	v21 =	vsel vm3, $0x10, v1;
	v41 =	vld.idx.msk [tilespmem:v27+s0+$0x0], $0xffff  }
0x643: {  	v19 =	vsel vm2, $0x10, v1;
	v42 =	vld.idx.msk [tilespmem:v12+s0+$0x0], $0xffff;
	v12 =	vsub.f32 v9, v23;
	v9 =	vsub.f32 v22, v8  }
0x644: {  	v18 =	vsel vm0, $0x10, v1;
	v10 =	vsel vm1, $0x10, v1;
	v8 =	vsub.f32 v8, v24;
	v43 =	vld.idx.msk [tilespmem:v31+s0+$0x0], $0xffff  }
0x645: {  	v6 =	vadd.f32 v6, v7;
	v17 =	vcvt.s32.f32 v17;
	v27 =	vcvt.s32.f32 v26;
	v25 =	vld.idx.msk [tilespmem:v32+s0+$0x0], $0xffff  }
.Ltmp40:
0x646: {  	v22 =	vcvt.s32.f32 v29;
	v7 =	vshll.u32 v20, v38;
	v20 =	vcvt.s32.f32 v28;
	v23 =	vld.idx.msk [tilespmem:v33+s0+$0x0], $0xffff;
	(pc) =	sbr.rel @p5 .LBB2_78-.Ltmp40, $4  }
0x647: {  	v26 =	vshll.u32 v40, v38;
	v29 =	vmul.f32 v7, v16;
	v7 =	vcvt.s32.f32 v30;
	v24 =	vld.idx.msk [tilespmem:v34+s0+$0x0], $0xffff;
	[tilespmem:s20+$0x80] =	vst v6;
	s20 =	smov.u32 s6  }
0x648: {  	v13 =	vcvt.s32.f32 v13;
	v31 =	vmul.f32 v26, v14;
	v30 =	vshll.u32 v41, v39;
	v26 =	vld.idx.msk [tilespmem:v35+s0+$0x0], $0xffff  }
0x649: {  	v6 =	vsub.f32 v17, v5;
	v32 =	vshll.u32 v42, v39;
	v30 =	vmul.f32 v30, v11;
	v28 =	vld.idx.msk [tilespmem:v36+s0+$0x0], $0xffff  }
0x64a: {  	p4 =	por !p4, !p4;
	v17 =	vadd.f32 v31, v29;
	v31 =	vmul.f32 v32, v12;
	v32 =	vshll.u32 v43, v21;
	v29 =	vld.idx.msk [tilespmem:v37+s0+$0x0], $0xffff  }
0x64b: {  	_ =	sdelay $0x3  }
0x64c: {  	v2 =	vsub.f32 v27, v4;
	v15 =	vld.idx.msk [tilespmem:v15+s0+$0x0], $0xffff;
	v21 =	vshll.u32 v25, v21;
	v52 =	vmul.f32 v32, v9  }
0x64d: {  	v23 =	vshll.u32 v23, v19;
	v22 =	vsub.f32 v22, v3;
	v5 =	vsub.f32 v5, v20  }
0x64e: {  	v59 =	vsub.f32 v4, v7;
	v3 =	vsub.f32 v3, v13;
	v21 =	vmul.f32 v21, v8  }
0x64f: {  	v54 =	vshll.u32 v24, v19;
	v16 =	vmul.f32 v23, v16;
	v55 =	vshll.u32 v26, v18  }
0x650: {  	v14 =	vmul.f32 v54, v14;
	v56 =	vshll.u32 v28, v18;
	v11 =	vmul.f32 v55, v11  }
0x651: {  	v12 =	vmul.f32 v56, v12;
	v57 =	vshll.u32 v29, v10;
	v58 =	vshll.u32 v15, v10  }
0x652: {  	v14 =	vadd.f32 v14, v16;
	v60 =	vmul.f32 v57, v9;
	v61 =	vmul.f32 v58, v8  }
0x653: {  	v53 =	vadd.f32 v31, v30;
	v5 =	vmul.f32 v17, v5;
	v62 =	vadd.f32 v12, v11  }
0x654: {  	s18 =	sadd.s32 $0x1, s18;
	v21 =	vadd.f32 v21, v52;
	v6 =	vmul.f32 v14, v6;
	v7 =	vadd.f32 v61, v60  }
0x655: {  	p4 =	sne.s32 s18, $0x10;
	v4 =	vmul.f32 v53, v59;
	v2 =	vmul.f32 v62, v2  }
.Ltmp41:
0x656: {  	v3 =	vmul.f32 v21, v3;
	v5 =	vadd.f32 v5, v6;
	v63 =	vmul.f32 v7, v22;
	(pc) =	sbr.rel @p4 .LBB2_77-.Ltmp41, $4  }
0x657: {  	v2 =	vadd.f32 v4, v2  }
0x658: {  	[tilespmem:s3+$0x1CE00] =	vst v5;
	v3 =	vadd.f32 v3, v63  }
0x659: {  	[tilespmem:s5+$0x80] =	vst v2  }
0x65a: {  	s15 =	sadd.s32 $0x300, s15;
	s13 =	sadd.s32 $0x600, s13;
	[tilespmem:s20+$0x80] =	vst v3  }
0x65b: {  	s1 =	simm.s32 $0x1CE80  }
0x65c: {  	s2 =	simm.s32 $0x10;
	s4 =	sadd.s32 $0x0, s16;
	s3 =	simm.s32 $0x1CF80  }
.LBB2_81:
0x65d: {  	[hbm4b:s4+s0] =	stream.linear.scatter [tilespmem:s1], [sflag:$0x4], $0x80, $0x38;
	[tilespmem:$0x1FE00] =	vst v63  }
0x65e: {  	s4 =	smov.u32 s2;
	s1 =	smov.u32 s3;
	p4 =	sne.s32 s2, $0x2F0  }
.Ltmp42:
0x65f: {  	s2 =	sadd.s32 $0x10, s2;
	(pc) =	sbr.rel @p4 .LBB2_81-.Ltmp42, $2  }
0x660: {  	_ =	sdelay $0x2  }
0x661: {  	s3 =	sadd.s32 $0x100, s3;
	s4 =	sadd.s32 s4, s16  }
0x662: {  	[hbm4b:s4+s0] =	stream.linear.scatter [tilespmem:s1], [sflag:$0x4], $0x80, $0x38;
	[tilespmem:$0x1FE00] =	vst v63  }
0x663: {  	s2 =	simm.s32 $0x4  }
0x664: {  	_ =	swait.ge [sflag:s2], $0x1800  }
0x665: {  	[sflag:s2] =	ssyncset.done $0x0  }
0x666: {  	[sflag:s2] =	ssyncadd.s32 $0xFFFFE800  }
0x667: {  	_ =	swait.ge [sflag:s2], $0x1800  }
0x668: {  	s3 =	rddreg [dreg:$0x1f]  }
0x669: {  	s24 =	rddreg [dreg:$0x1d]  }
0x66a: {  	s17 =	rddreg [dreg:$0x5]  }
0x66b: {  	s14 =	rddreg [dreg:$0x7]  }
0x66c: {  	s12 =	rddreg [dreg:$0x8]  }
0x66d: {  	s15 =	rddreg [dreg:$0x9];
	s3 =	sadd.s32 $0x1, s3  }
0x66e: {  	s21 =	rddreg [dreg:$0xa];
	p4 =	sne.s32 s3, s24  }
.Ltmp43:
0x66f: {  	s18 =	rddreg [dreg:$0xb];
	(pc) =	sbr.rel @p4 .LBB2_1-.Ltmp43, $4  }
0x670: {  	s19 =	rddreg [dreg:$0xc]  }
0x671: {  	s22 =	rddreg [dreg:$0xd]  }
0x672: {  	[sflag:s2] =	ssyncset.done $0x0;
	s23 =	rddreg [dreg:$0xe]  }
0x673: {  	[sflag:s2] =	ssyncadd.s32 $0xFFFFE800;
	s24 =	rddreg [dreg:$0xf]  }
0x674: {  	_ =	sfence.sel $0x180000  }
0x675: {  	[bflag:$0x0] =	sbarrier.arrive $0xFFFF  }
0x676: {  	_ =	strace $0x90000047  }
0x677: {  	s0 =	stileid.u32;
	[bflag:$0x2] =	sbarrier.arrive $0xFFFF  }
0x678: {  	p0 =	sne.s32 s0, $0x0;
	s0 =	rddreg [dreg:$0x4]  }
0x679: {  	s0 =	sadd.s32 @!p0 $0x100000, s0  }
0x67a: {  	[sflag:s0] =	ssyncadd.tile.s32 @!p0 $0x1;
	_ =	shalt  }
.Lfunc_end2:
_tile_overlayer_lowered:
.L_overlay_start_2:
0x67b: {  	(tag) =	ssettag $0x2  }
0x67c: {  	s0 =	rddreg [dreg:$0x0];
	s2 =	stileid.u32  }
0x67d: {  	s1 =	rddreg [dreg:$0x1];
	p0 =	sne.s32 s2, $0x0  }
0x67e: {  	s3 =	rddreg [dreg:$0x2];
	[bflag:$0x3] =	sbarrier.arrive $0xFFFF;
	s2 =	simm.s32 @!p0 $0x1C05  }
0x67f: {  	[timem:s3], [sflag:s2] =	dma.local @!p0 [hbm:s0], s1  }
0x680: {  	s0 =	simm.s32 @!p0 $0x5  }
0x681: {  	_ =	swait.ge @!p0 [sflag:s0], s1  }
0x682: {  	s1 =	ssub.s32 @!p0 $0x0, s1;
	[sflag:s0] =	ssyncset.done @!p0 $0x0  }
0x683: {  	[sflag:s0] =	ssyncadd.s32 @!p0 s1  }
0x684: {  	[bflag:$0x3] =	sbarrier.arrive $0xFFFF  }
0x685: {  	_ =	shalt  }

</sc_bundles>
